<compile_context>
chip_gen: v7x
topology: tpu7x:2x2x1
jax: 0.10.2.dev20260603
libtpu: 0.0.44.dev20260713+nightly
codegen_flags: <defaults>
</compile_context>

<pallas_src>
import functools

import jax
import jax.numpy as jnp
import numpy as np
from jax import lax
from jax.experimental import pallas as pl
from jax.experimental.pallas import tpu as pltpu
from jax.experimental.pallas import tpu_sc as plsc

N = 10000
E = 320000
IN_C = 128
OUT_C = 128
R_D = 8
R_P = 16
ORDER = 10
RANK = R_D * R_P

NT = 16
NP = 10240
NR = NP // NT
CH = 157
EW = CH * 128
EP = NT * EW

_SC_MESH = dict(core_axis_name="c", subcore_axis_name="s", num_cores=1)

KB = 7
NS = 2 * KB


def _sc_deg_body(dst_hbm, zeros_hbm, ones_hbm, deg_hbm,
                 accs, dst_v, zero_v, ones_v, ssem):
    sid = lax.axis_index("s")
    row0 = sid * NR

    pltpu.sync_copy(dst_hbm.at[sid], dst_v)
    pltpu.sync_copy(zeros_hbm, zero_v)
    pltpu.sync_copy(ones_hbm, ones_v)

    pltpu.sync_copy(zero_v, accs.at[pl.ds(row0, NR)])
    plsc.subcore_barrier()

    def deg_chunk(j, carry):
        pltpu.async_copy(ones_v, accs.at[dst_v.at[j]], ssem, add=True)

        @pl.when(j >= KB)
        def _drain():
            pltpu.make_async_copy(ones_v, accs.at[dst_v.at[j - KB]],
                                  ssem).wait()

        return carry

    lax.fori_loop(0, CH, deg_chunk, None)
    for b in range(KB):
        jd = CH - KB + b
        pltpu.make_async_copy(ones_v, accs.at[dst_v.at[jd]], ssem).wait()
    plsc.subcore_barrier()

    pltpu.sync_copy(accs.at[pl.ds(row0, NR)], deg_hbm.at[pl.ds(row0, NR)])


def _sc_degree(dst3):
    mesh = plsc.VectorSubcoreMesh(**_SC_MESH)
    fn = functools.partial(
        pl.kernel, _sc_deg_body, mesh=mesh,
        compiler_params=pltpu.CompilerParams(use_tc_tiling_on_sc=False),
        out_type=jax.ShapeDtypeStruct((NP, R_P), jnp.float32),
        scratch_types=[
            pltpu.VMEM_SHARED((NP, R_P), jnp.float32),
            pltpu.VMEM((CH, 128), jnp.int32),
            pltpu.VMEM((NR, R_P), jnp.float32),
            pltpu.VMEM((128, R_P), jnp.float32),
            pltpu.SemaphoreType.DMA,
        ],
    )()
    zeros = jnp.zeros((NR, R_P), jnp.float32)
    ones = jnp.ones((128, R_P), jnp.float32)
    return fn(dst3, zeros, ones)


def _tc_pre_body(x_ref, b_ref, g_ref):
    g = jnp.dot(x_ref[...], b_ref[...], preferred_element_type=jnp.float32)
    for k in range(ORDER + 1):
        g_ref[k] = g[:, k * R_P:(k + 1) * R_P]


def _tc_pre(xpad, bprop):
    bn = 1024
    return pl.pallas_call(
        _tc_pre_body,
        grid=(NP // bn,),
        in_specs=[
            pl.BlockSpec((bn, IN_C), lambda i: (i, 0)),
            pl.BlockSpec((IN_C, (ORDER + 1) * R_P), lambda i: (0, 0)),
        ],
        out_specs=pl.BlockSpec((ORDER + 1, bn, R_P), lambda i: (0, i, 0)),
        out_shape=jax.ShapeDtypeStruct((ORDER + 1, NP, R_P), jnp.float32),
    )(xpad, bprop)


def _tc_dinv_body(deg_ref, dinv_ref, d2_ref):
    deg = deg_ref[...]
    dinv = jnp.where(deg > 0.0, lax.rsqrt(jnp.maximum(deg, 1.0)), 0.0)
    dinv_ref[...] = dinv
    d2_ref[...] = dinv * dinv


def _tc_dinv(degrow):
    return pl.pallas_call(
        _tc_dinv_body,
        out_shape=[
            jax.ShapeDtypeStruct((NP, R_P), jnp.float32),
            jax.ShapeDtypeStruct((NP, R_P), jnp.float32),
        ],
    )(degrow)


def _tc_post_body(t_ref, wp_ref, o_ref):
    o_ref[...] = jnp.dot(t_ref[...], wp_ref[...],
                         preferred_element_type=jnp.float32)


def _tc_post(t, W_P):
    bn = 1000
    return pl.pallas_call(
        _tc_post_body,
        grid=(N // bn,),
        in_specs=[
            pl.BlockSpec((bn, R_P), lambda i: (i, 0)),
            pl.BlockSpec((R_P, OUT_C), lambda i: (0, 0)),
        ],
        out_specs=pl.BlockSpec((bn, OUT_C), lambda i: (i, 0)),
        out_shape=jax.ShapeDtypeStruct((N, OUT_C), jnp.float32),
    )(t, W_P)


def _sc_hops_body(g_hbm, src_hbm, dst_hbm, d2_hbm, dinv_hbm, zeros_hbm,
                  t_hbm, w0_hbm, w1_hbm,
                  accs, src_v, dst_v, rows_v, acc_v, g_v,
                  dinv_v, d2_v, zero_v, gsem, ssem, g2sem, zsem):
    sid = lax.axis_index("s")
    row0 = sid * NR

    pltpu.sync_copy(src_hbm.at[sid], src_v)
    pltpu.sync_copy(dst_hbm.at[sid], dst_v)
    pltpu.sync_copy(d2_hbm.at[pl.ds(row0, NR)], d2_v)
    pltpu.sync_copy(dinv_hbm.at[pl.ds(row0, NR)], dinv_v)
    pltpu.sync_copy(zeros_hbm, zero_v)

    pltpu.sync_copy(g_hbm.at[pl.ds(row0, NR)], g_v)

    def v0_row(r, carry):
        g_v[r] = dinv_v[r] * g_v[r]
        return carry

    lax.fori_loop(0, NR, v0_row, None)
    pltpu.sync_copy(g_v, w0_hbm.at[pl.ds(row0, NR)])
    pltpu.sync_copy(zero_v, accs.at[pl.ds(row0, NR)])
    plsc.subcore_barrier()

    wbufs = [w0_hbm, w1_hbm]
    for k in range(ORDER):
        w_nxt = wbufs[k % 2]
        w_gat = wbufs[0] if k == 0 else wbufs[(k - 1) % 2]

        pltpu.async_copy(g_hbm.at[pl.ds((k + 1) * NP + row0, NR)], g_v,
                         g2sem)

        for b in range(KB):
            pltpu.async_copy(w_gat.at[src_v.at[b]], rows_v.at[b], gsem)

        def edge_chunk(j, carry, w_gat=w_gat):
            slot = lax.rem(j, NS)
            pltpu.make_async_copy(w_gat.at[src_v.at[j]], rows_v.at[slot],
                                  gsem).wait()
            pltpu.async_copy(rows_v.at[slot], accs.at[dst_v.at[j]], ssem,
                             add=True)

            @pl.when(j >= KB)
            def _drain():
                jd = j - KB
                pltpu.make_async_copy(rows_v.at[lax.rem(jd, NS)],
                                      accs.at[dst_v.at[jd]], ssem).wait()

            @pl.when(j + KB < CH)
            def _prefetch():
                jg = j + KB
                pltpu.async_copy(w_gat.at[src_v.at[jg]],
                                 rows_v.at[lax.rem(jg, NS)], gsem)

            return carry

        lax.fori_loop(0, CH, edge_chunk, None)
        for b in range(KB):
            jd = CH - KB + b
            pltpu.make_async_copy(rows_v.at[jd % NS], accs.at[dst_v.at[jd]],
                                  ssem).wait()
        plsc.subcore_barrier()

        pltpu.sync_copy(accs.at[pl.ds(row0, NR)], acc_v)
        pltpu.async_copy(zero_v, accs.at[pl.ds(row0, NR)], zsem)
        pltpu.make_async_copy(g_hbm.at[pl.ds((k + 1) * NP + row0, NR)], g_v,
                              g2sem).wait()

        out_hbm = w_nxt if k < ORDER - 1 else t_hbm

        if k < ORDER - 1:
            def upd_row(r, carry):
                g_v[r] = dinv_v[r] * g_v[r] + d2_v[r] * acc_v[r]
                return carry
        else:
            def upd_row(r, carry):
                g_v[r] = g_v[r] + dinv_v[r] * acc_v[r]
                return carry

        lax.fori_loop(0, NR, upd_row, None)
        pltpu.sync_copy(g_v, out_hbm.at[pl.ds(row0, NR)])
        pltpu.make_async_copy(zero_v, accs.at[pl.ds(row0, NR)], zsem).wait()
        plsc.subcore_barrier()


def _sc_propagate(gflat, src3, dst3, d2b, dinvb):
    mesh = plsc.VectorSubcoreMesh(**_SC_MESH)
    fn = functools.partial(
        pl.kernel, _sc_hops_body, mesh=mesh,
        compiler_params=pltpu.CompilerParams(use_tc_tiling_on_sc=False),
        out_type=[
            jax.ShapeDtypeStruct((NP, R_P), jnp.float32),
            jax.ShapeDtypeStruct((NP, R_P), jnp.float32),
            jax.ShapeDtypeStruct((NP, R_P), jnp.float32),
        ],
        scratch_types=[
            pltpu.VMEM_SHARED((NP, R_P), jnp.float32),
            pltpu.VMEM((CH, 128), jnp.int32),
            pltpu.VMEM((CH, 128), jnp.int32),
            pltpu.VMEM((NS, 128, R_P), jnp.float32),
            pltpu.VMEM((NR, R_P), jnp.float32),
            pltpu.VMEM((NR, R_P), jnp.float32),
            pltpu.VMEM((NR, R_P), jnp.float32),
            pltpu.VMEM((NR, R_P), jnp.float32),
            pltpu.VMEM((NR, R_P), jnp.float32),
            pltpu.SemaphoreType.DMA,
            pltpu.SemaphoreType.DMA,
            pltpu.SemaphoreType.DMA,
            pltpu.SemaphoreType.DMA,
        ],
    )()
    zeros = jnp.zeros((NR, R_P), jnp.float32)
    t, _, _ = fn(gflat, src3, dst3, d2b, dinvb, zeros)
    return t


def kernel(x, W_C, W_lamb, conv_w, comb_w, W_P, edge_index):
    a = (conv_w * jnp.tanh(1.0 / (conv_w + 1e-5)))[:, 0, :]
    c = jnp.cumprod(a, axis=0)
    comb = comb_w[0, :, 0, :]
    u = c * jnp.tile(comb, (1, R_P))
    kk = np.arange(RANK)
    sel = jnp.asarray((kk[:, None] // R_D) ==
                      np.arange(R_P)[None, :], jnp.float32)
    ublocks = [u[ORDER - k][:, None] * sel for k in range(ORDER + 1)]
    umat = jnp.concatenate(ublocks, axis=1)
    bprop = W_C @ W_lamb @ umat

    src = edge_index[0]
    dst = edge_index[1]
    pad = jnp.full((EP - E,), NP - 1, jnp.int32)
    src3 = jnp.concatenate([src, pad]).reshape(NT, CH, 128)
    dst3 = jnp.concatenate([dst, pad]).reshape(NT, CH, 128)

    degrow = _sc_degree(dst3)
    xpad = jnp.pad(x, ((0, NP - N), (0, 0)))
    gprop = _tc_pre(xpad, bprop)
    gflat = gprop.reshape((ORDER + 1) * NP, R_P)
    dinvb, d2b = _tc_dinv(degrow)

    t = _sc_propagate(gflat, src3, dst3, d2b, dinvb)
    return _tc_post(t[:N], W_P)

# --- scband reference (transcript-rebuilt; emitter-appended) ---
"""Pipeline reference for scband-tucker-gcl-11081015624280 (READ-ONLY COPY).

The authoritative reference and input builder live on the scoring server;
editing this copy changes nothing except your own understanding.
"""

import jax, jax.numpy as jnp
import numpy as np

N = 10000
E = 320000
IN_C = 128
OUT_C = 128
R_C = 64
R_D = 8
R_P = 16
ORDER = 10
RANK = R_D * R_P


def setup_inputs(seed: int = 0):
    key = jax.random.key(seed)
    ks = jax.random.split(key, 7)
    x = jax.random.normal(ks[0], (N, IN_C), dtype=jnp.float32)
    edge_index = jax.random.randint(ks[1], (2, E), 0, N, dtype=jnp.int32)
    W_C = jax.random.normal(ks[2], (IN_C, R_C), dtype=jnp.float32) * (1.0 / np.sqrt(IN_C))
    W_lamb = jax.random.normal(ks[3], (R_C, RANK), dtype=jnp.float32) * (1.0 / np.sqrt(R_C))
    conv_w = jnp.ones((ORDER + 1, 1, RANK), dtype=jnp.float32)
    stdv = 1.0 / np.sqrt(ORDER + 1)
    comb_w = jax.random.uniform(ks[4], (1, ORDER + 1, 1, R_D), dtype=jnp.float32, minval=-stdv, maxval=stdv)
    W_P = jax.random.normal(ks[5], (R_P, OUT_C), dtype=jnp.float32) * (1.0 / np.sqrt(R_P))
    return {"x": x, "W_C": W_C, "W_lamb": W_lamb, "conv_w": conv_w, "comb_w": comb_w, "W_P": W_P, "edge_index": edge_index}


def _spmm(h, src, dst, enorm):
    msg = h[src] * enorm[:, None]
    return jax.ops.segment_sum(msg, dst, num_segments=N)


def reference(x, W_C, W_lamb, conv_w, comb_w, W_P, edge_index):
    src = edge_index[0]
    dst = edge_index[1]
    deg = jax.ops.segment_sum(jnp.ones((E,), jnp.float32), dst, num_segments=N)
    dinv = jnp.where(deg > 0, jax.lax.rsqrt(jnp.maximum(deg, 1.0)), 0.0)
    enorm = dinv[src] * dinv[dst]
    # weight_C: Linear(in_channels -> R_C), no bias
    h = x @ W_C
    # lamb: Linear(R_C -> R_D*R_P), no bias (dropouts are 0)
    h = h @ W_lamb
    # Poly_Conv with decom_D=True: alphas = w * tanh(1/(w+1e-5)); monomial basis propagation
    alphas = conv_w * jnp.tanh(1.0 / (conv_w + 1e-5))
    xs = [alphas[0] * h]
    for i in range(1, ORDER + 1):
        xs.append(alphas[i] * _spmm(xs[-1], src, dst, enorm))
    stacked = jnp.stack(xs, axis=1)  # (N, order+1, RANK)
    t = stacked.reshape(-1, ORDER + 1, R_P, R_D)
    # CombinationII: elementwise weight (1, order+1, 1, R_D), sum over R_D then order
    t = t * comb_w
    t = jnp.sum(t, axis=3)
    t = jnp.sum(t, axis=1)  # (N, R_P)
    out = t @ W_P
    return out

if __name__ == "__main__":
    import jax
    _d = setup_inputs()
    print(jax.jit(kernel)(*tuple(_d.values())))

</pallas_src>

<mosaic_0001>
#map = affine_map<(d0, d1) -> (0, 0, 0)>
#map1 = affine_map<(d0, d1) -> (0, 0)>
module attributes {stable_mosaic.version = 14 : i64} {
  func.func @_sc_deg_body(%arg0: i32, %arg1: i32, %arg2: memref<16x157x128xi32, #tpu.memory_space<hbm>>, %arg3: memref<640x16xf32, #tpu.memory_space<hbm>>, %arg4: memref<128x16xf32, #tpu.memory_space<hbm>>, %arg5: memref<10240x16xf32, #tpu.memory_space<hbm>>, %arg6: memref<10240x16xf32, #tpu.memory_space<vmem_shared>>, %arg7: memref<157x128xi32, #tpu.memory_space<vmem>>, %arg8: memref<640x16xf32, #tpu.memory_space<vmem>>, %arg9: memref<128x16xf32, #tpu.memory_space<vmem>>, %arg10: memref<!tpu.dma_semaphore, #tpu.memory_space<semaphore_mem>>) attributes {dimension_semantics = [#tpu.dimension_semantics<core_parallel>, #tpu.dimension_semantics<subcore_parallel>], iteration_bounds = array<i64: 1, 16>, scalar_prefetch = 0 : i64, scratch_operands = 5 : i64, tpu.core_type = #tpu.core_type<sc_vector_subcore>, window_params = [{transform_indices = #map}, {transform_indices = #map1}, {transform_indices = #map1}, {transform_indices = #map1}]} {
    %mul3A = arith.constant 640 : i32
    %mul3A_0 = arith.muli %arg1, %mul3A : i32
    "tpu.region"() ({
      %run_scoped3A = tpu.sem_alloc : memref<!tpu.dma_semaphore, #tpu.memory_space<semaphore_mem>>
      %dma_start3A = arith.constant 0 : i32
      %dma_start3A_54 = arith.constant 0 : i32
      %dma_start3A_55 = tpu.memref_slice %arg2[%arg1, %dma_start3A, %dma_start3A_54] : memref<16x157x128xi32, #tpu.memory_space<hbm>> -> memref<1x157x128xi32, #tpu.memory_space<hbm>>
      %dma_start3A_56 = tpu.memref_squeeze %dma_start3A_55 : memref<1x157x128xi32, #tpu.memory_space<hbm>> -> memref<157x128xi32, #tpu.memory_space<hbm>>
      %dma_start3A_57 = arith.constant 0 : i32
      %dma_start3A_58 = arith.constant 0 : i32
      %dma_start3A_59 = tpu.memref_slice %arg2[%arg1, %dma_start3A_57, %dma_start3A_58] : memref<16x157x128xi32, #tpu.memory_space<hbm>> -> memref<1x157x128xi32, #tpu.memory_space<hbm>>
      %dma_start3A_60 = tpu.memref_squeeze %dma_start3A_59 : memref<1x157x128xi32, #tpu.memory_space<hbm>> -> memref<157x128xi32, #tpu.memory_space<hbm>>
      tpu.enqueue_dma source(%dma_start3A_60 : memref<157x128xi32, #tpu.memory_space<hbm>>) target(%arg7 : memref<157x128xi32, #tpu.memory_space<vmem>>) target_semaphore(%run_scoped3A : memref<!tpu.dma_semaphore, #tpu.memory_space<semaphore_mem>>)
      %dma_wait3A_61 = arith.constant 0 : i32
      %dma_wait3A_62 = arith.constant 0 : i32
      %dma_wait3A_63 = tpu.memref_slice %arg2[%arg1, %dma_wait3A_61, %dma_wait3A_62] : memref<16x157x128xi32, #tpu.memory_space<hbm>> -> memref<1x157x128xi32, #tpu.memory_space<hbm>>
      %dma_wait3A_64 = tpu.memref_squeeze %dma_wait3A_63 : memref<1x157x128xi32, #tpu.memory_space<hbm>> -> memref<157x128xi32, #tpu.memory_space<hbm>>
      %dma_wait3A_65 = arith.constant 0 : i32
      %dma_wait3A_66 = arith.constant 0 : i32
      %dma_wait3A_67 = tpu.memref_slice %arg2[%arg1, %dma_wait3A_65, %dma_wait3A_66] : memref<16x157x128xi32, #tpu.memory_space<hbm>> -> memref<1x157x128xi32, #tpu.memory_space<hbm>>
      %dma_wait3A_68 = tpu.memref_squeeze %dma_wait3A_67 : memref<1x157x128xi32, #tpu.memory_space<hbm>> -> memref<157x128xi32, #tpu.memory_space<hbm>>
      tpu.wait_dma2 semaphore(%run_scoped3A : memref<!tpu.dma_semaphore, #tpu.memory_space<semaphore_mem>>) src(%dma_wait3A_68 : memref<157x128xi32, #tpu.memory_space<hbm>>) dst(%arg7 : memref<157x128xi32, #tpu.memory_space<vmem>>)
      tpu.yield
    }) : () -> ()
    "tpu.region"() ({
      %run_scoped3A = tpu.sem_alloc : memref<!tpu.dma_semaphore, #tpu.memory_space<semaphore_mem>>
      tpu.enqueue_dma source(%arg3 : memref<640x16xf32, #tpu.memory_space<hbm>>) target(%arg8 : memref<640x16xf32, #tpu.memory_space<vmem>>) target_semaphore(%run_scoped3A : memref<!tpu.dma_semaphore, #tpu.memory_space<semaphore_mem>>)
      tpu.wait_dma2 semaphore(%run_scoped3A : memref<!tpu.dma_semaphore, #tpu.memory_space<semaphore_mem>>) src(%arg3 : memref<640x16xf32, #tpu.memory_space<hbm>>) dst(%arg8 : memref<640x16xf32, #tpu.memory_space<vmem>>)
      tpu.yield
    }) : () -> ()
    "tpu.region"() ({
      %run_scoped3A = tpu.sem_alloc : memref<!tpu.dma_semaphore, #tpu.memory_space<semaphore_mem>>
      tpu.enqueue_dma source(%arg4 : memref<128x16xf32, #tpu.memory_space<hbm>>) target(%arg9 : memref<128x16xf32, #tpu.memory_space<vmem>>) target_semaphore(%run_scoped3A : memref<!tpu.dma_semaphore, #tpu.memory_space<semaphore_mem>>)
      tpu.wait_dma2 semaphore(%run_scoped3A : memref<!tpu.dma_semaphore, #tpu.memory_space<semaphore_mem>>) src(%arg4 : memref<128x16xf32, #tpu.memory_space<hbm>>) dst(%arg9 : memref<128x16xf32, #tpu.memory_space<vmem>>)
      tpu.yield
    }) : () -> ()
    "tpu.region"() ({
      %run_scoped3A = tpu.sem_alloc : memref<!tpu.dma_semaphore, #tpu.memory_space<semaphore_mem>>
      %dma_start3A = arith.constant 0 : i32
      %dma_start3A_54 = tpu.memref_slice %arg6[%mul3A_0, %dma_start3A] : memref<10240x16xf32, #tpu.memory_space<vmem_shared>> -> memref<640x16xf32, #tpu.memory_space<vmem_shared>>
      %dma_start3A_55 = arith.constant 0 : i32
      %dma_start3A_56 = tpu.memref_slice %arg6[%mul3A_0, %dma_start3A_55] : memref<10240x16xf32, #tpu.memory_space<vmem_shared>> -> memref<640x16xf32, #tpu.memory_space<vmem_shared>>
      tpu.enqueue_dma source(%arg8 : memref<640x16xf32, #tpu.memory_space<vmem>>) target(%dma_start3A_56 : memref<640x16xf32, #tpu.memory_space<vmem_shared>>) target_semaphore(%run_scoped3A : memref<!tpu.dma_semaphore, #tpu.memory_space<semaphore_mem>>)
      %dma_wait3A_57 = arith.constant 0 : i32
      %dma_wait3A_58 = tpu.memref_slice %arg6[%mul3A_0, %dma_wait3A_57] : memref<10240x16xf32, #tpu.memory_space<vmem_shared>> -> memref<640x16xf32, #tpu.memory_space<vmem_shared>>
      %dma_wait3A_59 = arith.constant 0 : i32
      %dma_wait3A_60 = tpu.memref_slice %arg6[%mul3A_0, %dma_wait3A_59] : memref<10240x16xf32, #tpu.memory_space<vmem_shared>> -> memref<640x16xf32, #tpu.memory_space<vmem_shared>>
      tpu.wait_dma2 semaphore(%run_scoped3A : memref<!tpu.dma_semaphore, #tpu.memory_space<semaphore_mem>>) src(%arg8 : memref<640x16xf32, #tpu.memory_space<vmem>>) dst(%dma_wait3A_60 : memref<640x16xf32, #tpu.memory_space<vmem_shared>>)
      tpu.yield
    }) : () -> ()
    %barrier3A = arith.constant 0 : index
    tpu.barrier barrier_id(%barrier3A)
    %scan3A = arith.constant 0 : i32
    %scan3A_1 = arith.constant 157 : i32
    %scan3A_2 = arith.addi %scan3A, %scan3A_1 : i32
    %scan3A_3 = arith.constant 1 : i32
    scf.for %scan3A_54 = %scan3A to %scan3A_2 step %scan3A_3  : i32 {
      %dma_start3A = arith.constant 0 : i32
      %dma_start3A_55 = tpu.memref_slice %arg7[%scan3A_54, %dma_start3A] : memref<157x128xi32, #tpu.memory_space<vmem>> -> memref<1x128xi32, #tpu.memory_space<vmem>>
      %dma_start3A_56 = tpu.memref_squeeze %dma_start3A_55 : memref<1x128xi32, #tpu.memory_space<vmem>> -> memref<128xi32, #tpu.memory_space<vmem>>
      %dma_start3A_57 = arith.constant 0 : i32
      %dma_start3A_58 = arith.constant 0 : i32
      %dma_start3A_59 = tpu.memref_slice %arg6[%dma_start3A_57, %dma_start3A_58] : memref<10240x16xf32, #tpu.memory_space<vmem_shared>> -> memref<10240x16xf32, #tpu.memory_space<vmem_shared>>
      tpu.enqueue_indirect_dma source(%arg9 : memref<128x16xf32, #tpu.memory_space<vmem>>) target(%dma_start3A_59 : memref<10240x16xf32, #tpu.memory_space<vmem_shared>>) offsets(%dma_start3A_56 : memref<128xi32, #tpu.memory_space<vmem>>) semaphore(%arg10 : memref<!tpu.dma_semaphore, #tpu.memory_space<semaphore_mem>>) {add = true}
      %ge3A = arith.constant 7 : i32
      %ge3A_60 = arith.cmpi sge, %scan3A_54, %ge3A : i32
      %convert_element_type3A = arith.extui %ge3A_60 : i1 to i32
      %cond3A = arith.constant 0 : i32
      %cond3A_61 = arith.cmpi ne, %convert_element_type3A, %cond3A : i32
      scf.if %cond3A_61 {
        %sub3A = arith.constant 7 : i32
        %sub3A_62 = arith.subi %scan3A_54, %sub3A : i32
        %dma_wait3A_63 = arith.constant 0 : i32
        %dma_wait3A_64 = tpu.memref_slice %arg7[%sub3A_62, %dma_wait3A_63] : memref<157x128xi32, #tpu.memory_space<vmem>> -> memref<1x128xi32, #tpu.memory_space<vmem>>
        %dma_wait3A_65 = tpu.memref_squeeze %dma_wait3A_64 : memref<1x128xi32, #tpu.memory_space<vmem>> -> memref<128xi32, #tpu.memory_space<vmem>>
        %dma_wait3A_66 = arith.constant 0 : i32
        %dma_wait3A_67 = arith.constant 0 : i32
        %dma_wait3A_68 = tpu.memref_slice %arg6[%dma_wait3A_66, %dma_wait3A_67] : memref<10240x16xf32, #tpu.memory_space<vmem_shared>> -> memref<10240x16xf32, #tpu.memory_space<vmem_shared>>
        tpu.wait_indirect_dma semaphore(%arg10 : memref<!tpu.dma_semaphore, #tpu.memory_space<semaphore_mem>>) src(%arg9 : memref<128x16xf32, #tpu.memory_space<vmem>>) dst(%dma_wait3A_68 : memref<10240x16xf32, #tpu.memory_space<vmem_shared>>)
      } else {
      }
    }
    %scan3A_4 = arith.constant 157 : i32
    %dma_wait3A = arith.constant 150 : i32
    %dma_wait3A_5 = arith.constant 0 : i32
    %dma_wait3A_6 = tpu.memref_slice %arg7[%dma_wait3A, %dma_wait3A_5] : memref<157x128xi32, #tpu.memory_space<vmem>> -> memref<1x128xi32, #tpu.memory_space<vmem>>
    %dma_wait3A_7 = tpu.memref_squeeze %dma_wait3A_6 : memref<1x128xi32, #tpu.memory_space<vmem>> -> memref<128xi32, #tpu.memory_space<vmem>>
    %dma_wait3A_8 = arith.constant 0 : i32
    %dma_wait3A_9 = arith.constant 0 : i32
    %dma_wait3A_10 = tpu.memref_slice %arg6[%dma_wait3A_8, %dma_wait3A_9] : memref<10240x16xf32, #tpu.memory_space<vmem_shared>> -> memref<10240x16xf32, #tpu.memory_space<vmem_shared>>
    tpu.wait_indirect_dma semaphore(%arg10 : memref<!tpu.dma_semaphore, #tpu.memory_space<semaphore_mem>>) src(%arg9 : memref<128x16xf32, #tpu.memory_space<vmem>>) dst(%dma_wait3A_10 : memref<10240x16xf32, #tpu.memory_space<vmem_shared>>)
    %dma_wait3A_11 = arith.constant 151 : i32
    %dma_wait3A_12 = arith.constant 0 : i32
    %dma_wait3A_13 = tpu.memref_slice %arg7[%dma_wait3A_11, %dma_wait3A_12] : memref<157x128xi32, #tpu.memory_space<vmem>> -> memref<1x128xi32, #tpu.memory_space<vmem>>
    %dma_wait3A_14 = tpu.memref_squeeze %dma_wait3A_13 : memref<1x128xi32, #tpu.memory_space<vmem>> -> memref<128xi32, #tpu.memory_space<vmem>>
    %dma_wait3A_15 = arith.constant 0 : i32
    %dma_wait3A_16 = arith.constant 0 : i32
    %dma_wait3A_17 = tpu.memref_slice %arg6[%dma_wait3A_15, %dma_wait3A_16] : memref<10240x16xf32, #tpu.memory_space<vmem_shared>> -> memref<10240x16xf32, #tpu.memory_space<vmem_shared>>
    tpu.wait_indirect_dma semaphore(%arg10 : memref<!tpu.dma_semaphore, #tpu.memory_space<semaphore_mem>>) src(%arg9 : memref<128x16xf32, #tpu.memory_space<vmem>>) dst(%dma_wait3A_17 : memref<10240x16xf32, #tpu.memory_space<vmem_shared>>)
    %dma_wait3A_18 = arith.constant 152 : i32
    %dma_wait3A_19 = arith.constant 0 : i32
    %dma_wait3A_20 = tpu.memref_slice %arg7[%dma_wait3A_18, %dma_wait3A_19] : memref<157x128xi32, #tpu.memory_space<vmem>> -> memref<1x128xi32, #tpu.memory_space<vmem>>
    %dma_wait3A_21 = tpu.memref_squeeze %dma_wait3A_20 : memref<1x128xi32, #tpu.memory_space<vmem>> -> memref<128xi32, #tpu.memory_space<vmem>>
    %dma_wait3A_22 = arith.constant 0 : i32
    %dma_wait3A_23 = arith.constant 0 : i32
    %dma_wait3A_24 = tpu.memref_slice %arg6[%dma_wait3A_22, %dma_wait3A_23] : memref<10240x16xf32, #tpu.memory_space<vmem_shared>> -> memref<10240x16xf32, #tpu.memory_space<vmem_shared>>
    tpu.wait_indirect_dma semaphore(%arg10 : memref<!tpu.dma_semaphore, #tpu.memory_space<semaphore_mem>>) src(%arg9 : memref<128x16xf32, #tpu.memory_space<vmem>>) dst(%dma_wait3A_24 : memref<10240x16xf32, #tpu.memory_space<vmem_shared>>)
    %dma_wait3A_25 = arith.constant 153 : i32
    %dma_wait3A_26 = arith.constant 0 : i32
    %dma_wait3A_27 = tpu.memref_slice %arg7[%dma_wait3A_25, %dma_wait3A_26] : memref<157x128xi32, #tpu.memory_space<vmem>> -> memref<1x128xi32, #tpu.memory_space<vmem>>
    %dma_wait3A_28 = tpu.memref_squeeze %dma_wait3A_27 : memref<1x128xi32, #tpu.memory_space<vmem>> -> memref<128xi32, #tpu.memory_space<vmem>>
    %dma_wait3A_29 = arith.constant 0 : i32
    %dma_wait3A_30 = arith.constant 0 : i32
    %dma_wait3A_31 = tpu.memref_slice %arg6[%dma_wait3A_29, %dma_wait3A_30] : memref<10240x16xf32, #tpu.memory_space<vmem_shared>> -> memref<10240x16xf32, #tpu.memory_space<vmem_shared>>
    tpu.wait_indirect_dma semaphore(%arg10 : memref<!tpu.dma_semaphore, #tpu.memory_space<semaphore_mem>>) src(%arg9 : memref<128x16xf32, #tpu.memory_space<vmem>>) dst(%dma_wait3A_31 : memref<10240x16xf32, #tpu.memory_space<vmem_shared>>)
    %dma_wait3A_32 = arith.constant 154 : i32
    %dma_wait3A_33 = arith.constant 0 : i32
    %dma_wait3A_34 = tpu.memref_slice %arg7[%dma_wait3A_32, %dma_wait3A_33] : memref<157x128xi32, #tpu.memory_space<vmem>> -> memref<1x128xi32, #tpu.memory_space<vmem>>
    %dma_wait3A_35 = tpu.memref_squeeze %dma_wait3A_34 : memref<1x128xi32, #tpu.memory_space<vmem>> -> memref<128xi32, #tpu.memory_space<vmem>>
    %dma_wait3A_36 = arith.constant 0 : i32
    %dma_wait3A_37 = arith.constant 0 : i32
    %dma_wait3A_38 = tpu.memref_slice %arg6[%dma_wait3A_36, %dma_wait3A_37] : memref<10240x16xf32, #tpu.memory_space<vmem_shared>> -> memref<10240x16xf32, #tpu.memory_space<vmem_shared>>
    tpu.wait_indirect_dma semaphore(%arg10 : memref<!tpu.dma_semaphore, #tpu.memory_space<semaphore_mem>>) src(%arg9 : memref<128x16xf32, #tpu.memory_space<vmem>>) dst(%dma_wait3A_38 : memref<10240x16xf32, #tpu.memory_space<vmem_shared>>)
    %dma_wait3A_39 = arith.constant 155 : i32
    %dma_wait3A_40 = arith.constant 0 : i32
    %dma_wait3A_41 = tpu.memref_slice %arg7[%dma_wait3A_39, %dma_wait3A_40] : memref<157x128xi32, #tpu.memory_space<vmem>> -> memref<1x128xi32, #tpu.memory_space<vmem>>
    %dma_wait3A_42 = tpu.memref_squeeze %dma_wait3A_41 : memref<1x128xi32, #tpu.memory_space<vmem>> -> memref<128xi32, #tpu.memory_space<vmem>>
    %dma_wait3A_43 = arith.constant 0 : i32
    %dma_wait3A_44 = arith.constant 0 : i32
    %dma_wait3A_45 = tpu.memref_slice %arg6[%dma_wait3A_43, %dma_wait3A_44] : memref<10240x16xf32, #tpu.memory_space<vmem_shared>> -> memref<10240x16xf32, #tpu.memory_space<vmem_shared>>
    tpu.wait_indirect_dma semaphore(%arg10 : memref<!tpu.dma_semaphore, #tpu.memory_space<semaphore_mem>>) src(%arg9 : memref<128x16xf32, #tpu.memory_space<vmem>>) dst(%dma_wait3A_45 : memref<10240x16xf32, #tpu.memory_space<vmem_shared>>)
    %dma_wait3A_46 = arith.constant 156 : i32
    %dma_wait3A_47 = arith.constant 0 : i32
    %dma_wait3A_48 = tpu.memref_slice %arg7[%dma_wait3A_46, %dma_wait3A_47] : memref<157x128xi32, #tpu.memory_space<vmem>> -> memref<1x128xi32, #tpu.memory_space<vmem>>
    %dma_wait3A_49 = tpu.memref_squeeze %dma_wait3A_48 : memref<1x128xi32, #tpu.memory_space<vmem>> -> memref<128xi32, #tpu.memory_space<vmem>>
    %dma_wait3A_50 = arith.constant 0 : i32
    %dma_wait3A_51 = arith.constant 0 : i32
    %dma_wait3A_52 = tpu.memref_slice %arg6[%dma_wait3A_50, %dma_wait3A_51] : memref<10240x16xf32, #tpu.memory_space<vmem_shared>> -> memref<10240x16xf32, #tpu.memory_space<vmem_shared>>
    tpu.wait_indirect_dma semaphore(%arg10 : memref<!tpu.dma_semaphore, #tpu.memory_space<semaphore_mem>>) src(%arg9 : memref<128x16xf32, #tpu.memory_space<vmem>>) dst(%dma_wait3A_52 : memref<10240x16xf32, #tpu.memory_space<vmem_shared>>)
    %barrier3A_53 = arith.constant 0 : index
    tpu.barrier barrier_id(%barrier3A_53)
    "tpu.region"() ({
      %run_scoped3A = tpu.sem_alloc : memref<!tpu.dma_semaphore, #tpu.memory_space<semaphore_mem>>
      %dma_start3A = arith.constant 0 : i32
      %dma_start3A_54 = tpu.memref_slice %arg5[%mul3A_0, %dma_start3A] : memref<10240x16xf32, #tpu.memory_space<hbm>> -> memref<640x16xf32, #tpu.memory_space<hbm>>
      %dma_start3A_55 = arith.constant 0 : i32
      %dma_start3A_56 = tpu.memref_slice %arg6[%mul3A_0, %dma_start3A_55] : memref<10240x16xf32, #tpu.memory_space<vmem_shared>> -> memref<640x16xf32, #tpu.memory_space<vmem_shared>>
      tpu.enqueue_dma source(%dma_start3A_56 : memref<640x16xf32, #tpu.memory_space<vmem_shared>>) target(%dma_start3A_54 : memref<640x16xf32, #tpu.memory_space<hbm>>) target_semaphore(%run_scoped3A : memref<!tpu.dma_semaphore, #tpu.memory_space<semaphore_mem>>)
      %dma_wait3A_57 = arith.constant 0 : i32
      %dma_wait3A_58 = tpu.memref_slice %arg5[%mul3A_0, %dma_wait3A_57] : memref<10240x16xf32, #tpu.memory_space<hbm>> -> memref<640x16xf32, #tpu.memory_space<hbm>>
      %dma_wait3A_59 = arith.constant 0 : i32
      %dma_wait3A_60 = tpu.memref_slice %arg6[%mul3A_0, %dma_wait3A_59] : memref<10240x16xf32, #tpu.memory_space<vmem_shared>> -> memref<640x16xf32, #tpu.memory_space<vmem_shared>>
      tpu.wait_dma2 semaphore(%run_scoped3A : memref<!tpu.dma_semaphore, #tpu.memory_space<semaphore_mem>>) src(%dma_wait3A_60 : memref<640x16xf32, #tpu.memory_space<vmem_shared>>) dst(%dma_wait3A_58 : memref<640x16xf32, #tpu.memory_space<hbm>>)
      tpu.yield
    }) : () -> ()
    return
  }
}

#map = affine_map<(d0, d1) -> (0, 0)>
#map1 = affine_map<(d0, d1) -> (0, 0, 0)>
module attributes {stable_mosaic.version = 14 : i64} {
  func.func @_sc_hops_body(%arg0: i32, %arg1: i32, %arg2: memref<112640x16xf32, #tpu.memory_space<hbm>>, %arg3: memref<16x157x128xi32, #tpu.memory_space<hbm>>, %arg4: memref<16x157x128xi32, #tpu.memory_space<hbm>>, %arg5: memref<10240x16xf32, #tpu.memory_space<hbm>>, %arg6: memref<10240x16xf32, #tpu.memory_space<hbm>>, %arg7: memref<640x16xf32, #tpu.memory_space<hbm>>, %arg8: memref<10240x16xf32, #tpu.memory_space<hbm>>, %arg9: memref<10240x16xf32, #tpu.memory_space<hbm>>, %arg10: memref<10240x16xf32, #tpu.memory_space<hbm>>, %arg11: memref<10240x16xf32, #tpu.memory_space<vmem_shared>>, %arg12: memref<157x128xi32, #tpu.memory_space<vmem>>, %arg13: memref<157x128xi32, #tpu.memory_space<vmem>>, %arg14: memref<14x128x16xf32, #tpu.memory_space<vmem>>, %arg15: memref<640x16xf32, #tpu.memory_space<vmem>>, %arg16: memref<640x16xf32, #tpu.memory_space<vmem>>, %arg17: memref<640x16xf32, #tpu.memory_space<vmem>>, %arg18: memref<640x16xf32, #tpu.memory_space<vmem>>, %arg19: memref<640x16xf32, #tpu.memory_space<vmem>>, %arg20: memref<!tpu.dma_semaphore, #tpu.memory_space<semaphore_mem>>, %arg21: memref<!tpu.dma_semaphore, #tpu.memory_space<semaphore_mem>>, %arg22: memref<!tpu.dma_semaphore, #tpu.memory_space<semaphore_mem>>, %arg23: memref<!tpu.dma_semaphore, #tpu.memory_space<semaphore_mem>>) attributes {dimension_semantics = [#tpu.dimension_semantics<core_parallel>, #tpu.dimension_semantics<subcore_parallel>], iteration_bounds = array<i64: 1, 16>, scalar_prefetch = 0 : i64, scratch_operands = 13 : i64, tpu.core_type = #tpu.core_type<sc_vector_subcore>, window_params = [{transform_indices = #map}, {transform_indices = #map1}, {transform_indices = #map1}, {transform_indices = #map}, {transform_indices = #map}, {transform_indices = #map}, {transform_indices = #map}, {transform_indices = #map}, {transform_indices = #map}]} {
    %mul3A = arith.constant 640 : i32
    %mul3A_0 = arith.muli %arg1, %mul3A : i32
    "tpu.region"() ({
      %run_scoped3A = tpu.sem_alloc : memref<!tpu.dma_semaphore, #tpu.memory_space<semaphore_mem>>
      %dma_start3A_2002 = arith.constant 0 : i32
      %dma_start3A_2003 = arith.constant 0 : i32
      %dma_start3A_2004 = tpu.memref_slice %arg3[%arg1, %dma_start3A_2002, %dma_start3A_2003] : memref<16x157x128xi32, #tpu.memory_space<hbm>> -> memref<1x157x128xi32, #tpu.memory_space<hbm>>
      %dma_start3A_2005 = tpu.memref_squeeze %dma_start3A_2004 : memref<1x157x128xi32, #tpu.memory_space<hbm>> -> memref<157x128xi32, #tpu.memory_space<hbm>>
      %dma_start3A_2006 = arith.constant 0 : i32
      %dma_start3A_2007 = arith.constant 0 : i32
      %dma_start3A_2008 = tpu.memref_slice %arg3[%arg1, %dma_start3A_2006, %dma_start3A_2007] : memref<16x157x128xi32, #tpu.memory_space<hbm>> -> memref<1x157x128xi32, #tpu.memory_space<hbm>>
      %dma_start3A_2009 = tpu.memref_squeeze %dma_start3A_2008 : memref<1x157x128xi32, #tpu.memory_space<hbm>> -> memref<157x128xi32, #tpu.memory_space<hbm>>
      tpu.enqueue_dma source(%dma_start3A_2009 : memref<157x128xi32, #tpu.memory_space<hbm>>) target(%arg12 : memref<157x128xi32, #tpu.memory_space<vmem>>) target_semaphore(%run_scoped3A : memref<!tpu.dma_semaphore, #tpu.memory_space<semaphore_mem>>)
      %dma_wait3A_2010 = arith.constant 0 : i32
      %dma_wait3A_2011 = arith.constant 0 : i32
      %dma_wait3A_2012 = tpu.memref_slice %arg3[%arg1, %dma_wait3A_2010, %dma_wait3A_2011] : memref<16x157x128xi32, #tpu.memory_space<hbm>> -> memref<1x157x128xi32, #tpu.memory_space<hbm>>
      %dma_wait3A_2013 = tpu.memref_squeeze %dma_wait3A_2012 : memref<1x157x128xi32, #tpu.memory_space<hbm>> -> memref<157x128xi32, #tpu.memory_space<hbm>>
      %dma_wait3A_2014 = arith.constant 0 : i32
      %dma_wait3A_2015 = arith.constant 0 : i32
      %dma_wait3A_2016 = tpu.memref_slice %arg3[%arg1, %dma_wait3A_2014, %dma_wait3A_2015] : memref<16x157x128xi32, #tpu.memory_space<hbm>> -> memref<1x157x128xi32, #tpu.memory_space<hbm>>
      %dma_wait3A_2017 = tpu.memref_squeeze %dma_wait3A_2016 : memref<1x157x128xi32, #tpu.memory_space<hbm>> -> memref<157x128xi32, #tpu.memory_space<hbm>>
      tpu.wait_dma2 semaphore(%run_scoped3A : memref<!tpu.dma_semaphore, #tpu.memory_space<semaphore_mem>>) src(%dma_wait3A_2017 : memref<157x128xi32, #tpu.memory_space<hbm>>) dst(%arg12 : memref<157x128xi32, #tpu.memory_space<vmem>>)
      tpu.yield
    }) : () -> ()
    "tpu.region"() ({
      %run_scoped3A = tpu.sem_alloc : memref<!tpu.dma_semaphore, #tpu.memory_space<semaphore_mem>>
      %dma_start3A_2002 = arith.constant 0 : i32
      %dma_start3A_2003 = arith.constant 0 : i32
      %dma_start3A_2004 = tpu.memref_slice %arg4[%arg1, %dma_start3A_2002, %dma_start3A_2003] : memref<16x157x128xi32, #tpu.memory_space<hbm>> -> memref<1x157x128xi32, #tpu.memory_space<hbm>>
      %dma_start3A_2005 = tpu.memref_squeeze %dma_start3A_2004 : memref<1x157x128xi32, #tpu.memory_space<hbm>> -> memref<157x128xi32, #tpu.memory_space<hbm>>
      %dma_start3A_2006 = arith.constant 0 : i32
      %dma_start3A_2007 = arith.constant 0 : i32
      %dma_start3A_2008 = tpu.memref_slice %arg4[%arg1, %dma_start3A_2006, %dma_start3A_2007] : memref<16x157x128xi32, #tpu.memory_space<hbm>> -> memref<1x157x128xi32, #tpu.memory_space<hbm>>
      %dma_start3A_2009 = tpu.memref_squeeze %dma_start3A_2008 : memref<1x157x128xi32, #tpu.memory_space<hbm>> -> memref<157x128xi32, #tpu.memory_space<hbm>>
      tpu.enqueue_dma source(%dma_start3A_2009 : memref<157x128xi32, #tpu.memory_space<hbm>>) target(%arg13 : memref<157x128xi32, #tpu.memory_space<vmem>>) target_semaphore(%run_scoped3A : memref<!tpu.dma_semaphore, #tpu.memory_space<semaphore_mem>>)
      %dma_wait3A_2010 = arith.constant 0 : i32
      %dma_wait3A_2011 = arith.constant 0 : i32
      %dma_wait3A_2012 = tpu.memref_slice %arg4[%arg1, %dma_wait3A_2010, %dma_wait3A_2011] : memref<16x157x128xi32, #tpu.memory_space<hbm>> -> memref<1x157x128xi32, #tpu.memory_space<hbm>>
      %dma_wait3A_2013 = tpu.memref_squeeze %dma_wait3A_2012 : memref<1x157x128xi32, #tpu.memory_space<hbm>> -> memref<157x128xi32, #tpu.memory_space<hbm>>
      %dma_wait3A_2014 = arith.constant 0 : i32
      %dma_wait3A_2015 = arith.constant 0 : i32
      %dma_wait3A_2016 = tpu.memref_slice %arg4[%arg1, %dma_wait3A_2014, %dma_wait3A_2015] : memref<16x157x128xi32, #tpu.memory_space<hbm>> -> memref<1x157x128xi32, #tpu.memory_space<hbm>>
      %dma_wait3A_2017 = tpu.memref_squeeze %dma_wait3A_2016 : memref<1x157x128xi32, #tpu.memory_space<hbm>> -> memref<157x128xi32, #tpu.memory_space<hbm>>
      tpu.wait_dma2 semaphore(%run_scoped3A : memref<!tpu.dma_semaphore, #tpu.memory_space<semaphore_mem>>) src(%dma_wait3A_2017 : memref<157x128xi32, #tpu.memory_space<hbm>>) dst(%arg13 : memref<157x128xi32, #tpu.memory_space<vmem>>)
      tpu.yield
    }) : () -> ()
    "tpu.region"() ({
      %run_scoped3A = tpu.sem_alloc : memref<!tpu.dma_semaphore, #tpu.memory_space<semaphore_mem>>
      %dma_start3A_2002 = arith.constant 0 : i32
      %dma_start3A_2003 = tpu.memref_slice %arg5[%mul3A_0, %dma_start3A_2002] : memref<10240x16xf32, #tpu.memory_space<hbm>> -> memref<640x16xf32, #tpu.memory_space<hbm>>
      %dma_start3A_2004 = arith.constant 0 : i32
      %dma_start3A_2005 = tpu.memref_slice %arg5[%mul3A_0, %dma_start3A_2004] : memref<10240x16xf32, #tpu.memory_space<hbm>> -> memref<640x16xf32, #tpu.memory_space<hbm>>
      tpu.enqueue_dma source(%dma_start3A_2005 : memref<640x16xf32, #tpu.memory_space<hbm>>) target(%arg18 : memref<640x16xf32, #tpu.memory_space<vmem>>) target_semaphore(%run_scoped3A : memref<!tpu.dma_semaphore, #tpu.memory_space<semaphore_mem>>)
      %dma_wait3A_2006 = arith.constant 0 : i32
      %dma_wait3A_2007 = tpu.memref_slice %arg5[%mul3A_0, %dma_wait3A_2006] : memref<10240x16xf32, #tpu.memory_space<hbm>> -> memref<640x16xf32, #tpu.memory_space<hbm>>
      %dma_wait3A_2008 = arith.constant 0 : i32
      %dma_wait3A_2009 = tpu.memref_slice %arg5[%mul3A_0, %dma_wait3A_2008] : memref<10240x16xf32, #tpu.memory_space<hbm>> -> memref<640x16xf32, #tpu.memory_space<hbm>>
      tpu.wait_dma2 semaphore(%run_scoped3A : memref<!tpu.dma_semaphore, #tpu.memory_space<semaphore_mem>>) src(%dma_wait3A_2009 : memref<640x16xf32, #tpu.memory_space<hbm>>) dst(%arg18 : memref<640x16xf32, #tpu.memory_space<vmem>>)
      tpu.yield
    }) : () -> ()
    "tpu.region"() ({
      %run_scoped3A = tpu.sem_alloc : memref<!tpu.dma_semaphore, #tpu.memory_space<semaphore_mem>>
      %dma_start3A_2002 = arith.constant 0 : i32
      %dma_start3A_2003 = tpu.memref_slice %arg6[%mul3A_0, %dma_start3A_2002] : memref<10240x16xf32, #tpu.memory_space<hbm>> -> memref<640x16xf32, #tpu.memory_space<hbm>>
      %dma_start3A_2004 = arith.constant 0 : i32
      %dma_start3A_2005 = tpu.memref_slice %arg6[%mul3A_0, %dma_start3A_2004] : memref<10240x16xf32, #tpu.memory_space<hbm>> -> memref<640x16xf32, #tpu.memory_space<hbm>>
      tpu.enqueue_dma source(%dma_start3A_2005 : memref<640x16xf32, #tpu.memory_space<hbm>>) target(%arg17 : memref<640x16xf32, #tpu.memory_space<vmem>>) target_semaphore(%run_scoped3A : memref<!tpu.dma_semaphore, #tpu.memory_space<semaphore_mem>>)
      %dma_wait3A_2006 = arith.constant 0 : i32
      %dma_wait3A_2007 = tpu.memref_slice %arg6[%mul3A_0, %dma_wait3A_2006] : memref<10240x16xf32, #tpu.memory_space<hbm>> -> memref<640x16xf32, #tpu.memory_space<hbm>>
      %dma_wait3A_2008 = arith.constant 0 : i32
      %dma_wait3A_2009 = tpu.memref_slice %arg6[%mul3A_0, %dma_wait3A_2008] : memref<10240x16xf32, #tpu.memory_space<hbm>> -> memref<640x16xf32, #tpu.memory_space<hbm>>
      tpu.wait_dma2 semaphore(%run_scoped3A : memref<!tpu.dma_semaphore, #tpu.memory_space<semaphore_mem>>) src(%dma_wait3A_2009 : memref<640x16xf32, #tpu.memory_space<hbm>>) dst(%arg17 : memref<640x16xf32, #tpu.memory_space<vmem>>)
      tpu.yield
    }) : () -> ()
    "tpu.region"() ({
      %run_scoped3A = tpu.sem_alloc : memref<!tpu.dma_semaphore, #tpu.memory_space<semaphore_mem>>
      tpu.enqueue_dma source(%arg7 : memref<640x16xf32, #tpu.memory_space<hbm>>) target(%arg19 : memref<640x16xf32, #tpu.memory_space<vmem>>) target_semaphore(%run_scoped3A : memref<!tpu.dma_semaphore, #tpu.memory_space<semaphore_mem>>)
      tpu.wait_dma2 semaphore(%run_scoped3A : memref<!tpu.dma_semaphore, #tpu.memory_space<semaphore_mem>>) src(%arg7 : memref<640x16xf32, #tpu.memory_space<hbm>>) dst(%arg19 : memref<640x16xf32, #tpu.memory_space<vmem>>)
      tpu.yield
    }) : () -> ()
    "tpu.region"() ({
      %run_scoped3A = tpu.sem_alloc : memref<!tpu.dma_semaphore, #tpu.memory_space<semaphore_mem>>
      %dma_start3A_2002 = arith.constant 0 : i32
      %dma_start3A_2003 = tpu.memref_slice %arg2[%mul3A_0, %dma_start3A_2002] : memref<112640x16xf32, #tpu.memory_space<hbm>> -> memref<640x16xf32, #tpu.memory_space<hbm>>
      %dma_start3A_2004 = arith.constant 0 : i32
      %dma_start3A_2005 = tpu.memref_slice %arg2[%mul3A_0, %dma_start3A_2004] : memref<112640x16xf32, #tpu.memory_space<hbm>> -> memref<640x16xf32, #tpu.memory_space<hbm>>
      tpu.enqueue_dma source(%dma_start3A_2005 : memref<640x16xf32, #tpu.memory_space<hbm>>) target(%arg16 : memref<640x16xf32, #tpu.memory_space<vmem>>) target_semaphore(%run_scoped3A : memref<!tpu.dma_semaphore, #tpu.memory_space<semaphore_mem>>)
      %dma_wait3A_2006 = arith.constant 0 : i32
      %dma_wait3A_2007 = tpu.memref_slice %arg2[%mul3A_0, %dma_wait3A_2006] : memref<112640x16xf32, #tpu.memory_space<hbm>> -> memref<640x16xf32, #tpu.memory_space<hbm>>
      %dma_wait3A_2008 = arith.constant 0 : i32
      %dma_wait3A_2009 = tpu.memref_slice %arg2[%mul3A_0, %dma_wait3A_2008] : memref<112640x16xf32, #tpu.memory_space<hbm>> -> memref<640x16xf32, #tpu.memory_space<hbm>>
      tpu.wait_dma2 semaphore(%run_scoped3A : memref<!tpu.dma_semaphore, #tpu.memory_space<semaphore_mem>>) src(%dma_wait3A_2009 : memref<640x16xf32, #tpu.memory_space<hbm>>) dst(%arg16 : memref<640x16xf32, #tpu.memory_space<vmem>>)
      tpu.yield
    }) : () -> ()
    %scan3A = arith.constant 0 : i32
    %scan3A_1 = arith.constant 640 : i32
    %scan3A_2 = arith.addi %scan3A, %scan3A_1 : i32
    %scan3A_3 = arith.constant 1 : i32
    scf.for %scan3A_2002 = %scan3A to %scan3A_2 step %scan3A_3  : i32 {
      %get3A = arith.index_cast %scan3A_2002 : i32 to index
      %get3A_2003 = arith.constant 0 : index
      %get3A_2004 = tpu.vector_load %arg17[%get3A, %get3A_2003] {strides = array<i32>} : memref<640x16xf32, #tpu.memory_space<vmem>>, vector<1x16xf32>,
      %get3A_2005 = vector.shape_cast %get3A_2004 : vector<1x16xf32> to vector<16xf32>
      %get3A_2006 = arith.index_cast %scan3A_2002 : i32 to index
      %get3A_2007 = arith.constant 0 : index
      %get3A_2008 = tpu.vector_load %arg16[%get3A_2006, %get3A_2007] {strides = array<i32>} : memref<640x16xf32, #tpu.memory_space<vmem>>, vector<1x16xf32>,
      %get3A_2009 = vector.shape_cast %get3A_2008 : vector<1x16xf32> to vector<16xf32>
      %mul3A_2010 = arith.mulf %get3A_2005, %get3A_2009 : vector<16xf32>
      %swap3A = arith.index_cast %scan3A_2002 : i32 to index
      %swap3A_2011 = arith.constant 0 : index
      %swap3A_2012 = tpu.vector_load %arg16[%swap3A, %swap3A_2011] {strides = array<i32>} : memref<640x16xf32, #tpu.memory_space<vmem>>, vector<1x16xf32>,
      %swap3A_2013 = vector.shape_cast %swap3A_2012 : vector<1x16xf32> to vector<16xf32>
      %swap3A_2014 = vector.shape_cast %mul3A_2010 : vector<16xf32> to vector<1x16xf32>
      tpu.vector_store %arg16[%swap3A, %swap3A_2011], %swap3A_2014 {strides = array<i32>} : memref<640x16xf32, #tpu.memory_space<vmem>>, vector<1x16xf32>,
    }
    %scan3A_4 = arith.constant 640 : i32
    "tpu.region"() ({
      %run_scoped3A = tpu.sem_alloc : memref<!tpu.dma_semaphore, #tpu.memory_space<semaphore_mem>>
      %dma_start3A_2002 = arith.constant 0 : i32
      %dma_start3A_2003 = tpu.memref_slice %arg9[%mul3A_0, %dma_start3A_2002] : memref<10240x16xf32, #tpu.memory_space<hbm>> -> memref<640x16xf32, #tpu.memory_space<hbm>>
      %dma_start3A_2004 = arith.constant 0 : i32
      %dma_start3A_2005 = tpu.memref_slice %arg9[%mul3A_0, %dma_start3A_2004] : memref<10240x16xf32, #tpu.memory_space<hbm>> -> memref<640x16xf32, #tpu.memory_space<hbm>>
      tpu.enqueue_dma source(%arg16 : memref<640x16xf32, #tpu.memory_space<vmem>>) target(%dma_start3A_2005 : memref<640x16xf32, #tpu.memory_space<hbm>>) target_semaphore(%run_scoped3A : memref<!tpu.dma_semaphore, #tpu.memory_space<semaphore_mem>>)
      %dma_wait3A_2006 = arith.constant 0 : i32
      %dma_wait3A_2007 = tpu.memref_slice %arg9[%mul3A_0, %dma_wait3A_2006] : memref<10240x16xf32, #tpu.memory_space<hbm>> -> memref<640x16xf32, #tpu.memory_space<hbm>>
      %dma_wait3A_2008 = arith.constant 0 : i32
      %dma_wait3A_2009 = tpu.memref_slice %arg9[%mul3A_0, %dma_wait3A_2008] : memref<10240x16xf32, #tpu.memory_space<hbm>> -> memref<640x16xf32, #tpu.memory_space<hbm>>
      tpu.wait_dma2 semaphore(%run_scoped3A : memref<!tpu.dma_semaphore, #tpu.memory_space<semaphore_mem>>) src(%arg16 : memref<640x16xf32, #tpu.memory_space<vmem>>) dst(%dma_wait3A_2009 : memref<640x16xf32, #tpu.memory_space<hbm>>)
      tpu.yield
    }) : () -> ()
    "tpu.region"() ({
      %run_scoped3A = tpu.sem_alloc : memref<!tpu.dma_semaphore, #tpu.memory_space<semaphore_mem>>
      %dma_start3A_2002 = arith.constant 0 : i32
      %dma_start3A_2003 = tpu.memref_slice %arg11[%mul3A_0, %dma_start3A_2002] : memref<10240x16xf32, #tpu.memory_space<vmem_shared>> -> memref<640x16xf32, #tpu.memory_space<vmem_shared>>
      %dma_start3A_2004 = arith.constant 0 : i32
      %dma_start3A_2005 = tpu.memref_slice %arg11[%mul3A_0, %dma_start3A_2004] : memref<10240x16xf32, #tpu.memory_space<vmem_shared>> -> memref<640x16xf32, #tpu.memory_space<vmem_shared>>
      tpu.enqueue_dma source(%arg19 : memref<640x16xf32, #tpu.memory_space<vmem>>) target(%dma_start3A_2005 : memref<640x16xf32, #tpu.memory_space<vmem_shared>>) target_semaphore(%run_scoped3A : memref<!tpu.dma_semaphore, #tpu.memory_space<semaphore_mem>>)
      %dma_wait3A_2006 = arith.constant 0 : i32
      %dma_wait3A_2007 = tpu.memref_slice %arg11[%mul3A_0, %dma_wait3A_2006] : memref<10240x16xf32, #tpu.memory_space<vmem_shared>> -> memref<640x16xf32, #tpu.memory_space<vmem_shared>>
      %dma_wait3A_2008 = arith.constant 0 : i32
      %dma_wait3A_2009 = tpu.memref_slice %arg11[%mul3A_0, %dma_wait3A_2008] : memref<10240x16xf32, #tpu.memory_space<vmem_shared>> -> memref<640x16xf32, #tpu.memory_space<vmem_shared>>
      tpu.wait_dma2 semaphore(%run_scoped3A : memref<!tpu.dma_semaphore, #tpu.memory_space<semaphore_mem>>) src(%arg19 : memref<640x16xf32, #tpu.memory_space<vmem>>) dst(%dma_wait3A_2009 : memref<640x16xf32, #tpu.memory_space<vmem_shared>>)
      tpu.yield
    }) : () -> ()
    %barrier3A = arith.constant 0 : index
    tpu.barrier barrier_id(%barrier3A)
    %add3A = arith.constant 10240 : i32
    %add3A_5 = arith.addi %add3A, %mul3A_0 : i32
    %dma_start3A = arith.constant 0 : i32
    %dma_start3A_6 = tpu.memref_slice %arg2[%add3A_5, %dma_start3A] : memref<112640x16xf32, #tpu.memory_space<hbm>> -> memref<640x16xf32, #tpu.memory_space<hbm>>
    %dma_start3A_7 = arith.constant 0 : i32
    %dma_start3A_8 = tpu.memref_slice %arg2[%add3A_5, %dma_start3A_7] : memref<112640x16xf32, #tpu.memory_space<hbm>> -> memref<640x16xf32, #tpu.memory_space<hbm>>
    tpu.enqueue_dma source(%dma_start3A_8 : memref<640x16xf32, #tpu.memory_space<hbm>>) target(%arg16 : memref<640x16xf32, #tpu.memory_space<vmem>>) target_semaphore(%arg22 : memref<!tpu.dma_semaphore, #tpu.memory_space<semaphore_mem>>)
    %dma_start3A_9 = arith.constant 0 : i32
    %dma_start3A_10 = arith.constant 0 : i32
    %dma_start3A_11 = arith.constant 0 : i32
    %dma_start3A_12 = arith.constant 0 : i32
    %dma_start3A_13 = tpu.memref_slice %arg14[%dma_start3A_10, %dma_start3A_11, %dma_start3A_12] : memref<14x128x16xf32, #tpu.memory_space<vmem>> -> memref<1x128x16xf32, #tpu.memory_space<vmem>>
    %dma_start3A_14 = tpu.memref_squeeze %dma_start3A_13 : memref<1x128x16xf32, #tpu.memory_space<vmem>> -> memref<128x16xf32, #tpu.memory_space<vmem>>
    %dma_start3A_15 = arith.constant 0 : i32
    %dma_start3A_16 = tpu.memref_slice %arg12[%dma_start3A_9, %dma_start3A_15] : memref<157x128xi32, #tpu.memory_space<vmem>> -> memref<1x128xi32, #tpu.memory_space<vmem>>
    %dma_start3A_17 = tpu.memref_squeeze %dma_start3A_16 : memref<1x128xi32, #tpu.memory_space<vmem>> -> memref<128xi32, #tpu.memory_space<vmem>>
    %dma_start3A_18 = arith.constant 0 : i32
    %dma_start3A_19 = arith.constant 0 : i32
    %dma_start3A_20 = tpu.memref_slice %arg9[%dma_start3A_18, %dma_start3A_19] : memref<10240x16xf32, #tpu.memory_space<hbm>> -> memref<10240x16xf32, #tpu.memory_space<hbm>>
    tpu.enqueue_indirect_dma source(%dma_start3A_20 : memref<10240x16xf32, #tpu.memory_space<hbm>>) target(%dma_start3A_14 : memref<128x16xf32, #tpu.memory_space<vmem>>) offsets(%dma_start3A_17 : memref<128xi32, #tpu.memory_space<vmem>>) semaphore(%arg20 : memref<!tpu.dma_semaphore, #tpu.memory_space<semaphore_mem>>)
    %dma_start3A_21 = arith.constant 1 : i32
    %dma_start3A_22 = arith.constant 1 : i32
    %dma_start3A_23 = arith.constant 0 : i32
    %dma_start3A_24 = arith.constant 0 : i32
    %dma_start3A_25 = tpu.memref_slice %arg14[%dma_start3A_22, %dma_start3A_23, %dma_start3A_24] : memref<14x128x16xf32, #tpu.memory_space<vmem>> -> memref<1x128x16xf32, #tpu.memory_space<vmem>>
    %dma_start3A_26 = tpu.memref_squeeze %dma_start3A_25 : memref<1x128x16xf32, #tpu.memory_space<vmem>> -> memref<128x16xf32, #tpu.memory_space<vmem>>
    %dma_start3A_27 = arith.constant 0 : i32
    %dma_start3A_28 = tpu.memref_slice %arg12[%dma_start3A_21, %dma_start3A_27] : memref<157x128xi32, #tpu.memory_space<vmem>> -> memref<1x128xi32, #tpu.memory_space<vmem>>
    %dma_start3A_29 = tpu.memref_squeeze %dma_start3A_28 : memref<1x128xi32, #tpu.memory_space<vmem>> -> memref<128xi32, #tpu.memory_space<vmem>>
    %dma_start3A_30 = arith.constant 0 : i32
    %dma_start3A_31 = arith.constant 0 : i32
    %dma_start3A_32 = tpu.memref_slice %arg9[%dma_start3A_30, %dma_start3A_31] : memref<10240x16xf32, #tpu.memory_space<hbm>> -> memref<10240x16xf32, #tpu.memory_space<hbm>>
    tpu.enqueue_indirect_dma source(%dma_start3A_32 : memref<10240x16xf32, #tpu.memory_space<hbm>>) target(%dma_start3A_26 : memref<128x16xf32, #tpu.memory_space<vmem>>) offsets(%dma_start3A_29 : memref<128xi32, #tpu.memory_space<vmem>>) semaphore(%arg20 : memref<!tpu.dma_semaphore, #tpu.memory_space<semaphore_mem>>)
    %dma_start3A_33 = arith.constant 2 : i32
    %dma_start3A_34 = arith.constant 2 : i32
    %dma_start3A_35 = arith.constant 0 : i32
    %dma_start3A_36 = arith.constant 0 : i32
    %dma_start3A_37 = tpu.memref_slice %arg14[%dma_start3A_34, %dma_start3A_35, %dma_start3A_36] : memref<14x128x16xf32, #tpu.memory_space<vmem>> -> memref<1x128x16xf32, #tpu.memory_space<vmem>>
    %dma_start3A_38 = tpu.memref_squeeze %dma_start3A_37 : memref<1x128x16xf32, #tpu.memory_space<vmem>> -> memref<128x16xf32, #tpu.memory_space<vmem>>
    %dma_start3A_39 = arith.constant 0 : i32
    %dma_start3A_40 = tpu.memref_slice %arg12[%dma_start3A_33, %dma_start3A_39] : memref<157x128xi32, #tpu.memory_space<vmem>> -> memref<1x128xi32, #tpu.memory_space<vmem>>
    %dma_start3A_41 = tpu.memref_squeeze %dma_start3A_40 : memref<1x128xi32, #tpu.memory_space<vmem>> -> memref<128xi32, #tpu.memory_space<vmem>>
    %dma_start3A_42 = arith.constant 0 : i32
    %dma_start3A_43 = arith.constant 0 : i32
    %dma_start3A_44 = tpu.memref_slice %arg9[%dma_start3A_42, %dma_start3A_43] : memref<10240x16xf32, #tpu.memory_space<hbm>> -> memref<10240x16xf32, #tpu.memory_space<hbm>>
    tpu.enqueue_indirect_dma source(%dma_start3A_44 : memref<10240x16xf32, #tpu.memory_space<hbm>>) target(%dma_start3A_38 : memref<128x16xf32, #tpu.memory_space<vmem>>) offsets(%dma_start3A_41 : memref<128xi32, #tpu.memory_space<vmem>>) semaphore(%arg20 : memref<!tpu.dma_semaphore, #tpu.memory_space<semaphore_mem>>)
    %dma_start3A_45 = arith.constant 3 : i32
    %dma_start3A_46 = arith.constant 3 : i32
    %dma_start3A_47 = arith.constant 0 : i32
    %dma_start3A_48 = arith.constant 0 : i32
    %dma_start3A_49 = tpu.memref_slice %arg14[%dma_start3A_46, %dma_start3A_47, %dma_start3A_48] : memref<14x128x16xf32, #tpu.memory_space<vmem>> -> memref<1x128x16xf32, #tpu.memory_space<vmem>>
    %dma_start3A_50 = tpu.memref_squeeze %dma_start3A_49 : memref<1x128x16xf32, #tpu.memory_space<vmem>> -> memref<128x16xf32, #tpu.memory_space<vmem>>
    %dma_start3A_51 = arith.constant 0 : i32
    %dma_start3A_52 = tpu.memref_slice %arg12[%dma_start3A_45, %dma_start3A_51] : memref<157x128xi32, #tpu.memory_space<vmem>> -> memref<1x128xi32, #tpu.memory_space<vmem>>
    %dma_start3A_53 = tpu.memref_squeeze %dma_start3A_52 : memref<1x128xi32, #tpu.memory_space<vmem>> -> memref<128xi32, #tpu.memory_space<vmem>>
    %dma_start3A_54 = arith.constant 0 : i32
    %dma_start3A_55 = arith.constant 0 : i32
    %dma_start3A_56 = tpu.memref_slice %arg9[%dma_start3A_54, %dma_start3A_55] : memref<10240x16xf32, #tpu.memory_space<hbm>> -> memref<10240x16xf32, #tpu.memory_space<hbm>>
    tpu.enqueue_indirect_dma source(%dma_start3A_56 : memref<10240x16xf32, #tpu.memory_space<hbm>>) target(%dma_start3A_50 : memref<128x16xf32, #tpu.memory_space<vmem>>) offsets(%dma_start3A_53 : memref<128xi32, #tpu.memory_space<vmem>>) semaphore(%arg20 : memref<!tpu.dma_semaphore, #tpu.memory_space<semaphore_mem>>)
    %dma_start3A_57 = arith.constant 4 : i32
    %dma_start3A_58 = arith.constant 4 : i32
    %dma_start3A_59 = arith.constant 0 : i32
    %dma_start3A_60 = arith.constant 0 : i32
    %dma_start3A_61 = tpu.memref_slice %arg14[%dma_start3A_58, %dma_start3A_59, %dma_start3A_60] : memref<14x128x16xf32, #tpu.memory_space<vmem>> -> memref<1x128x16xf32, #tpu.memory_space<vmem>>
    %dma_start3A_62 = tpu.memref_squeeze %dma_start3A_61 : memref<1x128x16xf32, #tpu.memory_space<vmem>> -> memref<128x16xf32, #tpu.memory_space<vmem>>
    %dma_start3A_63 = arith.constant 0 : i32
    %dma_start3A_64 = tpu.memref_slice %arg12[%dma_start3A_57, %dma_start3A_63] : memref<157x128xi32, #tpu.memory_space<vmem>> -> memref<1x128xi32, #tpu.memory_space<vmem>>
    %dma_start3A_65 = tpu.memref_squeeze %dma_start3A_64 : memref<1x128xi32, #tpu.memory_space<vmem>> -> memref<128xi32, #tpu.memory_space<vmem>>
    %dma_start3A_66 = arith.constant 0 : i32
    %dma_start3A_67 = arith.constant 0 : i32
    %dma_start3A_68 = tpu.memref_slice %arg9[%dma_start3A_66, %dma_start3A_67] : memref<10240x16xf32, #tpu.memory_space<hbm>> -> memref<10240x16xf32, #tpu.memory_space<hbm>>
    tpu.enqueue_indirect_dma source(%dma_start3A_68 : memref<10240x16xf32, #tpu.memory_space<hbm>>) target(%dma_start3A_62 : memref<128x16xf32, #tpu.memory_space<vmem>>) offsets(%dma_start3A_65 : memref<128xi32, #tpu.memory_space<vmem>>) semaphore(%arg20 : memref<!tpu.dma_semaphore, #tpu.memory_space<semaphore_mem>>)
    %dma_start3A_69 = arith.constant 5 : i32
    %dma_start3A_70 = arith.constant 5 : i32
    %dma_start3A_71 = arith.constant 0 : i32
    %dma_start3A_72 = arith.constant 0 : i32
    %dma_start3A_73 = tpu.memref_slice %arg14[%dma_start3A_70, %dma_start3A_71, %dma_start3A_72] : memref<14x128x16xf32, #tpu.memory_space<vmem>> -> memref<1x128x16xf32, #tpu.memory_space<vmem>>
    %dma_start3A_74 = tpu.memref_squeeze %dma_start3A_73 : memref<1x128x16xf32, #tpu.memory_space<vmem>> -> memref<128x16xf32, #tpu.memory_space<vmem>>
    %dma_start3A_75 = arith.constant 0 : i32
    %dma_start3A_76 = tpu.memref_slice %arg12[%dma_start3A_69, %dma_start3A_75] : memref<157x128xi32, #tpu.memory_space<vmem>> -> memref<1x128xi32, #tpu.memory_space<vmem>>
    %dma_start3A_77 = tpu.memref_squeeze %dma_start3A_76 : memref<1x128xi32, #tpu.memory_space<vmem>> -> memref<128xi32, #tpu.memory_space<vmem>>
    %dma_start3A_78 = arith.constant 0 : i32
    %dma_start3A_79 = arith.constant 0 : i32
    %dma_start3A_80 = tpu.memref_slice %arg9[%dma_start3A_78, %dma_start3A_79] : memref<10240x16xf32, #tpu.memory_space<hbm>> -> memref<10240x16xf32, #tpu.memory_space<hbm>>
    tpu.enqueue_indirect_dma source(%dma_start3A_80 : memref<10240x16xf32, #tpu.memory_space<hbm>>) target(%dma_start3A_74 : memref<128x16xf32, #tpu.memory_space<vmem>>) offsets(%dma_start3A_77 : memref<128xi32, #tpu.memory_space<vmem>>) semaphore(%arg20 : memref<!tpu.dma_semaphore, #tpu.memory_space<semaphore_mem>>)
    %dma_start3A_81 = arith.constant 6 : i32
    %dma_start3A_82 = arith.constant 6 : i32
    %dma_start3A_83 = arith.constant 0 : i32
    %dma_start3A_84 = arith.constant 0 : i32
    %dma_start3A_85 = tpu.memref_slice %arg14[%dma_start3A_82, %dma_start3A_83, %dma_start3A_84] : memref<14x128x16xf32, #tpu.memory_space<vmem>> -> memref<1x128x16xf32, #tpu.memory_space<vmem>>
    %dma_start3A_86 = tpu.memref_squeeze %dma_start3A_85 : memref<1x128x16xf32, #tpu.memory_space<vmem>> -> memref<128x16xf32, #tpu.memory_space<vmem>>
    %dma_start3A_87 = arith.constant 0 : i32
    %dma_start3A_88 = tpu.memref_slice %arg12[%dma_start3A_81, %dma_start3A_87] : memref<157x128xi32, #tpu.memory_space<vmem>> -> memref<1x128xi32, #tpu.memory_space<vmem>>
    %dma_start3A_89 = tpu.memref_squeeze %dma_start3A_88 : memref<1x128xi32, #tpu.memory_space<vmem>> -> memref<128xi32, #tpu.memory_space<vmem>>
    %dma_start3A_90 = arith.constant 0 : i32
    %dma_start3A_91 = arith.constant 0 : i32
    %dma_start3A_92 = tpu.memref_slice %arg9[%dma_start3A_90, %dma_start3A_91] : memref<10240x16xf32, #tpu.memory_space<hbm>> -> memref<10240x16xf32, #tpu.memory_space<hbm>>
    tpu.enqueue_indirect_dma source(%dma_start3A_92 : memref<10240x16xf32, #tpu.memory_space<hbm>>) target(%dma_start3A_86 : memref<128x16xf32, #tpu.memory_space<vmem>>) offsets(%dma_start3A_89 : memref<128xi32, #tpu.memory_space<vmem>>) semaphore(%arg20 : memref<!tpu.dma_semaphore, #tpu.memory_space<semaphore_mem>>)
    %scan3A_93 = arith.constant 0 : i32
    %scan3A_94 = arith.constant 157 : i32
    %scan3A_95 = arith.addi %scan3A_93, %scan3A_94 : i32
    %scan3A_96 = arith.constant 1 : i32
    scf.for %scan3A_2002 = %scan3A_93 to %scan3A_95 step %scan3A_96  : i32 {
      %rem3A = arith.constant 14 : i32
      %rem3A_2003 = arith.remsi %scan3A_2002, %rem3A : i32
      %dma_wait3A_2004 = arith.constant 0 : i32
      %dma_wait3A_2005 = arith.constant 0 : i32
      %dma_wait3A_2006 = tpu.memref_slice %arg14[%rem3A_2003, %dma_wait3A_2004, %dma_wait3A_2005] : memref<14x128x16xf32, #tpu.memory_space<vmem>> -> memref<1x128x16xf32, #tpu.memory_space<vmem>>
      %dma_wait3A_2007 = tpu.memref_squeeze %dma_wait3A_2006 : memref<1x128x16xf32, #tpu.memory_space<vmem>> -> memref<128x16xf32, #tpu.memory_space<vmem>>
      %dma_wait3A_2008 = arith.constant 0 : i32
      %dma_wait3A_2009 = tpu.memref_slice %arg12[%scan3A_2002, %dma_wait3A_2008] : memref<157x128xi32, #tpu.memory_space<vmem>> -> memref<1x128xi32, #tpu.memory_space<vmem>>
      %dma_wait3A_2010 = tpu.memref_squeeze %dma_wait3A_2009 : memref<1x128xi32, #tpu.memory_space<vmem>> -> memref<128xi32, #tpu.memory_space<vmem>>
      %dma_wait3A_2011 = arith.constant 0 : i32
      %dma_wait3A_2012 = arith.constant 0 : i32
      %dma_wait3A_2013 = tpu.memref_slice %arg9[%dma_wait3A_2011, %dma_wait3A_2012] : memref<10240x16xf32, #tpu.memory_space<hbm>> -> memref<10240x16xf32, #tpu.memory_space<hbm>>
      tpu.wait_indirect_dma semaphore(%arg20 : memref<!tpu.dma_semaphore, #tpu.memory_space<semaphore_mem>>) src(%dma_wait3A_2013 : memref<10240x16xf32, #tpu.memory_space<hbm>>) dst(%dma_wait3A_2007 : memref<128x16xf32, #tpu.memory_space<vmem>>)
      %dma_start3A_2014 = arith.constant 0 : i32
      %dma_start3A_2015 = arith.constant 0 : i32
      %dma_start3A_2016 = tpu.memref_slice %arg14[%rem3A_2003, %dma_start3A_2014, %dma_start3A_2015] : memref<14x128x16xf32, #tpu.memory_space<vmem>> -> memref<1x128x16xf32, #tpu.memory_space<vmem>>
      %dma_start3A_2017 = tpu.memref_squeeze %dma_start3A_2016 : memref<1x128x16xf32, #tpu.memory_space<vmem>> -> memref<128x16xf32, #tpu.memory_space<vmem>>
      %dma_start3A_2018 = arith.constant 0 : i32
      %dma_start3A_2019 = tpu.memref_slice %arg13[%scan3A_2002, %dma_start3A_2018] : memref<157x128xi32, #tpu.memory_space<vmem>> -> memref<1x128xi32, #tpu.memory_space<vmem>>
      %dma_start3A_2020 = tpu.memref_squeeze %dma_start3A_2019 : memref<1x128xi32, #tpu.memory_space<vmem>> -> memref<128xi32, #tpu.memory_space<vmem>>
      %dma_start3A_2021 = arith.constant 0 : i32
      %dma_start3A_2022 = arith.constant 0 : i32
      %dma_start3A_2023 = tpu.memref_slice %arg11[%dma_start3A_2021, %dma_start3A_2022] : memref<10240x16xf32, #tpu.memory_space<vmem_shared>> -> memref<10240x16xf32, #tpu.memory_space<vmem_shared>>
      tpu.enqueue_indirect_dma source(%dma_start3A_2017 : memref<128x16xf32, #tpu.memory_space<vmem>>) target(%dma_start3A_2023 : memref<10240x16xf32, #tpu.memory_space<vmem_shared>>) offsets(%dma_start3A_2020 : memref<128xi32, #tpu.memory_space<vmem>>) semaphore(%arg21 : memref<!tpu.dma_semaphore, #tpu.memory_space<semaphore_mem>>) {add = true}
      %ge3A = arith.constant 7 : i32
      %ge3A_2024 = arith.cmpi sge, %scan3A_2002, %ge3A : i32
      %convert_element_type3A = arith.extui %ge3A_2024 : i1 to i32
      %cond3A = arith.constant 0 : i32
      %cond3A_2025 = arith.cmpi ne, %convert_element_type3A, %cond3A : i32
      scf.if %cond3A_2025 {
        %sub3A = arith.constant 7 : i32
        %sub3A_2032 = arith.subi %scan3A_2002, %sub3A : i32
        %rem3A_2033 = arith.constant 14 : i32
        %rem3A_2034 = arith.remsi %sub3A_2032, %rem3A_2033 : i32
        %dma_wait3A_2035 = arith.constant 0 : i32
        %dma_wait3A_2036 = arith.constant 0 : i32
        %dma_wait3A_2037 = tpu.memref_slice %arg14[%rem3A_2034, %dma_wait3A_2035, %dma_wait3A_2036] : memref<14x128x16xf32, #tpu.memory_space<vmem>> -> memref<1x128x16xf32, #tpu.memory_space<vmem>>
        %dma_wait3A_2038 = tpu.memref_squeeze %dma_wait3A_2037 : memref<1x128x16xf32, #tpu.memory_space<vmem>> -> memref<128x16xf32, #tpu.memory_space<vmem>>
        %dma_wait3A_2039 = arith.constant 0 : i32
        %dma_wait3A_2040 = tpu.memref_slice %arg13[%sub3A_2032, %dma_wait3A_2039] : memref<157x128xi32, #tpu.memory_space<vmem>> -> memref<1x128xi32, #tpu.memory_space<vmem>>
        %dma_wait3A_2041 = tpu.memref_squeeze %dma_wait3A_2040 : memref<1x128xi32, #tpu.memory_space<vmem>> -> memref<128xi32, #tpu.memory_space<vmem>>
        %dma_wait3A_2042 = arith.constant 0 : i32
        %dma_wait3A_2043 = arith.constant 0 : i32
        %dma_wait3A_2044 = tpu.memref_slice %arg11[%dma_wait3A_2042, %dma_wait3A_2043] : memref<10240x16xf32, #tpu.memory_space<vmem_shared>> -> memref<10240x16xf32, #tpu.memory_space<vmem_shared>>
        tpu.wait_indirect_dma semaphore(%arg21 : memref<!tpu.dma_semaphore, #tpu.memory_space<semaphore_mem>>) src(%dma_wait3A_2038 : memref<128x16xf32, #tpu.memory_space<vmem>>) dst(%dma_wait3A_2044 : memref<10240x16xf32, #tpu.memory_space<vmem_shared>>)
      } else {
      }
      %add3A_2026 = arith.constant 7 : i32
      %add3A_2027 = arith.addi %scan3A_2002, %add3A_2026 : i32
      %lt3A = arith.constant 157 : i32
      %lt3A_2028 = arith.cmpi slt, %add3A_2027, %lt3A : i32
      %convert_element_type3A_2029 = arith.extui %lt3A_2028 : i1 to i32
      %cond3A_2030 = arith.constant 0 : i32
      %cond3A_2031 = arith.cmpi ne, %convert_element_type3A_2029, %cond3A_2030 : i32
      scf.if %cond3A_2031 {
        %add3A_2032 = arith.constant 7 : i32
        %add3A_2033 = arith.addi %scan3A_2002, %add3A_2032 : i32
        %rem3A_2034 = arith.constant 14 : i32
        %rem3A_2035 = arith.remsi %add3A_2033, %rem3A_2034 : i32
        %dma_start3A_2036 = arith.constant 0 : i32
        %dma_start3A_2037 = arith.constant 0 : i32
        %dma_start3A_2038 = tpu.memref_slice %arg14[%rem3A_2035, %dma_start3A_2036, %dma_start3A_2037] : memref<14x128x16xf32, #tpu.memory_space<vmem>> -> memref<1x128x16xf32, #tpu.memory_space<vmem>>
        %dma_start3A_2039 = tpu.memref_squeeze %dma_start3A_2038 : memref<1x128x16xf32, #tpu.memory_space<vmem>> -> memref<128x16xf32, #tpu.memory_space<vmem>>
        %dma_start3A_2040 = arith.constant 0 : i32
        %dma_start3A_2041 = tpu.memref_slice %arg12[%add3A_2033, %dma_start3A_2040] : memref<157x128xi32, #tpu.memory_space<vmem>> -> memref<1x128xi32, #tpu.memory_space<vmem>>
        %dma_start3A_2042 = tpu.memref_squeeze %dma_start3A_2041 : memref<1x128xi32, #tpu.memory_space<vmem>> -> memref<128xi32, #tpu.memory_space<vmem>>
        %dma_start3A_2043 = arith.constant 0 : i32
        %dma_start3A_2044 = arith.constant 0 : i32
        %dma_start3A_2045 = tpu.memref_slice %arg9[%dma_start3A_2043, %dma_start3A_2044] : memref<10240x16xf32, #tpu.memory_space<hbm>> -> memref<10240x16xf32, #tpu.memory_space<hbm>>
        tpu.enqueue_indirect_dma source(%dma_start3A_2045 : memref<10240x16xf32, #tpu.memory_space<hbm>>) target(%dma_start3A_2039 : memref<128x16xf32, #tpu.memory_space<vmem>>) offsets(%dma_start3A_2042 : memref<128xi32, #tpu.memory_space<vmem>>) semaphore(%arg20 : memref<!tpu.dma_semaphore, #tpu.memory_space<semaphore_mem>>)
      } else {
      }
    }
    %scan3A_97 = arith.constant 157 : i32
    %dma_wait3A = arith.constant 10 : i32
    %dma_wait3A_98 = arith.constant 150 : i32
    %dma_wait3A_99 = arith.constant 0 : i32
    %dma_wait3A_100 = arith.constant 0 : i32
    %dma_wait3A_101 = tpu.memref_slice %arg14[%dma_wait3A, %dma_wait3A_99, %dma_wait3A_100] : memref<14x128x16xf32, #tpu.memory_space<vmem>> -> memref<1x128x16xf32, #tpu.memory_space<vmem>>
    %dma_wait3A_102 = tpu.memref_squeeze %dma_wait3A_101 : memref<1x128x16xf32, #tpu.memory_space<vmem>> -> memref<128x16xf32, #tpu.memory_space<vmem>>
    %dma_wait3A_103 = arith.constant 0 : i32
    %dma_wait3A_104 = tpu.memref_slice %arg13[%dma_wait3A_98, %dma_wait3A_103] : memref<157x128xi32, #tpu.memory_space<vmem>> -> memref<1x128xi32, #tpu.memory_space<vmem>>
    %dma_wait3A_105 = tpu.memref_squeeze %dma_wait3A_104 : memref<1x128xi32, #tpu.memory_space<vmem>> -> memref<128xi32, #tpu.memory_space<vmem>>
    %dma_wait3A_106 = arith.constant 0 : i32
    %dma_wait3A_107 = arith.constant 0 : i32
    %dma_wait3A_108 = tpu.memref_slice %arg11[%dma_wait3A_106, %dma_wait3A_107] : memref<10240x16xf32, #tpu.memory_space<vmem_shared>> -> memref<10240x16xf32, #tpu.memory_space<vmem_shared>>
    tpu.wait_indirect_dma semaphore(%arg21 : memref<!tpu.dma_semaphore, #tpu.memory_space<semaphore_mem>>) src(%dma_wait3A_102 : memref<128x16xf32, #tpu.memory_space<vmem>>) dst(%dma_wait3A_108 : memref<10240x16xf32, #tpu.memory_space<vmem_shared>>)
    %dma_wait3A_109 = arith.constant 11 : i32
    %dma_wait3A_110 = arith.constant 151 : i32
    %dma_wait3A_111 = arith.constant 0 : i32
    %dma_wait3A_112 = arith.constant 0 : i32
    %dma_wait3A_113 = tpu.memref_slice %arg14[%dma_wait3A_109, %dma_wait3A_111, %dma_wait3A_112] : memref<14x128x16xf32, #tpu.memory_space<vmem>> -> memref<1x128x16xf32, #tpu.memory_space<vmem>>
    %dma_wait3A_114 = tpu.memref_squeeze %dma_wait3A_113 : memref<1x128x16xf32, #tpu.memory_space<vmem>> -> memref<128x16xf32, #tpu.memory_space<vmem>>
    %dma_wait3A_115 = arith.constant 0 : i32
    %dma_wait3A_116 = tpu.memref_slice %arg13[%dma_wait3A_110, %dma_wait3A_115] : memref<157x128xi32, #tpu.memory_space<vmem>> -> memref<1x128xi32, #tpu.memory_space<vmem>>
    %dma_wait3A_117 = tpu.memref_squeeze %dma_wait3A_116 : memref<1x128xi32, #tpu.memory_space<vmem>> -> memref<128xi32, #tpu.memory_space<vmem>>
    %dma_wait3A_118 = arith.constant 0 : i32
    %dma_wait3A_119 = arith.constant 0 : i32
    %dma_wait3A_120 = tpu.memref_slice %arg11[%dma_wait3A_118, %dma_wait3A_119] : memref<10240x16xf32, #tpu.memory_space<vmem_shared>> -> memref<10240x16xf32, #tpu.memory_space<vmem_shared>>
    tpu.wait_indirect_dma semaphore(%arg21 : memref<!tpu.dma_semaphore, #tpu.memory_space<semaphore_mem>>) src(%dma_wait3A_114 : memref<128x16xf32, #tpu.memory_space<vmem>>) dst(%dma_wait3A_120 : memref<10240x16xf32, #tpu.memory_space<vmem_shared>>)
    %dma_wait3A_121 = arith.constant 12 : i32
    %dma_wait3A_122 = arith.constant 152 : i32
    %dma_wait3A_123 = arith.constant 0 : i32
    %dma_wait3A_124 = arith.constant 0 : i32
    %dma_wait3A_125 = tpu.memref_slice %arg14[%dma_wait3A_121, %dma_wait3A_123, %dma_wait3A_124] : memref<14x128x16xf32, #tpu.memory_space<vmem>> -> memref<1x128x16xf32, #tpu.memory_space<vmem>>
    %dma_wait3A_126 = tpu.memref_squeeze %dma_wait3A_125 : memref<1x128x16xf32, #tpu.memory_space<vmem>> -> memref<128x16xf32, #tpu.memory_space<vmem>>
    %dma_wait3A_127 = arith.constant 0 : i32
    %dma_wait3A_128 = tpu.memref_slice %arg13[%dma_wait3A_122, %dma_wait3A_127] : memref<157x128xi32, #tpu.memory_space<vmem>> -> memref<1x128xi32, #tpu.memory_space<vmem>>
    %dma_wait3A_129 = tpu.memref_squeeze %dma_wait3A_128 : memref<1x128xi32, #tpu.memory_space<vmem>> -> memref<128xi32, #tpu.memory_space<vmem>>
    %dma_wait3A_130 = arith.constant 0 : i32
    %dma_wait3A_131 = arith.constant 0 : i32
    %dma_wait3A_132 = tpu.memref_slice %arg11[%dma_wait3A_130, %dma_wait3A_131] : memref<10240x16xf32, #tpu.memory_space<vmem_shared>> -> memref<10240x16xf32, #tpu.memory_space<vmem_shared>>
    tpu.wait_indirect_dma semaphore(%arg21 : memref<!tpu.dma_semaphore, #tpu.memory_space<semaphore_mem>>) src(%dma_wait3A_126 : memref<128x16xf32, #tpu.memory_space<vmem>>) dst(%dma_wait3A_132 : memref<10240x16xf32, #tpu.memory_space<vmem_shared>>)
    %dma_wait3A_133 = arith.constant 13 : i32
    %dma_wait3A_134 = arith.constant 153 : i32
    %dma_wait3A_135 = arith.constant 0 : i32
    %dma_wait3A_136 = arith.constant 0 : i32
    %dma_wait3A_137 = tpu.memref_slice %arg14[%dma_wait3A_133, %dma_wait3A_135, %dma_wait3A_136] : memref<14x128x16xf32, #tpu.memory_space<vmem>> -> memref<1x128x16xf32, #tpu.memory_space<vmem>>
    %dma_wait3A_138 = tpu.memref_squeeze %dma_wait3A_137 : memref<1x128x16xf32, #tpu.memory_space<vmem>> -> memref<128x16xf32, #tpu.memory_space<vmem>>
    %dma_wait3A_139 = arith.constant 0 : i32
    %dma_wait3A_140 = tpu.memref_slice %arg13[%dma_wait3A_134, %dma_wait3A_139] : memref<157x128xi32, #tpu.memory_space<vmem>> -> memref<1x128xi32, #tpu.memory_space<vmem>>
    %dma_wait3A_141 = tpu.memref_squeeze %dma_wait3A_140 : memref<1x128xi32, #tpu.memory_space<vmem>> -> memref<128xi32, #tpu.memory_space<vmem>>
    %dma_wait3A_142 = arith.constant 0 : i32
    %dma_wait3A_143 = arith.constant 0 : i32
    %dma_wait3A_144 = tpu.memref_slice %arg11[%dma_wait3A_142, %dma_wait3A_143] : memref<10240x16xf32, #tpu.memory_space<vmem_shared>> -> memref<10240x16xf32, #tpu.memory_space<vmem_shared>>
    tpu.wait_indirect_dma semaphore(%arg21 : memref<!tpu.dma_semaphore, #tpu.memory_space<semaphore_mem>>) src(%dma_wait3A_138 : memref<128x16xf32, #tpu.memory_space<vmem>>) dst(%dma_wait3A_144 : memref<10240x16xf32, #tpu.memory_space<vmem_shared>>)
    %dma_wait3A_145 = arith.constant 0 : i32
    %dma_wait3A_146 = arith.constant 154 : i32
    %dma_wait3A_147 = arith.constant 0 : i32
    %dma_wait3A_148 = arith.constant 0 : i32
    %dma_wait3A_149 = tpu.memref_slice %arg14[%dma_wait3A_145, %dma_wait3A_147, %dma_wait3A_148] : memref<14x128x16xf32, #tpu.memory_space<vmem>> -> memref<1x128x16xf32, #tpu.memory_space<vmem>>
    %dma_wait3A_150 = tpu.memref_squeeze %dma_wait3A_149 : memref<1x128x16xf32, #tpu.memory_space<vmem>> -> memref<128x16xf32, #tpu.memory_space<vmem>>
    %dma_wait3A_151 = arith.constant 0 : i32
    %dma_wait3A_152 = tpu.memref_slice %arg13[%dma_wait3A_146, %dma_wait3A_151] : memref<157x128xi32, #tpu.memory_space<vmem>> -> memref<1x128xi32, #tpu.memory_space<vmem>>
    %dma_wait3A_153 = tpu.memref_squeeze %dma_wait3A_152 : memref<1x128xi32, #tpu.memory_space<vmem>> -> memref<128xi32, #tpu.memory_space<vmem>>
    %dma_wait3A_154 = arith.constant 0 : i32
    %dma_wait3A_155 = arith.constant 0 : i32
    %dma_wait3A_156 = tpu.memref_slice %arg11[%dma_wait3A_154, %dma_wait3A_155] : memref<10240x16xf32, #tpu.memory_space<vmem_shared>> -> memref<10240x16xf32, #tpu.memory_space<vmem_shared>>
    tpu.wait_indirect_dma semaphore(%arg21 : memref<!tpu.dma_semaphore, #tpu.memory_space<semaphore_mem>>) src(%dma_wait3A_150 : memref<128x16xf32, #tpu.memory_space<vmem>>) dst(%dma_wait3A_156 : memref<10240x16xf32, #tpu.memory_space<vmem_shared>>)
    %dma_wait3A_157 = arith.constant 1 : i32
    %dma_wait3A_158 = arith.constant 155 : i32
    %dma_wait3A_159 = arith.constant 0 : i32
    %dma_wait3A_160 = arith.constant 0 : i32
    %dma_wait3A_161 = tpu.memref_slice %arg14[%dma_wait3A_157, %dma_wait3A_159, %dma_wait3A_160] : memref<14x128x16xf32, #tpu.memory_space<vmem>> -> memref<1x128x16xf32, #tpu.memory_space<vmem>>
    %dma_wait3A_162 = tpu.memref_squeeze %dma_wait3A_161 : memref<1x128x16xf32, #tpu.memory_space<vmem>> -> memref<128x16xf32, #tpu.memory_space<vmem>>
    %dma_wait3A_163 = arith.constant 0 : i32
    %dma_wait3A_164 = tpu.memref_slice %arg13[%dma_wait3A_158, %dma_wait3A_163] : memref<157x128xi32, #tpu.memory_space<vmem>> -> memref<1x128xi32, #tpu.memory_space<vmem>>
    %dma_wait3A_165 = tpu.memref_squeeze %dma_wait3A_164 : memref<1x128xi32, #tpu.memory_space<vmem>> -> memref<128xi32, #tpu.memory_space<vmem>>
    %dma_wait3A_166 = arith.constant 0 : i32
    %dma_wait3A_167 = arith.constant 0 : i32
    %dma_wait3A_168 = tpu.memref_slice %arg11[%dma_wait3A_166, %dma_wait3A_167] : memref<10240x16xf32, #tpu.memory_space<vmem_shared>> -> memref<10240x16xf32, #tpu.memory_space<vmem_shared>>
    tpu.wait_indirect_dma semaphore(%arg21 : memref<!tpu.dma_semaphore, #tpu.memory_space<semaphore_mem>>) src(%dma_wait3A_162 : memref<128x16xf32, #tpu.memory_space<vmem>>) dst(%dma_wait3A_168 : memref<10240x16xf32, #tpu.memory_space<vmem_shared>>)
    %dma_wait3A_169 = arith.constant 2 : i32
    %dma_wait3A_170 = arith.constant 156 : i32
    %dma_wait3A_171 = arith.constant 0 : i32
    %dma_wait3A_172 = arith.constant 0 : i32
    %dma_wait3A_173 = tpu.memref_slice %arg14[%dma_wait3A_169, %dma_wait3A_171, %dma_wait3A_172] : memref<14x128x16xf32, #tpu.memory_space<vmem>> -> memref<1x128x16xf32, #tpu.memory_space<vmem>>
    %dma_wait3A_174 = tpu.memref_squeeze %dma_wait3A_173 : memref<1x128x16xf32, #tpu.memory_space<vmem>> -> memref<128x16xf32, #tpu.memory_space<vmem>>
    %dma_wait3A_175 = arith.constant 0 : i32
    %dma_wait3A_176 = tpu.memref_slice %arg13[%dma_wait3A_170, %dma_wait3A_175] : memref<157x128xi32, #tpu.memory_space<vmem>> -> memref<1x128xi32, #tpu.memory_space<vmem>>
    %dma_wait3A_177 = tpu.memref_squeeze %dma_wait3A_176 : memref<1x128xi32, #tpu.memory_space<vmem>> -> memref<128xi32, #tpu.memory_space<vmem>>
    %dma_wait3A_178 = arith.constant 0 : i32
    %dma_wait3A_179 = arith.constant 0 : i32
    %dma_wait3A_180 = tpu.memref_slice %arg11[%dma_wait3A_178, %dma_wait3A_179] : memref<10240x16xf32, #tpu.memory_space<vmem_shared>> -> memref<10240x16xf32, #tpu.memory_space<vmem_shared>>
    tpu.wait_indirect_dma semaphore(%arg21 : memref<!tpu.dma_semaphore, #tpu.memory_space<semaphore_mem>>) src(%dma_wait3A_174 : memref<128x16xf32, #tpu.memory_space<vmem>>) dst(%dma_wait3A_180 : memref<10240x16xf32, #tpu.memory_space<vmem_shared>>)
    %barrier3A_181 = arith.constant 0 : index
    tpu.barrier barrier_id(%barrier3A_181)
    "tpu.region"() ({
      %run_scoped3A = tpu.sem_alloc : memref<!tpu.dma_semaphore, #tpu.memory_space<semaphore_mem>>
      %dma_start3A_2002 = arith.constant 0 : i32
      %dma_start3A_2003 = tpu.memref_slice %arg11[%mul3A_0, %dma_start3A_2002] : memref<10240x16xf32, #tpu.memory_space<vmem_shared>> -> memref<640x16xf32, #tpu.memory_space<vmem_shared>>
      %dma_start3A_2004 = arith.constant 0 : i32
      %dma_start3A_2005 = tpu.memref_slice %arg11[%mul3A_0, %dma_start3A_2004] : memref<10240x16xf32, #tpu.memory_space<vmem_shared>> -> memref<640x16xf32, #tpu.memory_space<vmem_shared>>
      tpu.enqueue_dma source(%dma_start3A_2005 : memref<640x16xf32, #tpu.memory_space<vmem_shared>>) target(%arg15 : memref<640x16xf32, #tpu.memory_space<vmem>>) target_semaphore(%run_scoped3A : memref<!tpu.dma_semaphore, #tpu.memory_space<semaphore_mem>>)
      %dma_wait3A_2006 = arith.constant 0 : i32
      %dma_wait3A_2007 = tpu.memref_slice %arg11[%mul3A_0, %dma_wait3A_2006] : memref<10240x16xf32, #tpu.memory_space<vmem_shared>> -> memref<640x16xf32, #tpu.memory_space<vmem_shared>>
      %dma_wait3A_2008 = arith.constant 0 : i32
      %dma_wait3A_2009 = tpu.memref_slice %arg11[%mul3A_0, %dma_wait3A_2008] : memref<10240x16xf32, #tpu.memory_space<vmem_shared>> -> memref<640x16xf32, #tpu.memory_space<vmem_shared>>
      tpu.wait_dma2 semaphore(%run_scoped3A : memref<!tpu.dma_semaphore, #tpu.memory_space<semaphore_mem>>) src(%dma_wait3A_2009 : memref<640x16xf32, #tpu.memory_space<vmem_shared>>) dst(%arg15 : memref<640x16xf32, #tpu.memory_space<vmem>>)
      tpu.yield
    }) : () -> ()
    %dma_start3A_182 = arith.constant 0 : i32
    %dma_start3A_183 = tpu.memref_slice %arg11[%mul3A_0, %dma_start3A_182] : memref<10240x16xf32, #tpu.memory_space<vmem_shared>> -> memref<640x16xf32, #tpu.memory_space<vmem_shared>>
    %dma_start3A_184 = arith.constant 0 : i32
    %dma_start3A_185 = tpu.memref_slice %arg11[%mul3A_0, %dma_start3A_184] : memref<10240x16xf32, #tpu.memory_space<vmem_shared>> -> memref<640x16xf32, #tpu.memory_space<vmem_shared>>
    tpu.enqueue_dma source(%arg19 : memref<640x16xf32, #tpu.memory_space<vmem>>) target(%dma_start3A_185 : memref<640x16xf32, #tpu.memory_space<vmem_shared>>) target_semaphore(%arg23 : memref<!tpu.dma_semaphore, #tpu.memory_space<semaphore_mem>>)
    %add3A_186 = arith.constant 10240 : i32
    %add3A_187 = arith.addi %add3A_186, %mul3A_0 : i32
    %dma_wait3A_188 = arith.constant 0 : i32
    %dma_wait3A_189 = tpu.memref_slice %arg2[%add3A_187, %dma_wait3A_188] : memref<112640x16xf32, #tpu.memory_space<hbm>> -> memref<640x16xf32, #tpu.memory_space<hbm>>
    %dma_wait3A_190 = arith.constant 0 : i32
    %dma_wait3A_191 = tpu.memref_slice %arg2[%add3A_187, %dma_wait3A_190] : memref<112640x16xf32, #tpu.memory_space<hbm>> -> memref<640x16xf32, #tpu.memory_space<hbm>>
    tpu.wait_dma2 semaphore(%arg22 : memref<!tpu.dma_semaphore, #tpu.memory_space<semaphore_mem>>) src(%dma_wait3A_191 : memref<640x16xf32, #tpu.memory_space<hbm>>) dst(%arg16 : memref<640x16xf32, #tpu.memory_space<vmem>>)
    %scan3A_192 = arith.constant 0 : i32
    %scan3A_193 = arith.constant 640 : i32
    %scan3A_194 = arith.addi %scan3A_192, %scan3A_193 : i32
    %scan3A_195 = arith.constant 1 : i32
    scf.for %scan3A_2002 = %scan3A_192 to %scan3A_194 step %scan3A_195  : i32 {
      %get3A = arith.index_cast %scan3A_2002 : i32 to index
      %get3A_2003 = arith.constant 0 : index
      %get3A_2004 = tpu.vector_load %arg17[%get3A, %get3A_2003] {strides = array<i32>} : memref<640x16xf32, #tpu.memory_space<vmem>>, vector<1x16xf32>,
      %get3A_2005 = vector.shape_cast %get3A_2004 : vector<1x16xf32> to vector<16xf32>
      %get3A_2006 = arith.index_cast %scan3A_2002 : i32 to index
      %get3A_2007 = arith.constant 0 : index
      %get3A_2008 = tpu.vector_load %arg16[%get3A_2006, %get3A_2007] {strides = array<i32>} : memref<640x16xf32, #tpu.memory_space<vmem>>, vector<1x16xf32>,
      %get3A_2009 = vector.shape_cast %get3A_2008 : vector<1x16xf32> to vector<16xf32>
      %mul3A_2010 = arith.mulf %get3A_2005, %get3A_2009 : vector<16xf32>
      %get3A_2011 = arith.index_cast %scan3A_2002 : i32 to index
      %get3A_2012 = arith.constant 0 : index
      %get3A_2013 = tpu.vector_load %arg18[%get3A_2011, %get3A_2012] {strides = array<i32>} : memref<640x16xf32, #tpu.memory_space<vmem>>, vector<1x16xf32>,
      %get3A_2014 = vector.shape_cast %get3A_2013 : vector<1x16xf32> to vector<16xf32>
      %get3A_2015 = arith.index_cast %scan3A_2002 : i32 to index
      %get3A_2016 = arith.constant 0 : index
      %get3A_2017 = tpu.vector_load %arg15[%get3A_2015, %get3A_2016] {strides = array<i32>} : memref<640x16xf32, #tpu.memory_space<vmem>>, vector<1x16xf32>,
      %get3A_2018 = vector.shape_cast %get3A_2017 : vector<1x16xf32> to vector<16xf32>
      %mul3A_2019 = arith.mulf %get3A_2014, %get3A_2018 : vector<16xf32>
      %add3A_2020 = arith.addf %mul3A_2010, %mul3A_2019 : vector<16xf32>
      %swap3A = arith.index_cast %scan3A_2002 : i32 to index
      %swap3A_2021 = arith.constant 0 : index
      %swap3A_2022 = tpu.vector_load %arg16[%swap3A, %swap3A_2021] {strides = array<i32>} : memref<640x16xf32, #tpu.memory_space<vmem>>, vector<1x16xf32>,
      %swap3A_2023 = vector.shape_cast %swap3A_2022 : vector<1x16xf32> to vector<16xf32>
      %swap3A_2024 = vector.shape_cast %add3A_2020 : vector<16xf32> to vector<1x16xf32>
      tpu.vector_store %arg16[%swap3A, %swap3A_2021], %swap3A_2024 {strides = array<i32>} : memref<640x16xf32, #tpu.memory_space<vmem>>, vector<1x16xf32>,
    }
    %scan3A_196 = arith.constant 640 : i32
    "tpu.region"() ({
      %run_scoped3A = tpu.sem_alloc : memref<!tpu.dma_semaphore, #tpu.memory_space<semaphore_mem>>
      %dma_start3A_2002 = arith.constant 0 : i32
      %dma_start3A_2003 = tpu.memref_slice %arg9[%mul3A_0, %dma_start3A_2002] : memref<10240x16xf32, #tpu.memory_space<hbm>> -> memref<640x16xf32, #tpu.memory_space<hbm>>
      %dma_start3A_2004 = arith.constant 0 : i32
      %dma_start3A_2005 = tpu.memref_slice %arg9[%mul3A_0, %dma_start3A_2004] : memref<10240x16xf32, #tpu.memory_space<hbm>> -> memref<640x16xf32, #tpu.memory_space<hbm>>
      tpu.enqueue_dma source(%arg16 : memref<640x16xf32, #tpu.memory_space<vmem>>) target(%dma_start3A_2005 : memref<640x16xf32, #tpu.memory_space<hbm>>) target_semaphore(%run_scoped3A : memref<!tpu.dma_semaphore, #tpu.memory_space<semaphore_mem>>)
      %dma_wait3A_2006 = arith.constant 0 : i32
      %dma_wait3A_2007 = tpu.memref_slice %arg9[%mul3A_0, %dma_wait3A_2006] : memref<10240x16xf32, #tpu.memory_space<hbm>> -> memref<640x16xf32, #tpu.memory_space<hbm>>
      %dma_wait3A_2008 = arith.constant 0 : i32
      %dma_wait3A_2009 = tpu.memref_slice %arg9[%mul3A_0, %dma_wait3A_2008] : memref<10240x16xf32, #tpu.memory_space<hbm>> -> memref<640x16xf32, #tpu.memory_space<hbm>>
      tpu.wait_dma2 semaphore(%run_scoped3A : memref<!tpu.dma_semaphore, #tpu.memory_space<semaphore_mem>>) src(%arg16 : memref<640x16xf32, #tpu.memory_space<vmem>>) dst(%dma_wait3A_2009 : memref<640x16xf32, #tpu.memory_space<hbm>>)
      tpu.yield
    }) : () -> ()
    %dma_wait3A_197 = arith.constant 0 : i32
    %dma_wait3A_198 = tpu.memref_slice %arg11[%mul3A_0, %dma_wait3A_197] : memref<10240x16xf32, #tpu.memory_space<vmem_shared>> -> memref<640x16xf32, #tpu.memory_space<vmem_shared>>
    %dma_wait3A_199 = arith.constant 0 : i32
    %dma_wait3A_200 = tpu.memref_slice %arg11[%mul3A_0, %dma_wait3A_199] : memref<10240x16xf32, #tpu.memory_space<vmem_shared>> -> memref<640x16xf32, #tpu.memory_space<vmem_shared>>
    tpu.wait_dma2 semaphore(%arg23 : memref<!tpu.dma_semaphore, #tpu.memory_space<semaphore_mem>>) src(%arg19 : memref<640x16xf32, #tpu.memory_space<vmem>>) dst(%dma_wait3A_200 : memref<640x16xf32, #tpu.memory_space<vmem_shared>>)
    %barrier3A_201 = arith.constant 0 : index
    tpu.barrier barrier_id(%barrier3A_201)
    %add3A_202 = arith.constant 20480 : i32
    %add3A_203 = arith.addi %add3A_202, %mul3A_0 : i32
    %dma_start3A_204 = arith.constant 0 : i32
    %dma_start3A_205 = tpu.memref_slice %arg2[%add3A_203, %dma_start3A_204] : memref<112640x16xf32, #tpu.memory_space<hbm>> -> memref<640x16xf32, #tpu.memory_space<hbm>>
    %dma_start3A_206 = arith.constant 0 : i32
    %dma_start3A_207 = tpu.memref_slice %arg2[%add3A_203, %dma_start3A_206] : memref<112640x16xf32, #tpu.memory_space<hbm>> -> memref<640x16xf32, #tpu.memory_space<hbm>>
    tpu.enqueue_dma source(%dma_start3A_207 : memref<640x16xf32, #tpu.memory_space<hbm>>) target(%arg16 : memref<640x16xf32, #tpu.memory_space<vmem>>) target_semaphore(%arg22 : memref<!tpu.dma_semaphore, #tpu.memory_space<semaphore_mem>>)
    %dma_start3A_208 = arith.constant 0 : i32
    %dma_start3A_209 = arith.constant 0 : i32
    %dma_start3A_210 = arith.constant 0 : i32
    %dma_start3A_211 = arith.constant 0 : i32
    %dma_start3A_212 = tpu.memref_slice %arg14[%dma_start3A_209, %dma_start3A_210, %dma_start3A_211] : memref<14x128x16xf32, #tpu.memory_space<vmem>> -> memref<1x128x16xf32, #tpu.memory_space<vmem>>
    %dma_start3A_213 = tpu.memref_squeeze %dma_start3A_212 : memref<1x128x16xf32, #tpu.memory_space<vmem>> -> memref<128x16xf32, #tpu.memory_space<vmem>>
    %dma_start3A_214 = arith.constant 0 : i32
    %dma_start3A_215 = tpu.memref_slice %arg12[%dma_start3A_208, %dma_start3A_214] : memref<157x128xi32, #tpu.memory_space<vmem>> -> memref<1x128xi32, #tpu.memory_space<vmem>>
    %dma_start3A_216 = tpu.memref_squeeze %dma_start3A_215 : memref<1x128xi32, #tpu.memory_space<vmem>> -> memref<128xi32, #tpu.memory_space<vmem>>
    %dma_start3A_217 = arith.constant 0 : i32
    %dma_start3A_218 = arith.constant 0 : i32
    %dma_start3A_219 = tpu.memref_slice %arg9[%dma_start3A_217, %dma_start3A_218] : memref<10240x16xf32, #tpu.memory_space<hbm>> -> memref<10240x16xf32, #tpu.memory_space<hbm>>
    tpu.enqueue_indirect_dma source(%dma_start3A_219 : memref<10240x16xf32, #tpu.memory_space<hbm>>) target(%dma_start3A_213 : memref<128x16xf32, #tpu.memory_space<vmem>>) offsets(%dma_start3A_216 : memref<128xi32, #tpu.memory_space<vmem>>) semaphore(%arg20 : memref<!tpu.dma_semaphore, #tpu.memory_space<semaphore_mem>>)
    %dma_start3A_220 = arith.constant 1 : i32
    %dma_start3A_221 = arith.constant 1 : i32
    %dma_start3A_222 = arith.constant 0 : i32
    %dma_start3A_223 = arith.constant 0 : i32
    %dma_start3A_224 = tpu.memref_slice %arg14[%dma_start3A_221, %dma_start3A_222, %dma_start3A_223] : memref<14x128x16xf32, #tpu.memory_space<vmem>> -> memref<1x128x16xf32, #tpu.memory_space<vmem>>
    %dma_start3A_225 = tpu.memref_squeeze %dma_start3A_224 : memref<1x128x16xf32, #tpu.memory_space<vmem>> -> memref<128x16xf32, #tpu.memory_space<vmem>>
    %dma_start3A_226 = arith.constant 0 : i32
    %dma_start3A_227 = tpu.memref_slice %arg12[%dma_start3A_220, %dma_start3A_226] : memref<157x128xi32, #tpu.memory_space<vmem>> -> memref<1x128xi32, #tpu.memory_space<vmem>>
    %dma_start3A_228 = tpu.memref_squeeze %dma_start3A_227 : memref<1x128xi32, #tpu.memory_space<vmem>> -> memref<128xi32, #tpu.memory_space<vmem>>
    %dma_start3A_229 = arith.constant 0 : i32
    %dma_start3A_230 = arith.constant 0 : i32
    %dma_start3A_231 = tpu.memref_slice %arg9[%dma_start3A_229, %dma_start3A_230] : memref<10240x16xf32, #tpu.memory_space<hbm>> -> memref<10240x16xf32, #tpu.memory_space<hbm>>
    tpu.enqueue_indirect_dma source(%dma_start3A_231 : memref<10240x16xf32, #tpu.memory_space<hbm>>) target(%dma_start3A_225 : memref<128x16xf32, #tpu.memory_space<vmem>>) offsets(%dma_start3A_228 : memref<128xi32, #tpu.memory_space<vmem>>) semaphore(%arg20 : memref<!tpu.dma_semaphore, #tpu.memory_space<semaphore_mem>>)
    %dma_start3A_232 = arith.constant 2 : i32
    %dma_start3A_233 = arith.constant 2 : i32
    %dma_start3A_234 = arith.constant 0 : i32
    %dma_start3A_235 = arith.constant 0 : i32
    %dma_start3A_236 = tpu.memref_slice %arg14[%dma_start3A_233, %dma_start3A_234, %dma_start3A_235] : memref<14x128x16xf32, #tpu.memory_space<vmem>> -> memref<1x128x16xf32, #tpu.memory_space<vmem>>
    %dma_start3A_237 = tpu.memref_squeeze %dma_start3A_236 : memref<1x128x16xf32, #tpu.memory_space<vmem>> -> memref<128x16xf32, #tpu.memory_space<vmem>>
    %dma_start3A_238 = arith.constant 0 : i32
    %dma_start3A_239 = tpu.memref_slice %arg12[%dma_start3A_232, %dma_start3A_238] : memref<157x128xi32, #tpu.memory_space<vmem>> -> memref<1x128xi32, #tpu.memory_space<vmem>>
    %dma_start3A_240 = tpu.memref_squeeze %dma_start3A_239 : memref<1x128xi32, #tpu.memory_space<vmem>> -> memref<128xi32, #tpu.memory_space<vmem>>
    %dma_start3A_241 = arith.constant 0 : i32
    %dma_start3A_242 = arith.constant 0 : i32
    %dma_start3A_243 = tpu.memref_slice %arg9[%dma_start3A_241, %dma_start3A_242] : memref<10240x16xf32, #tpu.memory_space<hbm>> -> memref<10240x16xf32, #tpu.memory_space<hbm>>
    tpu.enqueue_indirect_dma source(%dma_start3A_243 : memref<10240x16xf32, #tpu.memory_space<hbm>>) target(%dma_start3A_237 : memref<128x16xf32, #tpu.memory_space<vmem>>) offsets(%dma_start3A_240 : memref<128xi32, #tpu.memory_space<vmem>>) semaphore(%arg20 : memref<!tpu.dma_semaphore, #tpu.memory_space<semaphore_mem>>)
    %dma_start3A_244 = arith.constant 3 : i32
    %dma_start3A_245 = arith.constant 3 : i32
    %dma_start3A_246 = arith.constant 0 : i32
    %dma_start3A_247 = arith.constant 0 : i32
    %dma_start3A_248 = tpu.memref_slice %arg14[%dma_start3A_245, %dma_start3A_246, %dma_start3A_247] : memref<14x128x16xf32, #tpu.memory_space<vmem>> -> memref<1x128x16xf32, #tpu.memory_space<vmem>>
    %dma_start3A_249 = tpu.memref_squeeze %dma_start3A_248 : memref<1x128x16xf32, #tpu.memory_space<vmem>> -> memref<128x16xf32, #tpu.memory_space<vmem>>
    %dma_start3A_250 = arith.constant 0 : i32
    %dma_start3A_251 = tpu.memref_slice %arg12[%dma_start3A_244, %dma_start3A_250] : memref<157x128xi32, #tpu.memory_space<vmem>> -> memref<1x128xi32, #tpu.memory_space<vmem>>
    %dma_start3A_252 = tpu.memref_squeeze %dma_start3A_251 : memref<1x128xi32, #tpu.memory_space<vmem>> -> memref<128xi32, #tpu.memory_space<vmem>>
    %dma_start3A_253 = arith.constant 0 : i32
    %dma_start3A_254 = arith.constant 0 : i32
    %dma_start3A_255 = tpu.memref_slice %arg9[%dma_start3A_253, %dma_start3A_254] : memref<10240x16xf32, #tpu.memory_space<hbm>> -> memref<10240x16xf32, #tpu.memory_space<hbm>>
    tpu.enqueue_indirect_dma source(%dma_start3A_255 : memref<10240x16xf32, #tpu.memory_space<hbm>>) target(%dma_start3A_249 : memref<128x16xf32, #tpu.memory_space<vmem>>) offsets(%dma_start3A_252 : memref<128xi32, #tpu.memory_space<vmem>>) semaphore(%arg20 : memref<!tpu.dma_semaphore, #tpu.memory_space<semaphore_mem>>)
    %dma_start3A_256 = arith.constant 4 : i32
    %dma_start3A_257 = arith.constant 4 : i32
    %dma_start3A_258 = arith.constant 0 : i32
    %dma_start3A_259 = arith.constant 0 : i32
    %dma_start3A_260 = tpu.memref_slice %arg14[%dma_start3A_257, %dma_start3A_258, %dma_start3A_259] : memref<14x128x16xf32, #tpu.memory_space<vmem>> -> memref<1x128x16xf32, #tpu.memory_space<vmem>>
    %dma_start3A_261 = tpu.memref_squeeze %dma_start3A_260 : memref<1x128x16xf32, #tpu.memory_space<vmem>> -> memref<128x16xf32, #tpu.memory_space<vmem>>
    %dma_start3A_262 = arith.constant 0 : i32
    %dma_start3A_263 = tpu.memref_slice %arg12[%dma_start3A_256, %dma_start3A_262] : memref<157x128xi32, #tpu.memory_space<vmem>> -> memref<1x128xi32, #tpu.memory_space<vmem>>
    %dma_start3A_264 = tpu.memref_squeeze %dma_start3A_263 : memref<1x128xi32, #tpu.memory_space<vmem>> -> memref<128xi32, #tpu.memory_space<vmem>>
    %dma_start3A_265 = arith.constant 0 : i32
    %dma_start3A_266 = arith.constant 0 : i32
    %dma_start3A_267 = tpu.memref_slice %arg9[%dma_start3A_265, %dma_start3A_266] : memref<10240x16xf32, #tpu.memory_space<hbm>> -> memref<10240x16xf32, #tpu.memory_space<hbm>>
    tpu.enqueue_indirect_dma source(%dma_start3A_267 : memref<10240x16xf32, #tpu.memory_space<hbm>>) target(%dma_start3A_261 : memref<128x16xf32, #tpu.memory_space<vmem>>) offsets(%dma_start3A_264 : memref<128xi32, #tpu.memory_space<vmem>>) semaphore(%arg20 : memref<!tpu.dma_semaphore, #tpu.memory_space<semaphore_mem>>)
    %dma_start3A_268 = arith.constant 5 : i32
    %dma_start3A_269 = arith.constant 5 : i32
    %dma_start3A_270 = arith.constant 0 : i32
    %dma_start3A_271 = arith.constant 0 : i32
    %dma_start3A_272 = tpu.memref_slice %arg14[%dma_start3A_269, %dma_start3A_270, %dma_start3A_271] : memref<14x128x16xf32, #tpu.memory_space<vmem>> -> memref<1x128x16xf32, #tpu.memory_space<vmem>>
    %dma_start3A_273 = tpu.memref_squeeze %dma_start3A_272 : memref<1x128x16xf32, #tpu.memory_space<vmem>> -> memref<128x16xf32, #tpu.memory_space<vmem>>
    %dma_start3A_274 = arith.constant 0 : i32
    %dma_start3A_275 = tpu.memref_slice %arg12[%dma_start3A_268, %dma_start3A_274] : memref<157x128xi32, #tpu.memory_space<vmem>> -> memref<1x128xi32, #tpu.memory_space<vmem>>
    %dma_start3A_276 = tpu.memref_squeeze %dma_start3A_275 : memref<1x128xi32, #tpu.memory_space<vmem>> -> memref<128xi32, #tpu.memory_space<vmem>>
    %dma_start3A_277 = arith.constant 0 : i32
    %dma_start3A_278 = arith.constant 0 : i32
    %dma_start3A_279 = tpu.memref_slice %arg9[%dma_start3A_277, %dma_start3A_278] : memref<10240x16xf32, #tpu.memory_space<hbm>> -> memref<10240x16xf32, #tpu.memory_space<hbm>>
    tpu.enqueue_indirect_dma source(%dma_start3A_279 : memref<10240x16xf32, #tpu.memory_space<hbm>>) target(%dma_start3A_273 : memref<128x16xf32, #tpu.memory_space<vmem>>) offsets(%dma_start3A_276 : memref<128xi32, #tpu.memory_space<vmem>>) semaphore(%arg20 : memref<!tpu.dma_semaphore, #tpu.memory_space<semaphore_mem>>)
    %dma_start3A_280 = arith.constant 6 : i32
    %dma_start3A_281 = arith.constant 6 : i32
    %dma_start3A_282 = arith.constant 0 : i32
    %dma_start3A_283 = arith.constant 0 : i32
    %dma_start3A_284 = tpu.memref_slice %arg14[%dma_start3A_281, %dma_start3A_282, %dma_start3A_283] : memref<14x128x16xf32, #tpu.memory_space<vmem>> -> memref<1x128x16xf32, #tpu.memory_space<vmem>>
    %dma_start3A_285 = tpu.memref_squeeze %dma_start3A_284 : memref<1x128x16xf32, #tpu.memory_space<vmem>> -> memref<128x16xf32, #tpu.memory_space<vmem>>
    %dma_start3A_286 = arith.constant 0 : i32
    %dma_start3A_287 = tpu.memref_slice %arg12[%dma_start3A_280, %dma_start3A_286] : memref<157x128xi32, #tpu.memory_space<vmem>> -> memref<1x128xi32, #tpu.memory_space<vmem>>
    %dma_start3A_288 = tpu.memref_squeeze %dma_start3A_287 : memref<1x128xi32, #tpu.memory_space<vmem>> -> memref<128xi32, #tpu.memory_space<vmem>>
    %dma_start3A_289 = arith.constant 0 : i32
    %dma_start3A_290 = arith.constant 0 : i32
    %dma_start3A_291 = tpu.memref_slice %arg9[%dma_start3A_289, %dma_start3A_290] : memref<10240x16xf32, #tpu.memory_space<hbm>> -> memref<10240x16xf32, #tpu.memory_space<hbm>>
    tpu.enqueue_indirect_dma source(%dma_start3A_291 : memref<10240x16xf32, #tpu.memory_space<hbm>>) target(%dma_start3A_285 : memref<128x16xf32, #tpu.memory_space<vmem>>) offsets(%dma_start3A_288 : memref<128xi32, #tpu.memory_space<vmem>>) semaphore(%arg20 : memref<!tpu.dma_semaphore, #tpu.memory_space<semaphore_mem>>)
    %scan3A_292 = arith.constant 0 : i32
    %scan3A_293 = arith.constant 157 : i32
    %scan3A_294 = arith.addi %scan3A_292, %scan3A_293 : i32
    %scan3A_295 = arith.constant 1 : i32
    scf.for %scan3A_2002 = %scan3A_292 to %scan3A_294 step %scan3A_295  : i32 {
      %rem3A = arith.constant 14 : i32
      %rem3A_2003 = arith.remsi %scan3A_2002, %rem3A : i32
      %dma_wait3A_2004 = arith.constant 0 : i32
      %dma_wait3A_2005 = arith.constant 0 : i32
      %dma_wait3A_2006 = tpu.memref_slice %arg14[%rem3A_2003, %dma_wait3A_2004, %dma_wait3A_2005] : memref<14x128x16xf32, #tpu.memory_space<vmem>> -> memref<1x128x16xf32, #tpu.memory_space<vmem>>
      %dma_wait3A_2007 = tpu.memref_squeeze %dma_wait3A_2006 : memref<1x128x16xf32, #tpu.memory_space<vmem>> -> memref<128x16xf32, #tpu.memory_space<vmem>>
      %dma_wait3A_2008 = arith.constant 0 : i32
      %dma_wait3A_2009 = tpu.memref_slice %arg12[%scan3A_2002, %dma_wait3A_2008] : memref<157x128xi32, #tpu.memory_space<vmem>> -> memref<1x128xi32, #tpu.memory_space<vmem>>
      %dma_wait3A_2010 = tpu.memref_squeeze %dma_wait3A_2009 : memref<1x128xi32, #tpu.memory_space<vmem>> -> memref<128xi32, #tpu.memory_space<vmem>>
      %dma_wait3A_2011 = arith.constant 0 : i32
      %dma_wait3A_2012 = arith.constant 0 : i32
      %dma_wait3A_2013 = tpu.memref_slice %arg9[%dma_wait3A_2011, %dma_wait3A_2012] : memref<10240x16xf32, #tpu.memory_space<hbm>> -> memref<10240x16xf32, #tpu.memory_space<hbm>>
      tpu.wait_indirect_dma semaphore(%arg20 : memref<!tpu.dma_semaphore, #tpu.memory_space<semaphore_mem>>) src(%dma_wait3A_2013 : memref<10240x16xf32, #tpu.memory_space<hbm>>) dst(%dma_wait3A_2007 : memref<128x16xf32, #tpu.memory_space<vmem>>)
      %dma_start3A_2014 = arith.constant 0 : i32
      %dma_start3A_2015 = arith.constant 0 : i32
      %dma_start3A_2016 = tpu.memref_slice %arg14[%rem3A_2003, %dma_start3A_2014, %dma_start3A_2015] : memref<14x128x16xf32, #tpu.memory_space<vmem>> -> memref<1x128x16xf32, #tpu.memory_space<vmem>>
      %dma_start3A_2017 = tpu.memref_squeeze %dma_start3A_2016 : memref<1x128x16xf32, #tpu.memory_space<vmem>> -> memref<128x16xf32, #tpu.memory_space<vmem>>
      %dma_start3A_2018 = arith.constant 0 : i32
      %dma_start3A_2019 = tpu.memref_slice %arg13[%scan3A_2002, %dma_start3A_2018] : memref<157x128xi32, #tpu.memory_space<vmem>> -> memref<1x128xi32, #tpu.memory_space<vmem>>
      %dma_start3A_2020 = tpu.memref_squeeze %dma_start3A_2019 : memref<1x128xi32, #tpu.memory_space<vmem>> -> memref<128xi32, #tpu.memory_space<vmem>>
      %dma_start3A_2021 = arith.constant 0 : i32
      %dma_start3A_2022 = arith.constant 0 : i32
      %dma_start3A_2023 = tpu.memref_slice %arg11[%dma_start3A_2021, %dma_start3A_2022] : memref<10240x16xf32, #tpu.memory_space<vmem_shared>> -> memref<10240x16xf32, #tpu.memory_space<vmem_shared>>
      tpu.enqueue_indirect_dma source(%dma_start3A_2017 : memref<128x16xf32, #tpu.memory_space<vmem>>) target(%dma_start3A_2023 : memref<10240x16xf32, #tpu.memory_space<vmem_shared>>) offsets(%dma_start3A_2020 : memref<128xi32, #tpu.memory_space<vmem>>) semaphore(%arg21 : memref<!tpu.dma_semaphore, #tpu.memory_space<semaphore_mem>>) {add = true}
      %ge3A = arith.constant 7 : i32
      %ge3A_2024 = arith.cmpi sge, %scan3A_2002, %ge3A : i32
      %convert_element_type3A = arith.extui %ge3A_2024 : i1 to i32
      %cond3A = arith.constant 0 : i32
      %cond3A_2025 = arith.cmpi ne, %convert_element_type3A, %cond3A : i32
      scf.if %cond3A_2025 {
        %sub3A = arith.constant 7 : i32
        %sub3A_2032 = arith.subi %scan3A_2002, %sub3A : i32
        %rem3A_2033 = arith.constant 14 : i32
        %rem3A_2034 = arith.remsi %sub3A_2032, %rem3A_2033 : i32
        %dma_wait3A_2035 = arith.constant 0 : i32
        %dma_wait3A_2036 = arith.constant 0 : i32
        %dma_wait3A_2037 = tpu.memref_slice %arg14[%rem3A_2034, %dma_wait3A_2035, %dma_wait3A_2036] : memref<14x128x16xf32, #tpu.memory_space<vmem>> -> memref<1x128x16xf32, #tpu.memory_space<vmem>>
        %dma_wait3A_2038 = tpu.memref_squeeze %dma_wait3A_2037 : memref<1x128x16xf32, #tpu.memory_space<vmem>> -> memref<128x16xf32, #tpu.memory_space<vmem>>
        %dma_wait3A_2039 = arith.constant 0 : i32
        %dma_wait3A_2040 = tpu.memref_slice %arg13[%sub3A_2032, %dma_wait3A_2039] : memref<157x128xi32, #tpu.memory_space<vmem>> -> memref<1x128xi32, #tpu.memory_space<vmem>>
        %dma_wait3A_2041 = tpu.memref_squeeze %dma_wait3A_2040 : memref<1x128xi32, #tpu.memory_space<vmem>> -> memref<128xi32, #tpu.memory_space<vmem>>
        %dma_wait3A_2042 = arith.constant 0 : i32
        %dma_wait3A_2043 = arith.constant 0 : i32
        %dma_wait3A_2044 = tpu.memref_slice %arg11[%dma_wait3A_2042, %dma_wait3A_2043] : memref<10240x16xf32, #tpu.memory_space<vmem_shared>> -> memref<10240x16xf32, #tpu.memory_space<vmem_shared>>
        tpu.wait_indirect_dma semaphore(%arg21 : memref<!tpu.dma_semaphore, #tpu.memory_space<semaphore_mem>>) src(%dma_wait3A_2038 : memref<128x16xf32, #tpu.memory_space<vmem>>) dst(%dma_wait3A_2044 : memref<10240x16xf32, #tpu.memory_space<vmem_shared>>)
      } else {
      }
      %add3A_2026 = arith.constant 7 : i32
      %add3A_2027 = arith.addi %scan3A_2002, %add3A_2026 : i32
      %lt3A = arith.constant 157 : i32
      %lt3A_2028 = arith.cmpi slt, %add3A_2027, %lt3A : i32
      %convert_element_type3A_2029 = arith.extui %lt3A_2028 : i1 to i32
      %cond3A_2030 = arith.constant 0 : i32
      %cond3A_2031 = arith.cmpi ne, %convert_element_type3A_2029, %cond3A_2030 : i32
      scf.if %cond3A_2031 {
        %add3A_2032 = arith.constant 7 : i32
        %add3A_2033 = arith.addi %scan3A_2002, %add3A_2032 : i32
        %rem3A_2034 = arith.constant 14 : i32
        %rem3A_2035 = arith.remsi %add3A_2033, %rem3A_2034 : i32
        %dma_start3A_2036 = arith.constant 0 : i32
        %dma_start3A_2037 = arith.constant 0 : i32
        %dma_start3A_2038 = tpu.memref_slice %arg14[%rem3A_2035, %dma_start3A_2036, %dma_start3A_2037] : memref<14x128x16xf32, #tpu.memory_space<vmem>> -> memref<1x128x16xf32, #tpu.memory_space<vmem>>
        %dma_start3A_2039 = tpu.memref_squeeze %dma_start3A_2038 : memref<1x128x16xf32, #tpu.memory_space<vmem>> -> memref<128x16xf32, #tpu.memory_space<vmem>>
        %dma_start3A_2040 = arith.constant 0 : i32
        %dma_start3A_2041 = tpu.memref_slice %arg12[%add3A_2033, %dma_start3A_2040] : memref<157x128xi32, #tpu.memory_space<vmem>> -> memref<1x128xi32, #tpu.memory_space<vmem>>
        %dma_start3A_2042 = tpu.memref_squeeze %dma_start3A_2041 : memref<1x128xi32, #tpu.memory_space<vmem>> -> memref<128xi32, #tpu.memory_space<vmem>>
        %dma_start3A_2043 = arith.constant 0 : i32
        %dma_start3A_2044 = arith.constant 0 : i32
        %dma_start3A_2045 = tpu.memref_slice %arg9[%dma_start3A_2043, %dma_start3A_2044] : memref<10240x16xf32, #tpu.memory_space<hbm>> -> memref<10240x16xf32, #tpu.memory_space<hbm>>
        tpu.enqueue_indirect_dma source(%dma_start3A_2045 : memref<10240x16xf32, #tpu.memory_space<hbm>>) target(%dma_start3A_2039 : memref<128x16xf32, #tpu.memory_space<vmem>>) offsets(%dma_start3A_2042 : memref<128xi32, #tpu.memory_space<vmem>>) semaphore(%arg20 : memref<!tpu.dma_semaphore, #tpu.memory_space<semaphore_mem>>)
      } else {
      }
    }
    %scan3A_296 = arith.constant 157 : i32
    %dma_wait3A_297 = arith.constant 10 : i32
    %dma_wait3A_298 = arith.constant 150 : i32
    %dma_wait3A_299 = arith.constant 0 : i32
    %dma_wait3A_300 = arith.constant 0 : i32
    %dma_wait3A_301 = tpu.memref_slice %arg14[%dma_wait3A_297, %dma_wait3A_299, %dma_wait3A_300] : memref<14x128x16xf32, #tpu.memory_space<vmem>> -> memref<1x128x16xf32, #tpu.memory_space<vmem>>
    %dma_wait3A_302 = tpu.memref_squeeze %dma_wait3A_301 : memref<1x128x16xf32, #tpu.memory_space<vmem>> -> memref<128x16xf32, #tpu.memory_space<vmem>>
    %dma_wait3A_303 = arith.constant 0 : i32
    %dma_wait3A_304 = tpu.memref_slice %arg13[%dma_wait3A_298, %dma_wait3A_303] : memref<157x128xi32, #tpu.memory_space<vmem>> -> memref<1x128xi32, #tpu.memory_space<vmem>>
    %dma_wait3A_305 = tpu.memref_squeeze %dma_wait3A_304 : memref<1x128xi32, #tpu.memory_space<vmem>> -> memref<128xi32, #tpu.memory_space<vmem>>
    %dma_wait3A_306 = arith.constant 0 : i32
    %dma_wait3A_307 = arith.constant 0 : i32
    %dma_wait3A_308 = tpu.memref_slice %arg11[%dma_wait3A_306, %dma_wait3A_307] : memref<10240x16xf32, #tpu.memory_space<vmem_shared>> -> memref<10240x16xf32, #tpu.memory_space<vmem_shared>>
    tpu.wait_indirect_dma semaphore(%arg21 : memref<!tpu.dma_semaphore, #tpu.memory_space<semaphore_mem>>) src(%dma_wait3A_302 : memref<128x16xf32, #tpu.memory_space<vmem>>) dst(%dma_wait3A_308 : memref<10240x16xf32, #tpu.memory_space<vmem_shared>>)
    %dma_wait3A_309 = arith.constant 11 : i32
    %dma_wait3A_310 = arith.constant 151 : i32
    %dma_wait3A_311 = arith.constant 0 : i32
    %dma_wait3A_312 = arith.constant 0 : i32
    %dma_wait3A_313 = tpu.memref_slice %arg14[%dma_wait3A_309, %dma_wait3A_311, %dma_wait3A_312] : memref<14x128x16xf32, #tpu.memory_space<vmem>> -> memref<1x128x16xf32, #tpu.memory_space<vmem>>
    %dma_wait3A_314 = tpu.memref_squeeze %dma_wait3A_313 : memref<1x128x16xf32, #tpu.memory_space<vmem>> -> memref<128x16xf32, #tpu.memory_space<vmem>>
    %dma_wait3A_315 = arith.constant 0 : i32
    %dma_wait3A_316 = tpu.memref_slice %arg13[%dma_wait3A_310, %dma_wait3A_315] : memref<157x128xi32, #tpu.memory_space<vmem>> -> memref<1x128xi32, #tpu.memory_space<vmem>>
    %dma_wait3A_317 = tpu.memref_squeeze %dma_wait3A_316 : memref<1x128xi32, #tpu.memory_space<vmem>> -> memref<128xi32, #tpu.memory_space<vmem>>
    %dma_wait3A_318 = arith.constant 0 : i32
    %dma_wait3A_319 = arith.constant 0 : i32
    %dma_wait3A_320 = tpu.memref_slice %arg11[%dma_wait3A_318, %dma_wait3A_319] : memref<10240x16xf32, #tpu.memory_space<vmem_shared>> -> memref<10240x16xf32, #tpu.memory_space<vmem_shared>>
    tpu.wait_indirect_dma semaphore(%arg21 : memref<!tpu.dma_semaphore, #tpu.memory_space<semaphore_mem>>) src(%dma_wait3A_314 : memref<128x16xf32, #tpu.memory_space<vmem>>) dst(%dma_wait3A_320 : memref<10240x16xf32, #tpu.memory_space<vmem_shared>>)
    %dma_wait3A_321 = arith.constant 12 : i32
    %dma_wait3A_322 = arith.constant 152 : i32
    %dma_wait3A_323 = arith.constant 0 : i32
    %dma_wait3A_324 = arith.constant 0 : i32
    %dma_wait3A_325 = tpu.memref_slice %arg14[%dma_wait3A_321, %dma_wait3A_323, %dma_wait3A_324] : memref<14x128x16xf32, #tpu.memory_space<vmem>> -> memref<1x128x16xf32, #tpu.memory_space<vmem>>
    %dma_wait3A_326 = tpu.memref_squeeze %dma_wait3A_325 : memref<1x128x16xf32, #tpu.memory_space<vmem>> -> memref<128x16xf32, #tpu.memory_space<vmem>>
    %dma_wait3A_327 = arith.constant 0 : i32
    %dma_wait3A_328 = tpu.memref_slice %arg13[%dma_wait3A_322, %dma_wait3A_327] : memref<157x128xi32, #tpu.memory_space<vmem>> -> memref<1x128xi32, #tpu.memory_space<vmem>>
    %dma_wait3A_329 = tpu.memref_squeeze %dma_wait3A_328 : memref<1x128xi32, #tpu.memory_space<vmem>> -> memref<128xi32, #tpu.memory_space<vmem>>
    %dma_wait3A_330 = arith.constant 0 : i32
    %dma_wait3A_331 = arith.constant 0 : i32
    %dma_wait3A_332 = tpu.memref_slice %arg11[%dma_wait3A_330, %dma_wait3A_331] : memref<10240x16xf32, #tpu.memory_space<vmem_shared>> -> memref<10240x16xf32, #tpu.memory_space<vmem_shared>>
    tpu.wait_indirect_dma semaphore(%arg21 : memref<!tpu.dma_semaphore, #tpu.memory_space<semaphore_mem>>) src(%dma_wait3A_326 : memref<128x16xf32, #tpu.memory_space<vmem>>) dst(%dma_wait3A_332 : memref<10240x16xf32, #tpu.memory_space<vmem_shared>>)
    %dma_wait3A_333 = arith.constant 13 : i32
    %dma_wait3A_334 = arith.constant 153 : i32
    %dma_wait3A_335 = arith.constant 0 : i32
    %dma_wait3A_336 = arith.constant 0 : i32
    %dma_wait3A_337 = tpu.memref_slice %arg14[%dma_wait3A_333, %dma_wait3A_335, %dma_wait3A_336] : memref<14x128x16xf32, #tpu.memory_space<vmem>> -> memref<1x128x16xf32, #tpu.memory_space<vmem>>
    %dma_wait3A_338 = tpu.memref_squeeze %dma_wait3A_337 : memref<1x128x16xf32, #tpu.memory_space<vmem>> -> memref<128x16xf32, #tpu.memory_space<vmem>>
    %dma_wait3A_339 = arith.constant 0 : i32
    %dma_wait3A_340 = tpu.memref_slice %arg13[%dma_wait3A_334, %dma_wait3A_339] : memref<157x128xi32, #tpu.memory_space<vmem>> -> memref<1x128xi32, #tpu.memory_space<vmem>>
    %dma_wait3A_341 = tpu.memref_squeeze %dma_wait3A_340 : memref<1x128xi32, #tpu.memory_space<vmem>> -> memref<128xi32, #tpu.memory_space<vmem>>
    %dma_wait3A_342 = arith.constant 0 : i32
    %dma_wait3A_343 = arith.constant 0 : i32
    %dma_wait3A_344 = tpu.memref_slice %arg11[%dma_wait3A_342, %dma_wait3A_343] : memref<10240x16xf32, #tpu.memory_space<vmem_shared>> -> memref<10240x16xf32, #tpu.memory_space<vmem_shared>>
    tpu.wait_indirect_dma semaphore(%arg21 : memref<!tpu.dma_semaphore, #tpu.memory_space<semaphore_mem>>) src(%dma_wait3A_338 : memref<128x16xf32, #tpu.memory_space<vmem>>) dst(%dma_wait3A_344 : memref<10240x16xf32, #tpu.memory_space<vmem_shared>>)
    %dma_wait3A_345 = arith.constant 0 : i32
    %dma_wait3A_346 = arith.constant 154 : i32
    %dma_wait3A_347 = arith.constant 0 : i32
    %dma_wait3A_348 = arith.constant 0 : i32
    %dma_wait3A_349 = tpu.memref_slice %arg14[%dma_wait3A_345, %dma_wait3A_347, %dma_wait3A_348] : memref<14x128x16xf32, #tpu.memory_space<vmem>> -> memref<1x128x16xf32, #tpu.memory_space<vmem>>
    %dma_wait3A_350 = tpu.memref_squeeze %dma_wait3A_349 : memref<1x128x16xf32, #tpu.memory_space<vmem>> -> memref<128x16xf32, #tpu.memory_space<vmem>>
    %dma_wait3A_351 = arith.constant 0 : i32
    %dma_wait3A_352 = tpu.memref_slice %arg13[%dma_wait3A_346, %dma_wait3A_351] : memref<157x128xi32, #tpu.memory_space<vmem>> -> memref<1x128xi32, #tpu.memory_space<vmem>>
    %dma_wait3A_353 = tpu.memref_squeeze %dma_wait3A_352 : memref<1x128xi32, #tpu.memory_space<vmem>> -> memref<128xi32, #tpu.memory_space<vmem>>
    %dma_wait3A_354 = arith.constant 0 : i32
    %dma_wait3A_355 = arith.constant 0 : i32
    %dma_wait3A_356 = tpu.memref_slice %arg11[%dma_wait3A_354, %dma_wait3A_355] : memref<10240x16xf32, #tpu.memory_space<vmem_shared>> -> memref<10240x16xf32, #tpu.memory_space<vmem_shared>>
    tpu.wait_indirect_dma semaphore(%arg21 : memref<!tpu.dma_semaphore, #tpu.memory_space<semaphore_mem>>) src(%dma_wait3A_350 : memref<128x16xf32, #tpu.memory_space<vmem>>) dst(%dma_wait3A_356 : memref<10240x16xf32, #tpu.memory_space<vmem_shared>>)
    %dma_wait3A_357 = arith.constant 1 : i32
    %dma_wait3A_358 = arith.constant 155 : i32
    %dma_wait3A_359 = arith.constant 0 : i32
    %dma_wait3A_360 = arith.constant 0 : i32
    %dma_wait3A_361 = tpu.memref_slice %arg14[%dma_wait3A_357, %dma_wait3A_359, %dma_wait3A_360] : memref<14x128x16xf32, #tpu.memory_space<vmem>> -> memref<1x128x16xf32, #tpu.memory_space<vmem>>
    %dma_wait3A_362 = tpu.memref_squeeze %dma_wait3A_361 : memref<1x128x16xf32, #tpu.memory_space<vmem>> -> memref<128x16xf32, #tpu.memory_space<vmem>>
    %dma_wait3A_363 = arith.constant 0 : i32
    %dma_wait3A_364 = tpu.memref_slice %arg13[%dma_wait3A_358, %dma_wait3A_363] : memref<157x128xi32, #tpu.memory_space<vmem>> -> memref<1x128xi32, #tpu.memory_space<vmem>>
    %dma_wait3A_365 = tpu.memref_squeeze %dma_wait3A_364 : memref<1x128xi32, #tpu.memory_space<vmem>> -> memref<128xi32, #tpu.memory_space<vmem>>
    %dma_wait3A_366 = arith.constant 0 : i32
    %dma_wait3A_367 = arith.constant 0 : i32
    %dma_wait3A_368 = tpu.memref_slice %arg11[%dma_wait3A_366, %dma_wait3A_367] : memref<10240x16xf32, #tpu.memory_space<vmem_shared>> -> memref<10240x16xf32, #tpu.memory_space<vmem_shared>>
    tpu.wait_indirect_dma semaphore(%arg21 : memref<!tpu.dma_semaphore, #tpu.memory_space<semaphore_mem>>) src(%dma_wait3A_362 : memref<128x16xf32, #tpu.memory_space<vmem>>) dst(%dma_wait3A_368 : memref<10240x16xf32, #tpu.memory_space<vmem_shared>>)
    %dma_wait3A_369 = arith.constant 2 : i32
    %dma_wait3A_370 = arith.constant 156 : i32
    %dma_wait3A_371 = arith.constant 0 : i32
    %dma_wait3A_372 = arith.constant 0 : i32
    %dma_wait3A_373 = tpu.memref_slice %arg14[%dma_wait3A_369, %dma_wait3A_371, %dma_wait3A_372] : memref<14x128x16xf32, #tpu.memory_space<vmem>> -> memref<1x128x16xf32, #tpu.memory_space<vmem>>
    %dma_wait3A_374 = tpu.memref_squeeze %dma_wait3A_373 : memref<1x128x16xf32, #tpu.memory_space<vmem>> -> memref<128x16xf32, #tpu.memory_space<vmem>>
    %dma_wait3A_375 = arith.constant 0 : i32
    %dma_wait3A_376 = tpu.memref_slice %arg13[%dma_wait3A_370, %dma_wait3A_375] : memref<157x128xi32, #tpu.memory_space<vmem>> -> memref<1x128xi32, #tpu.memory_space<vmem>>
    %dma_wait3A_377 = tpu.memref_squeeze %dma_wait3A_376 : memref<1x128xi32, #tpu.memory_space<vmem>> -> memref<128xi32, #tpu.memory_space<vmem>>
    %dma_wait3A_378 = arith.constant 0 : i32
    %dma_wait3A_379 = arith.constant 0 : i32
    %dma_wait3A_380 = tpu.memref_slice %arg11[%dma_wait3A_378, %dma_wait3A_379] : memref<10240x16xf32, #tpu.memory_space<vmem_shared>> -> memref<10240x16xf32, #tpu.memory_space<vmem_shared>>
    tpu.wait_indirect_dma semaphore(%arg21 : memref<!tpu.dma_semaphore, #tpu.memory_space<semaphore_mem>>) src(%dma_wait3A_374 : memref<128x16xf32, #tpu.memory_space<vmem>>) dst(%dma_wait3A_380 : memref<10240x16xf32, #tpu.memory_space<vmem_shared>>)
    %barrier3A_381 = arith.constant 0 : index
    tpu.barrier barrier_id(%barrier3A_381)
    "tpu.region"() ({
      %run_scoped3A = tpu.sem_alloc : memref<!tpu.dma_semaphore, #tpu.memory_space<semaphore_mem>>
      %dma_start3A_2002 = arith.constant 0 : i32
      %dma_start3A_2003 = tpu.memref_slice %arg11[%mul3A_0, %dma_start3A_2002] : memref<10240x16xf32, #tpu.memory_space<vmem_shared>> -> memref<640x16xf32, #tpu.memory_space<vmem_shared>>
      %dma_start3A_2004 = arith.constant 0 : i32
      %dma_start3A_2005 = tpu.memref_slice %arg11[%mul3A_0, %dma_start3A_2004] : memref<10240x16xf32, #tpu.memory_space<vmem_shared>> -> memref<640x16xf32, #tpu.memory_space<vmem_shared>>
      tpu.enqueue_dma source(%dma_start3A_2005 : memref<640x16xf32, #tpu.memory_space<vmem_shared>>) target(%arg15 : memref<640x16xf32, #tpu.memory_space<vmem>>) target_semaphore(%run_scoped3A : memref<!tpu.dma_semaphore, #tpu.memory_space<semaphore_mem>>)
      %dma_wait3A_2006 = arith.constant 0 : i32
      %dma_wait3A_2007 = tpu.memref_slice %arg11[%mul3A_0, %dma_wait3A_2006] : memref<10240x16xf32, #tpu.memory_space<vmem_shared>> -> memref<640x16xf32, #tpu.memory_space<vmem_shared>>
      %dma_wait3A_2008 = arith.constant 0 : i32
      %dma_wait3A_2009 = tpu.memref_slice %arg11[%mul3A_0, %dma_wait3A_2008] : memref<10240x16xf32, #tpu.memory_space<vmem_shared>> -> memref<640x16xf32, #tpu.memory_space<vmem_shared>>
      tpu.wait_dma2 semaphore(%run_scoped3A : memref<!tpu.dma_semaphore, #tpu.memory_space<semaphore_mem>>) src(%dma_wait3A_2009 : memref<640x16xf32, #tpu.memory_space<vmem_shared>>) dst(%arg15 : memref<640x16xf32, #tpu.memory_space<vmem>>)
      tpu.yield
    }) : () -> ()
    %dma_start3A_382 = arith.constant 0 : i32
    %dma_start3A_383 = tpu.memref_slice %arg11[%mul3A_0, %dma_start3A_382] : memref<10240x16xf32, #tpu.memory_space<vmem_shared>> -> memref<640x16xf32, #tpu.memory_space<vmem_shared>>
    %dma_start3A_384 = arith.constant 0 : i32
    %dma_start3A_385 = tpu.memref_slice %arg11[%mul3A_0, %dma_start3A_384] : memref<10240x16xf32, #tpu.memory_space<vmem_shared>> -> memref<640x16xf32, #tpu.memory_space<vmem_shared>>
    tpu.enqueue_dma source(%arg19 : memref<640x16xf32, #tpu.memory_space<vmem>>) target(%dma_start3A_385 : memref<640x16xf32, #tpu.memory_space<vmem_shared>>) target_semaphore(%arg23 : memref<!tpu.dma_semaphore, #tpu.memory_space<semaphore_mem>>)
    %add3A_386 = arith.constant 20480 : i32
    %add3A_387 = arith.addi %add3A_386, %mul3A_0 : i32
    %dma_wait3A_388 = arith.constant 0 : i32
    %dma_wait3A_389 = tpu.memref_slice %arg2[%add3A_387, %dma_wait3A_388] : memref<112640x16xf32, #tpu.memory_space<hbm>> -> memref<640x16xf32, #tpu.memory_space<hbm>>
    %dma_wait3A_390 = arith.constant 0 : i32
    %dma_wait3A_391 = tpu.memref_slice %arg2[%add3A_387, %dma_wait3A_390] : memref<112640x16xf32, #tpu.memory_space<hbm>> -> memref<640x16xf32, #tpu.memory_space<hbm>>
    tpu.wait_dma2 semaphore(%arg22 : memref<!tpu.dma_semaphore, #tpu.memory_space<semaphore_mem>>) src(%dma_wait3A_391 : memref<640x16xf32, #tpu.memory_space<hbm>>) dst(%arg16 : memref<640x16xf32, #tpu.memory_space<vmem>>)
    %scan3A_392 = arith.constant 0 : i32
    %scan3A_393 = arith.constant 640 : i32
    %scan3A_394 = arith.addi %scan3A_392, %scan3A_393 : i32
    %scan3A_395 = arith.constant 1 : i32
    scf.for %scan3A_2002 = %scan3A_392 to %scan3A_394 step %scan3A_395  : i32 {
      %get3A = arith.index_cast %scan3A_2002 : i32 to index
      %get3A_2003 = arith.constant 0 : index
      %get3A_2004 = tpu.vector_load %arg17[%get3A, %get3A_2003] {strides = array<i32>} : memref<640x16xf32, #tpu.memory_space<vmem>>, vector<1x16xf32>,
      %get3A_2005 = vector.shape_cast %get3A_2004 : vector<1x16xf32> to vector<16xf32>
      %get3A_2006 = arith.index_cast %scan3A_2002 : i32 to index
      %get3A_2007 = arith.constant 0 : index
      %get3A_2008 = tpu.vector_load %arg16[%get3A_2006, %get3A_2007] {strides = array<i32>} : memref<640x16xf32, #tpu.memory_space<vmem>>, vector<1x16xf32>,
      %get3A_2009 = vector.shape_cast %get3A_2008 : vector<1x16xf32> to vector<16xf32>
      %mul3A_2010 = arith.mulf %get3A_2005, %get3A_2009 : vector<16xf32>
      %get3A_2011 = arith.index_cast %scan3A_2002 : i32 to index
      %get3A_2012 = arith.constant 0 : index
      %get3A_2013 = tpu.vector_load %arg18[%get3A_2011, %get3A_2012] {strides = array<i32>} : memref<640x16xf32, #tpu.memory_space<vmem>>, vector<1x16xf32>,
      %get3A_2014 = vector.shape_cast %get3A_2013 : vector<1x16xf32> to vector<16xf32>
      %get3A_2015 = arith.index_cast %scan3A_2002 : i32 to index
      %get3A_2016 = arith.constant 0 : index
      %get3A_2017 = tpu.vector_load %arg15[%get3A_2015, %get3A_2016] {strides = array<i32>} : memref<640x16xf32, #tpu.memory_space<vmem>>, vector<1x16xf32>,
      %get3A_2018 = vector.shape_cast %get3A_2017 : vector<1x16xf32> to vector<16xf32>
      %mul3A_2019 = arith.mulf %get3A_2014, %get3A_2018 : vector<16xf32>
      %add3A_2020 = arith.addf %mul3A_2010, %mul3A_2019 : vector<16xf32>
      %swap3A = arith.index_cast %scan3A_2002 : i32 to index
      %swap3A_2021 = arith.constant 0 : index
      %swap3A_2022 = tpu.vector_load %arg16[%swap3A, %swap3A_2021] {strides = array<i32>} : memref<640x16xf32, #tpu.memory_space<vmem>>, vector<1x16xf32>,
      %swap3A_2023 = vector.shape_cast %swap3A_2022 : vector<1x16xf32> to vector<16xf32>
      %swap3A_2024 = vector.shape_cast %add3A_2020 : vector<16xf32> to vector<1x16xf32>
      tpu.vector_store %arg16[%swap3A, %swap3A_2021], %swap3A_2024 {strides = array<i32>} : memref<640x16xf32, #tpu.memory_space<vmem>>, vector<1x16xf32>,
    }
    %scan3A_396 = arith.constant 640 : i32
    "tpu.region"() ({
      %run_scoped3A = tpu.sem_alloc : memref<!tpu.dma_semaphore, #tpu.memory_space<semaphore_mem>>
      %dma_start3A_2002 = arith.constant 0 : i32
      %dma_start3A_2003 = tpu.memref_slice %arg10[%mul3A_0, %dma_start3A_2002] : memref<10240x16xf32, #tpu.memory_space<hbm>> -> memref<640x16xf32, #tpu.memory_space<hbm>>
      %dma_start3A_2004 = arith.constant 0 : i32
      %dma_start3A_2005 = tpu.memref_slice %arg10[%mul3A_0, %dma_start3A_2004] : memref<10240x16xf32, #tpu.memory_space<hbm>> -> memref<640x16xf32, #tpu.memory_space<hbm>>
      tpu.enqueue_dma source(%arg16 : memref<640x16xf32, #tpu.memory_space<vmem>>) target(%dma_start3A_2005 : memref<640x16xf32, #tpu.memory_space<hbm>>) target_semaphore(%run_scoped3A : memref<!tpu.dma_semaphore, #tpu.memory_space<semaphore_mem>>)
      %dma_wait3A_2006 = arith.constant 0 : i32
      %dma_wait3A_2007 = tpu.memref_slice %arg10[%mul3A_0, %dma_wait3A_2006] : memref<10240x16xf32, #tpu.memory_space<hbm>> -> memref<640x16xf32, #tpu.memory_space<hbm>>
      %dma_wait3A_2008 = arith.constant 0 : i32
      %dma_wait3A_2009 = tpu.memref_slice %arg10[%mul3A_0, %dma_wait3A_2008] : memref<10240x16xf32, #tpu.memory_space<hbm>> -> memref<640x16xf32, #tpu.memory_space<hbm>>
      tpu.wait_dma2 semaphore(%run_scoped3A : memref<!tpu.dma_semaphore, #tpu.memory_space<semaphore_mem>>) src(%arg16 : memref<640x16xf32, #tpu.memory_space<vmem>>) dst(%dma_wait3A_2009 : memref<640x16xf32, #tpu.memory_space<hbm>>)
      tpu.yield
    }) : () -> ()
    %dma_wait3A_397 = arith.constant 0 : i32
    %dma_wait3A_398 = tpu.memref_slice %arg11[%mul3A_0, %dma_wait3A_397] : memref<10240x16xf32, #tpu.memory_space<vmem_shared>> -> memref<640x16xf32, #tpu.memory_space<vmem_shared>>
    %dma_wait3A_399 = arith.constant 0 : i32
    %dma_wait3A_400 = tpu.memref_slice %arg11[%mul3A_0, %dma_wait3A_399] : memref<10240x16xf32, #tpu.memory_space<vmem_shared>> -> memref<640x16xf32, #tpu.memory_space<vmem_shared>>
    tpu.wait_dma2 semaphore(%arg23 : memref<!tpu.dma_semaphore, #tpu.memory_space<semaphore_mem>>) src(%arg19 : memref<640x16xf32, #tpu.memory_space<vmem>>) dst(%dma_wait3A_400 : memref<640x16xf32, #tpu.memory_space<vmem_shared>>)
    %barrier3A_401 = arith.constant 0 : index
    tpu.barrier barrier_id(%barrier3A_401)
    %add3A_402 = arith.constant 30720 : i32
    %add3A_403 = arith.addi %add3A_402, %mul3A_0 : i32
    %dma_start3A_404 = arith.constant 0 : i32
    %dma_start3A_405 = tpu.memref_slice %arg2[%add3A_403, %dma_start3A_404] : memref<112640x16xf32, #tpu.memory_space<hbm>> -> memref<640x16xf32, #tpu.memory_space<hbm>>
    %dma_start3A_406 = arith.constant 0 : i32
    %dma_start3A_407 = tpu.memref_slice %arg2[%add3A_403, %dma_start3A_406] : memref<112640x16xf32, #tpu.memory_space<hbm>> -> memref<640x16xf32, #tpu.memory_space<hbm>>
    tpu.enqueue_dma source(%dma_start3A_407 : memref<640x16xf32, #tpu.memory_space<hbm>>) target(%arg16 : memref<640x16xf32, #tpu.memory_space<vmem>>) target_semaphore(%arg22 : memref<!tpu.dma_semaphore, #tpu.memory_space<semaphore_mem>>)
    %dma_start3A_408 = arith.constant 0 : i32
    %dma_start3A_409 = arith.constant 0 : i32
    %dma_start3A_410 = arith.constant 0 : i32
    %dma_start3A_411 = arith.constant 0 : i32
    %dma_start3A_412 = tpu.memref_slice %arg14[%dma_start3A_409, %dma_start3A_410, %dma_start3A_411] : memref<14x128x16xf32, #tpu.memory_space<vmem>> -> memref<1x128x16xf32, #tpu.memory_space<vmem>>
    %dma_start3A_413 = tpu.memref_squeeze %dma_start3A_412 : memref<1x128x16xf32, #tpu.memory_space<vmem>> -> memref<128x16xf32, #tpu.memory_space<vmem>>
    %dma_start3A_414 = arith.constant 0 : i32
    %dma_start3A_415 = tpu.memref_slice %arg12[%dma_start3A_408, %dma_start3A_414] : memref<157x128xi32, #tpu.memory_space<vmem>> -> memref<1x128xi32, #tpu.memory_space<vmem>>
    %dma_start3A_416 = tpu.memref_squeeze %dma_start3A_415 : memref<1x128xi32, #tpu.memory_space<vmem>> -> memref<128xi32, #tpu.memory_space<vmem>>
    %dma_start3A_417 = arith.constant 0 : i32
    %dma_start3A_418 = arith.constant 0 : i32
    %dma_start3A_419 = tpu.memref_slice %arg10[%dma_start3A_417, %dma_start3A_418] : memref<10240x16xf32, #tpu.memory_space<hbm>> -> memref<10240x16xf32, #tpu.memory_space<hbm>>
    tpu.enqueue_indirect_dma source(%dma_start3A_419 : memref<10240x16xf32, #tpu.memory_space<hbm>>) target(%dma_start3A_413 : memref<128x16xf32, #tpu.memory_space<vmem>>) offsets(%dma_start3A_416 : memref<128xi32, #tpu.memory_space<vmem>>) semaphore(%arg20 : memref<!tpu.dma_semaphore, #tpu.memory_space<semaphore_mem>>)
    %dma_start3A_420 = arith.constant 1 : i32
    %dma_start3A_421 = arith.constant 1 : i32
    %dma_start3A_422 = arith.constant 0 : i32
    %dma_start3A_423 = arith.constant 0 : i32
    %dma_start3A_424 = tpu.memref_slice %arg14[%dma_start3A_421, %dma_start3A_422, %dma_start3A_423] : memref<14x128x16xf32, #tpu.memory_space<vmem>> -> memref<1x128x16xf32, #tpu.memory_space<vmem>>
    %dma_start3A_425 = tpu.memref_squeeze %dma_start3A_424 : memref<1x128x16xf32, #tpu.memory_space<vmem>> -> memref<128x16xf32, #tpu.memory_space<vmem>>
    %dma_start3A_426 = arith.constant 0 : i32
    %dma_start3A_427 = tpu.memref_slice %arg12[%dma_start3A_420, %dma_start3A_426] : memref<157x128xi32, #tpu.memory_space<vmem>> -> memref<1x128xi32, #tpu.memory_space<vmem>>
    %dma_start3A_428 = tpu.memref_squeeze %dma_start3A_427 : memref<1x128xi32, #tpu.memory_space<vmem>> -> memref<128xi32, #tpu.memory_space<vmem>>
    %dma_start3A_429 = arith.constant 0 : i32
    %dma_start3A_430 = arith.constant 0 : i32
    %dma_start3A_431 = tpu.memref_slice %arg10[%dma_start3A_429, %dma_start3A_430] : memref<10240x16xf32, #tpu.memory_space<hbm>> -> memref<10240x16xf32, #tpu.memory_space<hbm>>
    tpu.enqueue_indirect_dma source(%dma_start3A_431 : memref<10240x16xf32, #tpu.memory_space<hbm>>) target(%dma_start3A_425 : memref<128x16xf32, #tpu.memory_space<vmem>>) offsets(%dma_start3A_428 : memref<128xi32, #tpu.memory_space<vmem>>) semaphore(%arg20 : memref<!tpu.dma_semaphore, #tpu.memory_space<semaphore_mem>>)
    %dma_start3A_432 = arith.constant 2 : i32
    %dma_start3A_433 = arith.constant 2 : i32
    %dma_start3A_434 = arith.constant 0 : i32
    %dma_start3A_435 = arith.constant 0 : i32
    %dma_start3A_436 = tpu.memref_slice %arg14[%dma_start3A_433, %dma_start3A_434, %dma_start3A_435] : memref<14x128x16xf32, #tpu.memory_space<vmem>> -> memref<1x128x16xf32, #tpu.memory_space<vmem>>
    %dma_start3A_437 = tpu.memref_squeeze %dma_start3A_436 : memref<1x128x16xf32, #tpu.memory_space<vmem>> -> memref<128x16xf32, #tpu.memory_space<vmem>>
    %dma_start3A_438 = arith.constant 0 : i32
    %dma_start3A_439 = tpu.memref_slice %arg12[%dma_start3A_432, %dma_start3A_438] : memref<157x128xi32, #tpu.memory_space<vmem>> -> memref<1x128xi32, #tpu.memory_space<vmem>>
    %dma_start3A_440 = tpu.memref_squeeze %dma_start3A_439 : memref<1x128xi32, #tpu.memory_space<vmem>> -> memref<128xi32, #tpu.memory_space<vmem>>
    %dma_start3A_441 = arith.constant 0 : i32
    %dma_start3A_442 = arith.constant 0 : i32
    %dma_start3A_443 = tpu.memref_slice %arg10[%dma_start3A_441, %dma_start3A_442] : memref<10240x16xf32, #tpu.memory_space<hbm>> -> memref<10240x16xf32, #tpu.memory_space<hbm>>
    tpu.enqueue_indirect_dma source(%dma_start3A_443 : memref<10240x16xf32, #tpu.memory_space<hbm>>) target(%dma_start3A_437 : memref<128x16xf32, #tpu.memory_space<vmem>>) offsets(%dma_start3A_440 : memref<128xi32, #tpu.memory_space<vmem>>) semaphore(%arg20 : memref<!tpu.dma_semaphore, #tpu.memory_space<semaphore_mem>>)
    %dma_start3A_444 = arith.constant 3 : i32
    %dma_start3A_445 = arith.constant 3 : i32
    %dma_start3A_446 = arith.constant 0 : i32
    %dma_start3A_447 = arith.constant 0 : i32
    %dma_start3A_448 = tpu.memref_slice %arg14[%dma_start3A_445, %dma_start3A_446, %dma_start3A_447] : memref<14x128x16xf32, #tpu.memory_space<vmem>> -> memref<1x128x16xf32, #tpu.memory_space<vmem>>
    %dma_start3A_449 = tpu.memref_squeeze %dma_start3A_448 : memref<1x128x16xf32, #tpu.memory_space<vmem>> -> memref<128x16xf32, #tpu.memory_space<vmem>>
    %dma_start3A_450 = arith.constant 0 : i32
    %dma_start3A_451 = tpu.memref_slice %arg12[%dma_start3A_444, %dma_start3A_450] : memref<157x128xi32, #tpu.memory_space<vmem>> -> memref<1x128xi32, #tpu.memory_space<vmem>>
    %dma_start3A_452 = tpu.memref_squeeze %dma_start3A_451 : memref<1x128xi32, #tpu.memory_space<vmem>> -> memref<128xi32, #tpu.memory_space<vmem>>
    %dma_start3A_453 = arith.constant 0 : i32
    %dma_start3A_454 = arith.constant 0 : i32
    %dma_start3A_455 = tpu.memref_slice %arg10[%dma_start3A_453, %dma_start3A_454] : memref<10240x16xf32, #tpu.memory_space<hbm>> -> memref<10240x16xf32, #tpu.memory_space<hbm>>
    tpu.enqueue_indirect_dma source(%dma_start3A_455 : memref<10240x16xf32, #tpu.memory_space<hbm>>) target(%dma_start3A_449 : memref<128x16xf32, #tpu.memory_space<vmem>>) offsets(%dma_start3A_452 : memref<128xi32, #tpu.memory_space<vmem>>) semaphore(%arg20 : memref<!tpu.dma_semaphore, #tpu.memory_space<semaphore_mem>>)
    %dma_start3A_456 = arith.constant 4 : i32
    %dma_start3A_457 = arith.constant 4 : i32
    %dma_start3A_458 = arith.constant 0 : i32
    %dma_start3A_459 = arith.constant 0 : i32
    %dma_start3A_460 = tpu.memref_slice %arg14[%dma_start3A_457, %dma_start3A_458, %dma_start3A_459] : memref<14x128x16xf32, #tpu.memory_space<vmem>> -> memref<1x128x16xf32, #tpu.memory_space<vmem>>
    %dma_start3A_461 = tpu.memref_squeeze %dma_start3A_460 : memref<1x128x16xf32, #tpu.memory_space<vmem>> -> memref<128x16xf32, #tpu.memory_space<vmem>>
    %dma_start3A_462 = arith.constant 0 : i32
    %dma_start3A_463 = tpu.memref_slice %arg12[%dma_start3A_456, %dma_start3A_462] : memref<157x128xi32, #tpu.memory_space<vmem>> -> memref<1x128xi32, #tpu.memory_space<vmem>>
    %dma_start3A_464 = tpu.memref_squeeze %dma_start3A_463 : memref<1x128xi32, #tpu.memory_space<vmem>> -> memref<128xi32, #tpu.memory_space<vmem>>
    %dma_start3A_465 = arith.constant 0 : i32
    %dma_start3A_466 = arith.constant 0 : i32
    %dma_start3A_467 = tpu.memref_slice %arg10[%dma_start3A_465, %dma_start3A_466] : memref<10240x16xf32, #tpu.memory_space<hbm>> -> memref<10240x16xf32, #tpu.memory_space<hbm>>
    tpu.enqueue_indirect_dma source(%dma_start3A_467 : memref<10240x16xf32, #tpu.memory_space<hbm>>) target(%dma_start3A_461 : memref<128x16xf32, #tpu.memory_space<vmem>>) offsets(%dma_start3A_464 : memref<128xi32, #tpu.memory_space<vmem>>) semaphore(%arg20 : memref<!tpu.dma_semaphore, #tpu.memory_space<semaphore_mem>>)
    %dma_start3A_468 = arith.constant 5 : i32
    %dma_start3A_469 = arith.constant 5 : i32
    %dma_start3A_470 = arith.constant 0 : i32
    %dma_start3A_471 = arith.constant 0 : i32
    %dma_start3A_472 = tpu.memref_slice %arg14[%dma_start3A_469, %dma_start3A_470, %dma_start3A_471] : memref<14x128x16xf32, #tpu.memory_space<vmem>> -> memref<1x128x16xf32, #tpu.memory_space<vmem>>
    %dma_start3A_473 = tpu.memref_squeeze %dma_start3A_472 : memref<1x128x16xf32, #tpu.memory_space<vmem>> -> memref<128x16xf32, #tpu.memory_space<vmem>>
    %dma_start3A_474 = arith.constant 0 : i32
    %dma_start3A_475 = tpu.memref_slice %arg12[%dma_start3A_468, %dma_start3A_474] : memref<157x128xi32, #tpu.memory_space<vmem>> -> memref<1x128xi32, #tpu.memory_space<vmem>>
    %dma_start3A_476 = tpu.memref_squeeze %dma_start3A_475 : memref<1x128xi32, #tpu.memory_space<vmem>> -> memref<128xi32, #tpu.memory_space<vmem>>
    %dma_start3A_477 = arith.constant 0 : i32
    %dma_start3A_478 = arith.constant 0 : i32
    %dma_start3A_479 = tpu.memref_slice %arg10[%dma_start3A_477, %dma_start3A_478] : memref<10240x16xf32, #tpu.memory_space<hbm>> -> memref<10240x16xf32, #tpu.memory_space<hbm>>
    tpu.enqueue_indirect_dma source(%dma_start3A_479 : memref<10240x16xf32, #tpu.memory_space<hbm>>) target(%dma_start3A_473 : memref<128x16xf32, #tpu.memory_space<vmem>>) offsets(%dma_start3A_476 : memref<128xi32, #tpu.memory_space<vmem>>) semaphore(%arg20 : memref<!tpu.dma_semaphore, #tpu.memory_space<semaphore_mem>>)
    %dma_start3A_480 = arith.constant 6 : i32
    %dma_start3A_481 = arith.constant 6 : i32
    %dma_start3A_482 = arith.constant 0 : i32
    %dma_start3A_483 = arith.constant 0 : i32
    %dma_start3A_484 = tpu.memref_slice %arg14[%dma_start3A_481, %dma_start3A_482, %dma_start3A_483] : memref<14x128x16xf32, #tpu.memory_space<vmem>> -> memref<1x128x16xf32, #tpu.memory_space<vmem>>
    %dma_start3A_485 = tpu.memref_squeeze %dma_start3A_484 : memref<1x128x16xf32, #tpu.memory_space<vmem>> -> memref<128x16xf32, #tpu.memory_space<vmem>>
    %dma_start3A_486 = arith.constant 0 : i32
    %dma_start3A_487 = tpu.memref_slice %arg12[%dma_start3A_480, %dma_start3A_486] : memref<157x128xi32, #tpu.memory_space<vmem>> -> memref<1x128xi32, #tpu.memory_space<vmem>>
    %dma_start3A_488 = tpu.memref_squeeze %dma_start3A_487 : memref<1x128xi32, #tpu.memory_space<vmem>> -> memref<128xi32, #tpu.memory_space<vmem>>
    %dma_start3A_489 = arith.constant 0 : i32
    %dma_start3A_490 = arith.constant 0 : i32
    %dma_start3A_491 = tpu.memref_slice %arg10[%dma_start3A_489, %dma_start3A_490] : memref<10240x16xf32, #tpu.memory_space<hbm>> -> memref<10240x16xf32, #tpu.memory_space<hbm>>
    tpu.enqueue_indirect_dma source(%dma_start3A_491 : memref<10240x16xf32, #tpu.memory_space<hbm>>) target(%dma_start3A_485 : memref<128x16xf32, #tpu.memory_space<vmem>>) offsets(%dma_start3A_488 : memref<128xi32, #tpu.memory_space<vmem>>) semaphore(%arg20 : memref<!tpu.dma_semaphore, #tpu.memory_space<semaphore_mem>>)
    %scan3A_492 = arith.constant 0 : i32
    %scan3A_493 = arith.constant 157 : i32
    %scan3A_494 = arith.addi %scan3A_492, %scan3A_493 : i32
    %scan3A_495 = arith.constant 1 : i32
    scf.for %scan3A_2002 = %scan3A_492 to %scan3A_494 step %scan3A_495  : i32 {
      %rem3A = arith.constant 14 : i32
      %rem3A_2003 = arith.remsi %scan3A_2002, %rem3A : i32
      %dma_wait3A_2004 = arith.constant 0 : i32
      %dma_wait3A_2005 = arith.constant 0 : i32
      %dma_wait3A_2006 = tpu.memref_slice %arg14[%rem3A_2003, %dma_wait3A_2004, %dma_wait3A_2005] : memref<14x128x16xf32, #tpu.memory_space<vmem>> -> memref<1x128x16xf32, #tpu.memory_space<vmem>>
      %dma_wait3A_2007 = tpu.memref_squeeze %dma_wait3A_2006 : memref<1x128x16xf32, #tpu.memory_space<vmem>> -> memref<128x16xf32, #tpu.memory_space<vmem>>
      %dma_wait3A_2008 = arith.constant 0 : i32
      %dma_wait3A_2009 = tpu.memref_slice %arg12[%scan3A_2002, %dma_wait3A_2008] : memref<157x128xi32, #tpu.memory_space<vmem>> -> memref<1x128xi32, #tpu.memory_space<vmem>>
      %dma_wait3A_2010 = tpu.memref_squeeze %dma_wait3A_2009 : memref<1x128xi32, #tpu.memory_space<vmem>> -> memref<128xi32, #tpu.memory_space<vmem>>
      %dma_wait3A_2011 = arith.constant 0 : i32
      %dma_wait3A_2012 = arith.constant 0 : i32
      %dma_wait3A_2013 = tpu.memref_slice %arg10[%dma_wait3A_2011, %dma_wait3A_2012] : memref<10240x16xf32, #tpu.memory_space<hbm>> -> memref<10240x16xf32, #tpu.memory_space<hbm>>
      tpu.wait_indirect_dma semaphore(%arg20 : memref<!tpu.dma_semaphore, #tpu.memory_space<semaphore_mem>>) src(%dma_wait3A_2013 : memref<10240x16xf32, #tpu.memory_space<hbm>>) dst(%dma_wait3A_2007 : memref<128x16xf32, #tpu.memory_space<vmem>>)
      %dma_start3A_2014 = arith.constant 0 : i32
      %dma_start3A_2015 = arith.constant 0 : i32
      %dma_start3A_2016 = tpu.memref_slice %arg14[%rem3A_2003, %dma_start3A_2014, %dma_start3A_2015] : memref<14x128x16xf32, #tpu.memory_space<vmem>> -> memref<1x128x16xf32, #tpu.memory_space<vmem>>
      %dma_start3A_2017 = tpu.memref_squeeze %dma_start3A_2016 : memref<1x128x16xf32, #tpu.memory_space<vmem>> -> memref<128x16xf32, #tpu.memory_space<vmem>>
      %dma_start3A_2018 = arith.constant 0 : i32
      %dma_start3A_2019 = tpu.memref_slice %arg13[%scan3A_2002, %dma_start3A_2018] : memref<157x128xi32, #tpu.memory_space<vmem>> -> memref<1x128xi32, #tpu.memory_space<vmem>>
      %dma_start3A_2020 = tpu.memref_squeeze %dma_start3A_2019 : memref<1x128xi32, #tpu.memory_space<vmem>> -> memref<128xi32, #tpu.memory_space<vmem>>
      %dma_start3A_2021 = arith.constant 0 : i32
      %dma_start3A_2022 = arith.constant 0 : i32
      %dma_start3A_2023 = tpu.memref_slice %arg11[%dma_start3A_2021, %dma_start3A_2022] : memref<10240x16xf32, #tpu.memory_space<vmem_shared>> -> memref<10240x16xf32, #tpu.memory_space<vmem_shared>>
      tpu.enqueue_indirect_dma source(%dma_start3A_2017 : memref<128x16xf32, #tpu.memory_space<vmem>>) target(%dma_start3A_2023 : memref<10240x16xf32, #tpu.memory_space<vmem_shared>>) offsets(%dma_start3A_2020 : memref<128xi32, #tpu.memory_space<vmem>>) semaphore(%arg21 : memref<!tpu.dma_semaphore, #tpu.memory_space<semaphore_mem>>) {add = true}
      %ge3A = arith.constant 7 : i32
      %ge3A_2024 = arith.cmpi sge, %scan3A_2002, %ge3A : i32
      %convert_element_type3A = arith.extui %ge3A_2024 : i1 to i32
      %cond3A = arith.constant 0 : i32
      %cond3A_2025 = arith.cmpi ne, %convert_element_type3A, %cond3A : i32
      scf.if %cond3A_2025 {
        %sub3A = arith.constant 7 : i32
        %sub3A_2032 = arith.subi %scan3A_2002, %sub3A : i32
        %rem3A_2033 = arith.constant 14 : i32
        %rem3A_2034 = arith.remsi %sub3A_2032, %rem3A_2033 : i32
        %dma_wait3A_2035 = arith.constant 0 : i32
        %dma_wait3A_2036 = arith.constant 0 : i32
        %dma_wait3A_2037 = tpu.memref_slice %arg14[%rem3A_2034, %dma_wait3A_2035, %dma_wait3A_2036] : memref<14x128x16xf32, #tpu.memory_space<vmem>> -> memref<1x128x16xf32, #tpu.memory_space<vmem>>
        %dma_wait3A_2038 = tpu.memref_squeeze %dma_wait3A_2037 : memref<1x128x16xf32, #tpu.memory_space<vmem>> -> memref<128x16xf32, #tpu.memory_space<vmem>>
        %dma_wait3A_2039 = arith.constant 0 : i32
        %dma_wait3A_2040 = tpu.memref_slice %arg13[%sub3A_2032, %dma_wait3A_2039] : memref<157x128xi32, #tpu.memory_space<vmem>> -> memref<1x128xi32, #tpu.memory_space<vmem>>
        %dma_wait3A_2041 = tpu.memref_squeeze %dma_wait3A_2040 : memref<1x128xi32, #tpu.memory_space<vmem>> -> memref<128xi32, #tpu.memory_space<vmem>>
        %dma_wait3A_2042 = arith.constant 0 : i32
        %dma_wait3A_2043 = arith.constant 0 : i32
        %dma_wait3A_2044 = tpu.memref_slice %arg11[%dma_wait3A_2042, %dma_wait3A_2043] : memref<10240x16xf32, #tpu.memory_space<vmem_shared>> -> memref<10240x16xf32, #tpu.memory_space<vmem_shared>>
        tpu.wait_indirect_dma semaphore(%arg21 : memref<!tpu.dma_semaphore, #tpu.memory_space<semaphore_mem>>) src(%dma_wait3A_2038 : memref<128x16xf32, #tpu.memory_space<vmem>>) dst(%dma_wait3A_2044 : memref<10240x16xf32, #tpu.memory_space<vmem_shared>>)
      } else {
      }
      %add3A_2026 = arith.constant 7 : i32
      %add3A_2027 = arith.addi %scan3A_2002, %add3A_2026 : i32
      %lt3A = arith.constant 157 : i32
      %lt3A_2028 = arith.cmpi slt, %add3A_2027, %lt3A : i32
      %convert_element_type3A_2029 = arith.extui %lt3A_2028 : i1 to i32
      %cond3A_2030 = arith.constant 0 : i32
      %cond3A_2031 = arith.cmpi ne, %convert_element_type3A_2029, %cond3A_2030 : i32
      scf.if %cond3A_2031 {
        %add3A_2032 = arith.constant 7 : i32
        %add3A_2033 = arith.addi %scan3A_2002, %add3A_2032 : i32
        %rem3A_2034 = arith.constant 14 : i32
        %rem3A_2035 = arith.remsi %add3A_2033, %rem3A_2034 : i32
        %dma_start3A_2036 = arith.constant 0 : i32
        %dma_start3A_2037 = arith.constant 0 : i32
        %dma_start3A_2038 = tpu.memref_slice %arg14[%rem3A_2035, %dma_start3A_2036, %dma_start3A_2037] : memref<14x128x16xf32, #tpu.memory_space<vmem>> -> memref<1x128x16xf32, #tpu.memory_space<vmem>>
        %dma_start3A_2039 = tpu.memref_squeeze %dma_start3A_2038 : memref<1x128x16xf32, #tpu.memory_space<vmem>> -> memref<128x16xf32, #tpu.memory_space<vmem>>
        %dma_start3A_2040 = arith.constant 0 : i32
        %dma_start3A_2041 = tpu.memref_slice %arg12[%add3A_2033, %dma_start3A_2040] : memref<157x128xi32, #tpu.memory_space<vmem>> -> memref<1x128xi32, #tpu.memory_space<vmem>>
        %dma_start3A_2042 = tpu.memref_squeeze %dma_start3A_2041 : memref<1x128xi32, #tpu.memory_space<vmem>> -> memref<128xi32, #tpu.memory_space<vmem>>
        %dma_start3A_2043 = arith.constant 0 : i32
        %dma_start3A_2044 = arith.constant 0 : i32
        %dma_start3A_2045 = tpu.memref_slice %arg10[%dma_start3A_2043, %dma_start3A_2044] : memref<10240x16xf32, #tpu.memory_space<hbm>> -> memref<10240x16xf32, #tpu.memory_space<hbm>>
        tpu.enqueue_indirect_dma source(%dma_start3A_2045 : memref<10240x16xf32, #tpu.memory_space<hbm>>) target(%dma_start3A_2039 : memref<128x16xf32, #tpu.memory_space<vmem>>) offsets(%dma_start3A_2042 : memref<128xi32, #tpu.memory_space<vmem>>) semaphore(%arg20 : memref<!tpu.dma_semaphore, #tpu.memory_space<semaphore_mem>>)
      } else {
      }
    }
    %scan3A_496 = arith.constant 157 : i32
    %dma_wait3A_497 = arith.constant 10 : i32
    %dma_wait3A_498 = arith.constant 150 : i32
    %dma_wait3A_499 = arith.constant 0 : i32
    %dma_wait3A_500 = arith.constant 0 : i32
    %dma_wait3A_501 = tpu.memref_slice %arg14[%dma_wait3A_497, %dma_wait3A_499, %dma_wait3A_500] : memref<14x128x16xf32, #tpu.memory_space<vmem>> -> memref<1x128x16xf32, #tpu.memory_space<vmem>>
    %dma_wait3A_502 = tpu.memref_squeeze %dma_wait3A_501 : memref<1x128x16xf32, #tpu.memory_space<vmem>> -> memref<128x16xf32, #tpu.memory_space<vmem>>
    %dma_wait3A_503 = arith.constant 0 : i32
    %dma_wait3A_504 = tpu.memref_slice %arg13[%dma_wait3A_498, %dma_wait3A_503] : memref<157x128xi32, #tpu.memory_space<vmem>> -> memref<1x128xi32, #tpu.memory_space<vmem>>
    %dma_wait3A_505 = tpu.memref_squeeze %dma_wait3A_504 : memref<1x128xi32, #tpu.memory_space<vmem>> -> memref<128xi32, #tpu.memory_space<vmem>>
    %dma_wait3A_506 = arith.constant 0 : i32
    %dma_wait3A_507 = arith.constant 0 : i32
    %dma_wait3A_508 = tpu.memref_slice %arg11[%dma_wait3A_506, %dma_wait3A_507] : memref<10240x16xf32, #tpu.memory_space<vmem_shared>> -> memref<10240x16xf32, #tpu.memory_space<vmem_shared>>
    tpu.wait_indirect_dma semaphore(%arg21 : memref<!tpu.dma_semaphore, #tpu.memory_space<semaphore_mem>>) src(%dma_wait3A_502 : memref<128x16xf32, #tpu.memory_space<vmem>>) dst(%dma_wait3A_508 : memref<10240x16xf32, #tpu.memory_space<vmem_shared>>)
    %dma_wait3A_509 = arith.constant 11 : i32
    %dma_wait3A_510 = arith.constant 151 : i32
    %dma_wait3A_511 = arith.constant 0 : i32
    %dma_wait3A_512 = arith.constant 0 : i32
    %dma_wait3A_513 = tpu.memref_slice %arg14[%dma_wait3A_509, %dma_wait3A_511, %dma_wait3A_512] : memref<14x128x16xf32, #tpu.memory_space<vmem>> -> memref<1x128x16xf32, #tpu.memory_space<vmem>>
    %dma_wait3A_514 = tpu.memref_squeeze %dma_wait3A_513 : memref<1x128x16xf32, #tpu.memory_space<vmem>> -> memref<128x16xf32, #tpu.memory_space<vmem>>
    %dma_wait3A_515 = arith.constant 0 : i32
    %dma_wait3A_516 = tpu.memref_slice %arg13[%dma_wait3A_510, %dma_wait3A_515] : memref<157x128xi32, #tpu.memory_space<vmem>> -> memref<1x128xi32, #tpu.memory_space<vmem>>
    %dma_wait3A_517 = tpu.memref_squeeze %dma_wait3A_516 : memref<1x128xi32, #tpu.memory_space<vmem>> -> memref<128xi32, #tpu.memory_space<vmem>>
    %dma_wait3A_518 = arith.constant 0 : i32
    %dma_wait3A_519 = arith.constant 0 : i32
    %dma_wait3A_520 = tpu.memref_slice %arg11[%dma_wait3A_518, %dma_wait3A_519] : memref<10240x16xf32, #tpu.memory_space<vmem_shared>> -> memref<10240x16xf32, #tpu.memory_space<vmem_shared>>
    tpu.wait_indirect_dma semaphore(%arg21 : memref<!tpu.dma_semaphore, #tpu.memory_space<semaphore_mem>>) src(%dma_wait3A_514 : memref<128x16xf32, #tpu.memory_space<vmem>>) dst(%dma_wait3A_520 : memref<10240x16xf32, #tpu.memory_space<vmem_shared>>)
    %dma_wait3A_521 = arith.constant 12 : i32
    %dma_wait3A_522 = arith.constant 152 : i32
    %dma_wait3A_523 = arith.constant 0 : i32
    %dma_wait3A_524 = arith.constant 0 : i32
    %dma_wait3A_525 = tpu.memref_slice %arg14[%dma_wait3A_521, %dma_wait3A_523, %dma_wait3A_524] : memref<14x128x16xf32, #tpu.memory_space<vmem>> -> memref<1x128x16xf32, #tpu.memory_space<vmem>>
    %dma_wait3A_526 = tpu.memref_squeeze %dma_wait3A_525 : memref<1x128x16xf32, #tpu.memory_space<vmem>> -> memref<128x16xf32, #tpu.memory_space<vmem>>
    %dma_wait3A_527 = arith.constant 0 : i32
    %dma_wait3A_528 = tpu.memref_slice %arg13[%dma_wait3A_522, %dma_wait3A_527] : memref<157x128xi32, #tpu.memory_space<vmem>> -> memref<1x128xi32, #tpu.memory_space<vmem>>
    %dma_wait3A_529 = tpu.memref_squeeze %dma_wait3A_528 : memref<1x128xi32, #tpu.memory_space<vmem>> -> memref<128xi32, #tpu.memory_space<vmem>>
    %dma_wait3A_530 = arith.constant 0 : i32
    %dma_wait3A_531 = arith.constant 0 : i32
    %dma_wait3A_532 = tpu.memref_slice %arg11[%dma_wait3A_530, %dma_wait3A_531] : memref<10240x16xf32, #tpu.memory_space<vmem_shared>> -> memref<10240x16xf32, #tpu.memory_space<vmem_shared>>
    tpu.wait_indirect_dma semaphore(%arg21 : memref<!tpu.dma_semaphore, #tpu.memory_space<semaphore_mem>>) src(%dma_wait3A_526 : memref<128x16xf32, #tpu.memory_space<vmem>>) dst(%dma_wait3A_532 : memref<10240x16xf32, #tpu.memory_space<vmem_shared>>)
    %dma_wait3A_533 = arith.constant 13 : i32
    %dma_wait3A_534 = arith.constant 153 : i32
    %dma_wait3A_535 = arith.constant 0 : i32
    %dma_wait3A_536 = arith.constant 0 : i32
    %dma_wait3A_537 = tpu.memref_slice %arg14[%dma_wait3A_533, %dma_wait3A_535, %dma_wait3A_536] : memref<14x128x16xf32, #tpu.memory_space<vmem>> -> memref<1x128x16xf32, #tpu.memory_space<vmem>>
    %dma_wait3A_538 = tpu.memref_squeeze %dma_wait3A_537 : memref<1x128x16xf32, #tpu.memory_space<vmem>> -> memref<128x16xf32, #tpu.memory_space<vmem>>
    %dma_wait3A_539 = arith.constant 0 : i32
    %dma_wait3A_540 = tpu.memref_slice %arg13[%dma_wait3A_534, %dma_wait3A_539] : memref<157x128xi32, #tpu.memory_space<vmem>> -> memref<1x128xi32, #tpu.memory_space<vmem>>
    %dma_wait3A_541 = tpu.memref_squeeze %dma_wait3A_540 : memref<1x128xi32, #tpu.memory_space<vmem>> -> memref<128xi32, #tpu.memory_space<vmem>>
    %dma_wait3A_542 = arith.constant 0 : i32
    %dma_wait3A_543 = arith.constant 0 : i32
    %dma_wait3A_544 = tpu.memref_slice %arg11[%dma_wait3A_542, %dma_wait3A_543] : memref<10240x16xf32, #tpu.memory_space<vmem_shared>> -> memref<10240x16xf32, #tpu.memory_space<vmem_shared>>
    tpu.wait_indirect_dma semaphore(%arg21 : memref<!tpu.dma_semaphore, #tpu.memory_space<semaphore_mem>>) src(%dma_wait3A_538 : memref<128x16xf32, #tpu.memory_space<vmem>>) dst(%dma_wait3A_544 : memref<10240x16xf32, #tpu.memory_space<vmem_shared>>)
    %dma_wait3A_545 = arith.constant 0 : i32
    %dma_wait3A_546 = arith.constant 154 : i32
    %dma_wait3A_547 = arith.constant 0 : i32
    %dma_wait3A_548 = arith.constant 0 : i32
    %dma_wait3A_549 = tpu.memref_slice %arg14[%dma_wait3A_545, %dma_wait3A_547, %dma_wait3A_548] : memref<14x128x16xf32, #tpu.memory_space<vmem>> -> memref<1x128x16xf32, #tpu.memory_space<vmem>>
    %dma_wait3A_550 = tpu.memref_squeeze %dma_wait3A_549 : memref<1x128x16xf32, #tpu.memory_space<vmem>> -> memref<128x16xf32, #tpu.memory_space<vmem>>
    %dma_wait3A_551 = arith.constant 0 : i32
    %dma_wait3A_552 = tpu.memref_slice %arg13[%dma_wait3A_546, %dma_wait3A_551] : memref<157x128xi32, #tpu.memory_space<vmem>> -> memref<1x128xi32, #tpu.memory_space<vmem>>
    %dma_wait3A_553 = tpu.memref_squeeze %dma_wait3A_552 : memref<1x128xi32, #tpu.memory_space<vmem>> -> memref<128xi32, #tpu.memory_space<vmem>>
    %dma_wait3A_554 = arith.constant 0 : i32
    %dma_wait3A_555 = arith.constant 0 : i32
    %dma_wait3A_556 = tpu.memref_slice %arg11[%dma_wait3A_554, %dma_wait3A_555] : memref<10240x16xf32, #tpu.memory_space<vmem_shared>> -> memref<10240x16xf32, #tpu.memory_space<vmem_shared>>
    tpu.wait_indirect_dma semaphore(%arg21 : memref<!tpu.dma_semaphore, #tpu.memory_space<semaphore_mem>>) src(%dma_wait3A_550 : memref<128x16xf32, #tpu.memory_space<vmem>>) dst(%dma_wait3A_556 : memref<10240x16xf32, #tpu.memory_space<vmem_shared>>)
    %dma_wait3A_557 = arith.constant 1 : i32
    %dma_wait3A_558 = arith.constant 155 : i32
    %dma_wait3A_559 = arith.constant 0 : i32
    %dma_wait3A_560 = arith.constant 0 : i32
    %dma_wait3A_561 = tpu.memref_slice %arg14[%dma_wait3A_557, %dma_wait3A_559, %dma_wait3A_560] : memref<14x128x16xf32, #tpu.memory_space<vmem>> -> memref<1x128x16xf32, #tpu.memory_space<vmem>>
    %dma_wait3A_562 = tpu.memref_squeeze %dma_wait3A_561 : memref<1x128x16xf32, #tpu.memory_space<vmem>> -> memref<128x16xf32, #tpu.memory_space<vmem>>
    %dma_wait3A_563 = arith.constant 0 : i32
    %dma_wait3A_564 = tpu.memref_slice %arg13[%dma_wait3A_558, %dma_wait3A_563] : memref<157x128xi32, #tpu.memory_space<vmem>> -> memref<1x128xi32, #tpu.memory_space<vmem>>
    %dma_wait3A_565 = tpu.memref_squeeze %dma_wait3A_564 : memref<1x128xi32, #tpu.memory_space<vmem>> -> memref<128xi32, #tpu.memory_space<vmem>>
    %dma_wait3A_566 = arith.constant 0 : i32
    %dma_wait3A_567 = arith.constant 0 : i32
    %dma_wait3A_568 = tpu.memref_slice %arg11[%dma_wait3A_566, %dma_wait3A_567] : memref<10240x16xf32, #tpu.memory_space<vmem_shared>> -> memref<10240x16xf32, #tpu.memory_space<vmem_shared>>
    tpu.wait_indirect_dma semaphore(%arg21 : memref<!tpu.dma_semaphore, #tpu.memory_space<semaphore_mem>>) src(%dma_wait3A_562 : memref<128x16xf32, #tpu.memory_space<vmem>>) dst(%dma_wait3A_568 : memref<10240x16xf32, #tpu.memory_space<vmem_shared>>)
    %dma_wait3A_569 = arith.constant 2 : i32
    %dma_wait3A_570 = arith.constant 156 : i32
    %dma_wait3A_571 = arith.constant 0 : i32
    %dma_wait3A_572 = arith.constant 0 : i32
    %dma_wait3A_573 = tpu.memref_slice %arg14[%dma_wait3A_569, %dma_wait3A_571, %dma_wait3A_572] : memref<14x128x16xf32, #tpu.memory_space<vmem>> -> memref<1x128x16xf32, #tpu.memory_space<vmem>>
    %dma_wait3A_574 = tpu.memref_squeeze %dma_wait3A_573 : memref<1x128x16xf32, #tpu.memory_space<vmem>> -> memref<128x16xf32, #tpu.memory_space<vmem>>
    %dma_wait3A_575 = arith.constant 0 : i32
    %dma_wait3A_576 = tpu.memref_slice %arg13[%dma_wait3A_570, %dma_wait3A_575] : memref<157x128xi32, #tpu.memory_space<vmem>> -> memref<1x128xi32, #tpu.memory_space<vmem>>
    %dma_wait3A_577 = tpu.memref_squeeze %dma_wait3A_576 : memref<1x128xi32, #tpu.memory_space<vmem>> -> memref<128xi32, #tpu.memory_space<vmem>>
    %dma_wait3A_578 = arith.constant 0 : i32
    %dma_wait3A_579 = arith.constant 0 : i32
    %dma_wait3A_580 = tpu.memref_slice %arg11[%dma_wait3A_578, %dma_wait3A_579] : memref<10240x16xf32, #tpu.memory_space<vmem_shared>> -> memref<10240x16xf32, #tpu.memory_space<vmem_shared>>
    tpu.wait_indirect_dma semaphore(%arg21 : memref<!tpu.dma_semaphore, #tpu.memory_space<semaphore_mem>>) src(%dma_wait3A_574 : memref<128x16xf32, #tpu.memory_space<vmem>>) dst(%dma_wait3A_580 : memref<10240x16xf32, #tpu.memory_space<vmem_shared>>)
    %barrier3A_581 = arith.constant 0 : index
    tpu.barrier barrier_id(%barrier3A_581)
    "tpu.region"() ({
      %run_scoped3A = tpu.sem_alloc : memref<!tpu.dma_semaphore, #tpu.memory_space<semaphore_mem>>
      %dma_start3A_2002 = arith.constant 0 : i32
      %dma_start3A_2003 = tpu.memref_slice %arg11[%mul3A_0, %dma_start3A_2002] : memref<10240x16xf32, #tpu.memory_space<vmem_shared>> -> memref<640x16xf32, #tpu.memory_space<vmem_shared>>
      %dma_start3A_2004 = arith.constant 0 : i32
      %dma_start3A_2005 = tpu.memref_slice %arg11[%mul3A_0, %dma_start3A_2004] : memref<10240x16xf32, #tpu.memory_space<vmem_shared>> -> memref<640x16xf32, #tpu.memory_space<vmem_shared>>
      tpu.enqueue_dma source(%dma_start3A_2005 : memref<640x16xf32, #tpu.memory_space<vmem_shared>>) target(%arg15 : memref<640x16xf32, #tpu.memory_space<vmem>>) target_semaphore(%run_scoped3A : memref<!tpu.dma_semaphore, #tpu.memory_space<semaphore_mem>>)
      %dma_wait3A_2006 = arith.constant 0 : i32
      %dma_wait3A_2007 = tpu.memref_slice %arg11[%mul3A_0, %dma_wait3A_2006] : memref<10240x16xf32, #tpu.memory_space<vmem_shared>> -> memref<640x16xf32, #tpu.memory_space<vmem_shared>>
      %dma_wait3A_2008 = arith.constant 0 : i32
      %dma_wait3A_2009 = tpu.memref_slice %arg11[%mul3A_0, %dma_wait3A_2008] : memref<10240x16xf32, #tpu.memory_space<vmem_shared>> -> memref<640x16xf32, #tpu.memory_space<vmem_shared>>
      tpu.wait_dma2 semaphore(%run_scoped3A : memref<!tpu.dma_semaphore, #tpu.memory_space<semaphore_mem>>) src(%dma_wait3A_2009 : memref<640x16xf32, #tpu.memory_space<vmem_shared>>) dst(%arg15 : memref<640x16xf32, #tpu.memory_space<vmem>>)
      tpu.yield
    }) : () -> ()
    %dma_start3A_582 = arith.constant 0 : i32
    %dma_start3A_583 = tpu.memref_slice %arg11[%mul3A_0, %dma_start3A_582] : memref<10240x16xf32, #tpu.memory_space<vmem_shared>> -> memref<640x16xf32, #tpu.memory_space<vmem_shared>>
    %dma_start3A_584 = arith.constant 0 : i32
    %dma_start3A_585 = tpu.memref_slice %arg11[%mul3A_0, %dma_start3A_584] : memref<10240x16xf32, #tpu.memory_space<vmem_shared>> -> memref<640x16xf32, #tpu.memory_space<vmem_shared>>
    tpu.enqueue_dma source(%arg19 : memref<640x16xf32, #tpu.memory_space<vmem>>) target(%dma_start3A_585 : memref<640x16xf32, #tpu.memory_space<vmem_shared>>) target_semaphore(%arg23 : memref<!tpu.dma_semaphore, #tpu.memory_space<semaphore_mem>>)
    %add3A_586 = arith.constant 30720 : i32
    %add3A_587 = arith.addi %add3A_586, %mul3A_0 : i32
    %dma_wait3A_588 = arith.constant 0 : i32
    %dma_wait3A_589 = tpu.memref_slice %arg2[%add3A_587, %dma_wait3A_588] : memref<112640x16xf32, #tpu.memory_space<hbm>> -> memref<640x16xf32, #tpu.memory_space<hbm>>
    %dma_wait3A_590 = arith.constant 0 : i32
    %dma_wait3A_591 = tpu.memref_slice %arg2[%add3A_587, %dma_wait3A_590] : memref<112640x16xf32, #tpu.memory_space<hbm>> -> memref<640x16xf32, #tpu.memory_space<hbm>>
    tpu.wait_dma2 semaphore(%arg22 : memref<!tpu.dma_semaphore, #tpu.memory_space<semaphore_mem>>) src(%dma_wait3A_591 : memref<640x16xf32, #tpu.memory_space<hbm>>) dst(%arg16 : memref<640x16xf32, #tpu.memory_space<vmem>>)
    %scan3A_592 = arith.constant 0 : i32
    %scan3A_593 = arith.constant 640 : i32
    %scan3A_594 = arith.addi %scan3A_592, %scan3A_593 : i32
    %scan3A_595 = arith.constant 1 : i32
    scf.for %scan3A_2002 = %scan3A_592 to %scan3A_594 step %scan3A_595  : i32 {
      %get3A = arith.index_cast %scan3A_2002 : i32 to index
      %get3A_2003 = arith.constant 0 : index
      %get3A_2004 = tpu.vector_load %arg17[%get3A, %get3A_2003] {strides = array<i32>} : memref<640x16xf32, #tpu.memory_space<vmem>>, vector<1x16xf32>,
      %get3A_2005 = vector.shape_cast %get3A_2004 : vector<1x16xf32> to vector<16xf32>
      %get3A_2006 = arith.index_cast %scan3A_2002 : i32 to index
      %get3A_2007 = arith.constant 0 : index
      %get3A_2008 = tpu.vector_load %arg16[%get3A_2006, %get3A_2007] {strides = array<i32>} : memref<640x16xf32, #tpu.memory_space<vmem>>, vector<1x16xf32>,
      %get3A_2009 = vector.shape_cast %get3A_2008 : vector<1x16xf32> to vector<16xf32>
      %mul3A_2010 = arith.mulf %get3A_2005, %get3A_2009 : vector<16xf32>
      %get3A_2011 = arith.index_cast %scan3A_2002 : i32 to index
      %get3A_2012 = arith.constant 0 : index
      %get3A_2013 = tpu.vector_load %arg18[%get3A_2011, %get3A_2012] {strides = array<i32>} : memref<640x16xf32, #tpu.memory_space<vmem>>, vector<1x16xf32>,
      %get3A_2014 = vector.shape_cast %get3A_2013 : vector<1x16xf32> to vector<16xf32>
      %get3A_2015 = arith.index_cast %scan3A_2002 : i32 to index
      %get3A_2016 = arith.constant 0 : index
      %get3A_2017 = tpu.vector_load %arg15[%get3A_2015, %get3A_2016] {strides = array<i32>} : memref<640x16xf32, #tpu.memory_space<vmem>>, vector<1x16xf32>,
      %get3A_2018 = vector.shape_cast %get3A_2017 : vector<1x16xf32> to vector<16xf32>
      %mul3A_2019 = arith.mulf %get3A_2014, %get3A_2018 : vector<16xf32>
      %add3A_2020 = arith.addf %mul3A_2010, %mul3A_2019 : vector<16xf32>
      %swap3A = arith.index_cast %scan3A_2002 : i32 to index
      %swap3A_2021 = arith.constant 0 : index
      %swap3A_2022 = tpu.vector_load %arg16[%swap3A, %swap3A_2021] {strides = array<i32>} : memref<640x16xf32, #tpu.memory_space<vmem>>, vector<1x16xf32>,
      %swap3A_2023 = vector.shape_cast %swap3A_2022 : vector<1x16xf32> to vector<16xf32>
      %swap3A_2024 = vector.shape_cast %add3A_2020 : vector<16xf32> to vector<1x16xf32>
      tpu.vector_store %arg16[%swap3A, %swap3A_2021], %swap3A_2024 {strides = array<i32>} : memref<640x16xf32, #tpu.memory_space<vmem>>, vector<1x16xf32>,
    }
    %scan3A_596 = arith.constant 640 : i32
    "tpu.region"() ({
      %run_scoped3A = tpu.sem_alloc : memref<!tpu.dma_semaphore, #tpu.memory_space<semaphore_mem>>
      %dma_start3A_2002 = arith.constant 0 : i32
      %dma_start3A_2003 = tpu.memref_slice %arg9[%mul3A_0, %dma_start3A_2002] : memref<10240x16xf32, #tpu.memory_space<hbm>> -> memref<640x16xf32, #tpu.memory_space<hbm>>
      %dma_start3A_2004 = arith.constant 0 : i32
      %dma_start3A_2005 = tpu.memref_slice %arg9[%mul3A_0, %dma_start3A_2004] : memref<10240x16xf32, #tpu.memory_space<hbm>> -> memref<640x16xf32, #tpu.memory_space<hbm>>
      tpu.enqueue_dma source(%arg16 : memref<640x16xf32, #tpu.memory_space<vmem>>) target(%dma_start3A_2005 : memref<640x16xf32, #tpu.memory_space<hbm>>) target_semaphore(%run_scoped3A : memref<!tpu.dma_semaphore, #tpu.memory_space<semaphore_mem>>)
      %dma_wait3A_2006 = arith.constant 0 : i32
      %dma_wait3A_2007 = tpu.memref_slice %arg9[%mul3A_0, %dma_wait3A_2006] : memref<10240x16xf32, #tpu.memory_space<hbm>> -> memref<640x16xf32, #tpu.memory_space<hbm>>
      %dma_wait3A_2008 = arith.constant 0 : i32
      %dma_wait3A_2009 = tpu.memref_slice %arg9[%mul3A_0, %dma_wait3A_2008] : memref<10240x16xf32, #tpu.memory_space<hbm>> -> memref<640x16xf32, #tpu.memory_space<hbm>>
      tpu.wait_dma2 semaphore(%run_scoped3A : memref<!tpu.dma_semaphore, #tpu.memory_space<semaphore_mem>>) src(%arg16 : memref<640x16xf32, #tpu.memory_space<vmem>>) dst(%dma_wait3A_2009 : memref<640x16xf32, #tpu.memory_space<hbm>>)
      tpu.yield
    }) : () -> ()
    %dma_wait3A_597 = arith.constant 0 : i32
    %dma_wait3A_598 = tpu.memref_slice %arg11[%mul3A_0, %dma_wait3A_597] : memref<10240x16xf32, #tpu.memory_space<vmem_shared>> -> memref<640x16xf32, #tpu.memory_space<vmem_shared>>
    %dma_wait3A_599 = arith.constant 0 : i32
    %dma_wait3A_600 = tpu.memref_slice %arg11[%mul3A_0, %dma_wait3A_599] : memref<10240x16xf32, #tpu.memory_space<vmem_shared>> -> memref<640x16xf32, #tpu.memory_space<vmem_shared>>
    tpu.wait_dma2 semaphore(%arg23 : memref<!tpu.dma_semaphore, #tpu.memory_space<semaphore_mem>>) src(%arg19 : memref<640x16xf32, #tpu.memory_space<vmem>>) dst(%dma_wait3A_600 : memref<640x16xf32, #tpu.memory_space<vmem_shared>>)
    %barrier3A_601 = arith.constant 0 : index
    tpu.barrier barrier_id(%barrier3A_601)
    %add3A_602 = arith.constant 40960 : i32
    %add3A_603 = arith.addi %add3A_602, %mul3A_0 : i32
    %dma_start3A_604 = arith.constant 0 : i32
    %dma_start3A_605 = tpu.memref_slice %arg2[%add3A_603, %dma_start3A_604] : memref<112640x16xf32, #tpu.memory_space<hbm>> -> memref<640x16xf32, #tpu.memory_space<hbm>>
    %dma_start3A_606 = arith.constant 0 : i32
    %dma_start3A_607 = tpu.memref_slice %arg2[%add3A_603, %dma_start3A_606] : memref<112640x16xf32, #tpu.memory_space<hbm>> -> memref<640x16xf32, #tpu.memory_space<hbm>>
    tpu.enqueue_dma source(%dma_start3A_607 : memref<640x16xf32, #tpu.memory_space<hbm>>) target(%arg16 : memref<640x16xf32, #tpu.memory_space<vmem>>) target_semaphore(%arg22 : memref<!tpu.dma_semaphore, #tpu.memory_space<semaphore_mem>>)
    %dma_start3A_608 = arith.constant 0 : i32
    %dma_start3A_609 = arith.constant 0 : i32
    %dma_start3A_610 = arith.constant 0 : i32
    %dma_start3A_611 = arith.constant 0 : i32
    %dma_start3A_612 = tpu.memref_slice %arg14[%dma_start3A_609, %dma_start3A_610, %dma_start3A_611] : memref<14x128x16xf32, #tpu.memory_space<vmem>> -> memref<1x128x16xf32, #tpu.memory_space<vmem>>
    %dma_start3A_613 = tpu.memref_squeeze %dma_start3A_612 : memref<1x128x16xf32, #tpu.memory_space<vmem>> -> memref<128x16xf32, #tpu.memory_space<vmem>>
    %dma_start3A_614 = arith.constant 0 : i32
    %dma_start3A_615 = tpu.memref_slice %arg12[%dma_start3A_608, %dma_start3A_614] : memref<157x128xi32, #tpu.memory_space<vmem>> -> memref<1x128xi32, #tpu.memory_space<vmem>>
    %dma_start3A_616 = tpu.memref_squeeze %dma_start3A_615 : memref<1x128xi32, #tpu.memory_space<vmem>> -> memref<128xi32, #tpu.memory_space<vmem>>
    %dma_start3A_617 = arith.constant 0 : i32
    %dma_start3A_618 = arith.constant 0 : i32
    %dma_start3A_619 = tpu.memref_slice %arg9[%dma_start3A_617, %dma_start3A_618] : memref<10240x16xf32, #tpu.memory_space<hbm>> -> memref<10240x16xf32, #tpu.memory_space<hbm>>
    tpu.enqueue_indirect_dma source(%dma_start3A_619 : memref<10240x16xf32, #tpu.memory_space<hbm>>) target(%dma_start3A_613 : memref<128x16xf32, #tpu.memory_space<vmem>>) offsets(%dma_start3A_616 : memref<128xi32, #tpu.memory_space<vmem>>) semaphore(%arg20 : memref<!tpu.dma_semaphore, #tpu.memory_space<semaphore_mem>>)
    %dma_start3A_620 = arith.constant 1 : i32
    %dma_start3A_621 = arith.constant 1 : i32
    %dma_start3A_622 = arith.constant 0 : i32
    %dma_start3A_623 = arith.constant 0 : i32
    %dma_start3A_624 = tpu.memref_slice %arg14[%dma_start3A_621, %dma_start3A_622, %dma_start3A_623] : memref<14x128x16xf32, #tpu.memory_space<vmem>> -> memref<1x128x16xf32, #tpu.memory_space<vmem>>
    %dma_start3A_625 = tpu.memref_squeeze %dma_start3A_624 : memref<1x128x16xf32, #tpu.memory_space<vmem>> -> memref<128x16xf32, #tpu.memory_space<vmem>>
    %dma_start3A_626 = arith.constant 0 : i32
    %dma_start3A_627 = tpu.memref_slice %arg12[%dma_start3A_620, %dma_start3A_626] : memref<157x128xi32, #tpu.memory_space<vmem>> -> memref<1x128xi32, #tpu.memory_space<vmem>>
    %dma_start3A_628 = tpu.memref_squeeze %dma_start3A_627 : memref<1x128xi32, #tpu.memory_space<vmem>> -> memref<128xi32, #tpu.memory_space<vmem>>
    %dma_start3A_629 = arith.constant 0 : i32
    %dma_start3A_630 = arith.constant 0 : i32
    %dma_start3A_631 = tpu.memref_slice %arg9[%dma_start3A_629, %dma_start3A_630] : memref<10240x16xf32, #tpu.memory_space<hbm>> -> memref<10240x16xf32, #tpu.memory_space<hbm>>
    tpu.enqueue_indirect_dma source(%dma_start3A_631 : memref<10240x16xf32, #tpu.memory_space<hbm>>) target(%dma_start3A_625 : memref<128x16xf32, #tpu.memory_space<vmem>>) offsets(%dma_start3A_628 : memref<128xi32, #tpu.memory_space<vmem>>) semaphore(%arg20 : memref<!tpu.dma_semaphore, #tpu.memory_space<semaphore_mem>>)
    %dma_start3A_632 = arith.constant 2 : i32
    %dma_start3A_633 = arith.constant 2 : i32
    %dma_start3A_634 = arith.constant 0 : i32
    %dma_start3A_635 = arith.constant 0 : i32
    %dma_start3A_636 = tpu.memref_slice %arg14[%dma_start3A_633, %dma_start3A_634, %dma_start3A_635] : memref<14x128x16xf32, #tpu.memory_space<vmem>> -> memref<1x128x16xf32, #tpu.memory_space<vmem>>
    %dma_start3A_637 = tpu.memref_squeeze %dma_start3A_636 : memref<1x128x16xf32, #tpu.memory_space<vmem>> -> memref<128x16xf32, #tpu.memory_space<vmem>>
    %dma_start3A_638 = arith.constant 0 : i32
    %dma_start3A_639 = tpu.memref_slice %arg12[%dma_start3A_632, %dma_start3A_638] : memref<157x128xi32, #tpu.memory_space<vmem>> -> memref<1x128xi32, #tpu.memory_space<vmem>>
    %dma_start3A_640 = tpu.memref_squeeze %dma_start3A_639 : memref<1x128xi32, #tpu.memory_space<vmem>> -> memref<128xi32, #tpu.memory_space<vmem>>
    %dma_start3A_641 = arith.constant 0 : i32
    %dma_start3A_642 = arith.constant 0 : i32
    %dma_start3A_643 = tpu.memref_slice %arg9[%dma_start3A_641, %dma_start3A_642] : memref<10240x16xf32, #tpu.memory_space<hbm>> -> memref<10240x16xf32, #tpu.memory_space<hbm>>
    tpu.enqueue_indirect_dma source(%dma_start3A_643 : memref<10240x16xf32, #tpu.memory_space<hbm>>) target(%dma_start3A_637 : memref<128x16xf32, #tpu.memory_space<vmem>>) offsets(%dma_start3A_640 : memref<128xi32, #tpu.memory_space<vmem>>) semaphore(%arg20 : memref<!tpu.dma_semaphore, #tpu.memory_space<semaphore_mem>>)
    %dma_start3A_644 = arith.constant 3 : i32
    %dma_start3A_645 = arith.constant 3 : i32
    %dma_start3A_646 = arith.constant 0 : i32
    %dma_start3A_647 = arith.constant 0 : i32
    %dma_start3A_648 = tpu.memref_slice %arg14[%dma_start3A_645, %dma_start3A_646, %dma_start3A_647] : memref<14x128x16xf32, #tpu.memory_space<vmem>> -> memref<1x128x16xf32, #tpu.memory_space<vmem>>
    %dma_start3A_649 = tpu.memref_squeeze %dma_start3A_648 : memref<1x128x16xf32, #tpu.memory_space<vmem>> -> memref<128x16xf32, #tpu.memory_space<vmem>>
    %dma_start3A_650 = arith.constant 0 : i32
    %dma_start3A_651 = tpu.memref_slice %arg12[%dma_start3A_644, %dma_start3A_650] : memref<157x128xi32, #tpu.memory_space<vmem>> -> memref<1x128xi32, #tpu.memory_space<vmem>>
    %dma_start3A_652 = tpu.memref_squeeze %dma_start3A_651 : memref<1x128xi32, #tpu.memory_space<vmem>> -> memref<128xi32, #tpu.memory_space<vmem>>
    %dma_start3A_653 = arith.constant 0 : i32
    %dma_start3A_654 = arith.constant 0 : i32
    %dma_start3A_655 = tpu.memref_slice %arg9[%dma_start3A_653, %dma_start3A_654] : memref<10240x16xf32, #tpu.memory_space<hbm>> -> memref<10240x16xf32, #tpu.memory_space<hbm>>
    tpu.enqueue_indirect_dma source(%dma_start3A_655 : memref<10240x16xf32, #tpu.memory_space<hbm>>) target(%dma_start3A_649 : memref<128x16xf32, #tpu.memory_space<vmem>>) offsets(%dma_start3A_652 : memref<128xi32, #tpu.memory_space<vmem>>) semaphore(%arg20 : memref<!tpu.dma_semaphore, #tpu.memory_space<semaphore_mem>>)
    %dma_start3A_656 = arith.constant 4 : i32
    %dma_start3A_657 = arith.constant 4 : i32
    %dma_start3A_658 = arith.constant 0 : i32
    %dma_start3A_659 = arith.constant 0 : i32
    %dma_start3A_660 = tpu.memref_slice %arg14[%dma_start3A_657, %dma_start3A_658, %dma_start3A_659] : memref<14x128x16xf32, #tpu.memory_space<vmem>> -> memref<1x128x16xf32, #tpu.memory_space<vmem>>
    %dma_start3A_661 = tpu.memref_squeeze %dma_start3A_660 : memref<1x128x16xf32, #tpu.memory_space<vmem>> -> memref<128x16xf32, #tpu.memory_space<vmem>>
    %dma_start3A_662 = arith.constant 0 : i32
    %dma_start3A_663 = tpu.memref_slice %arg12[%dma_start3A_656, %dma_start3A_662] : memref<157x128xi32, #tpu.memory_space<vmem>> -> memref<1x128xi32, #tpu.memory_space<vmem>>
    %dma_start3A_664 = tpu.memref_squeeze %dma_start3A_663 : memref<1x128xi32, #tpu.memory_space<vmem>> -> memref<128xi32, #tpu.memory_space<vmem>>
    %dma_start3A_665 = arith.constant 0 : i32
    %dma_start3A_666 = arith.constant 0 : i32
    %dma_start3A_667 = tpu.memref_slice %arg9[%dma_start3A_665, %dma_start3A_666] : memref<10240x16xf32, #tpu.memory_space<hbm>> -> memref<10240x16xf32, #tpu.memory_space<hbm>>
    tpu.enqueue_indirect_dma source(%dma_start3A_667 : memref<10240x16xf32, #tpu.memory_space<hbm>>) target(%dma_start3A_661 : memref<128x16xf32, #tpu.memory_space<vmem>>) offsets(%dma_start3A_664 : memref<128xi32, #tpu.memory_space<vmem>>) semaphore(%arg20 : memref<!tpu.dma_semaphore, #tpu.memory_space<semaphore_mem>>)
    %dma_start3A_668 = arith.constant 5 : i32
    %dma_start3A_669 = arith.constant 5 : i32
    %dma_start3A_670 = arith.constant 0 : i32
    %dma_start3A_671 = arith.constant 0 : i32
    %dma_start3A_672 = tpu.memref_slice %arg14[%dma_start3A_669, %dma_start3A_670, %dma_start3A_671] : memref<14x128x16xf32, #tpu.memory_space<vmem>> -> memref<1x128x16xf32, #tpu.memory_space<vmem>>
    %dma_start3A_673 = tpu.memref_squeeze %dma_start3A_672 : memref<1x128x16xf32, #tpu.memory_space<vmem>> -> memref<128x16xf32, #tpu.memory_space<vmem>>
    %dma_start3A_674 = arith.constant 0 : i32
    %dma_start3A_675 = tpu.memref_slice %arg12[%dma_start3A_668, %dma_start3A_674] : memref<157x128xi32, #tpu.memory_space<vmem>> -> memref<1x128xi32, #tpu.memory_space<vmem>>
    %dma_start3A_676 = tpu.memref_squeeze %dma_start3A_675 : memref<1x128xi32, #tpu.memory_space<vmem>> -> memref<128xi32, #tpu.memory_space<vmem>>
    %dma_start3A_677 = arith.constant 0 : i32
    %dma_start3A_678 = arith.constant 0 : i32
    %dma_start3A_679 = tpu.memref_slice %arg9[%dma_start3A_677, %dma_start3A_678] : memref<10240x16xf32, #tpu.memory_space<hbm>> -> memref<10240x16xf32, #tpu.memory_space<hbm>>
    tpu.enqueue_indirect_dma source(%dma_start3A_679 : memref<10240x16xf32, #tpu.memory_space<hbm>>) target(%dma_start3A_673 : memref<128x16xf32, #tpu.memory_space<vmem>>) offsets(%dma_start3A_676 : memref<128xi32, #tpu.memory_space<vmem>>) semaphore(%arg20 : memref<!tpu.dma_semaphore, #tpu.memory_space<semaphore_mem>>)
    %dma_start3A_680 = arith.constant 6 : i32
    %dma_start3A_681 = arith.constant 6 : i32
    %dma_start3A_682 = arith.constant 0 : i32
    %dma_start3A_683 = arith.constant 0 : i32
    %dma_start3A_684 = tpu.memref_slice %arg14[%dma_start3A_681, %dma_start3A_682, %dma_start3A_683] : memref<14x128x16xf32, #tpu.memory_space<vmem>> -> memref<1x128x16xf32, #tpu.memory_space<vmem>>
    %dma_start3A_685 = tpu.memref_squeeze %dma_start3A_684 : memref<1x128x16xf32, #tpu.memory_space<vmem>> -> memref<128x16xf32, #tpu.memory_space<vmem>>
    %dma_start3A_686 = arith.constant 0 : i32
    %dma_start3A_687 = tpu.memref_slice %arg12[%dma_start3A_680, %dma_start3A_686] : memref<157x128xi32, #tpu.memory_space<vmem>> -> memref<1x128xi32, #tpu.memory_space<vmem>>
    %dma_start3A_688 = tpu.memref_squeeze %dma_start3A_687 : memref<1x128xi32, #tpu.memory_space<vmem>> -> memref<128xi32, #tpu.memory_space<vmem>>
    %dma_start3A_689 = arith.constant 0 : i32
    %dma_start3A_690 = arith.constant 0 : i32
    %dma_start3A_691 = tpu.memref_slice %arg9[%dma_start3A_689, %dma_start3A_690] : memref<10240x16xf32, #tpu.memory_space<hbm>> -> memref<10240x16xf32, #tpu.memory_space<hbm>>
    tpu.enqueue_indirect_dma source(%dma_start3A_691 : memref<10240x16xf32, #tpu.memory_space<hbm>>) target(%dma_start3A_685 : memref<128x16xf32, #tpu.memory_space<vmem>>) offsets(%dma_start3A_688 : memref<128xi32, #tpu.memory_space<vmem>>) semaphore(%arg20 : memref<!tpu.dma_semaphore, #tpu.memory_space<semaphore_mem>>)
    %scan3A_692 = arith.constant 0 : i32
    %scan3A_693 = arith.constant 157 : i32
    %scan3A_694 = arith.addi %scan3A_692, %scan3A_693 : i32
    %scan3A_695 = arith.constant 1 : i32
    scf.for %scan3A_2002 = %scan3A_692 to %scan3A_694 step %scan3A_695  : i32 {
      %rem3A = arith.constant 14 : i32
      %rem3A_2003 = arith.remsi %scan3A_2002, %rem3A : i32
      %dma_wait3A_2004 = arith.constant 0 : i32
      %dma_wait3A_2005 = arith.constant 0 : i32
      %dma_wait3A_2006 = tpu.memref_slice %arg14[%rem3A_2003, %dma_wait3A_2004, %dma_wait3A_2005] : memref<14x128x16xf32, #tpu.memory_space<vmem>> -> memref<1x128x16xf32, #tpu.memory_space<vmem>>
      %dma_wait3A_2007 = tpu.memref_squeeze %dma_wait3A_2006 : memref<1x128x16xf32, #tpu.memory_space<vmem>> -> memref<128x16xf32, #tpu.memory_space<vmem>>
      %dma_wait3A_2008 = arith.constant 0 : i32
      %dma_wait3A_2009 = tpu.memref_slice %arg12[%scan3A_2002, %dma_wait3A_2008] : memref<157x128xi32, #tpu.memory_space<vmem>> -> memref<1x128xi32, #tpu.memory_space<vmem>>
      %dma_wait3A_2010 = tpu.memref_squeeze %dma_wait3A_2009 : memref<1x128xi32, #tpu.memory_space<vmem>> -> memref<128xi32, #tpu.memory_space<vmem>>
      %dma_wait3A_2011 = arith.constant 0 : i32
      %dma_wait3A_2012 = arith.constant 0 : i32
      %dma_wait3A_2013 = tpu.memref_slice %arg9[%dma_wait3A_2011, %dma_wait3A_2012] : memref<10240x16xf32, #tpu.memory_space<hbm>> -> memref<10240x16xf32, #tpu.memory_space<hbm>>
      tpu.wait_indirect_dma semaphore(%arg20 : memref<!tpu.dma_semaphore, #tpu.memory_space<semaphore_mem>>) src(%dma_wait3A_2013 : memref<10240x16xf32, #tpu.memory_space<hbm>>) dst(%dma_wait3A_2007 : memref<128x16xf32, #tpu.memory_space<vmem>>)
      %dma_start3A_2014 = arith.constant 0 : i32
      %dma_start3A_2015 = arith.constant 0 : i32
      %dma_start3A_2016 = tpu.memref_slice %arg14[%rem3A_2003, %dma_start3A_2014, %dma_start3A_2015] : memref<14x128x16xf32, #tpu.memory_space<vmem>> -> memref<1x128x16xf32, #tpu.memory_space<vmem>>
      %dma_start3A_2017 = tpu.memref_squeeze %dma_start3A_2016 : memref<1x128x16xf32, #tpu.memory_space<vmem>> -> memref<128x16xf32, #tpu.memory_space<vmem>>
      %dma_start3A_2018 = arith.constant 0 : i32
      %dma_start3A_2019 = tpu.memref_slice %arg13[%scan3A_2002, %dma_start3A_2018] : memref<157x128xi32, #tpu.memory_space<vmem>> -> memref<1x128xi32, #tpu.memory_space<vmem>>
      %dma_start3A_2020 = tpu.memref_squeeze %dma_start3A_2019 : memref<1x128xi32, #tpu.memory_space<vmem>> -> memref<128xi32, #tpu.memory_space<vmem>>
      %dma_start3A_2021 = arith.constant 0 : i32
      %dma_start3A_2022 = arith.constant 0 : i32
      %dma_start3A_2023 = tpu.memref_slice %arg11[%dma_start3A_2021, %dma_start3A_2022] : memref<10240x16xf32, #tpu.memory_space<vmem_shared>> -> memref<10240x16xf32, #tpu.memory_space<vmem_shared>>
      tpu.enqueue_indirect_dma source(%dma_start3A_2017 : memref<128x16xf32, #tpu.memory_space<vmem>>) target(%dma_start3A_2023 : memref<10240x16xf32, #tpu.memory_space<vmem_shared>>) offsets(%dma_start3A_2020 : memref<128xi32, #tpu.memory_space<vmem>>) semaphore(%arg21 : memref<!tpu.dma_semaphore, #tpu.memory_space<semaphore_mem>>) {add = true}
      %ge3A = arith.constant 7 : i32
      %ge3A_2024 = arith.cmpi sge, %scan3A_2002, %ge3A : i32
      %convert_element_type3A = arith.extui %ge3A_2024 : i1 to i32
      %cond3A = arith.constant 0 : i32
      %cond3A_2025 = arith.cmpi ne, %convert_element_type3A, %cond3A : i32
      scf.if %cond3A_2025 {
        %sub3A = arith.constant 7 : i32
        %sub3A_2032 = arith.subi %scan3A_2002, %sub3A : i32
        %rem3A_2033 = arith.constant 14 : i32
        %rem3A_2034 = arith.remsi %sub3A_2032, %rem3A_2033 : i32
        %dma_wait3A_2035 = arith.constant 0 : i32
        %dma_wait3A_2036 = arith.constant 0 : i32
        %dma_wait3A_2037 = tpu.memref_slice %arg14[%rem3A_2034, %dma_wait3A_2035, %dma_wait3A_2036] : memref<14x128x16xf32, #tpu.memory_space<vmem>> -> memref<1x128x16xf32, #tpu.memory_space<vmem>>
        %dma_wait3A_2038 = tpu.memref_squeeze %dma_wait3A_2037 : memref<1x128x16xf32, #tpu.memory_space<vmem>> -> memref<128x16xf32, #tpu.memory_space<vmem>>
        %dma_wait3A_2039 = arith.constant 0 : i32
        %dma_wait3A_2040 = tpu.memref_slice %arg13[%sub3A_2032, %dma_wait3A_2039] : memref<157x128xi32, #tpu.memory_space<vmem>> -> memref<1x128xi32, #tpu.memory_space<vmem>>
        %dma_wait3A_2041 = tpu.memref_squeeze %dma_wait3A_2040 : memref<1x128xi32, #tpu.memory_space<vmem>> -> memref<128xi32, #tpu.memory_space<vmem>>
        %dma_wait3A_2042 = arith.constant 0 : i32
        %dma_wait3A_2043 = arith.constant 0 : i32
        %dma_wait3A_2044 = tpu.memref_slice %arg11[%dma_wait3A_2042, %dma_wait3A_2043] : memref<10240x16xf32, #tpu.memory_space<vmem_shared>> -> memref<10240x16xf32, #tpu.memory_space<vmem_shared>>
        tpu.wait_indirect_dma semaphore(%arg21 : memref<!tpu.dma_semaphore, #tpu.memory_space<semaphore_mem>>) src(%dma_wait3A_2038 : memref<128x16xf32, #tpu.memory_space<vmem>>) dst(%dma_wait3A_2044 : memref<10240x16xf32, #tpu.memory_space<vmem_shared>>)
      } else {
      }
      %add3A_2026 = arith.constant 7 : i32
      %add3A_2027 = arith.addi %scan3A_2002, %add3A_2026 : i32
      %lt3A = arith.constant 157 : i32
      %lt3A_2028 = arith.cmpi slt, %add3A_2027, %lt3A : i32
      %convert_element_type3A_2029 = arith.extui %lt3A_2028 : i1 to i32
      %cond3A_2030 = arith.constant 0 : i32
      %cond3A_2031 = arith.cmpi ne, %convert_element_type3A_2029, %cond3A_2030 : i32
      scf.if %cond3A_2031 {
        %add3A_2032 = arith.constant 7 : i32
        %add3A_2033 = arith.addi %scan3A_2002, %add3A_2032 : i32
        %rem3A_2034 = arith.constant 14 : i32
        %rem3A_2035 = arith.remsi %add3A_2033, %rem3A_2034 : i32
        %dma_start3A_2036 = arith.constant 0 : i32
        %dma_start3A_2037 = arith.constant 0 : i32
        %dma_start3A_2038 = tpu.memref_slice %arg14[%rem3A_2035, %dma_start3A_2036, %dma_start3A_2037] : memref<14x128x16xf32, #tpu.memory_space<vmem>> -> memref<1x128x16xf32, #tpu.memory_space<vmem>>
        %dma_start3A_2039 = tpu.memref_squeeze %dma_start3A_2038 : memref<1x128x16xf32, #tpu.memory_space<vmem>> -> memref<128x16xf32, #tpu.memory_space<vmem>>
        %dma_start3A_2040 = arith.constant 0 : i32
        %dma_start3A_2041 = tpu.memref_slice %arg12[%add3A_2033, %dma_start3A_2040] : memref<157x128xi32, #tpu.memory_space<vmem>> -> memref<1x128xi32, #tpu.memory_space<vmem>>
        %dma_start3A_2042 = tpu.memref_squeeze %dma_start3A_2041 : memref<1x128xi32, #tpu.memory_space<vmem>> -> memref<128xi32, #tpu.memory_space<vmem>>
        %dma_start3A_2043 = arith.constant 0 : i32
        %dma_start3A_2044 = arith.constant 0 : i32
        %dma_start3A_2045 = tpu.memref_slice %arg9[%dma_start3A_2043, %dma_start3A_2044] : memref<10240x16xf32, #tpu.memory_space<hbm>> -> memref<10240x16xf32, #tpu.memory_space<hbm>>
        tpu.enqueue_indirect_dma source(%dma_start3A_2045 : memref<10240x16xf32, #tpu.memory_space<hbm>>) target(%dma_start3A_2039 : memref<128x16xf32, #tpu.memory_space<vmem>>) offsets(%dma_start3A_2042 : memref<128xi32, #tpu.memory_space<vmem>>) semaphore(%arg20 : memref<!tpu.dma_semaphore, #tpu.memory_space<semaphore_mem>>)
      } else {
      }
    }
    %scan3A_696 = arith.constant 157 : i32
    %dma_wait3A_697 = arith.constant 10 : i32
    %dma_wait3A_698 = arith.constant 150 : i32
    %dma_wait3A_699 = arith.constant 0 : i32
    %dma_wait3A_700 = arith.constant 0 : i32
    %dma_wait3A_701 = tpu.memref_slice %arg14[%dma_wait3A_697, %dma_wait3A_699, %dma_wait3A_700] : memref<14x128x16xf32, #tpu.memory_space<vmem>> -> memref<1x128x16xf32, #tpu.memory_space<vmem>>
    %dma_wait3A_702 = tpu.memref_squeeze %dma_wait3A_701 : memref<1x128x16xf32, #tpu.memory_space<vmem>> -> memref<128x16xf32, #tpu.memory_space<vmem>>
    %dma_wait3A_703 = arith.constant 0 : i32
    %dma_wait3A_704 = tpu.memref_slice %arg13[%dma_wait3A_698, %dma_wait3A_703] : memref<157x128xi32, #tpu.memory_space<vmem>> -> memref<1x128xi32, #tpu.memory_space<vmem>>
    %dma_wait3A_705 = tpu.memref_squeeze %dma_wait3A_704 : memref<1x128xi32, #tpu.memory_space<vmem>> -> memref<128xi32, #tpu.memory_space<vmem>>
    %dma_wait3A_706 = arith.constant 0 : i32
    %dma_wait3A_707 = arith.constant 0 : i32
    %dma_wait3A_708 = tpu.memref_slice %arg11[%dma_wait3A_706, %dma_wait3A_707] : memref<10240x16xf32, #tpu.memory_space<vmem_shared>> -> memref<10240x16xf32, #tpu.memory_space<vmem_shared>>
    tpu.wait_indirect_dma semaphore(%arg21 : memref<!tpu.dma_semaphore, #tpu.memory_space<semaphore_mem>>) src(%dma_wait3A_702 : memref<128x16xf32, #tpu.memory_space<vmem>>) dst(%dma_wait3A_708 : memref<10240x16xf32, #tpu.memory_space<vmem_shared>>)
    %dma_wait3A_709 = arith.constant 11 : i32
    %dma_wait3A_710 = arith.constant 151 : i32
    %dma_wait3A_711 = arith.constant 0 : i32
    %dma_wait3A_712 = arith.constant 0 : i32
    %dma_wait3A_713 = tpu.memref_slice %arg14[%dma_wait3A_709, %dma_wait3A_711, %dma_wait3A_712] : memref<14x128x16xf32, #tpu.memory_space<vmem>> -> memref<1x128x16xf32, #tpu.memory_space<vmem>>
    %dma_wait3A_714 = tpu.memref_squeeze %dma_wait3A_713 : memref<1x128x16xf32, #tpu.memory_space<vmem>> -> memref<128x16xf32, #tpu.memory_space<vmem>>
    %dma_wait3A_715 = arith.constant 0 : i32
    %dma_wait3A_716 = tpu.memref_slice %arg13[%dma_wait3A_710, %dma_wait3A_715] : memref<157x128xi32, #tpu.memory_space<vmem>> -> memref<1x128xi32, #tpu.memory_space<vmem>>
    %dma_wait3A_717 = tpu.memref_squeeze %dma_wait3A_716 : memref<1x128xi32, #tpu.memory_space<vmem>> -> memref<128xi32, #tpu.memory_space<vmem>>
    %dma_wait3A_718 = arith.constant 0 : i32
    %dma_wait3A_719 = arith.constant 0 : i32
    %dma_wait3A_720 = tpu.memref_slice %arg11[%dma_wait3A_718, %dma_wait3A_719] : memref<10240x16xf32, #tpu.memory_space<vmem_shared>> -> memref<10240x16xf32, #tpu.memory_space<vmem_shared>>
    tpu.wait_indirect_dma semaphore(%arg21 : memref<!tpu.dma_semaphore, #tpu.memory_space<semaphore_mem>>) src(%dma_wait3A_714 : memref<128x16xf32, #tpu.memory_space<vmem>>) dst(%dma_wait3A_720 : memref<10240x16xf32, #tpu.memory_space<vmem_shared>>)
    %dma_wait3A_721 = arith.constant 12 : i32
    %dma_wait3A_722 = arith.constant 152 : i32
    %dma_wait3A_723 = arith.constant 0 : i32
    %dma_wait3A_724 = arith.constant 0 : i32
    %dma_wait3A_725 = tpu.memref_slice %arg14[%dma_wait3A_721, %dma_wait3A_723, %dma_wait3A_724] : memref<14x128x16xf32, #tpu.memory_space<vmem>> -> memref<1x128x16xf32, #tpu.memory_space<vmem>>
    %dma_wait3A_726 = tpu.memref_squeeze %dma_wait3A_725 : memref<1x128x16xf32, #tpu.memory_space<vmem>> -> memref<128x16xf32, #tpu.memory_space<vmem>>
    %dma_wait3A_727 = arith.constant 0 : i32
    %dma_wait3A_728 = tpu.memref_slice %arg13[%dma_wait3A_722, %dma_wait3A_727] : memref<157x128xi32, #tpu.memory_space<vmem>> -> memref<1x128xi32, #tpu.memory_space<vmem>>
    %dma_wait3A_729 = tpu.memref_squeeze %dma_wait3A_728 : memref<1x128xi32, #tpu.memory_space<vmem>> -> memref<128xi32, #tpu.memory_space<vmem>>
    %dma_wait3A_730 = arith.constant 0 : i32
    %dma_wait3A_731 = arith.constant 0 : i32
    %dma_wait3A_732 = tpu.memref_slice %arg11[%dma_wait3A_730, %dma_wait3A_731] : memref<10240x16xf32, #tpu.memory_space<vmem_shared>> -> memref<10240x16xf32, #tpu.memory_space<vmem_shared>>
    tpu.wait_indirect_dma semaphore(%arg21 : memref<!tpu.dma_semaphore, #tpu.memory_space<semaphore_mem>>) src(%dma_wait3A_726 : memref<128x16xf32, #tpu.memory_space<vmem>>) dst(%dma_wait3A_732 : memref<10240x16xf32, #tpu.memory_space<vmem_shared>>)
    %dma_wait3A_733 = arith.constant 13 : i32
    %dma_wait3A_734 = arith.constant 153 : i32
    %dma_wait3A_735 = arith.constant 0 : i32
    %dma_wait3A_736 = arith.constant 0 : i32
    %dma_wait3A_737 = tpu.memref_slice %arg14[%dma_wait3A_733, %dma_wait3A_735, %dma_wait3A_736] : memref<14x128x16xf32, #tpu.memory_space<vmem>> -> memref<1x128x16xf32, #tpu.memory_space<vmem>>
    %dma_wait3A_738 = tpu.memref_squeeze %dma_wait3A_737 : memref<1x128x16xf32, #tpu.memory_space<vmem>> -> memref<128x16xf32, #tpu.memory_space<vmem>>
    %dma_wait3A_739 = arith.constant 0 : i32
    %dma_wait3A_740 = tpu.memref_slice %arg13[%dma_wait3A_734, %dma_wait3A_739] : memref<157x128xi32, #tpu.memory_space<vmem>> -> memref<1x128xi32, #tpu.memory_space<vmem>>
    %dma_wait3A_741 = tpu.memref_squeeze %dma_wait3A_740 : memref<1x128xi32, #tpu.memory_space<vmem>> -> memref<128xi32, #tpu.memory_space<vmem>>
    %dma_wait3A_742 = arith.constant 0 : i32
    %dma_wait3A_743 = arith.constant 0 : i32
    %dma_wait3A_744 = tpu.memref_slice %arg11[%dma_wait3A_742, %dma_wait3A_743] : memref<10240x16xf32, #tpu.memory_space<vmem_shared>> -> memref<10240x16xf32, #tpu.memory_space<vmem_shared>>
    tpu.wait_indirect_dma semaphore(%arg21 : memref<!tpu.dma_semaphore, #tpu.memory_space<semaphore_mem>>) src(%dma_wait3A_738 : memref<128x16xf32, #tpu.memory_space<vmem>>) dst(%dma_wait3A_744 : memref<10240x16xf32, #tpu.memory_space<vmem_shared>>)
    %dma_wait3A_745 = arith.constant 0 : i32
    %dma_wait3A_746 = arith.constant 154 : i32
    %dma_wait3A_747 = arith.constant 0 : i32
    %dma_wait3A_748 = arith.constant 0 : i32
    %dma_wait3A_749 = tpu.memref_slice %arg14[%dma_wait3A_745, %dma_wait3A_747, %dma_wait3A_748] : memref<14x128x16xf32, #tpu.memory_space<vmem>> -> memref<1x128x16xf32, #tpu.memory_space<vmem>>
    %dma_wait3A_750 = tpu.memref_squeeze %dma_wait3A_749 : memref<1x128x16xf32, #tpu.memory_space<vmem>> -> memref<128x16xf32, #tpu.memory_space<vmem>>
    %dma_wait3A_751 = arith.constant 0 : i32
    %dma_wait3A_752 = tpu.memref_slice %arg13[%dma_wait3A_746, %dma_wait3A_751] : memref<157x128xi32, #tpu.memory_space<vmem>> -> memref<1x128xi32, #tpu.memory_space<vmem>>
    %dma_wait3A_753 = tpu.memref_squeeze %dma_wait3A_752 : memref<1x128xi32, #tpu.memory_space<vmem>> -> memref<128xi32, #tpu.memory_space<vmem>>
    %dma_wait3A_754 = arith.constant 0 : i32
    %dma_wait3A_755 = arith.constant 0 : i32
    %dma_wait3A_756 = tpu.memref_slice %arg11[%dma_wait3A_754, %dma_wait3A_755] : memref<10240x16xf32, #tpu.memory_space<vmem_shared>> -> memref<10240x16xf32, #tpu.memory_space<vmem_shared>>
    tpu.wait_indirect_dma semaphore(%arg21 : memref<!tpu.dma_semaphore, #tpu.memory_space<semaphore_mem>>) src(%dma_wait3A_750 : memref<128x16xf32, #tpu.memory_space<vmem>>) dst(%dma_wait3A_756 : memref<10240x16xf32, #tpu.memory_space<vmem_shared>>)
    %dma_wait3A_757 = arith.constant 1 : i32
    %dma_wait3A_758 = arith.constant 155 : i32
    %dma_wait3A_759 = arith.constant 0 : i32
    %dma_wait3A_760 = arith.constant 0 : i32
    %dma_wait3A_761 = tpu.memref_slice %arg14[%dma_wait3A_757, %dma_wait3A_759, %dma_wait3A_760] : memref<14x128x16xf32, #tpu.memory_space<vmem>> -> memref<1x128x16xf32, #tpu.memory_space<vmem>>
    %dma_wait3A_762 = tpu.memref_squeeze %dma_wait3A_761 : memref<1x128x16xf32, #tpu.memory_space<vmem>> -> memref<128x16xf32, #tpu.memory_space<vmem>>
    %dma_wait3A_763 = arith.constant 0 : i32
    %dma_wait3A_764 = tpu.memref_slice %arg13[%dma_wait3A_758, %dma_wait3A_763] : memref<157x128xi32, #tpu.memory_space<vmem>> -> memref<1x128xi32, #tpu.memory_space<vmem>>
    %dma_wait3A_765 = tpu.memref_squeeze %dma_wait3A_764 : memref<1x128xi32, #tpu.memory_space<vmem>> -> memref<128xi32, #tpu.memory_space<vmem>>
    %dma_wait3A_766 = arith.constant 0 : i32
    %dma_wait3A_767 = arith.constant 0 : i32
    %dma_wait3A_768 = tpu.memref_slice %arg11[%dma_wait3A_766, %dma_wait3A_767] : memref<10240x16xf32, #tpu.memory_space<vmem_shared>> -> memref<10240x16xf32, #tpu.memory_space<vmem_shared>>
    tpu.wait_indirect_dma semaphore(%arg21 : memref<!tpu.dma_semaphore, #tpu.memory_space<semaphore_mem>>) src(%dma_wait3A_762 : memref<128x16xf32, #tpu.memory_space<vmem>>) dst(%dma_wait3A_768 : memref<10240x16xf32, #tpu.memory_space<vmem_shared>>)
    %dma_wait3A_769 = arith.constant 2 : i32
    %dma_wait3A_770 = arith.constant 156 : i32
    %dma_wait3A_771 = arith.constant 0 : i32
    %dma_wait3A_772 = arith.constant 0 : i32
    %dma_wait3A_773 = tpu.memref_slice %arg14[%dma_wait3A_769, %dma_wait3A_771, %dma_wait3A_772] : memref<14x128x16xf32, #tpu.memory_space<vmem>> -> memref<1x128x16xf32, #tpu.memory_space<vmem>>
    %dma_wait3A_774 = tpu.memref_squeeze %dma_wait3A_773 : memref<1x128x16xf32, #tpu.memory_space<vmem>> -> memref<128x16xf32, #tpu.memory_space<vmem>>
    %dma_wait3A_775 = arith.constant 0 : i32
    %dma_wait3A_776 = tpu.memref_slice %arg13[%dma_wait3A_770, %dma_wait3A_775] : memref<157x128xi32, #tpu.memory_space<vmem>> -> memref<1x128xi32, #tpu.memory_space<vmem>>
    %dma_wait3A_777 = tpu.memref_squeeze %dma_wait3A_776 : memref<1x128xi32, #tpu.memory_space<vmem>> -> memref<128xi32, #tpu.memory_space<vmem>>
    %dma_wait3A_778 = arith.constant 0 : i32
    %dma_wait3A_779 = arith.constant 0 : i32
    %dma_wait3A_780 = tpu.memref_slice %arg11[%dma_wait3A_778, %dma_wait3A_779] : memref<10240x16xf32, #tpu.memory_space<vmem_shared>> -> memref<10240x16xf32, #tpu.memory_space<vmem_shared>>
    tpu.wait_indirect_dma semaphore(%arg21 : memref<!tpu.dma_semaphore, #tpu.memory_space<semaphore_mem>>) src(%dma_wait3A_774 : memref<128x16xf32, #tpu.memory_space<vmem>>) dst(%dma_wait3A_780 : memref<10240x16xf32, #tpu.memory_space<vmem_shared>>)
    %barrier3A_781 = arith.constant 0 : index
    tpu.barrier barrier_id(%barrier3A_781)
    "tpu.region"() ({
      %run_scoped3A = tpu.sem_alloc : memref<!tpu.dma_semaphore, #tpu.memory_space<semaphore_mem>>
      %dma_start3A_2002 = arith.constant 0 : i32
      %dma_start3A_2003 = tpu.memref_slice %arg11[%mul3A_0, %dma_start3A_2002] : memref<10240x16xf32, #tpu.memory_space<vmem_shared>> -> memref<640x16xf32, #tpu.memory_space<vmem_shared>>
      %dma_start3A_2004 = arith.constant 0 : i32
      %dma_start3A_2005 = tpu.memref_slice %arg11[%mul3A_0, %dma_start3A_2004] : memref<10240x16xf32, #tpu.memory_space<vmem_shared>> -> memref<640x16xf32, #tpu.memory_space<vmem_shared>>
      tpu.enqueue_dma source(%dma_start3A_2005 : memref<640x16xf32, #tpu.memory_space<vmem_shared>>) target(%arg15 : memref<640x16xf32, #tpu.memory_space<vmem>>) target_semaphore(%run_scoped3A : memref<!tpu.dma_semaphore, #tpu.memory_space<semaphore_mem>>)
      %dma_wait3A_2006 = arith.constant 0 : i32
      %dma_wait3A_2007 = tpu.memref_slice %arg11[%mul3A_0, %dma_wait3A_2006] : memref<10240x16xf32, #tpu.memory_space<vmem_shared>> -> memref<640x16xf32, #tpu.memory_space<vmem_shared>>
      %dma_wait3A_2008 = arith.constant 0 : i32
      %dma_wait3A_2009 = tpu.memref_slice %arg11[%mul3A_0, %dma_wait3A_2008] : memref<10240x16xf32, #tpu.memory_space<vmem_shared>> -> memref<640x16xf32, #tpu.memory_space<vmem_shared>>
      tpu.wait_dma2 semaphore(%run_scoped3A : memref<!tpu.dma_semaphore, #tpu.memory_space<semaphore_mem>>) src(%dma_wait3A_2009 : memref<640x16xf32, #tpu.memory_space<vmem_shared>>) dst(%arg15 : memref<640x16xf32, #tpu.memory_space<vmem>>)
      tpu.yield
    }) : () -> ()
    %dma_start3A_782 = arith.constant 0 : i32
    %dma_start3A_783 = tpu.memref_slice %arg11[%mul3A_0, %dma_start3A_782] : memref<10240x16xf32, #tpu.memory_space<vmem_shared>> -> memref<640x16xf32, #tpu.memory_space<vmem_shared>>
    %dma_start3A_784 = arith.constant 0 : i32
    %dma_start3A_785 = tpu.memref_slice %arg11[%mul3A_0, %dma_start3A_784] : memref<10240x16xf32, #tpu.memory_space<vmem_shared>> -> memref<640x16xf32, #tpu.memory_space<vmem_shared>>
    tpu.enqueue_dma source(%arg19 : memref<640x16xf32, #tpu.memory_space<vmem>>) target(%dma_start3A_785 : memref<640x16xf32, #tpu.memory_space<vmem_shared>>) target_semaphore(%arg23 : memref<!tpu.dma_semaphore, #tpu.memory_space<semaphore_mem>>)
    %add3A_786 = arith.constant 40960 : i32
    %add3A_787 = arith.addi %add3A_786, %mul3A_0 : i32
    %dma_wait3A_788 = arith.constant 0 : i32
    %dma_wait3A_789 = tpu.memref_slice %arg2[%add3A_787, %dma_wait3A_788] : memref<112640x16xf32, #tpu.memory_space<hbm>> -> memref<640x16xf32, #tpu.memory_space<hbm>>
    %dma_wait3A_790 = arith.constant 0 : i32
    %dma_wait3A_791 = tpu.memref_slice %arg2[%add3A_787, %dma_wait3A_790] : memref<112640x16xf32, #tpu.memory_space<hbm>> -> memref<640x16xf32, #tpu.memory_space<hbm>>
    tpu.wait_dma2 semaphore(%arg22 : memref<!tpu.dma_semaphore, #tpu.memory_space<semaphore_mem>>) src(%dma_wait3A_791 : memref<640x16xf32, #tpu.memory_space<hbm>>) dst(%arg16 : memref<640x16xf32, #tpu.memory_space<vmem>>)
    %scan3A_792 = arith.constant 0 : i32
    %scan3A_793 = arith.constant 640 : i32
    %scan3A_794 = arith.addi %scan3A_792, %scan3A_793 : i32
    %scan3A_795 = arith.constant 1 : i32
    scf.for %scan3A_2002 = %scan3A_792 to %scan3A_794 step %scan3A_795  : i32 {
      %get3A = arith.index_cast %scan3A_2002 : i32 to index
      %get3A_2003 = arith.constant 0 : index
      %get3A_2004 = tpu.vector_load %arg17[%get3A, %get3A_2003] {strides = array<i32>} : memref<640x16xf32, #tpu.memory_space<vmem>>, vector<1x16xf32>,
      %get3A_2005 = vector.shape_cast %get3A_2004 : vector<1x16xf32> to vector<16xf32>
      %get3A_2006 = arith.index_cast %scan3A_2002 : i32 to index
      %get3A_2007 = arith.constant 0 : index
      %get3A_2008 = tpu.vector_load %arg16[%get3A_2006, %get3A_2007] {strides = array<i32>} : memref<640x16xf32, #tpu.memory_space<vmem>>, vector<1x16xf32>,
      %get3A_2009 = vector.shape_cast %get3A_2008 : vector<1x16xf32> to vector<16xf32>
      %mul3A_2010 = arith.mulf %get3A_2005, %get3A_2009 : vector<16xf32>
      %get3A_2011 = arith.index_cast %scan3A_2002 : i32 to index
      %get3A_2012 = arith.constant 0 : index
      %get3A_2013 = tpu.vector_load %arg18[%get3A_2011, %get3A_2012] {strides = array<i32>} : memref<640x16xf32, #tpu.memory_space<vmem>>, vector<1x16xf32>,
      %get3A_2014 = vector.shape_cast %get3A_2013 : vector<1x16xf32> to vector<16xf32>
      %get3A_2015 = arith.index_cast %scan3A_2002 : i32 to index
      %get3A_2016 = arith.constant 0 : index
      %get3A_2017 = tpu.vector_load %arg15[%get3A_2015, %get3A_2016] {strides = array<i32>} : memref<640x16xf32, #tpu.memory_space<vmem>>, vector<1x16xf32>,
      %get3A_2018 = vector.shape_cast %get3A_2017 : vector<1x16xf32> to vector<16xf32>
      %mul3A_2019 = arith.mulf %get3A_2014, %get3A_2018 : vector<16xf32>
      %add3A_2020 = arith.addf %mul3A_2010, %mul3A_2019 : vector<16xf32>
      %swap3A = arith.index_cast %scan3A_2002 : i32 to index
      %swap3A_2021 = arith.constant 0 : index
      %swap3A_2022 = tpu.vector_load %arg16[%swap3A, %swap3A_2021] {strides = array<i32>} : memref<640x16xf32, #tpu.memory_space<vmem>>, vector<1x16xf32>,
      %swap3A_2023 = vector.shape_cast %swap3A_2022 : vector<1x16xf32> to vector<16xf32>
      %swap3A_2024 = vector.shape_cast %add3A_2020 : vector<16xf32> to vector<1x16xf32>
      tpu.vector_store %arg16[%swap3A, %swap3A_2021], %swap3A_2024 {strides = array<i32>} : memref<640x16xf32, #tpu.memory_space<vmem>>, vector<1x16xf32>,
    }
    %scan3A_796 = arith.constant 640 : i32
    "tpu.region"() ({
      %run_scoped3A = tpu.sem_alloc : memref<!tpu.dma_semaphore, #tpu.memory_space<semaphore_mem>>
      %dma_start3A_2002 = arith.constant 0 : i32
      %dma_start3A_2003 = tpu.memref_slice %arg10[%mul3A_0, %dma_start3A_2002] : memref<10240x16xf32, #tpu.memory_space<hbm>> -> memref<640x16xf32, #tpu.memory_space<hbm>>
      %dma_start3A_2004 = arith.constant 0 : i32
      %dma_start3A_2005 = tpu.memref_slice %arg10[%mul3A_0, %dma_start3A_2004] : memref<10240x16xf32, #tpu.memory_space<hbm>> -> memref<640x16xf32, #tpu.memory_space<hbm>>
      tpu.enqueue_dma source(%arg16 : memref<640x16xf32, #tpu.memory_space<vmem>>) target(%dma_start3A_2005 : memref<640x16xf32, #tpu.memory_space<hbm>>) target_semaphore(%run_scoped3A : memref<!tpu.dma_semaphore, #tpu.memory_space<semaphore_mem>>)
      %dma_wait3A_2006 = arith.constant 0 : i32
      %dma_wait3A_2007 = tpu.memref_slice %arg10[%mul3A_0, %dma_wait3A_2006] : memref<10240x16xf32, #tpu.memory_space<hbm>> -> memref<640x16xf32, #tpu.memory_space<hbm>>
      %dma_wait3A_2008 = arith.constant 0 : i32
      %dma_wait3A_2009 = tpu.memref_slice %arg10[%mul3A_0, %dma_wait3A_2008] : memref<10240x16xf32, #tpu.memory_space<hbm>> -> memref<640x16xf32, #tpu.memory_space<hbm>>
      tpu.wait_dma2 semaphore(%run_scoped3A : memref<!tpu.dma_semaphore, #tpu.memory_space<semaphore_mem>>) src(%arg16 : memref<640x16xf32, #tpu.memory_space<vmem>>) dst(%dma_wait3A_2009 : memref<640x16xf32, #tpu.memory_space<hbm>>)
      tpu.yield
    }) : () -> ()
    %dma_wait3A_797 = arith.constant 0 : i32
    %dma_wait3A_798 = tpu.memref_slice %arg11[%mul3A_0, %dma_wait3A_797] : memref<10240x16xf32, #tpu.memory_space<vmem_shared>> -> memref<640x16xf32, #tpu.memory_space<vmem_shared>>
    %dma_wait3A_799 = arith.constant 0 : i32
    %dma_wait3A_800 = tpu.memref_slice %arg11[%mul3A_0, %dma_wait3A_799] : memref<10240x16xf32, #tpu.memory_space<vmem_shared>> -> memref<640x16xf32, #tpu.memory_space<vmem_shared>>
    tpu.wait_dma2 semaphore(%arg23 : memref<!tpu.dma_semaphore, #tpu.memory_space<semaphore_mem>>) src(%arg19 : memref<640x16xf32, #tpu.memory_space<vmem>>) dst(%dma_wait3A_800 : memref<640x16xf32, #tpu.memory_space<vmem_shared>>)
    %barrier3A_801 = arith.constant 0 : index
    tpu.barrier barrier_id(%barrier3A_801)
    %add3A_802 = arith.constant 51200 : i32
    %add3A_803 = arith.addi %add3A_802, %mul3A_0 : i32
    %dma_start3A_804 = arith.constant 0 : i32
    %dma_start3A_805 = tpu.memref_slice %arg2[%add3A_803, %dma_start3A_804] : memref<112640x16xf32, #tpu.memory_space<hbm>> -> memref<640x16xf32, #tpu.memory_space<hbm>>
    %dma_start3A_806 = arith.constant 0 : i32
    %dma_start3A_807 = tpu.memref_slice %arg2[%add3A_803, %dma_start3A_806] : memref<112640x16xf32, #tpu.memory_space<hbm>> -> memref<640x16xf32, #tpu.memory_space<hbm>>
    tpu.enqueue_dma source(%dma_start3A_807 : memref<640x16xf32, #tpu.memory_space<hbm>>) target(%arg16 : memref<640x16xf32, #tpu.memory_space<vmem>>) target_semaphore(%arg22 : memref<!tpu.dma_semaphore, #tpu.memory_space<semaphore_mem>>)
    %dma_start3A_808 = arith.constant 0 : i32
    %dma_start3A_809 = arith.constant 0 : i32
    %dma_start3A_810 = arith.constant 0 : i32
    %dma_start3A_811 = arith.constant 0 : i32
    %dma_start3A_812 = tpu.memref_slice %arg14[%dma_start3A_809, %dma_start3A_810, %dma_start3A_811] : memref<14x128x16xf32, #tpu.memory_space<vmem>> -> memref<1x128x16xf32, #tpu.memory_space<vmem>>
    %dma_start3A_813 = tpu.memref_squeeze %dma_start3A_812 : memref<1x128x16xf32, #tpu.memory_space<vmem>> -> memref<128x16xf32, #tpu.memory_space<vmem>>
    %dma_start3A_814 = arith.constant 0 : i32
    %dma_start3A_815 = tpu.memref_slice %arg12[%dma_start3A_808, %dma_start3A_814] : memref<157x128xi32, #tpu.memory_space<vmem>> -> memref<1x128xi32, #tpu.memory_space<vmem>>
    %dma_start3A_816 = tpu.memref_squeeze %dma_start3A_815 : memref<1x128xi32, #tpu.memory_space<vmem>> -> memref<128xi32, #tpu.memory_space<vmem>>
    %dma_start3A_817 = arith.constant 0 : i32
    %dma_start3A_818 = arith.constant 0 : i32
    %dma_start3A_819 = tpu.memref_slice %arg10[%dma_start3A_817, %dma_start3A_818] : memref<10240x16xf32, #tpu.memory_space<hbm>> -> memref<10240x16xf32, #tpu.memory_space<hbm>>
    tpu.enqueue_indirect_dma source(%dma_start3A_819 : memref<10240x16xf32, #tpu.memory_space<hbm>>) target(%dma_start3A_813 : memref<128x16xf32, #tpu.memory_space<vmem>>) offsets(%dma_start3A_816 : memref<128xi32, #tpu.memory_space<vmem>>) semaphore(%arg20 : memref<!tpu.dma_semaphore, #tpu.memory_space<semaphore_mem>>)
    %dma_start3A_820 = arith.constant 1 : i32
    %dma_start3A_821 = arith.constant 1 : i32
    %dma_start3A_822 = arith.constant 0 : i32
    %dma_start3A_823 = arith.constant 0 : i32
    %dma_start3A_824 = tpu.memref_slice %arg14[%dma_start3A_821, %dma_start3A_822, %dma_start3A_823] : memref<14x128x16xf32, #tpu.memory_space<vmem>> -> memref<1x128x16xf32, #tpu.memory_space<vmem>>
    %dma_start3A_825 = tpu.memref_squeeze %dma_start3A_824 : memref<1x128x16xf32, #tpu.memory_space<vmem>> -> memref<128x16xf32, #tpu.memory_space<vmem>>
    %dma_start3A_826 = arith.constant 0 : i32
    %dma_start3A_827 = tpu.memref_slice %arg12[%dma_start3A_820, %dma_start3A_826] : memref<157x128xi32, #tpu.memory_space<vmem>> -> memref<1x128xi32, #tpu.memory_space<vmem>>
    %dma_start3A_828 = tpu.memref_squeeze %dma_start3A_827 : memref<1x128xi32, #tpu.memory_space<vmem>> -> memref<128xi32, #tpu.memory_space<vmem>>
    %dma_start3A_829 = arith.constant 0 : i32
    %dma_start3A_830 = arith.constant 0 : i32
    %dma_start3A_831 = tpu.memref_slice %arg10[%dma_start3A_829, %dma_start3A_830] : memref<10240x16xf32, #tpu.memory_space<hbm>> -> memref<10240x16xf32, #tpu.memory_space<hbm>>
    tpu.enqueue_indirect_dma source(%dma_start3A_831 : memref<10240x16xf32, #tpu.memory_space<hbm>>) target(%dma_start3A_825 : memref<128x16xf32, #tpu.memory_space<vmem>>) offsets(%dma_start3A_828 : memref<128xi32, #tpu.memory_space<vmem>>) semaphore(%arg20 : memref<!tpu.dma_semaphore, #tpu.memory_space<semaphore_mem>>)
    %dma_start3A_832 = arith.constant 2 : i32
    %dma_start3A_833 = arith.constant 2 : i32
    %dma_start3A_834 = arith.constant 0 : i32
    %dma_start3A_835 = arith.constant 0 : i32
    %dma_start3A_836 = tpu.memref_slice %arg14[%dma_start3A_833, %dma_start3A_834, %dma_start3A_835] : memref<14x128x16xf32, #tpu.memory_space<vmem>> -> memref<1x128x16xf32, #tpu.memory_space<vmem>>
    %dma_start3A_837 = tpu.memref_squeeze %dma_start3A_836 : memref<1x128x16xf32, #tpu.memory_space<vmem>> -> memref<128x16xf32, #tpu.memory_space<vmem>>
    %dma_start3A_838 = arith.constant 0 : i32
    %dma_start3A_839 = tpu.memref_slice %arg12[%dma_start3A_832, %dma_start3A_838] : memref<157x128xi32, #tpu.memory_space<vmem>> -> memref<1x128xi32, #tpu.memory_space<vmem>>
    %dma_start3A_840 = tpu.memref_squeeze %dma_start3A_839 : memref<1x128xi32, #tpu.memory_space<vmem>> -> memref<128xi32, #tpu.memory_space<vmem>>
    %dma_start3A_841 = arith.constant 0 : i32
    %dma_start3A_842 = arith.constant 0 : i32
    %dma_start3A_843 = tpu.memref_slice %arg10[%dma_start3A_841, %dma_start3A_842] : memref<10240x16xf32, #tpu.memory_space<hbm>> -> memref<10240x16xf32, #tpu.memory_space<hbm>>
    tpu.enqueue_indirect_dma source(%dma_start3A_843 : memref<10240x16xf32, #tpu.memory_space<hbm>>) target(%dma_start3A_837 : memref<128x16xf32, #tpu.memory_space<vmem>>) offsets(%dma_start3A_840 : memref<128xi32, #tpu.memory_space<vmem>>) semaphore(%arg20 : memref<!tpu.dma_semaphore, #tpu.memory_space<semaphore_mem>>)
    %dma_start3A_844 = arith.constant 3 : i32
    %dma_start3A_845 = arith.constant 3 : i32
    %dma_start3A_846 = arith.constant 0 : i32
    %dma_start3A_847 = arith.constant 0 : i32
    %dma_start3A_848 = tpu.memref_slice %arg14[%dma_start3A_845, %dma_start3A_846, %dma_start3A_847] : memref<14x128x16xf32, #tpu.memory_space<vmem>> -> memref<1x128x16xf32, #tpu.memory_space<vmem>>
    %dma_start3A_849 = tpu.memref_squeeze %dma_start3A_848 : memref<1x128x16xf32, #tpu.memory_space<vmem>> -> memref<128x16xf32, #tpu.memory_space<vmem>>
    %dma_start3A_850 = arith.constant 0 : i32
    %dma_start3A_851 = tpu.memref_slice %arg12[%dma_start3A_844, %dma_start3A_850] : memref<157x128xi32, #tpu.memory_space<vmem>> -> memref<1x128xi32, #tpu.memory_space<vmem>>
    %dma_start3A_852 = tpu.memref_squeeze %dma_start3A_851 : memref<1x128xi32, #tpu.memory_space<vmem>> -> memref<128xi32, #tpu.memory_space<vmem>>
    %dma_start3A_853 = arith.constant 0 : i32
    %dma_start3A_854 = arith.constant 0 : i32
    %dma_start3A_855 = tpu.memref_slice %arg10[%dma_start3A_853, %dma_start3A_854] : memref<10240x16xf32, #tpu.memory_space<hbm>> -> memref<10240x16xf32, #tpu.memory_space<hbm>>
    tpu.enqueue_indirect_dma source(%dma_start3A_855 : memref<10240x16xf32, #tpu.memory_space<hbm>>) target(%dma_start3A_849 : memref<128x16xf32, #tpu.memory_space<vmem>>) offsets(%dma_start3A_852 : memref<128xi32, #tpu.memory_space<vmem>>) semaphore(%arg20 : memref<!tpu.dma_semaphore, #tpu.memory_space<semaphore_mem>>)
    %dma_start3A_856 = arith.constant 4 : i32
    %dma_start3A_857 = arith.constant 4 : i32
    %dma_start3A_858 = arith.constant 0 : i32
    %dma_start3A_859 = arith.constant 0 : i32
    %dma_start3A_860 = tpu.memref_slice %arg14[%dma_start3A_857, %dma_start3A_858, %dma_start3A_859] : memref<14x128x16xf32, #tpu.memory_space<vmem>> -> memref<1x128x16xf32, #tpu.memory_space<vmem>>
    %dma_start3A_861 = tpu.memref_squeeze %dma_start3A_860 : memref<1x128x16xf32, #tpu.memory_space<vmem>> -> memref<128x16xf32, #tpu.memory_space<vmem>>
    %dma_start3A_862 = arith.constant 0 : i32
    %dma_start3A_863 = tpu.memref_slice %arg12[%dma_start3A_856, %dma_start3A_862] : memref<157x128xi32, #tpu.memory_space<vmem>> -> memref<1x128xi32, #tpu.memory_space<vmem>>
    %dma_start3A_864 = tpu.memref_squeeze %dma_start3A_863 : memref<1x128xi32, #tpu.memory_space<vmem>> -> memref<128xi32, #tpu.memory_space<vmem>>
    %dma_start3A_865 = arith.constant 0 : i32
    %dma_start3A_866 = arith.constant 0 : i32
    %dma_start3A_867 = tpu.memref_slice %arg10[%dma_start3A_865, %dma_start3A_866] : memref<10240x16xf32, #tpu.memory_space<hbm>> -> memref<10240x16xf32, #tpu.memory_space<hbm>>
    tpu.enqueue_indirect_dma source(%dma_start3A_867 : memref<10240x16xf32, #tpu.memory_space<hbm>>) target(%dma_start3A_861 : memref<128x16xf32, #tpu.memory_space<vmem>>) offsets(%dma_start3A_864 : memref<128xi32, #tpu.memory_space<vmem>>) semaphore(%arg20 : memref<!tpu.dma_semaphore, #tpu.memory_space<semaphore_mem>>)
    %dma_start3A_868 = arith.constant 5 : i32
    %dma_start3A_869 = arith.constant 5 : i32
    %dma_start3A_870 = arith.constant 0 : i32
    %dma_start3A_871 = arith.constant 0 : i32
    %dma_start3A_872 = tpu.memref_slice %arg14[%dma_start3A_869, %dma_start3A_870, %dma_start3A_871] : memref<14x128x16xf32, #tpu.memory_space<vmem>> -> memref<1x128x16xf32, #tpu.memory_space<vmem>>
    %dma_start3A_873 = tpu.memref_squeeze %dma_start3A_872 : memref<1x128x16xf32, #tpu.memory_space<vmem>> -> memref<128x16xf32, #tpu.memory_space<vmem>>
    %dma_start3A_874 = arith.constant 0 : i32
    %dma_start3A_875 = tpu.memref_slice %arg12[%dma_start3A_868, %dma_start3A_874] : memref<157x128xi32, #tpu.memory_space<vmem>> -> memref<1x128xi32, #tpu.memory_space<vmem>>
    %dma_start3A_876 = tpu.memref_squeeze %dma_start3A_875 : memref<1x128xi32, #tpu.memory_space<vmem>> -> memref<128xi32, #tpu.memory_space<vmem>>
    %dma_start3A_877 = arith.constant 0 : i32
    %dma_start3A_878 = arith.constant 0 : i32
    %dma_start3A_879 = tpu.memref_slice %arg10[%dma_start3A_877, %dma_start3A_878] : memref<10240x16xf32, #tpu.memory_space<hbm>> -> memref<10240x16xf32, #tpu.memory_space<hbm>>
    tpu.enqueue_indirect_dma source(%dma_start3A_879 : memref<10240x16xf32, #tpu.memory_space<hbm>>) target(%dma_start3A_873 : memref<128x16xf32, #tpu.memory_space<vmem>>) offsets(%dma_start3A_876 : memref<128xi32, #tpu.memory_space<vmem>>) semaphore(%arg20 : memref<!tpu.dma_semaphore, #tpu.memory_space<semaphore_mem>>)
    %dma_start3A_880 = arith.constant 6 : i32
    %dma_start3A_881 = arith.constant 6 : i32
    %dma_start3A_882 = arith.constant 0 : i32
    %dma_start3A_883 = arith.constant 0 : i32
    %dma_start3A_884 = tpu.memref_slice %arg14[%dma_start3A_881, %dma_start3A_882, %dma_start3A_883] : memref<14x128x16xf32, #tpu.memory_space<vmem>> -> memref<1x128x16xf32, #tpu.memory_space<vmem>>
    %dma_start3A_885 = tpu.memref_squeeze %dma_start3A_884 : memref<1x128x16xf32, #tpu.memory_space<vmem>> -> memref<128x16xf32, #tpu.memory_space<vmem>>
    %dma_start3A_886 = arith.constant 0 : i32
    %dma_start3A_887 = tpu.memref_slice %arg12[%dma_start3A_880, %dma_start3A_886] : memref<157x128xi32, #tpu.memory_space<vmem>> -> memref<1x128xi32, #tpu.memory_space<vmem>>
    %dma_start3A_888 = tpu.memref_squeeze %dma_start3A_887 : memref<1x128xi32, #tpu.memory_space<vmem>> -> memref<128xi32, #tpu.memory_space<vmem>>
    %dma_start3A_889 = arith.constant 0 : i32
    %dma_start3A_890 = arith.constant 0 : i32
    %dma_start3A_891 = tpu.memref_slice %arg10[%dma_start3A_889, %dma_start3A_890] : memref<10240x16xf32, #tpu.memory_space<hbm>> -> memref<10240x16xf32, #tpu.memory_space<hbm>>
    tpu.enqueue_indirect_dma source(%dma_start3A_891 : memref<10240x16xf32, #tpu.memory_space<hbm>>) target(%dma_start3A_885 : memref<128x16xf32, #tpu.memory_space<vmem>>) offsets(%dma_start3A_888 : memref<128xi32, #tpu.memory_space<vmem>>) semaphore(%arg20 : memref<!tpu.dma_semaphore, #tpu.memory_space<semaphore_mem>>)
    %scan3A_892 = arith.constant 0 : i32
    %scan3A_893 = arith.constant 157 : i32
    %scan3A_894 = arith.addi %scan3A_892, %scan3A_893 : i32
    %scan3A_895 = arith.constant 1 : i32
    scf.for %scan3A_2002 = %scan3A_892 to %scan3A_894 step %scan3A_895  : i32 {
      %rem3A = arith.constant 14 : i32
      %rem3A_2003 = arith.remsi %scan3A_2002, %rem3A : i32
      %dma_wait3A_2004 = arith.constant 0 : i32
      %dma_wait3A_2005 = arith.constant 0 : i32
      %dma_wait3A_2006 = tpu.memref_slice %arg14[%rem3A_2003, %dma_wait3A_2004, %dma_wait3A_2005] : memref<14x128x16xf32, #tpu.memory_space<vmem>> -> memref<1x128x16xf32, #tpu.memory_space<vmem>>
      %dma_wait3A_2007 = tpu.memref_squeeze %dma_wait3A_2006 : memref<1x128x16xf32, #tpu.memory_space<vmem>> -> memref<128x16xf32, #tpu.memory_space<vmem>>
      %dma_wait3A_2008 = arith.constant 0 : i32
      %dma_wait3A_2009 = tpu.memref_slice %arg12[%scan3A_2002, %dma_wait3A_2008] : memref<157x128xi32, #tpu.memory_space<vmem>> -> memref<1x128xi32, #tpu.memory_space<vmem>>
      %dma_wait3A_2010 = tpu.memref_squeeze %dma_wait3A_2009 : memref<1x128xi32, #tpu.memory_space<vmem>> -> memref<128xi32, #tpu.memory_space<vmem>>
      %dma_wait3A_2011 = arith.constant 0 : i32
      %dma_wait3A_2012 = arith.constant 0 : i32
      %dma_wait3A_2013 = tpu.memref_slice %arg10[%dma_wait3A_2011, %dma_wait3A_2012] : memref<10240x16xf32, #tpu.memory_space<hbm>> -> memref<10240x16xf32, #tpu.memory_space<hbm>>
      tpu.wait_indirect_dma semaphore(%arg20 : memref<!tpu.dma_semaphore, #tpu.memory_space<semaphore_mem>>) src(%dma_wait3A_2013 : memref<10240x16xf32, #tpu.memory_space<hbm>>) dst(%dma_wait3A_2007 : memref<128x16xf32, #tpu.memory_space<vmem>>)
      %dma_start3A_2014 = arith.constant 0 : i32
      %dma_start3A_2015 = arith.constant 0 : i32
      %dma_start3A_2016 = tpu.memref_slice %arg14[%rem3A_2003, %dma_start3A_2014, %dma_start3A_2015] : memref<14x128x16xf32, #tpu.memory_space<vmem>> -> memref<1x128x16xf32, #tpu.memory_space<vmem>>
      %dma_start3A_2017 = tpu.memref_squeeze %dma_start3A_2016 : memref<1x128x16xf32, #tpu.memory_space<vmem>> -> memref<128x16xf32, #tpu.memory_space<vmem>>
      %dma_start3A_2018 = arith.constant 0 : i32
      %dma_start3A_2019 = tpu.memref_slice %arg13[%scan3A_2002, %dma_start3A_2018] : memref<157x128xi32, #tpu.memory_space<vmem>> -> memref<1x128xi32, #tpu.memory_space<vmem>>
      %dma_start3A_2020 = tpu.memref_squeeze %dma_start3A_2019 : memref<1x128xi32, #tpu.memory_space<vmem>> -> memref<128xi32, #tpu.memory_space<vmem>>
      %dma_start3A_2021 = arith.constant 0 : i32
      %dma_start3A_2022 = arith.constant 0 : i32
      %dma_start3A_2023 = tpu.memref_slice %arg11[%dma_start3A_2021, %dma_start3A_2022] : memref<10240x16xf32, #tpu.memory_space<vmem_shared>> -> memref<10240x16xf32, #tpu.memory_space<vmem_shared>>
      tpu.enqueue_indirect_dma source(%dma_start3A_2017 : memref<128x16xf32, #tpu.memory_space<vmem>>) target(%dma_start3A_2023 : memref<10240x16xf32, #tpu.memory_space<vmem_shared>>) offsets(%dma_start3A_2020 : memref<128xi32, #tpu.memory_space<vmem>>) semaphore(%arg21 : memref<!tpu.dma_semaphore, #tpu.memory_space<semaphore_mem>>) {add = true}
      %ge3A = arith.constant 7 : i32
      %ge3A_2024 = arith.cmpi sge, %scan3A_2002, %ge3A : i32
      %convert_element_type3A = arith.extui %ge3A_2024 : i1 to i32
      %cond3A = arith.constant 0 : i32
      %cond3A_2025 = arith.cmpi ne, %convert_element_type3A, %cond3A : i32
      scf.if %cond3A_2025 {
        %sub3A = arith.constant 7 : i32
        %sub3A_2032 = arith.subi %scan3A_2002, %sub3A : i32
        %rem3A_2033 = arith.constant 14 : i32
        %rem3A_2034 = arith.remsi %sub3A_2032, %rem3A_2033 : i32
        %dma_wait3A_2035 = arith.constant 0 : i32
        %dma_wait3A_2036 = arith.constant 0 : i32
        %dma_wait3A_2037 = tpu.memref_slice %arg14[%rem3A_2034, %dma_wait3A_2035, %dma_wait3A_2036] : memref<14x128x16xf32, #tpu.memory_space<vmem>> -> memref<1x128x16xf32, #tpu.memory_space<vmem>>
        %dma_wait3A_2038 = tpu.memref_squeeze %dma_wait3A_2037 : memref<1x128x16xf32, #tpu.memory_space<vmem>> -> memref<128x16xf32, #tpu.memory_space<vmem>>
        %dma_wait3A_2039 = arith.constant 0 : i32
        %dma_wait3A_2040 = tpu.memref_slice %arg13[%sub3A_2032, %dma_wait3A_2039] : memref<157x128xi32, #tpu.memory_space<vmem>> -> memref<1x128xi32, #tpu.memory_space<vmem>>
        %dma_wait3A_2041 = tpu.memref_squeeze %dma_wait3A_2040 : memref<1x128xi32, #tpu.memory_space<vmem>> -> memref<128xi32, #tpu.memory_space<vmem>>
        %dma_wait3A_2042 = arith.constant 0 : i32
        %dma_wait3A_2043 = arith.constant 0 : i32
        %dma_wait3A_2044 = tpu.memref_slice %arg11[%dma_wait3A_2042, %dma_wait3A_2043] : memref<10240x16xf32, #tpu.memory_space<vmem_shared>> -> memref<10240x16xf32, #tpu.memory_space<vmem_shared>>
        tpu.wait_indirect_dma semaphore(%arg21 : memref<!tpu.dma_semaphore, #tpu.memory_space<semaphore_mem>>) src(%dma_wait3A_2038 : memref<128x16xf32, #tpu.memory_space<vmem>>) dst(%dma_wait3A_2044 : memref<10240x16xf32, #tpu.memory_space<vmem_shared>>)
      } else {
      }
      %add3A_2026 = arith.constant 7 : i32
      %add3A_2027 = arith.addi %scan3A_2002, %add3A_2026 : i32
      %lt3A = arith.constant 157 : i32
      %lt3A_2028 = arith.cmpi slt, %add3A_2027, %lt3A : i32
      %convert_element_type3A_2029 = arith.extui %lt3A_2028 : i1 to i32
      %cond3A_2030 = arith.constant 0 : i32
      %cond3A_2031 = arith.cmpi ne, %convert_element_type3A_2029, %cond3A_2030 : i32
      scf.if %cond3A_2031 {
        %add3A_2032 = arith.constant 7 : i32
        %add3A_2033 = arith.addi %scan3A_2002, %add3A_2032 : i32
        %rem3A_2034 = arith.constant 14 : i32
        %rem3A_2035 = arith.remsi %add3A_2033, %rem3A_2034 : i32
        %dma_start3A_2036 = arith.constant 0 : i32
        %dma_start3A_2037 = arith.constant 0 : i32
        %dma_start3A_2038 = tpu.memref_slice %arg14[%rem3A_2035, %dma_start3A_2036, %dma_start3A_2037] : memref<14x128x16xf32, #tpu.memory_space<vmem>> -> memref<1x128x16xf32, #tpu.memory_space<vmem>>
        %dma_start3A_2039 = tpu.memref_squeeze %dma_start3A_2038 : memref<1x128x16xf32, #tpu.memory_space<vmem>> -> memref<128x16xf32, #tpu.memory_space<vmem>>
        %dma_start3A_2040 = arith.constant 0 : i32
        %dma_start3A_2041 = tpu.memref_slice %arg12[%add3A_2033, %dma_start3A_2040] : memref<157x128xi32, #tpu.memory_space<vmem>> -> memref<1x128xi32, #tpu.memory_space<vmem>>
        %dma_start3A_2042 = tpu.memref_squeeze %dma_start3A_2041 : memref<1x128xi32, #tpu.memory_space<vmem>> -> memref<128xi32, #tpu.memory_space<vmem>>
        %dma_start3A_2043 = arith.constant 0 : i32
        %dma_start3A_2044 = arith.constant 0 : i32
        %dma_start3A_2045 = tpu.memref_slice %arg10[%dma_start3A_2043, %dma_start3A_2044] : memref<10240x16xf32, #tpu.memory_space<hbm>> -> memref<10240x16xf32, #tpu.memory_space<hbm>>
        tpu.enqueue_indirect_dma source(%dma_start3A_2045 : memref<10240x16xf32, #tpu.memory_space<hbm>>) target(%dma_start3A_2039 : memref<128x16xf32, #tpu.memory_space<vmem>>) offsets(%dma_start3A_2042 : memref<128xi32, #tpu.memory_space<vmem>>) semaphore(%arg20 : memref<!tpu.dma_semaphore, #tpu.memory_space<semaphore_mem>>)
      } else {
      }
    }
    %scan3A_896 = arith.constant 157 : i32
    %dma_wait3A_897 = arith.constant 10 : i32
    %dma_wait3A_898 = arith.constant 150 : i32
    %dma_wait3A_899 = arith.constant 0 : i32
    %dma_wait3A_900 = arith.constant 0 : i32
    %dma_wait3A_901 = tpu.memref_slice %arg14[%dma_wait3A_897, %dma_wait3A_899, %dma_wait3A_900] : memref<14x128x16xf32, #tpu.memory_space<vmem>> -> memref<1x128x16xf32, #tpu.memory_space<vmem>>
    %dma_wait3A_902 = tpu.memref_squeeze %dma_wait3A_901 : memref<1x128x16xf32, #tpu.memory_space<vmem>> -> memref<128x16xf32, #tpu.memory_space<vmem>>
    %dma_wait3A_903 = arith.constant 0 : i32
    %dma_wait3A_904 = tpu.memref_slice %arg13[%dma_wait3A_898, %dma_wait3A_903] : memref<157x128xi32, #tpu.memory_space<vmem>> -> memref<1x128xi32, #tpu.memory_space<vmem>>
    %dma_wait3A_905 = tpu.memref_squeeze %dma_wait3A_904 : memref<1x128xi32, #tpu.memory_space<vmem>> -> memref<128xi32, #tpu.memory_space<vmem>>
    %dma_wait3A_906 = arith.constant 0 : i32
    %dma_wait3A_907 = arith.constant 0 : i32
    %dma_wait3A_908 = tpu.memref_slice %arg11[%dma_wait3A_906, %dma_wait3A_907] : memref<10240x16xf32, #tpu.memory_space<vmem_shared>> -> memref<10240x16xf32, #tpu.memory_space<vmem_shared>>
    tpu.wait_indirect_dma semaphore(%arg21 : memref<!tpu.dma_semaphore, #tpu.memory_space<semaphore_mem>>) src(%dma_wait3A_902 : memref<128x16xf32, #tpu.memory_space<vmem>>) dst(%dma_wait3A_908 : memref<10240x16xf32, #tpu.memory_space<vmem_shared>>)
    %dma_wait3A_909 = arith.constant 11 : i32
    %dma_wait3A_910 = arith.constant 151 : i32
    %dma_wait3A_911 = arith.constant 0 : i32
    %dma_wait3A_912 = arith.constant 0 : i32
    %dma_wait3A_913 = tpu.memref_slice %arg14[%dma_wait3A_909, %dma_wait3A_911, %dma_wait3A_912] : memref<14x128x16xf32, #tpu.memory_space<vmem>> -> memref<1x128x16xf32, #tpu.memory_space<vmem>>
    %dma_wait3A_914 = tpu.memref_squeeze %dma_wait3A_913 : memref<1x128x16xf32, #tpu.memory_space<vmem>> -> memref<128x16xf32, #tpu.memory_space<vmem>>
    %dma_wait3A_915 = arith.constant 0 : i32
    %dma_wait3A_916 = tpu.memref_slice %arg13[%dma_wait3A_910, %dma_wait3A_915] : memref<157x128xi32, #tpu.memory_space<vmem>> -> memref<1x128xi32, #tpu.memory_space<vmem>>
    %dma_wait3A_917 = tpu.memref_squeeze %dma_wait3A_916 : memref<1x128xi32, #tpu.memory_space<vmem>> -> memref<128xi32, #tpu.memory_space<vmem>>
    %dma_wait3A_918 = arith.constant 0 : i32
    %dma_wait3A_919 = arith.constant 0 : i32
    %dma_wait3A_920 = tpu.memref_slice %arg11[%dma_wait3A_918, %dma_wait3A_919] : memref<10240x16xf32, #tpu.memory_space<vmem_shared>> -> memref<10240x16xf32, #tpu.memory_space<vmem_shared>>
    tpu.wait_indirect_dma semaphore(%arg21 : memref<!tpu.dma_semaphore, #tpu.memory_space<semaphore_mem>>) src(%dma_wait3A_914 : memref<128x16xf32, #tpu.memory_space<vmem>>) dst(%dma_wait3A_920 : memref<10240x16xf32, #tpu.memory_space<vmem_shared>>)
    %dma_wait3A_921 = arith.constant 12 : i32
    %dma_wait3A_922 = arith.constant 152 : i32
    %dma_wait3A_923 = arith.constant 0 : i32
    %dma_wait3A_924 = arith.constant 0 : i32
    %dma_wait3A_925 = tpu.memref_slice %arg14[%dma_wait3A_921, %dma_wait3A_923, %dma_wait3A_924] : memref<14x128x16xf32, #tpu.memory_space<vmem>> -> memref<1x128x16xf32, #tpu.memory_space<vmem>>
    %dma_wait3A_926 = tpu.memref_squeeze %dma_wait3A_925 : memref<1x128x16xf32, #tpu.memory_space<vmem>> -> memref<128x16xf32, #tpu.memory_space<vmem>>
    %dma_wait3A_927 = arith.constant 0 : i32
    %dma_wait3A_928 = tpu.memref_slice %arg13[%dma_wait3A_922, %dma_wait3A_927] : memref<157x128xi32, #tpu.memory_space<vmem>> -> memref<1x128xi32, #tpu.memory_space<vmem>>
    %dma_wait3A_929 = tpu.memref_squeeze %dma_wait3A_928 : memref<1x128xi32, #tpu.memory_space<vmem>> -> memref<128xi32, #tpu.memory_space<vmem>>
    %dma_wait3A_930 = arith.constant 0 : i32
    %dma_wait3A_931 = arith.constant 0 : i32
    %dma_wait3A_932 = tpu.memref_slice %arg11[%dma_wait3A_930, %dma_wait3A_931] : memref<10240x16xf32, #tpu.memory_space<vmem_shared>> -> memref<10240x16xf32, #tpu.memory_space<vmem_shared>>
    tpu.wait_indirect_dma semaphore(%arg21 : memref<!tpu.dma_semaphore, #tpu.memory_space<semaphore_mem>>) src(%dma_wait3A_926 : memref<128x16xf32, #tpu.memory_space<vmem>>) dst(%dma_wait3A_932 : memref<10240x16xf32, #tpu.memory_space<vmem_shared>>)
    %dma_wait3A_933 = arith.constant 13 : i32
    %dma_wait3A_934 = arith.constant 153 : i32
    %dma_wait3A_935 = arith.constant 0 : i32
    %dma_wait3A_936 = arith.constant 0 : i32
    %dma_wait3A_937 = tpu.memref_slice %arg14[%dma_wait3A_933, %dma_wait3A_935, %dma_wait3A_936] : memref<14x128x16xf32, #tpu.memory_space<vmem>> -> memref<1x128x16xf32, #tpu.memory_space<vmem>>
    %dma_wait3A_938 = tpu.memref_squeeze %dma_wait3A_937 : memref<1x128x16xf32, #tpu.memory_space<vmem>> -> memref<128x16xf32, #tpu.memory_space<vmem>>
    %dma_wait3A_939 = arith.constant 0 : i32
    %dma_wait3A_940 = tpu.memref_slice %arg13[%dma_wait3A_934, %dma_wait3A_939] : memref<157x128xi32, #tpu.memory_space<vmem>> -> memref<1x128xi32, #tpu.memory_space<vmem>>
    %dma_wait3A_941 = tpu.memref_squeeze %dma_wait3A_940 : memref<1x128xi32, #tpu.memory_space<vmem>> -> memref<128xi32, #tpu.memory_space<vmem>>
    %dma_wait3A_942 = arith.constant 0 : i32
    %dma_wait3A_943 = arith.constant 0 : i32
    %dma_wait3A_944 = tpu.memref_slice %arg11[%dma_wait3A_942, %dma_wait3A_943] : memref<10240x16xf32, #tpu.memory_space<vmem_shared>> -> memref<10240x16xf32, #tpu.memory_space<vmem_shared>>
    tpu.wait_indirect_dma semaphore(%arg21 : memref<!tpu.dma_semaphore, #tpu.memory_space<semaphore_mem>>) src(%dma_wait3A_938 : memref<128x16xf32, #tpu.memory_space<vmem>>) dst(%dma_wait3A_944 : memref<10240x16xf32, #tpu.memory_space<vmem_shared>>)
    %dma_wait3A_945 = arith.constant 0 : i32
    %dma_wait3A_946 = arith.constant 154 : i32
    %dma_wait3A_947 = arith.constant 0 : i32
    %dma_wait3A_948 = arith.constant 0 : i32
    %dma_wait3A_949 = tpu.memref_slice %arg14[%dma_wait3A_945, %dma_wait3A_947, %dma_wait3A_948] : memref<14x128x16xf32, #tpu.memory_space<vmem>> -> memref<1x128x16xf32, #tpu.memory_space<vmem>>
    %dma_wait3A_950 = tpu.memref_squeeze %dma_wait3A_949 : memref<1x128x16xf32, #tpu.memory_space<vmem>> -> memref<128x16xf32, #tpu.memory_space<vmem>>
    %dma_wait3A_951 = arith.constant 0 : i32
    %dma_wait3A_952 = tpu.memref_slice %arg13[%dma_wait3A_946, %dma_wait3A_951] : memref<157x128xi32, #tpu.memory_space<vmem>> -> memref<1x128xi32, #tpu.memory_space<vmem>>
    %dma_wait3A_953 = tpu.memref_squeeze %dma_wait3A_952 : memref<1x128xi32, #tpu.memory_space<vmem>> -> memref<128xi32, #tpu.memory_space<vmem>>
    %dma_wait3A_954 = arith.constant 0 : i32
    %dma_wait3A_955 = arith.constant 0 : i32
    %dma_wait3A_956 = tpu.memref_slice %arg11[%dma_wait3A_954, %dma_wait3A_955] : memref<10240x16xf32, #tpu.memory_space<vmem_shared>> -> memref<10240x16xf32, #tpu.memory_space<vmem_shared>>
    tpu.wait_indirect_dma semaphore(%arg21 : memref<!tpu.dma_semaphore, #tpu.memory_space<semaphore_mem>>) src(%dma_wait3A_950 : memref<128x16xf32, #tpu.memory_space<vmem>>) dst(%dma_wait3A_956 : memref<10240x16xf32, #tpu.memory_space<vmem_shared>>)
    %dma_wait3A_957 = arith.constant 1 : i32
    %dma_wait3A_958 = arith.constant 155 : i32
    %dma_wait3A_959 = arith.constant 0 : i32
    %dma_wait3A_960 = arith.constant 0 : i32
    %dma_wait3A_961 = tpu.memref_slice %arg14[%dma_wait3A_957, %dma_wait3A_959, %dma_wait3A_960] : memref<14x128x16xf32, #tpu.memory_space<vmem>> -> memref<1x128x16xf32, #tpu.memory_space<vmem>>
    %dma_wait3A_962 = tpu.memref_squeeze %dma_wait3A_961 : memref<1x128x16xf32, #tpu.memory_space<vmem>> -> memref<128x16xf32, #tpu.memory_space<vmem>>
    %dma_wait3A_963 = arith.constant 0 : i32
    %dma_wait3A_964 = tpu.memref_slice %arg13[%dma_wait3A_958, %dma_wait3A_963] : memref<157x128xi32, #tpu.memory_space<vmem>> -> memref<1x128xi32, #tpu.memory_space<vmem>>
    %dma_wait3A_965 = tpu.memref_squeeze %dma_wait3A_964 : memref<1x128xi32, #tpu.memory_space<vmem>> -> memref<128xi32, #tpu.memory_space<vmem>>
    %dma_wait3A_966 = arith.constant 0 : i32
    %dma_wait3A_967 = arith.constant 0 : i32
    %dma_wait3A_968 = tpu.memref_slice %arg11[%dma_wait3A_966, %dma_wait3A_967] : memref<10240x16xf32, #tpu.memory_space<vmem_shared>> -> memref<10240x16xf32, #tpu.memory_space<vmem_shared>>
    tpu.wait_indirect_dma semaphore(%arg21 : memref<!tpu.dma_semaphore, #tpu.memory_space<semaphore_mem>>) src(%dma_wait3A_962 : memref<128x16xf32, #tpu.memory_space<vmem>>) dst(%dma_wait3A_968 : memref<10240x16xf32, #tpu.memory_space<vmem_shared>>)
    %dma_wait3A_969 = arith.constant 2 : i32
    %dma_wait3A_970 = arith.constant 156 : i32
    %dma_wait3A_971 = arith.constant 0 : i32
    %dma_wait3A_972 = arith.constant 0 : i32
    %dma_wait3A_973 = tpu.memref_slice %arg14[%dma_wait3A_969, %dma_wait3A_971, %dma_wait3A_972] : memref<14x128x16xf32, #tpu.memory_space<vmem>> -> memref<1x128x16xf32, #tpu.memory_space<vmem>>
    %dma_wait3A_974 = tpu.memref_squeeze %dma_wait3A_973 : memref<1x128x16xf32, #tpu.memory_space<vmem>> -> memref<128x16xf32, #tpu.memory_space<vmem>>
    %dma_wait3A_975 = arith.constant 0 : i32
    %dma_wait3A_976 = tpu.memref_slice %arg13[%dma_wait3A_970, %dma_wait3A_975] : memref<157x128xi32, #tpu.memory_space<vmem>> -> memref<1x128xi32, #tpu.memory_space<vmem>>
    %dma_wait3A_977 = tpu.memref_squeeze %dma_wait3A_976 : memref<1x128xi32, #tpu.memory_space<vmem>> -> memref<128xi32, #tpu.memory_space<vmem>>
    %dma_wait3A_978 = arith.constant 0 : i32
    %dma_wait3A_979 = arith.constant 0 : i32
    %dma_wait3A_980 = tpu.memref_slice %arg11[%dma_wait3A_978, %dma_wait3A_979] : memref<10240x16xf32, #tpu.memory_space<vmem_shared>> -> memref<10240x16xf32, #tpu.memory_space<vmem_shared>>
    tpu.wait_indirect_dma semaphore(%arg21 : memref<!tpu.dma_semaphore, #tpu.memory_space<semaphore_mem>>) src(%dma_wait3A_974 : memref<128x16xf32, #tpu.memory_space<vmem>>) dst(%dma_wait3A_980 : memref<10240x16xf32, #tpu.memory_space<vmem_shared>>)
    %barrier3A_981 = arith.constant 0 : index
    tpu.barrier barrier_id(%barrier3A_981)
    "tpu.region"() ({
      %run_scoped3A = tpu.sem_alloc : memref<!tpu.dma_semaphore, #tpu.memory_space<semaphore_mem>>
      %dma_start3A_2002 = arith.constant 0 : i32
      %dma_start3A_2003 = tpu.memref_slice %arg11[%mul3A_0, %dma_start3A_2002] : memref<10240x16xf32, #tpu.memory_space<vmem_shared>> -> memref<640x16xf32, #tpu.memory_space<vmem_shared>>
      %dma_start3A_2004 = arith.constant 0 : i32
      %dma_start3A_2005 = tpu.memref_slice %arg11[%mul3A_0, %dma_start3A_2004] : memref<10240x16xf32, #tpu.memory_space<vmem_shared>> -> memref<640x16xf32, #tpu.memory_space<vmem_shared>>
      tpu.enqueue_dma source(%dma_start3A_2005 : memref<640x16xf32, #tpu.memory_space<vmem_shared>>) target(%arg15 : memref<640x16xf32, #tpu.memory_space<vmem>>) target_semaphore(%run_scoped3A : memref<!tpu.dma_semaphore, #tpu.memory_space<semaphore_mem>>)
      %dma_wait3A_2006 = arith.constant 0 : i32
      %dma_wait3A_2007 = tpu.memref_slice %arg11[%mul3A_0, %dma_wait3A_2006] : memref<10240x16xf32, #tpu.memory_space<vmem_shared>> -> memref<640x16xf32, #tpu.memory_space<vmem_shared>>
      %dma_wait3A_2008 = arith.constant 0 : i32
      %dma_wait3A_2009 = tpu.memref_slice %arg11[%mul3A_0, %dma_wait3A_2008] : memref<10240x16xf32, #tpu.memory_space<vmem_shared>> -> memref<640x16xf32, #tpu.memory_space<vmem_shared>>
      tpu.wait_dma2 semaphore(%run_scoped3A : memref<!tpu.dma_semaphore, #tpu.memory_space<semaphore_mem>>) src(%dma_wait3A_2009 : memref<640x16xf32, #tpu.memory_space<vmem_shared>>) dst(%arg15 : memref<640x16xf32, #tpu.memory_space<vmem>>)
      tpu.yield
    }) : () -> ()
    %dma_start3A_982 = arith.constant 0 : i32
    %dma_start3A_983 = tpu.memref_slice %arg11[%mul3A_0, %dma_start3A_982] : memref<10240x16xf32, #tpu.memory_space<vmem_shared>> -> memref<640x16xf32, #tpu.memory_space<vmem_shared>>
    %dma_start3A_984 = arith.constant 0 : i32
    %dma_start3A_985 = tpu.memref_slice %arg11[%mul3A_0, %dma_start3A_984] : memref<10240x16xf32, #tpu.memory_space<vmem_shared>> -> memref<640x16xf32, #tpu.memory_space<vmem_shared>>
    tpu.enqueue_dma source(%arg19 : memref<640x16xf32, #tpu.memory_space<vmem>>) target(%dma_start3A_985 : memref<640x16xf32, #tpu.memory_space<vmem_shared>>) target_semaphore(%arg23 : memref<!tpu.dma_semaphore, #tpu.memory_space<semaphore_mem>>)
    %add3A_986 = arith.constant 51200 : i32
    %add3A_987 = arith.addi %add3A_986, %mul3A_0 : i32
    %dma_wait3A_988 = arith.constant 0 : i32
    %dma_wait3A_989 = tpu.memref_slice %arg2[%add3A_987, %dma_wait3A_988] : memref<112640x16xf32, #tpu.memory_space<hbm>> -> memref<640x16xf32, #tpu.memory_space<hbm>>
    %dma_wait3A_990 = arith.constant 0 : i32
    %dma_wait3A_991 = tpu.memref_slice %arg2[%add3A_987, %dma_wait3A_990] : memref<112640x16xf32, #tpu.memory_space<hbm>> -> memref<640x16xf32, #tpu.memory_space<hbm>>
    tpu.wait_dma2 semaphore(%arg22 : memref<!tpu.dma_semaphore, #tpu.memory_space<semaphore_mem>>) src(%dma_wait3A_991 : memref<640x16xf32, #tpu.memory_space<hbm>>) dst(%arg16 : memref<640x16xf32, #tpu.memory_space<vmem>>)
    %scan3A_992 = arith.constant 0 : i32
    %scan3A_993 = arith.constant 640 : i32
    %scan3A_994 = arith.addi %scan3A_992, %scan3A_993 : i32
    %scan3A_995 = arith.constant 1 : i32
    scf.for %scan3A_2002 = %scan3A_992 to %scan3A_994 step %scan3A_995  : i32 {
      %get3A = arith.index_cast %scan3A_2002 : i32 to index
      %get3A_2003 = arith.constant 0 : index
      %get3A_2004 = tpu.vector_load %arg17[%get3A, %get3A_2003] {strides = array<i32>} : memref<640x16xf32, #tpu.memory_space<vmem>>, vector<1x16xf32>,
      %get3A_2005 = vector.shape_cast %get3A_2004 : vector<1x16xf32> to vector<16xf32>
      %get3A_2006 = arith.index_cast %scan3A_2002 : i32 to index
      %get3A_2007 = arith.constant 0 : index
      %get3A_2008 = tpu.vector_load %arg16[%get3A_2006, %get3A_2007] {strides = array<i32>} : memref<640x16xf32, #tpu.memory_space<vmem>>, vector<1x16xf32>,
      %get3A_2009 = vector.shape_cast %get3A_2008 : vector<1x16xf32> to vector<16xf32>
      %mul3A_2010 = arith.mulf %get3A_2005, %get3A_2009 : vector<16xf32>
      %get3A_2011 = arith.index_cast %scan3A_2002 : i32 to index
      %get3A_2012 = arith.constant 0 : index
      %get3A_2013 = tpu.vector_load %arg18[%get3A_2011, %get3A_2012] {strides = array<i32>} : memref<640x16xf32, #tpu.memory_space<vmem>>, vector<1x16xf32>,
      %get3A_2014 = vector.shape_cast %get3A_2013 : vector<1x16xf32> to vector<16xf32>
      %get3A_2015 = arith.index_cast %scan3A_2002 : i32 to index
      %get3A_2016 = arith.constant 0 : index
      %get3A_2017 = tpu.vector_load %arg15[%get3A_2015, %get3A_2016] {strides = array<i32>} : memref<640x16xf32, #tpu.memory_space<vmem>>, vector<1x16xf32>,
      %get3A_2018 = vector.shape_cast %get3A_2017 : vector<1x16xf32> to vector<16xf32>
      %mul3A_2019 = arith.mulf %get3A_2014, %get3A_2018 : vector<16xf32>
      %add3A_2020 = arith.addf %mul3A_2010, %mul3A_2019 : vector<16xf32>
      %swap3A = arith.index_cast %scan3A_2002 : i32 to index
      %swap3A_2021 = arith.constant 0 : index
      %swap3A_2022 = tpu.vector_load %arg16[%swap3A, %swap3A_2021] {strides = array<i32>} : memref<640x16xf32, #tpu.memory_space<vmem>>, vector<1x16xf32>,
      %swap3A_2023 = vector.shape_cast %swap3A_2022 : vector<1x16xf32> to vector<16xf32>
      %swap3A_2024 = vector.shape_cast %add3A_2020 : vector<16xf32> to vector<1x16xf32>
      tpu.vector_store %arg16[%swap3A, %swap3A_2021], %swap3A_2024 {strides = array<i32>} : memref<640x16xf32, #tpu.memory_space<vmem>>, vector<1x16xf32>,
    }
    %scan3A_996 = arith.constant 640 : i32
    "tpu.region"() ({
      %run_scoped3A = tpu.sem_alloc : memref<!tpu.dma_semaphore, #tpu.memory_space<semaphore_mem>>
      %dma_start3A_2002 = arith.constant 0 : i32
      %dma_start3A_2003 = tpu.memref_slice %arg9[%mul3A_0, %dma_start3A_2002] : memref<10240x16xf32, #tpu.memory_space<hbm>> -> memref<640x16xf32, #tpu.memory_space<hbm>>
      %dma_start3A_2004 = arith.constant 0 : i32
      %dma_start3A_2005 = tpu.memref_slice %arg9[%mul3A_0, %dma_start3A_2004] : memref<10240x16xf32, #tpu.memory_space<hbm>> -> memref<640x16xf32, #tpu.memory_space<hbm>>
      tpu.enqueue_dma source(%arg16 : memref<640x16xf32, #tpu.memory_space<vmem>>) target(%dma_start3A_2005 : memref<640x16xf32, #tpu.memory_space<hbm>>) target_semaphore(%run_scoped3A : memref<!tpu.dma_semaphore, #tpu.memory_space<semaphore_mem>>)
      %dma_wait3A_2006 = arith.constant 0 : i32
      %dma_wait3A_2007 = tpu.memref_slice %arg9[%mul3A_0, %dma_wait3A_2006] : memref<10240x16xf32, #tpu.memory_space<hbm>> -> memref<640x16xf32, #tpu.memory_space<hbm>>
      %dma_wait3A_2008 = arith.constant 0 : i32
      %dma_wait3A_2009 = tpu.memref_slice %arg9[%mul3A_0, %dma_wait3A_2008] : memref<10240x16xf32, #tpu.memory_space<hbm>> -> memref<640x16xf32, #tpu.memory_space<hbm>>
      tpu.wait_dma2 semaphore(%run_scoped3A : memref<!tpu.dma_semaphore, #tpu.memory_space<semaphore_mem>>) src(%arg16 : memref<640x16xf32, #tpu.memory_space<vmem>>) dst(%dma_wait3A_2009 : memref<640x16xf32, #tpu.memory_space<hbm>>)
      tpu.yield
    }) : () -> ()
    %dma_wait3A_997 = arith.constant 0 : i32
    %dma_wait3A_998 = tpu.memref_slice %arg11[%mul3A_0, %dma_wait3A_997] : memref<10240x16xf32, #tpu.memory_space<vmem_shared>> -> memref<640x16xf32, #tpu.memory_space<vmem_shared>>
    %dma_wait3A_999 = arith.constant 0 : i32
    %dma_wait3A_1000 = tpu.memref_slice %arg11[%mul3A_0, %dma_wait3A_999] : memref<10240x16xf32, #tpu.memory_space<vmem_shared>> -> memref<640x16xf32, #tpu.memory_space<vmem_shared>>
    tpu.wait_dma2 semaphore(%arg23 : memref<!tpu.dma_semaphore, #tpu.memory_space<semaphore_mem>>) src(%arg19 : memref<640x16xf32, #tpu.memory_space<vmem>>) dst(%dma_wait3A_1000 : memref<640x16xf32, #tpu.memory_space<vmem_shared>>)
    %barrier3A_1001 = arith.constant 0 : index
    tpu.barrier barrier_id(%barrier3A_1001)
    %add3A_1002 = arith.constant 61440 : i32
    %add3A_1003 = arith.addi %add3A_1002, %mul3A_0 : i32
    %dma_start3A_1004 = arith.constant 0 : i32
    %dma_start3A_1005 = tpu.memref_slice %arg2[%add3A_1003, %dma_start3A_1004] : memref<112640x16xf32, #tpu.memory_space<hbm>> -> memref<640x16xf32, #tpu.memory_space<hbm>>
    %dma_start3A_1006 = arith.constant 0 : i32
    %dma_start3A_1007 = tpu.memref_slice %arg2[%add3A_1003, %dma_start3A_1006] : memref<112640x16xf32, #tpu.memory_space<hbm>> -> memref<640x16xf32, #tpu.memory_space<hbm>>
    tpu.enqueue_dma source(%dma_start3A_1007 : memref<640x16xf32, #tpu.memory_space<hbm>>) target(%arg16 : memref<640x16xf32, #tpu.memory_space<vmem>>) target_semaphore(%arg22 : memref<!tpu.dma_semaphore, #tpu.memory_space<semaphore_mem>>)
    %dma_start3A_1008 = arith.constant 0 : i32
    %dma_start3A_1009 = arith.constant 0 : i32
    %dma_start3A_1010 = arith.constant 0 : i32
    %dma_start3A_1011 = arith.constant 0 : i32
    %dma_start3A_1012 = tpu.memref_slice %arg14[%dma_start3A_1009, %dma_start3A_1010, %dma_start3A_1011] : memref<14x128x16xf32, #tpu.memory_space<vmem>> -> memref<1x128x16xf32, #tpu.memory_space<vmem>>
    %dma_start3A_1013 = tpu.memref_squeeze %dma_start3A_1012 : memref<1x128x16xf32, #tpu.memory_space<vmem>> -> memref<128x16xf32, #tpu.memory_space<vmem>>
    %dma_start3A_1014 = arith.constant 0 : i32
    %dma_start3A_1015 = tpu.memref_slice %arg12[%dma_start3A_1008, %dma_start3A_1014] : memref<157x128xi32, #tpu.memory_space<vmem>> -> memref<1x128xi32, #tpu.memory_space<vmem>>
    %dma_start3A_1016 = tpu.memref_squeeze %dma_start3A_1015 : memref<1x128xi32, #tpu.memory_space<vmem>> -> memref<128xi32, #tpu.memory_space<vmem>>
    %dma_start3A_1017 = arith.constant 0 : i32
    %dma_start3A_1018 = arith.constant 0 : i32
    %dma_start3A_1019 = tpu.memref_slice %arg9[%dma_start3A_1017, %dma_start3A_1018] : memref<10240x16xf32, #tpu.memory_space<hbm>> -> memref<10240x16xf32, #tpu.memory_space<hbm>>
    tpu.enqueue_indirect_dma source(%dma_start3A_1019 : memref<10240x16xf32, #tpu.memory_space<hbm>>) target(%dma_start3A_1013 : memref<128x16xf32, #tpu.memory_space<vmem>>) offsets(%dma_start3A_1016 : memref<128xi32, #tpu.memory_space<vmem>>) semaphore(%arg20 : memref<!tpu.dma_semaphore, #tpu.memory_space<semaphore_mem>>)
    %dma_start3A_1020 = arith.constant 1 : i32
    %dma_start3A_1021 = arith.constant 1 : i32
    %dma_start3A_1022 = arith.constant 0 : i32
    %dma_start3A_1023 = arith.constant 0 : i32
    %dma_start3A_1024 = tpu.memref_slice %arg14[%dma_start3A_1021, %dma_start3A_1022, %dma_start3A_1023] : memref<14x128x16xf32, #tpu.memory_space<vmem>> -> memref<1x128x16xf32, #tpu.memory_space<vmem>>
    %dma_start3A_1025 = tpu.memref_squeeze %dma_start3A_1024 : memref<1x128x16xf32, #tpu.memory_space<vmem>> -> memref<128x16xf32, #tpu.memory_space<vmem>>
    %dma_start3A_1026 = arith.constant 0 : i32
    %dma_start3A_1027 = tpu.memref_slice %arg12[%dma_start3A_1020, %dma_start3A_1026] : memref<157x128xi32, #tpu.memory_space<vmem>> -> memref<1x128xi32, #tpu.memory_space<vmem>>
    %dma_start3A_1028 = tpu.memref_squeeze %dma_start3A_1027 : memref<1x128xi32, #tpu.memory_space<vmem>> -> memref<128xi32, #tpu.memory_space<vmem>>
    %dma_start3A_1029 = arith.constant 0 : i32
    %dma_start3A_1030 = arith.constant 0 : i32
    %dma_start3A_1031 = tpu.memref_slice %arg9[%dma_start3A_1029, %dma_start3A_1030] : memref<10240x16xf32, #tpu.memory_space<hbm>> -> memref<10240x16xf32, #tpu.memory_space<hbm>>
    tpu.enqueue_indirect_dma source(%dma_start3A_1031 : memref<10240x16xf32, #tpu.memory_space<hbm>>) target(%dma_start3A_1025 : memref<128x16xf32, #tpu.memory_space<vmem>>) offsets(%dma_start3A_1028 : memref<128xi32, #tpu.memory_space<vmem>>) semaphore(%arg20 : memref<!tpu.dma_semaphore, #tpu.memory_space<semaphore_mem>>)
    %dma_start3A_1032 = arith.constant 2 : i32
    %dma_start3A_1033 = arith.constant 2 : i32
    %dma_start3A_1034 = arith.constant 0 : i32
    %dma_start3A_1035 = arith.constant 0 : i32
    %dma_start3A_1036 = tpu.memref_slice %arg14[%dma_start3A_1033, %dma_start3A_1034, %dma_start3A_1035] : memref<14x128x16xf32, #tpu.memory_space<vmem>> -> memref<1x128x16xf32, #tpu.memory_space<vmem>>
    %dma_start3A_1037 = tpu.memref_squeeze %dma_start3A_1036 : memref<1x128x16xf32, #tpu.memory_space<vmem>> -> memref<128x16xf32, #tpu.memory_space<vmem>>
    %dma_start3A_1038 = arith.constant 0 : i32
    %dma_start3A_1039 = tpu.memref_slice %arg12[%dma_start3A_1032, %dma_start3A_1038] : memref<157x128xi32, #tpu.memory_space<vmem>> -> memref<1x128xi32, #tpu.memory_space<vmem>>
    %dma_start3A_1040 = tpu.memref_squeeze %dma_start3A_1039 : memref<1x128xi32, #tpu.memory_space<vmem>> -> memref<128xi32, #tpu.memory_space<vmem>>
    %dma_start3A_1041 = arith.constant 0 : i32
    %dma_start3A_1042 = arith.constant 0 : i32
    %dma_start3A_1043 = tpu.memref_slice %arg9[%dma_start3A_1041, %dma_start3A_1042] : memref<10240x16xf32, #tpu.memory_space<hbm>> -> memref<10240x16xf32, #tpu.memory_space<hbm>>
    tpu.enqueue_indirect_dma source(%dma_start3A_1043 : memref<10240x16xf32, #tpu.memory_space<hbm>>) target(%dma_start3A_1037 : memref<128x16xf32, #tpu.memory_space<vmem>>) offsets(%dma_start3A_1040 : memref<128xi32, #tpu.memory_space<vmem>>) semaphore(%arg20 : memref<!tpu.dma_semaphore, #tpu.memory_space<semaphore_mem>>)
    %dma_start3A_1044 = arith.constant 3 : i32
    %dma_start3A_1045 = arith.constant 3 : i32
    %dma_start3A_1046 = arith.constant 0 : i32
    %dma_start3A_1047 = arith.constant 0 : i32
    %dma_start3A_1048 = tpu.memref_slice %arg14[%dma_start3A_1045, %dma_start3A_1046, %dma_start3A_1047] : memref<14x128x16xf32, #tpu.memory_space<vmem>> -> memref<1x128x16xf32, #tpu.memory_space<vmem>>
    %dma_start3A_1049 = tpu.memref_squeeze %dma_start3A_1048 : memref<1x128x16xf32, #tpu.memory_space<vmem>> -> memref<128x16xf32, #tpu.memory_space<vmem>>
    %dma_start3A_1050 = arith.constant 0 : i32
    %dma_start3A_1051 = tpu.memref_slice %arg12[%dma_start3A_1044, %dma_start3A_1050] : memref<157x128xi32, #tpu.memory_space<vmem>> -> memref<1x128xi32, #tpu.memory_space<vmem>>
    %dma_start3A_1052 = tpu.memref_squeeze %dma_start3A_1051 : memref<1x128xi32, #tpu.memory_space<vmem>> -> memref<128xi32, #tpu.memory_space<vmem>>
    %dma_start3A_1053 = arith.constant 0 : i32
    %dma_start3A_1054 = arith.constant 0 : i32
    %dma_start3A_1055 = tpu.memref_slice %arg9[%dma_start3A_1053, %dma_start3A_1054] : memref<10240x16xf32, #tpu.memory_space<hbm>> -> memref<10240x16xf32, #tpu.memory_space<hbm>>
    tpu.enqueue_indirect_dma source(%dma_start3A_1055 : memref<10240x16xf32, #tpu.memory_space<hbm>>) target(%dma_start3A_1049 : memref<128x16xf32, #tpu.memory_space<vmem>>) offsets(%dma_start3A_1052 : memref<128xi32, #tpu.memory_space<vmem>>) semaphore(%arg20 : memref<!tpu.dma_semaphore, #tpu.memory_space<semaphore_mem>>)
    %dma_start3A_1056 = arith.constant 4 : i32
    %dma_start3A_1057 = arith.constant 4 : i32
    %dma_start3A_1058 = arith.constant 0 : i32
    %dma_start3A_1059 = arith.constant 0 : i32
    %dma_start3A_1060 = tpu.memref_slice %arg14[%dma_start3A_1057, %dma_start3A_1058, %dma_start3A_1059] : memref<14x128x16xf32, #tpu.memory_space<vmem>> -> memref<1x128x16xf32, #tpu.memory_space<vmem>>
    %dma_start3A_1061 = tpu.memref_squeeze %dma_start3A_1060 : memref<1x128x16xf32, #tpu.memory_space<vmem>> -> memref<128x16xf32, #tpu.memory_space<vmem>>
    %dma_start3A_1062 = arith.constant 0 : i32
    %dma_start3A_1063 = tpu.memref_slice %arg12[%dma_start3A_1056, %dma_start3A_1062] : memref<157x128xi32, #tpu.memory_space<vmem>> -> memref<1x128xi32, #tpu.memory_space<vmem>>
    %dma_start3A_1064 = tpu.memref_squeeze %dma_start3A_1063 : memref<1x128xi32, #tpu.memory_space<vmem>> -> memref<128xi32, #tpu.memory_space<vmem>>
    %dma_start3A_1065 = arith.constant 0 : i32
    %dma_start3A_1066 = arith.constant 0 : i32
    %dma_start3A_1067 = tpu.memref_slice %arg9[%dma_start3A_1065, %dma_start3A_1066] : memref<10240x16xf32, #tpu.memory_space<hbm>> -> memref<10240x16xf32, #tpu.memory_space<hbm>>
    tpu.enqueue_indirect_dma source(%dma_start3A_1067 : memref<10240x16xf32, #tpu.memory_space<hbm>>) target(%dma_start3A_1061 : memref<128x16xf32, #tpu.memory_space<vmem>>) offsets(%dma_start3A_1064 : memref<128xi32, #tpu.memory_space<vmem>>) semaphore(%arg20 : memref<!tpu.dma_semaphore, #tpu.memory_space<semaphore_mem>>)
    %dma_start3A_1068 = arith.constant 5 : i32
    %dma_start3A_1069 = arith.constant 5 : i32
    %dma_start3A_1070 = arith.constant 0 : i32
    %dma_start3A_1071 = arith.constant 0 : i32
    %dma_start3A_1072 = tpu.memref_slice %arg14[%dma_start3A_1069, %dma_start3A_1070, %dma_start3A_1071] : memref<14x128x16xf32, #tpu.memory_space<vmem>> -> memref<1x128x16xf32, #tpu.memory_space<vmem>>
    %dma_start3A_1073 = tpu.memref_squeeze %dma_start3A_1072 : memref<1x128x16xf32, #tpu.memory_space<vmem>> -> memref<128x16xf32, #tpu.memory_space<vmem>>
    %dma_start3A_1074 = arith.constant 0 : i32
    %dma_start3A_1075 = tpu.memref_slice %arg12[%dma_start3A_1068, %dma_start3A_1074] : memref<157x128xi32, #tpu.memory_space<vmem>> -> memref<1x128xi32, #tpu.memory_space<vmem>>
    %dma_start3A_1076 = tpu.memref_squeeze %dma_start3A_1075 : memref<1x128xi32, #tpu.memory_space<vmem>> -> memref<128xi32, #tpu.memory_space<vmem>>
    %dma_start3A_1077 = arith.constant 0 : i32
    %dma_start3A_1078 = arith.constant 0 : i32
    %dma_start3A_1079 = tpu.memref_slice %arg9[%dma_start3A_1077, %dma_start3A_1078] : memref<10240x16xf32, #tpu.memory_space<hbm>> -> memref<10240x16xf32, #tpu.memory_space<hbm>>
    tpu.enqueue_indirect_dma source(%dma_start3A_1079 : memref<10240x16xf32, #tpu.memory_space<hbm>>) target(%dma_start3A_1073 : memref<128x16xf32, #tpu.memory_space<vmem>>) offsets(%dma_start3A_1076 : memref<128xi32, #tpu.memory_space<vmem>>) semaphore(%arg20 : memref<!tpu.dma_semaphore, #tpu.memory_space<semaphore_mem>>)
    %dma_start3A_1080 = arith.constant 6 : i32
    %dma_start3A_1081 = arith.constant 6 : i32
    %dma_start3A_1082 = arith.constant 0 : i32
    %dma_start3A_1083 = arith.constant 0 : i32
    %dma_start3A_1084 = tpu.memref_slice %arg14[%dma_start3A_1081, %dma_start3A_1082, %dma_start3A_1083] : memref<14x128x16xf32, #tpu.memory_space<vmem>> -> memref<1x128x16xf32, #tpu.memory_space<vmem>>
    %dma_start3A_1085 = tpu.memref_squeeze %dma_start3A_1084 : memref<1x128x16xf32, #tpu.memory_space<vmem>> -> memref<128x16xf32, #tpu.memory_space<vmem>>
    %dma_start3A_1086 = arith.constant 0 : i32
    %dma_start3A_1087 = tpu.memref_slice %arg12[%dma_start3A_1080, %dma_start3A_1086] : memref<157x128xi32, #tpu.memory_space<vmem>> -> memref<1x128xi32, #tpu.memory_space<vmem>>
    %dma_start3A_1088 = tpu.memref_squeeze %dma_start3A_1087 : memref<1x128xi32, #tpu.memory_space<vmem>> -> memref<128xi32, #tpu.memory_space<vmem>>
    %dma_start3A_1089 = arith.constant 0 : i32
    %dma_start3A_1090 = arith.constant 0 : i32
    %dma_start3A_1091 = tpu.memref_slice %arg9[%dma_start3A_1089, %dma_start3A_1090] : memref<10240x16xf32, #tpu.memory_space<hbm>> -> memref<10240x16xf32, #tpu.memory_space<hbm>>
    tpu.enqueue_indirect_dma source(%dma_start3A_1091 : memref<10240x16xf32, #tpu.memory_space<hbm>>) target(%dma_start3A_1085 : memref<128x16xf32, #tpu.memory_space<vmem>>) offsets(%dma_start3A_1088 : memref<128xi32, #tpu.memory_space<vmem>>) semaphore(%arg20 : memref<!tpu.dma_semaphore, #tpu.memory_space<semaphore_mem>>)
    %scan3A_1092 = arith.constant 0 : i32
    %scan3A_1093 = arith.constant 157 : i32
    %scan3A_1094 = arith.addi %scan3A_1092, %scan3A_1093 : i32
    %scan3A_1095 = arith.constant 1 : i32
    scf.for %scan3A_2002 = %scan3A_1092 to %scan3A_1094 step %scan3A_1095  : i32 {
      %rem3A = arith.constant 14 : i32
      %rem3A_2003 = arith.remsi %scan3A_2002, %rem3A : i32
      %dma_wait3A_2004 = arith.constant 0 : i32
      %dma_wait3A_2005 = arith.constant 0 : i32
      %dma_wait3A_2006 = tpu.memref_slice %arg14[%rem3A_2003, %dma_wait3A_2004, %dma_wait3A_2005] : memref<14x128x16xf32, #tpu.memory_space<vmem>> -> memref<1x128x16xf32, #tpu.memory_space<vmem>>
      %dma_wait3A_2007 = tpu.memref_squeeze %dma_wait3A_2006 : memref<1x128x16xf32, #tpu.memory_space<vmem>> -> memref<128x16xf32, #tpu.memory_space<vmem>>
      %dma_wait3A_2008 = arith.constant 0 : i32
      %dma_wait3A_2009 = tpu.memref_slice %arg12[%scan3A_2002, %dma_wait3A_2008] : memref<157x128xi32, #tpu.memory_space<vmem>> -> memref<1x128xi32, #tpu.memory_space<vmem>>
      %dma_wait3A_2010 = tpu.memref_squeeze %dma_wait3A_2009 : memref<1x128xi32, #tpu.memory_space<vmem>> -> memref<128xi32, #tpu.memory_space<vmem>>
      %dma_wait3A_2011 = arith.constant 0 : i32
      %dma_wait3A_2012 = arith.constant 0 : i32
      %dma_wait3A_2013 = tpu.memref_slice %arg9[%dma_wait3A_2011, %dma_wait3A_2012] : memref<10240x16xf32, #tpu.memory_space<hbm>> -> memref<10240x16xf32, #tpu.memory_space<hbm>>
      tpu.wait_indirect_dma semaphore(%arg20 : memref<!tpu.dma_semaphore, #tpu.memory_space<semaphore_mem>>) src(%dma_wait3A_2013 : memref<10240x16xf32, #tpu.memory_space<hbm>>) dst(%dma_wait3A_2007 : memref<128x16xf32, #tpu.memory_space<vmem>>)
      %dma_start3A_2014 = arith.constant 0 : i32
      %dma_start3A_2015 = arith.constant 0 : i32
      %dma_start3A_2016 = tpu.memref_slice %arg14[%rem3A_2003, %dma_start3A_2014, %dma_start3A_2015] : memref<14x128x16xf32, #tpu.memory_space<vmem>> -> memref<1x128x16xf32, #tpu.memory_space<vmem>>
      %dma_start3A_2017 = tpu.memref_squeeze %dma_start3A_2016 : memref<1x128x16xf32, #tpu.memory_space<vmem>> -> memref<128x16xf32, #tpu.memory_space<vmem>>
      %dma_start3A_2018 = arith.constant 0 : i32
      %dma_start3A_2019 = tpu.memref_slice %arg13[%scan3A_2002, %dma_start3A_2018] : memref<157x128xi32, #tpu.memory_space<vmem>> -> memref<1x128xi32, #tpu.memory_space<vmem>>
      %dma_start3A_2020 = tpu.memref_squeeze %dma_start3A_2019 : memref<1x128xi32, #tpu.memory_space<vmem>> -> memref<128xi32, #tpu.memory_space<vmem>>
      %dma_start3A_2021 = arith.constant 0 : i32
      %dma_start3A_2022 = arith.constant 0 : i32
      %dma_start3A_2023 = tpu.memref_slice %arg11[%dma_start3A_2021, %dma_start3A_2022] : memref<10240x16xf32, #tpu.memory_space<vmem_shared>> -> memref<10240x16xf32, #tpu.memory_space<vmem_shared>>
      tpu.enqueue_indirect_dma source(%dma_start3A_2017 : memref<128x16xf32, #tpu.memory_space<vmem>>) target(%dma_start3A_2023 : memref<10240x16xf32, #tpu.memory_space<vmem_shared>>) offsets(%dma_start3A_2020 : memref<128xi32, #tpu.memory_space<vmem>>) semaphore(%arg21 : memref<!tpu.dma_semaphore, #tpu.memory_space<semaphore_mem>>) {add = true}
      %ge3A = arith.constant 7 : i32
      %ge3A_2024 = arith.cmpi sge, %scan3A_2002, %ge3A : i32
      %convert_element_type3A = arith.extui %ge3A_2024 : i1 to i32
      %cond3A = arith.constant 0 : i32
      %cond3A_2025 = arith.cmpi ne, %convert_element_type3A, %cond3A : i32
      scf.if %cond3A_2025 {
        %sub3A = arith.constant 7 : i32
        %sub3A_2032 = arith.subi %scan3A_2002, %sub3A : i32
        %rem3A_2033 = arith.constant 14 : i32
        %rem3A_2034 = arith.remsi %sub3A_2032, %rem3A_2033 : i32
        %dma_wait3A_2035 = arith.constant 0 : i32
        %dma_wait3A_2036 = arith.constant 0 : i32
        %dma_wait3A_2037 = tpu.memref_slice %arg14[%rem3A_2034, %dma_wait3A_2035, %dma_wait3A_2036] : memref<14x128x16xf32, #tpu.memory_space<vmem>> -> memref<1x128x16xf32, #tpu.memory_space<vmem>>
        %dma_wait3A_2038 = tpu.memref_squeeze %dma_wait3A_2037 : memref<1x128x16xf32, #tpu.memory_space<vmem>> -> memref<128x16xf32, #tpu.memory_space<vmem>>
        %dma_wait3A_2039 = arith.constant 0 : i32
        %dma_wait3A_2040 = tpu.memref_slice %arg13[%sub3A_2032, %dma_wait3A_2039] : memref<157x128xi32, #tpu.memory_space<vmem>> -> memref<1x128xi32, #tpu.memory_space<vmem>>
        %dma_wait3A_2041 = tpu.memref_squeeze %dma_wait3A_2040 : memref<1x128xi32, #tpu.memory_space<vmem>> -> memref<128xi32, #tpu.memory_space<vmem>>
        %dma_wait3A_2042 = arith.constant 0 : i32
        %dma_wait3A_2043 = arith.constant 0 : i32
        %dma_wait3A_2044 = tpu.memref_slice %arg11[%dma_wait3A_2042, %dma_wait3A_2043] : memref<10240x16xf32, #tpu.memory_space<vmem_shared>> -> memref<10240x16xf32, #tpu.memory_space<vmem_shared>>
        tpu.wait_indirect_dma semaphore(%arg21 : memref<!tpu.dma_semaphore, #tpu.memory_space<semaphore_mem>>) src(%dma_wait3A_2038 : memref<128x16xf32, #tpu.memory_space<vmem>>) dst(%dma_wait3A_2044 : memref<10240x16xf32, #tpu.memory_space<vmem_shared>>)
      } else {
      }
      %add3A_2026 = arith.constant 7 : i32
      %add3A_2027 = arith.addi %scan3A_2002, %add3A_2026 : i32
      %lt3A = arith.constant 157 : i32
      %lt3A_2028 = arith.cmpi slt, %add3A_2027, %lt3A : i32
      %convert_element_type3A_2029 = arith.extui %lt3A_2028 : i1 to i32
      %cond3A_2030 = arith.constant 0 : i32
      %cond3A_2031 = arith.cmpi ne, %convert_element_type3A_2029, %cond3A_2030 : i32
      scf.if %cond3A_2031 {
        %add3A_2032 = arith.constant 7 : i32
        %add3A_2033 = arith.addi %scan3A_2002, %add3A_2032 : i32
        %rem3A_2034 = arith.constant 14 : i32
        %rem3A_2035 = arith.remsi %add3A_2033, %rem3A_2034 : i32
        %dma_start3A_2036 = arith.constant 0 : i32
        %dma_start3A_2037 = arith.constant 0 : i32
        %dma_start3A_2038 = tpu.memref_slice %arg14[%rem3A_2035, %dma_start3A_2036, %dma_start3A_2037] : memref<14x128x16xf32, #tpu.memory_space<vmem>> -> memref<1x128x16xf32, #tpu.memory_space<vmem>>
        %dma_start3A_2039 = tpu.memref_squeeze %dma_start3A_2038 : memref<1x128x16xf32, #tpu.memory_space<vmem>> -> memref<128x16xf32, #tpu.memory_space<vmem>>
        %dma_start3A_2040 = arith.constant 0 : i32
        %dma_start3A_2041 = tpu.memref_slice %arg12[%add3A_2033, %dma_start3A_2040] : memref<157x128xi32, #tpu.memory_space<vmem>> -> memref<1x128xi32, #tpu.memory_space<vmem>>
        %dma_start3A_2042 = tpu.memref_squeeze %dma_start3A_2041 : memref<1x128xi32, #tpu.memory_space<vmem>> -> memref<128xi32, #tpu.memory_space<vmem>>
        %dma_start3A_2043 = arith.constant 0 : i32
        %dma_start3A_2044 = arith.constant 0 : i32
        %dma_start3A_2045 = tpu.memref_slice %arg9[%dma_start3A_2043, %dma_start3A_2044] : memref<10240x16xf32, #tpu.memory_space<hbm>> -> memref<10240x16xf32, #tpu.memory_space<hbm>>
        tpu.enqueue_indirect_dma source(%dma_start3A_2045 : memref<10240x16xf32, #tpu.memory_space<hbm>>) target(%dma_start3A_2039 : memref<128x16xf32, #tpu.memory_space<vmem>>) offsets(%dma_start3A_2042 : memref<128xi32, #tpu.memory_space<vmem>>) semaphore(%arg20 : memref<!tpu.dma_semaphore, #tpu.memory_space<semaphore_mem>>)
      } else {
      }
    }
    %scan3A_1096 = arith.constant 157 : i32
    %dma_wait3A_1097 = arith.constant 10 : i32
    %dma_wait3A_1098 = arith.constant 150 : i32
    %dma_wait3A_1099 = arith.constant 0 : i32
    %dma_wait3A_1100 = arith.constant 0 : i32
    %dma_wait3A_1101 = tpu.memref_slice %arg14[%dma_wait3A_1097, %dma_wait3A_1099, %dma_wait3A_1100] : memref<14x128x16xf32, #tpu.memory_space<vmem>> -> memref<1x128x16xf32, #tpu.memory_space<vmem>>
    %dma_wait3A_1102 = tpu.memref_squeeze %dma_wait3A_1101 : memref<1x128x16xf32, #tpu.memory_space<vmem>> -> memref<128x16xf32, #tpu.memory_space<vmem>>
    %dma_wait3A_1103 = arith.constant 0 : i32
    %dma_wait3A_1104 = tpu.memref_slice %arg13[%dma_wait3A_1098, %dma_wait3A_1103] : memref<157x128xi32, #tpu.memory_space<vmem>> -> memref<1x128xi32, #tpu.memory_space<vmem>>
    %dma_wait3A_1105 = tpu.memref_squeeze %dma_wait3A_1104 : memref<1x128xi32, #tpu.memory_space<vmem>> -> memref<128xi32, #tpu.memory_space<vmem>>
    %dma_wait3A_1106 = arith.constant 0 : i32
    %dma_wait3A_1107 = arith.constant 0 : i32
    %dma_wait3A_1108 = tpu.memref_slice %arg11[%dma_wait3A_1106, %dma_wait3A_1107] : memref<10240x16xf32, #tpu.memory_space<vmem_shared>> -> memref<10240x16xf32, #tpu.memory_space<vmem_shared>>
    tpu.wait_indirect_dma semaphore(%arg21 : memref<!tpu.dma_semaphore, #tpu.memory_space<semaphore_mem>>) src(%dma_wait3A_1102 : memref<128x16xf32, #tpu.memory_space<vmem>>) dst(%dma_wait3A_1108 : memref<10240x16xf32, #tpu.memory_space<vmem_shared>>)
    %dma_wait3A_1109 = arith.constant 11 : i32
    %dma_wait3A_1110 = arith.constant 151 : i32
    %dma_wait3A_1111 = arith.constant 0 : i32
    %dma_wait3A_1112 = arith.constant 0 : i32
    %dma_wait3A_1113 = tpu.memref_slice %arg14[%dma_wait3A_1109, %dma_wait3A_1111, %dma_wait3A_1112] : memref<14x128x16xf32, #tpu.memory_space<vmem>> -> memref<1x128x16xf32, #tpu.memory_space<vmem>>
    %dma_wait3A_1114 = tpu.memref_squeeze %dma_wait3A_1113 : memref<1x128x16xf32, #tpu.memory_space<vmem>> -> memref<128x16xf32, #tpu.memory_space<vmem>>
    %dma_wait3A_1115 = arith.constant 0 : i32
    %dma_wait3A_1116 = tpu.memref_slice %arg13[%dma_wait3A_1110, %dma_wait3A_1115] : memref<157x128xi32, #tpu.memory_space<vmem>> -> memref<1x128xi32, #tpu.memory_space<vmem>>
    %dma_wait3A_1117 = tpu.memref_squeeze %dma_wait3A_1116 : memref<1x128xi32, #tpu.memory_space<vmem>> -> memref<128xi32, #tpu.memory_space<vmem>>
    %dma_wait3A_1118 = arith.constant 0 : i32
    %dma_wait3A_1119 = arith.constant 0 : i32
    %dma_wait3A_1120 = tpu.memref_slice %arg11[%dma_wait3A_1118, %dma_wait3A_1119] : memref<10240x16xf32, #tpu.memory_space<vmem_shared>> -> memref<10240x16xf32, #tpu.memory_space<vmem_shared>>
    tpu.wait_indirect_dma semaphore(%arg21 : memref<!tpu.dma_semaphore, #tpu.memory_space<semaphore_mem>>) src(%dma_wait3A_1114 : memref<128x16xf32, #tpu.memory_space<vmem>>) dst(%dma_wait3A_1120 : memref<10240x16xf32, #tpu.memory_space<vmem_shared>>)
    %dma_wait3A_1121 = arith.constant 12 : i32
    %dma_wait3A_1122 = arith.constant 152 : i32
    %dma_wait3A_1123 = arith.constant 0 : i32
    %dma_wait3A_1124 = arith.constant 0 : i32
    %dma_wait3A_1125 = tpu.memref_slice %arg14[%dma_wait3A_1121, %dma_wait3A_1123, %dma_wait3A_1124] : memref<14x128x16xf32, #tpu.memory_space<vmem>> -> memref<1x128x16xf32, #tpu.memory_space<vmem>>
    %dma_wait3A_1126 = tpu.memref_squeeze %dma_wait3A_1125 : memref<1x128x16xf32, #tpu.memory_space<vmem>> -> memref<128x16xf32, #tpu.memory_space<vmem>>
    %dma_wait3A_1127 = arith.constant 0 : i32
    %dma_wait3A_1128 = tpu.memref_slice %arg13[%dma_wait3A_1122, %dma_wait3A_1127] : memref<157x128xi32, #tpu.memory_space<vmem>> -> memref<1x128xi32, #tpu.memory_space<vmem>>
    %dma_wait3A_1129 = tpu.memref_squeeze %dma_wait3A_1128 : memref<1x128xi32, #tpu.memory_space<vmem>> -> memref<128xi32, #tpu.memory_space<vmem>>
    %dma_wait3A_1130 = arith.constant 0 : i32
    %dma_wait3A_1131 = arith.constant 0 : i32
    %dma_wait3A_1132 = tpu.memref_slice %arg11[%dma_wait3A_1130, %dma_wait3A_1131] : memref<10240x16xf32, #tpu.memory_space<vmem_shared>> -> memref<10240x16xf32, #tpu.memory_space<vmem_shared>>
    tpu.wait_indirect_dma semaphore(%arg21 : memref<!tpu.dma_semaphore, #tpu.memory_space<semaphore_mem>>) src(%dma_wait3A_1126 : memref<128x16xf32, #tpu.memory_space<vmem>>) dst(%dma_wait3A_1132 : memref<10240x16xf32, #tpu.memory_space<vmem_shared>>)
    %dma_wait3A_1133 = arith.constant 13 : i32
    %dma_wait3A_1134 = arith.constant 153 : i32
    %dma_wait3A_1135 = arith.constant 0 : i32
    %dma_wait3A_1136 = arith.constant 0 : i32
    %dma_wait3A_1137 = tpu.memref_slice %arg14[%dma_wait3A_1133, %dma_wait3A_1135, %dma_wait3A_1136] : memref<14x128x16xf32, #tpu.memory_space<vmem>> -> memref<1x128x16xf32, #tpu.memory_space<vmem>>
    %dma_wait3A_1138 = tpu.memref_squeeze %dma_wait3A_1137 : memref<1x128x16xf32, #tpu.memory_space<vmem>> -> memref<128x16xf32, #tpu.memory_space<vmem>>
    %dma_wait3A_1139 = arith.constant 0 : i32
    %dma_wait3A_1140 = tpu.memref_slice %arg13[%dma_wait3A_1134, %dma_wait3A_1139] : memref<157x128xi32, #tpu.memory_space<vmem>> -> memref<1x128xi32, #tpu.memory_space<vmem>>
    %dma_wait3A_1141 = tpu.memref_squeeze %dma_wait3A_1140 : memref<1x128xi32, #tpu.memory_space<vmem>> -> memref<128xi32, #tpu.memory_space<vmem>>
    %dma_wait3A_1142 = arith.constant 0 : i32
    %dma_wait3A_1143 = arith.constant 0 : i32
    %dma_wait3A_1144 = tpu.memref_slice %arg11[%dma_wait3A_1142, %dma_wait3A_1143] : memref<10240x16xf32, #tpu.memory_space<vmem_shared>> -> memref<10240x16xf32, #tpu.memory_space<vmem_shared>>
    tpu.wait_indirect_dma semaphore(%arg21 : memref<!tpu.dma_semaphore, #tpu.memory_space<semaphore_mem>>) src(%dma_wait3A_1138 : memref<128x16xf32, #tpu.memory_space<vmem>>) dst(%dma_wait3A_1144 : memref<10240x16xf32, #tpu.memory_space<vmem_shared>>)
    %dma_wait3A_1145 = arith.constant 0 : i32
    %dma_wait3A_1146 = arith.constant 154 : i32
    %dma_wait3A_1147 = arith.constant 0 : i32
    %dma_wait3A_1148 = arith.constant 0 : i32
    %dma_wait3A_1149 = tpu.memref_slice %arg14[%dma_wait3A_1145, %dma_wait3A_1147, %dma_wait3A_1148] : memref<14x128x16xf32, #tpu.memory_space<vmem>> -> memref<1x128x16xf32, #tpu.memory_space<vmem>>
    %dma_wait3A_1150 = tpu.memref_squeeze %dma_wait3A_1149 : memref<1x128x16xf32, #tpu.memory_space<vmem>> -> memref<128x16xf32, #tpu.memory_space<vmem>>
    %dma_wait3A_1151 = arith.constant 0 : i32
    %dma_wait3A_1152 = tpu.memref_slice %arg13[%dma_wait3A_1146, %dma_wait3A_1151] : memref<157x128xi32, #tpu.memory_space<vmem>> -> memref<1x128xi32, #tpu.memory_space<vmem>>
    %dma_wait3A_1153 = tpu.memref_squeeze %dma_wait3A_1152 : memref<1x128xi32, #tpu.memory_space<vmem>> -> memref<128xi32, #tpu.memory_space<vmem>>
    %dma_wait3A_1154 = arith.constant 0 : i32
    %dma_wait3A_1155 = arith.constant 0 : i32
    %dma_wait3A_1156 = tpu.memref_slice %arg11[%dma_wait3A_1154, %dma_wait3A_1155] : memref<10240x16xf32, #tpu.memory_space<vmem_shared>> -> memref<10240x16xf32, #tpu.memory_space<vmem_shared>>
    tpu.wait_indirect_dma semaphore(%arg21 : memref<!tpu.dma_semaphore, #tpu.memory_space<semaphore_mem>>) src(%dma_wait3A_1150 : memref<128x16xf32, #tpu.memory_space<vmem>>) dst(%dma_wait3A_1156 : memref<10240x16xf32, #tpu.memory_space<vmem_shared>>)
    %dma_wait3A_1157 = arith.constant 1 : i32
    %dma_wait3A_1158 = arith.constant 155 : i32
    %dma_wait3A_1159 = arith.constant 0 : i32
    %dma_wait3A_1160 = arith.constant 0 : i32
    %dma_wait3A_1161 = tpu.memref_slice %arg14[%dma_wait3A_1157, %dma_wait3A_1159, %dma_wait3A_1160] : memref<14x128x16xf32, #tpu.memory_space<vmem>> -> memref<1x128x16xf32, #tpu.memory_space<vmem>>
    %dma_wait3A_1162 = tpu.memref_squeeze %dma_wait3A_1161 : memref<1x128x16xf32, #tpu.memory_space<vmem>> -> memref<128x16xf32, #tpu.memory_space<vmem>>
    %dma_wait3A_1163 = arith.constant 0 : i32
    %dma_wait3A_1164 = tpu.memref_slice %arg13[%dma_wait3A_1158, %dma_wait3A_1163] : memref<157x128xi32, #tpu.memory_space<vmem>> -> memref<1x128xi32, #tpu.memory_space<vmem>>
    %dma_wait3A_1165 = tpu.memref_squeeze %dma_wait3A_1164 : memref<1x128xi32, #tpu.memory_space<vmem>> -> memref<128xi32, #tpu.memory_space<vmem>>
    %dma_wait3A_1166 = arith.constant 0 : i32
    %dma_wait3A_1167 = arith.constant 0 : i32
    %dma_wait3A_1168 = tpu.memref_slice %arg11[%dma_wait3A_1166, %dma_wait3A_1167] : memref<10240x16xf32, #tpu.memory_space<vmem_shared>> -> memref<10240x16xf32, #tpu.memory_space<vmem_shared>>
    tpu.wait_indirect_dma semaphore(%arg21 : memref<!tpu.dma_semaphore, #tpu.memory_space<semaphore_mem>>) src(%dma_wait3A_1162 : memref<128x16xf32, #tpu.memory_space<vmem>>) dst(%dma_wait3A_1168 : memref<10240x16xf32, #tpu.memory_space<vmem_shared>>)
    %dma_wait3A_1169 = arith.constant 2 : i32
    %dma_wait3A_1170 = arith.constant 156 : i32
    %dma_wait3A_1171 = arith.constant 0 : i32
    %dma_wait3A_1172 = arith.constant 0 : i32
    %dma_wait3A_1173 = tpu.memref_slice %arg14[%dma_wait3A_1169, %dma_wait3A_1171, %dma_wait3A_1172] : memref<14x128x16xf32, #tpu.memory_space<vmem>> -> memref<1x128x16xf32, #tpu.memory_space<vmem>>
    %dma_wait3A_1174 = tpu.memref_squeeze %dma_wait3A_1173 : memref<1x128x16xf32, #tpu.memory_space<vmem>> -> memref<128x16xf32, #tpu.memory_space<vmem>>
    %dma_wait3A_1175 = arith.constant 0 : i32
    %dma_wait3A_1176 = tpu.memref_slice %arg13[%dma_wait3A_1170, %dma_wait3A_1175] : memref<157x128xi32, #tpu.memory_space<vmem>> -> memref<1x128xi32, #tpu.memory_space<vmem>>
    %dma_wait3A_1177 = tpu.memref_squeeze %dma_wait3A_1176 : memref<1x128xi32, #tpu.memory_space<vmem>> -> memref<128xi32, #tpu.memory_space<vmem>>
    %dma_wait3A_1178 = arith.constant 0 : i32
    %dma_wait3A_1179 = arith.constant 0 : i32
    %dma_wait3A_1180 = tpu.memref_slice %arg11[%dma_wait3A_1178, %dma_wait3A_1179] : memref<10240x16xf32, #tpu.memory_space<vmem_shared>> -> memref<10240x16xf32, #tpu.memory_space<vmem_shared>>
    tpu.wait_indirect_dma semaphore(%arg21 : memref<!tpu.dma_semaphore, #tpu.memory_space<semaphore_mem>>) src(%dma_wait3A_1174 : memref<128x16xf32, #tpu.memory_space<vmem>>) dst(%dma_wait3A_1180 : memref<10240x16xf32, #tpu.memory_space<vmem_shared>>)
    %barrier3A_1181 = arith.constant 0 : index
    tpu.barrier barrier_id(%barrier3A_1181)
    "tpu.region"() ({
      %run_scoped3A = tpu.sem_alloc : memref<!tpu.dma_semaphore, #tpu.memory_space<semaphore_mem>>
      %dma_start3A_2002 = arith.constant 0 : i32
      %dma_start3A_2003 = tpu.memref_slice %arg11[%mul3A_0, %dma_start3A_2002] : memref<10240x16xf32, #tpu.memory_space<vmem_shared>> -> memref<640x16xf32, #tpu.memory_space<vmem_shared>>
      %dma_start3A_2004 = arith.constant 0 : i32
      %dma_start3A_2005 = tpu.memref_slice %arg11[%mul3A_0, %dma_start3A_2004] : memref<10240x16xf32, #tpu.memory_space<vmem_shared>> -> memref<640x16xf32, #tpu.memory_space<vmem_shared>>
      tpu.enqueue_dma source(%dma_start3A_2005 : memref<640x16xf32, #tpu.memory_space<vmem_shared>>) target(%arg15 : memref<640x16xf32, #tpu.memory_space<vmem>>) target_semaphore(%run_scoped3A : memref<!tpu.dma_semaphore, #tpu.memory_space<semaphore_mem>>)
      %dma_wait3A_2006 = arith.constant 0 : i32
      %dma_wait3A_2007 = tpu.memref_slice %arg11[%mul3A_0, %dma_wait3A_2006] : memref<10240x16xf32, #tpu.memory_space<vmem_shared>> -> memref<640x16xf32, #tpu.memory_space<vmem_shared>>
      %dma_wait3A_2008 = arith.constant 0 : i32
      %dma_wait3A_2009 = tpu.memref_slice %arg11[%mul3A_0, %dma_wait3A_2008] : memref<10240x16xf32, #tpu.memory_space<vmem_shared>> -> memref<640x16xf32, #tpu.memory_space<vmem_shared>>
      tpu.wait_dma2 semaphore(%run_scoped3A : memref<!tpu.dma_semaphore, #tpu.memory_space<semaphore_mem>>) src(%dma_wait3A_2009 : memref<640x16xf32, #tpu.memory_space<vmem_shared>>) dst(%arg15 : memref<640x16xf32, #tpu.memory_space<vmem>>)
      tpu.yield
    }) : () -> ()
    %dma_start3A_1182 = arith.constant 0 : i32
    %dma_start3A_1183 = tpu.memref_slice %arg11[%mul3A_0, %dma_start3A_1182] : memref<10240x16xf32, #tpu.memory_space<vmem_shared>> -> memref<640x16xf32, #tpu.memory_space<vmem_shared>>
    %dma_start3A_1184 = arith.constant 0 : i32
    %dma_start3A_1185 = tpu.memref_slice %arg11[%mul3A_0, %dma_start3A_1184] : memref<10240x16xf32, #tpu.memory_space<vmem_shared>> -> memref<640x16xf32, #tpu.memory_space<vmem_shared>>
    tpu.enqueue_dma source(%arg19 : memref<640x16xf32, #tpu.memory_space<vmem>>) target(%dma_start3A_1185 : memref<640x16xf32, #tpu.memory_space<vmem_shared>>) target_semaphore(%arg23 : memref<!tpu.dma_semaphore, #tpu.memory_space<semaphore_mem>>)
    %add3A_1186 = arith.constant 61440 : i32
    %add3A_1187 = arith.addi %add3A_1186, %mul3A_0 : i32
    %dma_wait3A_1188 = arith.constant 0 : i32
    %dma_wait3A_1189 = tpu.memref_slice %arg2[%add3A_1187, %dma_wait3A_1188] : memref<112640x16xf32, #tpu.memory_space<hbm>> -> memref<640x16xf32, #tpu.memory_space<hbm>>
    %dma_wait3A_1190 = arith.constant 0 : i32
    %dma_wait3A_1191 = tpu.memref_slice %arg2[%add3A_1187, %dma_wait3A_1190] : memref<112640x16xf32, #tpu.memory_space<hbm>> -> memref<640x16xf32, #tpu.memory_space<hbm>>
    tpu.wait_dma2 semaphore(%arg22 : memref<!tpu.dma_semaphore, #tpu.memory_space<semaphore_mem>>) src(%dma_wait3A_1191 : memref<640x16xf32, #tpu.memory_space<hbm>>) dst(%arg16 : memref<640x16xf32, #tpu.memory_space<vmem>>)
    %scan3A_1192 = arith.constant 0 : i32
    %scan3A_1193 = arith.constant 640 : i32
    %scan3A_1194 = arith.addi %scan3A_1192, %scan3A_1193 : i32
    %scan3A_1195 = arith.constant 1 : i32
    scf.for %scan3A_2002 = %scan3A_1192 to %scan3A_1194 step %scan3A_1195  : i32 {
      %get3A = arith.index_cast %scan3A_2002 : i32 to index
      %get3A_2003 = arith.constant 0 : index
      %get3A_2004 = tpu.vector_load %arg17[%get3A, %get3A_2003] {strides = array<i32>} : memref<640x16xf32, #tpu.memory_space<vmem>>, vector<1x16xf32>,
      %get3A_2005 = vector.shape_cast %get3A_2004 : vector<1x16xf32> to vector<16xf32>
      %get3A_2006 = arith.index_cast %scan3A_2002 : i32 to index
      %get3A_2007 = arith.constant 0 : index
      %get3A_2008 = tpu.vector_load %arg16[%get3A_2006, %get3A_2007] {strides = array<i32>} : memref<640x16xf32, #tpu.memory_space<vmem>>, vector<1x16xf32>,
      %get3A_2009 = vector.shape_cast %get3A_2008 : vector<1x16xf32> to vector<16xf32>
      %mul3A_2010 = arith.mulf %get3A_2005, %get3A_2009 : vector<16xf32>
      %get3A_2011 = arith.index_cast %scan3A_2002 : i32 to index
      %get3A_2012 = arith.constant 0 : index
      %get3A_2013 = tpu.vector_load %arg18[%get3A_2011, %get3A_2012] {strides = array<i32>} : memref<640x16xf32, #tpu.memory_space<vmem>>, vector<1x16xf32>,
      %get3A_2014 = vector.shape_cast %get3A_2013 : vector<1x16xf32> to vector<16xf32>
      %get3A_2015 = arith.index_cast %scan3A_2002 : i32 to index
      %get3A_2016 = arith.constant 0 : index
      %get3A_2017 = tpu.vector_load %arg15[%get3A_2015, %get3A_2016] {strides = array<i32>} : memref<640x16xf32, #tpu.memory_space<vmem>>, vector<1x16xf32>,
      %get3A_2018 = vector.shape_cast %get3A_2017 : vector<1x16xf32> to vector<16xf32>
      %mul3A_2019 = arith.mulf %get3A_2014, %get3A_2018 : vector<16xf32>
      %add3A_2020 = arith.addf %mul3A_2010, %mul3A_2019 : vector<16xf32>
      %swap3A = arith.index_cast %scan3A_2002 : i32 to index
      %swap3A_2021 = arith.constant 0 : index
      %swap3A_2022 = tpu.vector_load %arg16[%swap3A, %swap3A_2021] {strides = array<i32>} : memref<640x16xf32, #tpu.memory_space<vmem>>, vector<1x16xf32>,
      %swap3A_2023 = vector.shape_cast %swap3A_2022 : vector<1x16xf32> to vector<16xf32>
      %swap3A_2024 = vector.shape_cast %add3A_2020 : vector<16xf32> to vector<1x16xf32>
      tpu.vector_store %arg16[%swap3A, %swap3A_2021], %swap3A_2024 {strides = array<i32>} : memref<640x16xf32, #tpu.memory_space<vmem>>, vector<1x16xf32>,
    }
    %scan3A_1196 = arith.constant 640 : i32
    "tpu.region"() ({
      %run_scoped3A = tpu.sem_alloc : memref<!tpu.dma_semaphore, #tpu.memory_space<semaphore_mem>>
      %dma_start3A_2002 = arith.constant 0 : i32
      %dma_start3A_2003 = tpu.memref_slice %arg10[%mul3A_0, %dma_start3A_2002] : memref<10240x16xf32, #tpu.memory_space<hbm>> -> memref<640x16xf32, #tpu.memory_space<hbm>>
      %dma_start3A_2004 = arith.constant 0 : i32
      %dma_start3A_2005 = tpu.memref_slice %arg10[%mul3A_0, %dma_start3A_2004] : memref<10240x16xf32, #tpu.memory_space<hbm>> -> memref<640x16xf32, #tpu.memory_space<hbm>>
      tpu.enqueue_dma source(%arg16 : memref<640x16xf32, #tpu.memory_space<vmem>>) target(%dma_start3A_2005 : memref<640x16xf32, #tpu.memory_space<hbm>>) target_semaphore(%run_scoped3A : memref<!tpu.dma_semaphore, #tpu.memory_space<semaphore_mem>>)
      %dma_wait3A_2006 = arith.constant 0 : i32
      %dma_wait3A_2007 = tpu.memref_slice %arg10[%mul3A_0, %dma_wait3A_2006] : memref<10240x16xf32, #tpu.memory_space<hbm>> -> memref<640x16xf32, #tpu.memory_space<hbm>>
      %dma_wait3A_2008 = arith.constant 0 : i32
      %dma_wait3A_2009 = tpu.memref_slice %arg10[%mul3A_0, %dma_wait3A_2008] : memref<10240x16xf32, #tpu.memory_space<hbm>> -> memref<640x16xf32, #tpu.memory_space<hbm>>
      tpu.wait_dma2 semaphore(%run_scoped3A : memref<!tpu.dma_semaphore, #tpu.memory_space<semaphore_mem>>) src(%arg16 : memref<640x16xf32, #tpu.memory_space<vmem>>) dst(%dma_wait3A_2009 : memref<640x16xf32, #tpu.memory_space<hbm>>)
      tpu.yield
    }) : () -> ()
    %dma_wait3A_1197 = arith.constant 0 : i32
    %dma_wait3A_1198 = tpu.memref_slice %arg11[%mul3A_0, %dma_wait3A_1197] : memref<10240x16xf32, #tpu.memory_space<vmem_shared>> -> memref<640x16xf32, #tpu.memory_space<vmem_shared>>
    %dma_wait3A_1199 = arith.constant 0 : i32
    %dma_wait3A_1200 = tpu.memref_slice %arg11[%mul3A_0, %dma_wait3A_1199] : memref<10240x16xf32, #tpu.memory_space<vmem_shared>> -> memref<640x16xf32, #tpu.memory_space<vmem_shared>>
    tpu.wait_dma2 semaphore(%arg23 : memref<!tpu.dma_semaphore, #tpu.memory_space<semaphore_mem>>) src(%arg19 : memref<640x16xf32, #tpu.memory_space<vmem>>) dst(%dma_wait3A_1200 : memref<640x16xf32, #tpu.memory_space<vmem_shared>>)
    %barrier3A_1201 = arith.constant 0 : index
    tpu.barrier barrier_id(%barrier3A_1201)
    %add3A_1202 = arith.constant 71680 : i32
    %add3A_1203 = arith.addi %add3A_1202, %mul3A_0 : i32
    %dma_start3A_1204 = arith.constant 0 : i32
    %dma_start3A_1205 = tpu.memref_slice %arg2[%add3A_1203, %dma_start3A_1204] : memref<112640x16xf32, #tpu.memory_space<hbm>> -> memref<640x16xf32, #tpu.memory_space<hbm>>
    %dma_start3A_1206 = arith.constant 0 : i32
    %dma_start3A_1207 = tpu.memref_slice %arg2[%add3A_1203, %dma_start3A_1206] : memref<112640x16xf32, #tpu.memory_space<hbm>> -> memref<640x16xf32, #tpu.memory_space<hbm>>
    tpu.enqueue_dma source(%dma_start3A_1207 : memref<640x16xf32, #tpu.memory_space<hbm>>) target(%arg16 : memref<640x16xf32, #tpu.memory_space<vmem>>) target_semaphore(%arg22 : memref<!tpu.dma_semaphore, #tpu.memory_space<semaphore_mem>>)
    %dma_start3A_1208 = arith.constant 0 : i32
    %dma_start3A_1209 = arith.constant 0 : i32
    %dma_start3A_1210 = arith.constant 0 : i32
    %dma_start3A_1211 = arith.constant 0 : i32
    %dma_start3A_1212 = tpu.memref_slice %arg14[%dma_start3A_1209, %dma_start3A_1210, %dma_start3A_1211] : memref<14x128x16xf32, #tpu.memory_space<vmem>> -> memref<1x128x16xf32, #tpu.memory_space<vmem>>
    %dma_start3A_1213 = tpu.memref_squeeze %dma_start3A_1212 : memref<1x128x16xf32, #tpu.memory_space<vmem>> -> memref<128x16xf32, #tpu.memory_space<vmem>>
    %dma_start3A_1214 = arith.constant 0 : i32
    %dma_start3A_1215 = tpu.memref_slice %arg12[%dma_start3A_1208, %dma_start3A_1214] : memref<157x128xi32, #tpu.memory_space<vmem>> -> memref<1x128xi32, #tpu.memory_space<vmem>>
    %dma_start3A_1216 = tpu.memref_squeeze %dma_start3A_1215 : memref<1x128xi32, #tpu.memory_space<vmem>> -> memref<128xi32, #tpu.memory_space<vmem>>
    %dma_start3A_1217 = arith.constant 0 : i32
    %dma_start3A_1218 = arith.constant 0 : i32
    %dma_start3A_1219 = tpu.memref_slice %arg10[%dma_start3A_1217, %dma_start3A_1218] : memref<10240x16xf32, #tpu.memory_space<hbm>> -> memref<10240x16xf32, #tpu.memory_space<hbm>>
    tpu.enqueue_indirect_dma source(%dma_start3A_1219 : memref<10240x16xf32, #tpu.memory_space<hbm>>) target(%dma_start3A_1213 : memref<128x16xf32, #tpu.memory_space<vmem>>) offsets(%dma_start3A_1216 : memref<128xi32, #tpu.memory_space<vmem>>) semaphore(%arg20 : memref<!tpu.dma_semaphore, #tpu.memory_space<semaphore_mem>>)
    %dma_start3A_1220 = arith.constant 1 : i32
    %dma_start3A_1221 = arith.constant 1 : i32
    %dma_start3A_1222 = arith.constant 0 : i32
    %dma_start3A_1223 = arith.constant 0 : i32
    %dma_start3A_1224 = tpu.memref_slice %arg14[%dma_start3A_1221, %dma_start3A_1222, %dma_start3A_1223] : memref<14x128x16xf32, #tpu.memory_space<vmem>> -> memref<1x128x16xf32, #tpu.memory_space<vmem>>
    %dma_start3A_1225 = tpu.memref_squeeze %dma_start3A_1224 : memref<1x128x16xf32, #tpu.memory_space<vmem>> -> memref<128x16xf32, #tpu.memory_space<vmem>>
    %dma_start3A_1226 = arith.constant 0 : i32
    %dma_start3A_1227 = tpu.memref_slice %arg12[%dma_start3A_1220, %dma_start3A_1226] : memref<157x128xi32, #tpu.memory_space<vmem>> -> memref<1x128xi32, #tpu.memory_space<vmem>>
    %dma_start3A_1228 = tpu.memref_squeeze %dma_start3A_1227 : memref<1x128xi32, #tpu.memory_space<vmem>> -> memref<128xi32, #tpu.memory_space<vmem>>
    %dma_start3A_1229 = arith.constant 0 : i32
    %dma_start3A_1230 = arith.constant 0 : i32
    %dma_start3A_1231 = tpu.memref_slice %arg10[%dma_start3A_1229, %dma_start3A_1230] : memref<10240x16xf32, #tpu.memory_space<hbm>> -> memref<10240x16xf32, #tpu.memory_space<hbm>>
    tpu.enqueue_indirect_dma source(%dma_start3A_1231 : memref<10240x16xf32, #tpu.memory_space<hbm>>) target(%dma_start3A_1225 : memref<128x16xf32, #tpu.memory_space<vmem>>) offsets(%dma_start3A_1228 : memref<128xi32, #tpu.memory_space<vmem>>) semaphore(%arg20 : memref<!tpu.dma_semaphore, #tpu.memory_space<semaphore_mem>>)
    %dma_start3A_1232 = arith.constant 2 : i32
    %dma_start3A_1233 = arith.constant 2 : i32
    %dma_start3A_1234 = arith.constant 0 : i32
    %dma_start3A_1235 = arith.constant 0 : i32
    %dma_start3A_1236 = tpu.memref_slice %arg14[%dma_start3A_1233, %dma_start3A_1234, %dma_start3A_1235] : memref<14x128x16xf32, #tpu.memory_space<vmem>> -> memref<1x128x16xf32, #tpu.memory_space<vmem>>
    %dma_start3A_1237 = tpu.memref_squeeze %dma_start3A_1236 : memref<1x128x16xf32, #tpu.memory_space<vmem>> -> memref<128x16xf32, #tpu.memory_space<vmem>>
    %dma_start3A_1238 = arith.constant 0 : i32
    %dma_start3A_1239 = tpu.memref_slice %arg12[%dma_start3A_1232, %dma_start3A_1238] : memref<157x128xi32, #tpu.memory_space<vmem>> -> memref<1x128xi32, #tpu.memory_space<vmem>>
    %dma_start3A_1240 = tpu.memref_squeeze %dma_start3A_1239 : memref<1x128xi32, #tpu.memory_space<vmem>> -> memref<128xi32, #tpu.memory_space<vmem>>
    %dma_start3A_1241 = arith.constant 0 : i32
    %dma_start3A_1242 = arith.constant 0 : i32
    %dma_start3A_1243 = tpu.memref_slice %arg10[%dma_start3A_1241, %dma_start3A_1242] : memref<10240x16xf32, #tpu.memory_space<hbm>> -> memref<10240x16xf32, #tpu.memory_space<hbm>>
    tpu.enqueue_indirect_dma source(%dma_start3A_1243 : memref<10240x16xf32, #tpu.memory_space<hbm>>) target(%dma_start3A_1237 : memref<128x16xf32, #tpu.memory_space<vmem>>) offsets(%dma_start3A_1240 : memref<128xi32, #tpu.memory_space<vmem>>) semaphore(%arg20 : memref<!tpu.dma_semaphore, #tpu.memory_space<semaphore_mem>>)
    %dma_start3A_1244 = arith.constant 3 : i32
    %dma_start3A_1245 = arith.constant 3 : i32
    %dma_start3A_1246 = arith.constant 0 : i32
    %dma_start3A_1247 = arith.constant 0 : i32
    %dma_start3A_1248 = tpu.memref_slice %arg14[%dma_start3A_1245, %dma_start3A_1246, %dma_start3A_1247] : memref<14x128x16xf32, #tpu.memory_space<vmem>> -> memref<1x128x16xf32, #tpu.memory_space<vmem>>
    %dma_start3A_1249 = tpu.memref_squeeze %dma_start3A_1248 : memref<1x128x16xf32, #tpu.memory_space<vmem>> -> memref<128x16xf32, #tpu.memory_space<vmem>>
    %dma_start3A_1250 = arith.constant 0 : i32
    %dma_start3A_1251 = tpu.memref_slice %arg12[%dma_start3A_1244, %dma_start3A_1250] : memref<157x128xi32, #tpu.memory_space<vmem>> -> memref<1x128xi32, #tpu.memory_space<vmem>>
    %dma_start3A_1252 = tpu.memref_squeeze %dma_start3A_1251 : memref<1x128xi32, #tpu.memory_space<vmem>> -> memref<128xi32, #tpu.memory_space<vmem>>
    %dma_start3A_1253 = arith.constant 0 : i32
    %dma_start3A_1254 = arith.constant 0 : i32
    %dma_start3A_1255 = tpu.memref_slice %arg10[%dma_start3A_1253, %dma_start3A_1254] : memref<10240x16xf32, #tpu.memory_space<hbm>> -> memref<10240x16xf32, #tpu.memory_space<hbm>>
    tpu.enqueue_indirect_dma source(%dma_start3A_1255 : memref<10240x16xf32, #tpu.memory_space<hbm>>) target(%dma_start3A_1249 : memref<128x16xf32, #tpu.memory_space<vmem>>) offsets(%dma_start3A_1252 : memref<128xi32, #tpu.memory_space<vmem>>) semaphore(%arg20 : memref<!tpu.dma_semaphore, #tpu.memory_space<semaphore_mem>>)
    %dma_start3A_1256 = arith.constant 4 : i32
    %dma_start3A_1257 = arith.constant 4 : i32
    %dma_start3A_1258 = arith.constant 0 : i32
    %dma_start3A_1259 = arith.constant 0 : i32
    %dma_start3A_1260 = tpu.memref_slice %arg14[%dma_start3A_1257, %dma_start3A_1258, %dma_start3A_1259] : memref<14x128x16xf32, #tpu.memory_space<vmem>> -> memref<1x128x16xf32, #tpu.memory_space<vmem>>
    %dma_start3A_1261 = tpu.memref_squeeze %dma_start3A_1260 : memref<1x128x16xf32, #tpu.memory_space<vmem>> -> memref<128x16xf32, #tpu.memory_space<vmem>>
    %dma_start3A_1262 = arith.constant 0 : i32
    %dma_start3A_1263 = tpu.memref_slice %arg12[%dma_start3A_1256, %dma_start3A_1262] : memref<157x128xi32, #tpu.memory_space<vmem>> -> memref<1x128xi32, #tpu.memory_space<vmem>>
    %dma_start3A_1264 = tpu.memref_squeeze %dma_start3A_1263 : memref<1x128xi32, #tpu.memory_space<vmem>> -> memref<128xi32, #tpu.memory_space<vmem>>
    %dma_start3A_1265 = arith.constant 0 : i32
    %dma_start3A_1266 = arith.constant 0 : i32
    %dma_start3A_1267 = tpu.memref_slice %arg10[%dma_start3A_1265, %dma_start3A_1266] : memref<10240x16xf32, #tpu.memory_space<hbm>> -> memref<10240x16xf32, #tpu.memory_space<hbm>>
    tpu.enqueue_indirect_dma source(%dma_start3A_1267 : memref<10240x16xf32, #tpu.memory_space<hbm>>) target(%dma_start3A_1261 : memref<128x16xf32, #tpu.memory_space<vmem>>) offsets(%dma_start3A_1264 : memref<128xi32, #tpu.memory_space<vmem>>) semaphore(%arg20 : memref<!tpu.dma_semaphore, #tpu.memory_space<semaphore_mem>>)
    %dma_start3A_1268 = arith.constant 5 : i32
    %dma_start3A_1269 = arith.constant 5 : i32
    %dma_start3A_1270 = arith.constant 0 : i32
    %dma_start3A_1271 = arith.constant 0 : i32
    %dma_start3A_1272 = tpu.memref_slice %arg14[%dma_start3A_1269, %dma_start3A_1270, %dma_start3A_1271] : memref<14x128x16xf32, #tpu.memory_space<vmem>> -> memref<1x128x16xf32, #tpu.memory_space<vmem>>
    %dma_start3A_1273 = tpu.memref_squeeze %dma_start3A_1272 : memref<1x128x16xf32, #tpu.memory_space<vmem>> -> memref<128x16xf32, #tpu.memory_space<vmem>>
    %dma_start3A_1274 = arith.constant 0 : i32
    %dma_start3A_1275 = tpu.memref_slice %arg12[%dma_start3A_1268, %dma_start3A_1274] : memref<157x128xi32, #tpu.memory_space<vmem>> -> memref<1x128xi32, #tpu.memory_space<vmem>>
    %dma_start3A_1276 = tpu.memref_squeeze %dma_start3A_1275 : memref<1x128xi32, #tpu.memory_space<vmem>> -> memref<128xi32, #tpu.memory_space<vmem>>
    %dma_start3A_1277 = arith.constant 0 : i32
    %dma_start3A_1278 = arith.constant 0 : i32
    %dma_start3A_1279 = tpu.memref_slice %arg10[%dma_start3A_1277, %dma_start3A_1278] : memref<10240x16xf32, #tpu.memory_space<hbm>> -> memref<10240x16xf32, #tpu.memory_space<hbm>>
    tpu.enqueue_indirect_dma source(%dma_start3A_1279 : memref<10240x16xf32, #tpu.memory_space<hbm>>) target(%dma_start3A_1273 : memref<128x16xf32, #tpu.memory_space<vmem>>) offsets(%dma_start3A_1276 : memref<128xi32, #tpu.memory_space<vmem>>) semaphore(%arg20 : memref<!tpu.dma_semaphore, #tpu.memory_space<semaphore_mem>>)
    %dma_start3A_1280 = arith.constant 6 : i32
    %dma_start3A_1281 = arith.constant 6 : i32
    %dma_start3A_1282 = arith.constant 0 : i32
    %dma_start3A_1283 = arith.constant 0 : i32
    %dma_start3A_1284 = tpu.memref_slice %arg14[%dma_start3A_1281, %dma_start3A_1282, %dma_start3A_1283] : memref<14x128x16xf32, #tpu.memory_space<vmem>> -> memref<1x128x16xf32, #tpu.memory_space<vmem>>
    %dma_start3A_1285 = tpu.memref_squeeze %dma_start3A_1284 : memref<1x128x16xf32, #tpu.memory_space<vmem>> -> memref<128x16xf32, #tpu.memory_space<vmem>>
    %dma_start3A_1286 = arith.constant 0 : i32
    %dma_start3A_1287 = tpu.memref_slice %arg12[%dma_start3A_1280, %dma_start3A_1286] : memref<157x128xi32, #tpu.memory_space<vmem>> -> memref<1x128xi32, #tpu.memory_space<vmem>>
    %dma_start3A_1288 = tpu.memref_squeeze %dma_start3A_1287 : memref<1x128xi32, #tpu.memory_space<vmem>> -> memref<128xi32, #tpu.memory_space<vmem>>
    %dma_start3A_1289 = arith.constant 0 : i32
    %dma_start3A_1290 = arith.constant 0 : i32
    %dma_start3A_1291 = tpu.memref_slice %arg10[%dma_start3A_1289, %dma_start3A_1290] : memref<10240x16xf32, #tpu.memory_space<hbm>> -> memref<10240x16xf32, #tpu.memory_space<hbm>>
    tpu.enqueue_indirect_dma source(%dma_start3A_1291 : memref<10240x16xf32, #tpu.memory_space<hbm>>) target(%dma_start3A_1285 : memref<128x16xf32, #tpu.memory_space<vmem>>) offsets(%dma_start3A_1288 : memref<128xi32, #tpu.memory_space<vmem>>) semaphore(%arg20 : memref<!tpu.dma_semaphore, #tpu.memory_space<semaphore_mem>>)
    %scan3A_1292 = arith.constant 0 : i32
    %scan3A_1293 = arith.constant 157 : i32
    %scan3A_1294 = arith.addi %scan3A_1292, %scan3A_1293 : i32
    %scan3A_1295 = arith.constant 1 : i32
    scf.for %scan3A_2002 = %scan3A_1292 to %scan3A_1294 step %scan3A_1295  : i32 {
      %rem3A = arith.constant 14 : i32
      %rem3A_2003 = arith.remsi %scan3A_2002, %rem3A : i32
      %dma_wait3A_2004 = arith.constant 0 : i32
      %dma_wait3A_2005 = arith.constant 0 : i32
      %dma_wait3A_2006 = tpu.memref_slice %arg14[%rem3A_2003, %dma_wait3A_2004, %dma_wait3A_2005] : memref<14x128x16xf32, #tpu.memory_space<vmem>> -> memref<1x128x16xf32, #tpu.memory_space<vmem>>
      %dma_wait3A_2007 = tpu.memref_squeeze %dma_wait3A_2006 : memref<1x128x16xf32, #tpu.memory_space<vmem>> -> memref<128x16xf32, #tpu.memory_space<vmem>>
      %dma_wait3A_2008 = arith.constant 0 : i32
      %dma_wait3A_2009 = tpu.memref_slice %arg12[%scan3A_2002, %dma_wait3A_2008] : memref<157x128xi32, #tpu.memory_space<vmem>> -> memref<1x128xi32, #tpu.memory_space<vmem>>
      %dma_wait3A_2010 = tpu.memref_squeeze %dma_wait3A_2009 : memref<1x128xi32, #tpu.memory_space<vmem>> -> memref<128xi32, #tpu.memory_space<vmem>>
      %dma_wait3A_2011 = arith.constant 0 : i32
      %dma_wait3A_2012 = arith.constant 0 : i32
      %dma_wait3A_2013 = tpu.memref_slice %arg10[%dma_wait3A_2011, %dma_wait3A_2012] : memref<10240x16xf32, #tpu.memory_space<hbm>> -> memref<10240x16xf32, #tpu.memory_space<hbm>>
      tpu.wait_indirect_dma semaphore(%arg20 : memref<!tpu.dma_semaphore, #tpu.memory_space<semaphore_mem>>) src(%dma_wait3A_2013 : memref<10240x16xf32, #tpu.memory_space<hbm>>) dst(%dma_wait3A_2007 : memref<128x16xf32, #tpu.memory_space<vmem>>)
      %dma_start3A_2014 = arith.constant 0 : i32
      %dma_start3A_2015 = arith.constant 0 : i32
      %dma_start3A_2016 = tpu.memref_slice %arg14[%rem3A_2003, %dma_start3A_2014, %dma_start3A_2015] : memref<14x128x16xf32, #tpu.memory_space<vmem>> -> memref<1x128x16xf32, #tpu.memory_space<vmem>>
      %dma_start3A_2017 = tpu.memref_squeeze %dma_start3A_2016 : memref<1x128x16xf32, #tpu.memory_space<vmem>> -> memref<128x16xf32, #tpu.memory_space<vmem>>
      %dma_start3A_2018 = arith.constant 0 : i32
      %dma_start3A_2019 = tpu.memref_slice %arg13[%scan3A_2002, %dma_start3A_2018] : memref<157x128xi32, #tpu.memory_space<vmem>> -> memref<1x128xi32, #tpu.memory_space<vmem>>
      %dma_start3A_2020 = tpu.memref_squeeze %dma_start3A_2019 : memref<1x128xi32, #tpu.memory_space<vmem>> -> memref<128xi32, #tpu.memory_space<vmem>>
      %dma_start3A_2021 = arith.constant 0 : i32
      %dma_start3A_2022 = arith.constant 0 : i32
      %dma_start3A_2023 = tpu.memref_slice %arg11[%dma_start3A_2021, %dma_start3A_2022] : memref<10240x16xf32, #tpu.memory_space<vmem_shared>> -> memref<10240x16xf32, #tpu.memory_space<vmem_shared>>
      tpu.enqueue_indirect_dma source(%dma_start3A_2017 : memref<128x16xf32, #tpu.memory_space<vmem>>) target(%dma_start3A_2023 : memref<10240x16xf32, #tpu.memory_space<vmem_shared>>) offsets(%dma_start3A_2020 : memref<128xi32, #tpu.memory_space<vmem>>) semaphore(%arg21 : memref<!tpu.dma_semaphore, #tpu.memory_space<semaphore_mem>>) {add = true}
      %ge3A = arith.constant 7 : i32
      %ge3A_2024 = arith.cmpi sge, %scan3A_2002, %ge3A : i32
      %convert_element_type3A = arith.extui %ge3A_2024 : i1 to i32
      %cond3A = arith.constant 0 : i32
      %cond3A_2025 = arith.cmpi ne, %convert_element_type3A, %cond3A : i32
      scf.if %cond3A_2025 {
        %sub3A = arith.constant 7 : i32
        %sub3A_2032 = arith.subi %scan3A_2002, %sub3A : i32
        %rem3A_2033 = arith.constant 14 : i32
        %rem3A_2034 = arith.remsi %sub3A_2032, %rem3A_2033 : i32
        %dma_wait3A_2035 = arith.constant 0 : i32
        %dma_wait3A_2036 = arith.constant 0 : i32
        %dma_wait3A_2037 = tpu.memref_slice %arg14[%rem3A_2034, %dma_wait3A_2035, %dma_wait3A_2036] : memref<14x128x16xf32, #tpu.memory_space<vmem>> -> memref<1x128x16xf32, #tpu.memory_space<vmem>>
        %dma_wait3A_2038 = tpu.memref_squeeze %dma_wait3A_2037 : memref<1x128x16xf32, #tpu.memory_space<vmem>> -> memref<128x16xf32, #tpu.memory_space<vmem>>
        %dma_wait3A_2039 = arith.constant 0 : i32
        %dma_wait3A_2040 = tpu.memref_slice %arg13[%sub3A_2032, %dma_wait3A_2039] : memref<157x128xi32, #tpu.memory_space<vmem>> -> memref<1x128xi32, #tpu.memory_space<vmem>>
        %dma_wait3A_2041 = tpu.memref_squeeze %dma_wait3A_2040 : memref<1x128xi32, #tpu.memory_space<vmem>> -> memref<128xi32, #tpu.memory_space<vmem>>
        %dma_wait3A_2042 = arith.constant 0 : i32
        %dma_wait3A_2043 = arith.constant 0 : i32
        %dma_wait3A_2044 = tpu.memref_slice %arg11[%dma_wait3A_2042, %dma_wait3A_2043] : memref<10240x16xf32, #tpu.memory_space<vmem_shared>> -> memref<10240x16xf32, #tpu.memory_space<vmem_shared>>
        tpu.wait_indirect_dma semaphore(%arg21 : memref<!tpu.dma_semaphore, #tpu.memory_space<semaphore_mem>>) src(%dma_wait3A_2038 : memref<128x16xf32, #tpu.memory_space<vmem>>) dst(%dma_wait3A_2044 : memref<10240x16xf32, #tpu.memory_space<vmem_shared>>)
      } else {
      }
      %add3A_2026 = arith.constant 7 : i32
      %add3A_2027 = arith.addi %scan3A_2002, %add3A_2026 : i32
      %lt3A = arith.constant 157 : i32
      %lt3A_2028 = arith.cmpi slt, %add3A_2027, %lt3A : i32
      %convert_element_type3A_2029 = arith.extui %lt3A_2028 : i1 to i32
      %cond3A_2030 = arith.constant 0 : i32
      %cond3A_2031 = arith.cmpi ne, %convert_element_type3A_2029, %cond3A_2030 : i32
      scf.if %cond3A_2031 {
        %add3A_2032 = arith.constant 7 : i32
        %add3A_2033 = arith.addi %scan3A_2002, %add3A_2032 : i32
        %rem3A_2034 = arith.constant 14 : i32
        %rem3A_2035 = arith.remsi %add3A_2033, %rem3A_2034 : i32
        %dma_start3A_2036 = arith.constant 0 : i32
        %dma_start3A_2037 = arith.constant 0 : i32
        %dma_start3A_2038 = tpu.memref_slice %arg14[%rem3A_2035, %dma_start3A_2036, %dma_start3A_2037] : memref<14x128x16xf32, #tpu.memory_space<vmem>> -> memref<1x128x16xf32, #tpu.memory_space<vmem>>
        %dma_start3A_2039 = tpu.memref_squeeze %dma_start3A_2038 : memref<1x128x16xf32, #tpu.memory_space<vmem>> -> memref<128x16xf32, #tpu.memory_space<vmem>>
        %dma_start3A_2040 = arith.constant 0 : i32
        %dma_start3A_2041 = tpu.memref_slice %arg12[%add3A_2033, %dma_start3A_2040] : memref<157x128xi32, #tpu.memory_space<vmem>> -> memref<1x128xi32, #tpu.memory_space<vmem>>
        %dma_start3A_2042 = tpu.memref_squeeze %dma_start3A_2041 : memref<1x128xi32, #tpu.memory_space<vmem>> -> memref<128xi32, #tpu.memory_space<vmem>>
        %dma_start3A_2043 = arith.constant 0 : i32
        %dma_start3A_2044 = arith.constant 0 : i32
        %dma_start3A_2045 = tpu.memref_slice %arg10[%dma_start3A_2043, %dma_start3A_2044] : memref<10240x16xf32, #tpu.memory_space<hbm>> -> memref<10240x16xf32, #tpu.memory_space<hbm>>
        tpu.enqueue_indirect_dma source(%dma_start3A_2045 : memref<10240x16xf32, #tpu.memory_space<hbm>>) target(%dma_start3A_2039 : memref<128x16xf32, #tpu.memory_space<vmem>>) offsets(%dma_start3A_2042 : memref<128xi32, #tpu.memory_space<vmem>>) semaphore(%arg20 : memref<!tpu.dma_semaphore, #tpu.memory_space<semaphore_mem>>)
      } else {
      }
    }
    %scan3A_1296 = arith.constant 157 : i32
    %dma_wait3A_1297 = arith.constant 10 : i32
    %dma_wait3A_1298 = arith.constant 150 : i32
    %dma_wait3A_1299 = arith.constant 0 : i32
    %dma_wait3A_1300 = arith.constant 0 : i32
    %dma_wait3A_1301 = tpu.memref_slice %arg14[%dma_wait3A_1297, %dma_wait3A_1299, %dma_wait3A_1300] : memref<14x128x16xf32, #tpu.memory_space<vmem>> -> memref<1x128x16xf32, #tpu.memory_space<vmem>>
    %dma_wait3A_1302 = tpu.memref_squeeze %dma_wait3A_1301 : memref<1x128x16xf32, #tpu.memory_space<vmem>> -> memref<128x16xf32, #tpu.memory_space<vmem>>
    %dma_wait3A_1303 = arith.constant 0 : i32
    %dma_wait3A_1304 = tpu.memref_slice %arg13[%dma_wait3A_1298, %dma_wait3A_1303] : memref<157x128xi32, #tpu.memory_space<vmem>> -> memref<1x128xi32, #tpu.memory_space<vmem>>
    %dma_wait3A_1305 = tpu.memref_squeeze %dma_wait3A_1304 : memref<1x128xi32, #tpu.memory_space<vmem>> -> memref<128xi32, #tpu.memory_space<vmem>>
    %dma_wait3A_1306 = arith.constant 0 : i32
    %dma_wait3A_1307 = arith.constant 0 : i32
    %dma_wait3A_1308 = tpu.memref_slice %arg11[%dma_wait3A_1306, %dma_wait3A_1307] : memref<10240x16xf32, #tpu.memory_space<vmem_shared>> -> memref<10240x16xf32, #tpu.memory_space<vmem_shared>>
    tpu.wait_indirect_dma semaphore(%arg21 : memref<!tpu.dma_semaphore, #tpu.memory_space<semaphore_mem>>) src(%dma_wait3A_1302 : memref<128x16xf32, #tpu.memory_space<vmem>>) dst(%dma_wait3A_1308 : memref<10240x16xf32, #tpu.memory_space<vmem_shared>>)
    %dma_wait3A_1309 = arith.constant 11 : i32
    %dma_wait3A_1310 = arith.constant 151 : i32
    %dma_wait3A_1311 = arith.constant 0 : i32
    %dma_wait3A_1312 = arith.constant 0 : i32
    %dma_wait3A_1313 = tpu.memref_slice %arg14[%dma_wait3A_1309, %dma_wait3A_1311, %dma_wait3A_1312] : memref<14x128x16xf32, #tpu.memory_space<vmem>> -> memref<1x128x16xf32, #tpu.memory_space<vmem>>
    %dma_wait3A_1314 = tpu.memref_squeeze %dma_wait3A_1313 : memref<1x128x16xf32, #tpu.memory_space<vmem>> -> memref<128x16xf32, #tpu.memory_space<vmem>>
    %dma_wait3A_1315 = arith.constant 0 : i32
    %dma_wait3A_1316 = tpu.memref_slice %arg13[%dma_wait3A_1310, %dma_wait3A_1315] : memref<157x128xi32, #tpu.memory_space<vmem>> -> memref<1x128xi32, #tpu.memory_space<vmem>>
    %dma_wait3A_1317 = tpu.memref_squeeze %dma_wait3A_1316 : memref<1x128xi32, #tpu.memory_space<vmem>> -> memref<128xi32, #tpu.memory_space<vmem>>
    %dma_wait3A_1318 = arith.constant 0 : i32
    %dma_wait3A_1319 = arith.constant 0 : i32
    %dma_wait3A_1320 = tpu.memref_slice %arg11[%dma_wait3A_1318, %dma_wait3A_1319] : memref<10240x16xf32, #tpu.memory_space<vmem_shared>> -> memref<10240x16xf32, #tpu.memory_space<vmem_shared>>
    tpu.wait_indirect_dma semaphore(%arg21 : memref<!tpu.dma_semaphore, #tpu.memory_space<semaphore_mem>>) src(%dma_wait3A_1314 : memref<128x16xf32, #tpu.memory_space<vmem>>) dst(%dma_wait3A_1320 : memref<10240x16xf32, #tpu.memory_space<vmem_shared>>)
    %dma_wait3A_1321 = arith.constant 12 : i32
    %dma_wait3A_1322 = arith.constant 152 : i32
    %dma_wait3A_1323 = arith.constant 0 : i32
    %dma_wait3A_1324 = arith.constant 0 : i32
    %dma_wait3A_1325 = tpu.memref_slice %arg14[%dma_wait3A_1321, %dma_wait3A_1323, %dma_wait3A_1324] : memref<14x128x16xf32, #tpu.memory_space<vmem>> -> memref<1x128x16xf32, #tpu.memory_space<vmem>>
    %dma_wait3A_1326 = tpu.memref_squeeze %dma_wait3A_1325 : memref<1x128x16xf32, #tpu.memory_space<vmem>> -> memref<128x16xf32, #tpu.memory_space<vmem>>
    %dma_wait3A_1327 = arith.constant 0 : i32
    %dma_wait3A_1328 = tpu.memref_slice %arg13[%dma_wait3A_1322, %dma_wait3A_1327] : memref<157x128xi32, #tpu.memory_space<vmem>> -> memref<1x128xi32, #tpu.memory_space<vmem>>
    %dma_wait3A_1329 = tpu.memref_squeeze %dma_wait3A_1328 : memref<1x128xi32, #tpu.memory_space<vmem>> -> memref<128xi32, #tpu.memory_space<vmem>>
    %dma_wait3A_1330 = arith.constant 0 : i32
    %dma_wait3A_1331 = arith.constant 0 : i32
    %dma_wait3A_1332 = tpu.memref_slice %arg11[%dma_wait3A_1330, %dma_wait3A_1331] : memref<10240x16xf32, #tpu.memory_space<vmem_shared>> -> memref<10240x16xf32, #tpu.memory_space<vmem_shared>>
    tpu.wait_indirect_dma semaphore(%arg21 : memref<!tpu.dma_semaphore, #tpu.memory_space<semaphore_mem>>) src(%dma_wait3A_1326 : memref<128x16xf32, #tpu.memory_space<vmem>>) dst(%dma_wait3A_1332 : memref<10240x16xf32, #tpu.memory_space<vmem_shared>>)
    %dma_wait3A_1333 = arith.constant 13 : i32
    %dma_wait3A_1334 = arith.constant 153 : i32
    %dma_wait3A_1335 = arith.constant 0 : i32
    %dma_wait3A_1336 = arith.constant 0 : i32
    %dma_wait3A_1337 = tpu.memref_slice %arg14[%dma_wait3A_1333, %dma_wait3A_1335, %dma_wait3A_1336] : memref<14x128x16xf32, #tpu.memory_space<vmem>> -> memref<1x128x16xf32, #tpu.memory_space<vmem>>
    %dma_wait3A_1338 = tpu.memref_squeeze %dma_wait3A_1337 : memref<1x128x16xf32, #tpu.memory_space<vmem>> -> memref<128x16xf32, #tpu.memory_space<vmem>>
    %dma_wait3A_1339 = arith.constant 0 : i32
    %dma_wait3A_1340 = tpu.memref_slice %arg13[%dma_wait3A_1334, %dma_wait3A_1339] : memref<157x128xi32, #tpu.memory_space<vmem>> -> memref<1x128xi32, #tpu.memory_space<vmem>>
    %dma_wait3A_1341 = tpu.memref_squeeze %dma_wait3A_1340 : memref<1x128xi32, #tpu.memory_space<vmem>> -> memref<128xi32, #tpu.memory_space<vmem>>
    %dma_wait3A_1342 = arith.constant 0 : i32
    %dma_wait3A_1343 = arith.constant 0 : i32
    %dma_wait3A_1344 = tpu.memref_slice %arg11[%dma_wait3A_1342, %dma_wait3A_1343] : memref<10240x16xf32, #tpu.memory_space<vmem_shared>> -> memref<10240x16xf32, #tpu.memory_space<vmem_shared>>
    tpu.wait_indirect_dma semaphore(%arg21 : memref<!tpu.dma_semaphore, #tpu.memory_space<semaphore_mem>>) src(%dma_wait3A_1338 : memref<128x16xf32, #tpu.memory_space<vmem>>) dst(%dma_wait3A_1344 : memref<10240x16xf32, #tpu.memory_space<vmem_shared>>)
    %dma_wait3A_1345 = arith.constant 0 : i32
    %dma_wait3A_1346 = arith.constant 154 : i32
    %dma_wait3A_1347 = arith.constant 0 : i32
    %dma_wait3A_1348 = arith.constant 0 : i32
    %dma_wait3A_1349 = tpu.memref_slice %arg14[%dma_wait3A_1345, %dma_wait3A_1347, %dma_wait3A_1348] : memref<14x128x16xf32, #tpu.memory_space<vmem>> -> memref<1x128x16xf32, #tpu.memory_space<vmem>>
    %dma_wait3A_1350 = tpu.memref_squeeze %dma_wait3A_1349 : memref<1x128x16xf32, #tpu.memory_space<vmem>> -> memref<128x16xf32, #tpu.memory_space<vmem>>
    %dma_wait3A_1351 = arith.constant 0 : i32
    %dma_wait3A_1352 = tpu.memref_slice %arg13[%dma_wait3A_1346, %dma_wait3A_1351] : memref<157x128xi32, #tpu.memory_space<vmem>> -> memref<1x128xi32, #tpu.memory_space<vmem>>
    %dma_wait3A_1353 = tpu.memref_squeeze %dma_wait3A_1352 : memref<1x128xi32, #tpu.memory_space<vmem>> -> memref<128xi32, #tpu.memory_space<vmem>>
    %dma_wait3A_1354 = arith.constant 0 : i32
    %dma_wait3A_1355 = arith.constant 0 : i32
    %dma_wait3A_1356 = tpu.memref_slice %arg11[%dma_wait3A_1354, %dma_wait3A_1355] : memref<10240x16xf32, #tpu.memory_space<vmem_shared>> -> memref<10240x16xf32, #tpu.memory_space<vmem_shared>>
    tpu.wait_indirect_dma semaphore(%arg21 : memref<!tpu.dma_semaphore, #tpu.memory_space<semaphore_mem>>) src(%dma_wait3A_1350 : memref<128x16xf32, #tpu.memory_space<vmem>>) dst(%dma_wait3A_1356 : memref<10240x16xf32, #tpu.memory_space<vmem_shared>>)
    %dma_wait3A_1357 = arith.constant 1 : i32
    %dma_wait3A_1358 = arith.constant 155 : i32
    %dma_wait3A_1359 = arith.constant 0 : i32
    %dma_wait3A_1360 = arith.constant 0 : i32
    %dma_wait3A_1361 = tpu.memref_slice %arg14[%dma_wait3A_1357, %dma_wait3A_1359, %dma_wait3A_1360] : memref<14x128x16xf32, #tpu.memory_space<vmem>> -> memref<1x128x16xf32, #tpu.memory_space<vmem>>
    %dma_wait3A_1362 = tpu.memref_squeeze %dma_wait3A_1361 : memref<1x128x16xf32, #tpu.memory_space<vmem>> -> memref<128x16xf32, #tpu.memory_space<vmem>>
    %dma_wait3A_1363 = arith.constant 0 : i32
    %dma_wait3A_1364 = tpu.memref_slice %arg13[%dma_wait3A_1358, %dma_wait3A_1363] : memref<157x128xi32, #tpu.memory_space<vmem>> -> memref<1x128xi32, #tpu.memory_space<vmem>>
    %dma_wait3A_1365 = tpu.memref_squeeze %dma_wait3A_1364 : memref<1x128xi32, #tpu.memory_space<vmem>> -> memref<128xi32, #tpu.memory_space<vmem>>
    %dma_wait3A_1366 = arith.constant 0 : i32
    %dma_wait3A_1367 = arith.constant 0 : i32
    %dma_wait3A_1368 = tpu.memref_slice %arg11[%dma_wait3A_1366, %dma_wait3A_1367] : memref<10240x16xf32, #tpu.memory_space<vmem_shared>> -> memref<10240x16xf32, #tpu.memory_space<vmem_shared>>
    tpu.wait_indirect_dma semaphore(%arg21 : memref<!tpu.dma_semaphore, #tpu.memory_space<semaphore_mem>>) src(%dma_wait3A_1362 : memref<128x16xf32, #tpu.memory_space<vmem>>) dst(%dma_wait3A_1368 : memref<10240x16xf32, #tpu.memory_space<vmem_shared>>)
    %dma_wait3A_1369 = arith.constant 2 : i32
    %dma_wait3A_1370 = arith.constant 156 : i32
    %dma_wait3A_1371 = arith.constant 0 : i32
    %dma_wait3A_1372 = arith.constant 0 : i32
    %dma_wait3A_1373 = tpu.memref_slice %arg14[%dma_wait3A_1369, %dma_wait3A_1371, %dma_wait3A_1372] : memref<14x128x16xf32, #tpu.memory_space<vmem>> -> memref<1x128x16xf32, #tpu.memory_space<vmem>>
    %dma_wait3A_1374 = tpu.memref_squeeze %dma_wait3A_1373 : memref<1x128x16xf32, #tpu.memory_space<vmem>> -> memref<128x16xf32, #tpu.memory_space<vmem>>
    %dma_wait3A_1375 = arith.constant 0 : i32
    %dma_wait3A_1376 = tpu.memref_slice %arg13[%dma_wait3A_1370, %dma_wait3A_1375] : memref<157x128xi32, #tpu.memory_space<vmem>> -> memref<1x128xi32, #tpu.memory_space<vmem>>
    %dma_wait3A_1377 = tpu.memref_squeeze %dma_wait3A_1376 : memref<1x128xi32, #tpu.memory_space<vmem>> -> memref<128xi32, #tpu.memory_space<vmem>>
    %dma_wait3A_1378 = arith.constant 0 : i32
    %dma_wait3A_1379 = arith.constant 0 : i32
    %dma_wait3A_1380 = tpu.memref_slice %arg11[%dma_wait3A_1378, %dma_wait3A_1379] : memref<10240x16xf32, #tpu.memory_space<vmem_shared>> -> memref<10240x16xf32, #tpu.memory_space<vmem_shared>>
    tpu.wait_indirect_dma semaphore(%arg21 : memref<!tpu.dma_semaphore, #tpu.memory_space<semaphore_mem>>) src(%dma_wait3A_1374 : memref<128x16xf32, #tpu.memory_space<vmem>>) dst(%dma_wait3A_1380 : memref<10240x16xf32, #tpu.memory_space<vmem_shared>>)
    %barrier3A_1381 = arith.constant 0 : index
    tpu.barrier barrier_id(%barrier3A_1381)
    "tpu.region"() ({
      %run_scoped3A = tpu.sem_alloc : memref<!tpu.dma_semaphore, #tpu.memory_space<semaphore_mem>>
      %dma_start3A_2002 = arith.constant 0 : i32
      %dma_start3A_2003 = tpu.memref_slice %arg11[%mul3A_0, %dma_start3A_2002] : memref<10240x16xf32, #tpu.memory_space<vmem_shared>> -> memref<640x16xf32, #tpu.memory_space<vmem_shared>>
      %dma_start3A_2004 = arith.constant 0 : i32
      %dma_start3A_2005 = tpu.memref_slice %arg11[%mul3A_0, %dma_start3A_2004] : memref<10240x16xf32, #tpu.memory_space<vmem_shared>> -> memref<640x16xf32, #tpu.memory_space<vmem_shared>>
      tpu.enqueue_dma source(%dma_start3A_2005 : memref<640x16xf32, #tpu.memory_space<vmem_shared>>) target(%arg15 : memref<640x16xf32, #tpu.memory_space<vmem>>) target_semaphore(%run_scoped3A : memref<!tpu.dma_semaphore, #tpu.memory_space<semaphore_mem>>)
      %dma_wait3A_2006 = arith.constant 0 : i32
      %dma_wait3A_2007 = tpu.memref_slice %arg11[%mul3A_0, %dma_wait3A_2006] : memref<10240x16xf32, #tpu.memory_space<vmem_shared>> -> memref<640x16xf32, #tpu.memory_space<vmem_shared>>
      %dma_wait3A_2008 = arith.constant 0 : i32
      %dma_wait3A_2009 = tpu.memref_slice %arg11[%mul3A_0, %dma_wait3A_2008] : memref<10240x16xf32, #tpu.memory_space<vmem_shared>> -> memref<640x16xf32, #tpu.memory_space<vmem_shared>>
      tpu.wait_dma2 semaphore(%run_scoped3A : memref<!tpu.dma_semaphore, #tpu.memory_space<semaphore_mem>>) src(%dma_wait3A_2009 : memref<640x16xf32, #tpu.memory_space<vmem_shared>>) dst(%arg15 : memref<640x16xf32, #tpu.memory_space<vmem>>)
      tpu.yield
    }) : () -> ()
    %dma_start3A_1382 = arith.constant 0 : i32
    %dma_start3A_1383 = tpu.memref_slice %arg11[%mul3A_0, %dma_start3A_1382] : memref<10240x16xf32, #tpu.memory_space<vmem_shared>> -> memref<640x16xf32, #tpu.memory_space<vmem_shared>>
    %dma_start3A_1384 = arith.constant 0 : i32
    %dma_start3A_1385 = tpu.memref_slice %arg11[%mul3A_0, %dma_start3A_1384] : memref<10240x16xf32, #tpu.memory_space<vmem_shared>> -> memref<640x16xf32, #tpu.memory_space<vmem_shared>>
    tpu.enqueue_dma source(%arg19 : memref<640x16xf32, #tpu.memory_space<vmem>>) target(%dma_start3A_1385 : memref<640x16xf32, #tpu.memory_space<vmem_shared>>) target_semaphore(%arg23 : memref<!tpu.dma_semaphore, #tpu.memory_space<semaphore_mem>>)
    %add3A_1386 = arith.constant 71680 : i32
    %add3A_1387 = arith.addi %add3A_1386, %mul3A_0 : i32
    %dma_wait3A_1388 = arith.constant 0 : i32
    %dma_wait3A_1389 = tpu.memref_slice %arg2[%add3A_1387, %dma_wait3A_1388] : memref<112640x16xf32, #tpu.memory_space<hbm>> -> memref<640x16xf32, #tpu.memory_space<hbm>>
    %dma_wait3A_1390 = arith.constant 0 : i32
    %dma_wait3A_1391 = tpu.memref_slice %arg2[%add3A_1387, %dma_wait3A_1390] : memref<112640x16xf32, #tpu.memory_space<hbm>> -> memref<640x16xf32, #tpu.memory_space<hbm>>
    tpu.wait_dma2 semaphore(%arg22 : memref<!tpu.dma_semaphore, #tpu.memory_space<semaphore_mem>>) src(%dma_wait3A_1391 : memref<640x16xf32, #tpu.memory_space<hbm>>) dst(%arg16 : memref<640x16xf32, #tpu.memory_space<vmem>>)
    %scan3A_1392 = arith.constant 0 : i32
    %scan3A_1393 = arith.constant 640 : i32
    %scan3A_1394 = arith.addi %scan3A_1392, %scan3A_1393 : i32
    %scan3A_1395 = arith.constant 1 : i32
    scf.for %scan3A_2002 = %scan3A_1392 to %scan3A_1394 step %scan3A_1395  : i32 {
      %get3A = arith.index_cast %scan3A_2002 : i32 to index
      %get3A_2003 = arith.constant 0 : index
      %get3A_2004 = tpu.vector_load %arg17[%get3A, %get3A_2003] {strides = array<i32>} : memref<640x16xf32, #tpu.memory_space<vmem>>, vector<1x16xf32>,
      %get3A_2005 = vector.shape_cast %get3A_2004 : vector<1x16xf32> to vector<16xf32>
      %get3A_2006 = arith.index_cast %scan3A_2002 : i32 to index
      %get3A_2007 = arith.constant 0 : index
      %get3A_2008 = tpu.vector_load %arg16[%get3A_2006, %get3A_2007] {strides = array<i32>} : memref<640x16xf32, #tpu.memory_space<vmem>>, vector<1x16xf32>,
      %get3A_2009 = vector.shape_cast %get3A_2008 : vector<1x16xf32> to vector<16xf32>
      %mul3A_2010 = arith.mulf %get3A_2005, %get3A_2009 : vector<16xf32>
      %get3A_2011 = arith.index_cast %scan3A_2002 : i32 to index
      %get3A_2012 = arith.constant 0 : index
      %get3A_2013 = tpu.vector_load %arg18[%get3A_2011, %get3A_2012] {strides = array<i32>} : memref<640x16xf32, #tpu.memory_space<vmem>>, vector<1x16xf32>,
      %get3A_2014 = vector.shape_cast %get3A_2013 : vector<1x16xf32> to vector<16xf32>
      %get3A_2015 = arith.index_cast %scan3A_2002 : i32 to index
      %get3A_2016 = arith.constant 0 : index
      %get3A_2017 = tpu.vector_load %arg15[%get3A_2015, %get3A_2016] {strides = array<i32>} : memref<640x16xf32, #tpu.memory_space<vmem>>, vector<1x16xf32>,
      %get3A_2018 = vector.shape_cast %get3A_2017 : vector<1x16xf32> to vector<16xf32>
      %mul3A_2019 = arith.mulf %get3A_2014, %get3A_2018 : vector<16xf32>
      %add3A_2020 = arith.addf %mul3A_2010, %mul3A_2019 : vector<16xf32>
      %swap3A = arith.index_cast %scan3A_2002 : i32 to index
      %swap3A_2021 = arith.constant 0 : index
      %swap3A_2022 = tpu.vector_load %arg16[%swap3A, %swap3A_2021] {strides = array<i32>} : memref<640x16xf32, #tpu.memory_space<vmem>>, vector<1x16xf32>,
      %swap3A_2023 = vector.shape_cast %swap3A_2022 : vector<1x16xf32> to vector<16xf32>
      %swap3A_2024 = vector.shape_cast %add3A_2020 : vector<16xf32> to vector<1x16xf32>
      tpu.vector_store %arg16[%swap3A, %swap3A_2021], %swap3A_2024 {strides = array<i32>} : memref<640x16xf32, #tpu.memory_space<vmem>>, vector<1x16xf32>,
    }
    %scan3A_1396 = arith.constant 640 : i32
    "tpu.region"() ({
      %run_scoped3A = tpu.sem_alloc : memref<!tpu.dma_semaphore, #tpu.memory_space<semaphore_mem>>
      %dma_start3A_2002 = arith.constant 0 : i32
      %dma_start3A_2003 = tpu.memref_slice %arg9[%mul3A_0, %dma_start3A_2002] : memref<10240x16xf32, #tpu.memory_space<hbm>> -> memref<640x16xf32, #tpu.memory_space<hbm>>
      %dma_start3A_2004 = arith.constant 0 : i32
      %dma_start3A_2005 = tpu.memref_slice %arg9[%mul3A_0, %dma_start3A_2004] : memref<10240x16xf32, #tpu.memory_space<hbm>> -> memref<640x16xf32, #tpu.memory_space<hbm>>
      tpu.enqueue_dma source(%arg16 : memref<640x16xf32, #tpu.memory_space<vmem>>) target(%dma_start3A_2005 : memref<640x16xf32, #tpu.memory_space<hbm>>) target_semaphore(%run_scoped3A : memref<!tpu.dma_semaphore, #tpu.memory_space<semaphore_mem>>)
      %dma_wait3A_2006 = arith.constant 0 : i32
      %dma_wait3A_2007 = tpu.memref_slice %arg9[%mul3A_0, %dma_wait3A_2006] : memref<10240x16xf32, #tpu.memory_space<hbm>> -> memref<640x16xf32, #tpu.memory_space<hbm>>
      %dma_wait3A_2008 = arith.constant 0 : i32
      %dma_wait3A_2009 = tpu.memref_slice %arg9[%mul3A_0, %dma_wait3A_2008] : memref<10240x16xf32, #tpu.memory_space<hbm>> -> memref<640x16xf32, #tpu.memory_space<hbm>>
      tpu.wait_dma2 semaphore(%run_scoped3A : memref<!tpu.dma_semaphore, #tpu.memory_space<semaphore_mem>>) src(%arg16 : memref<640x16xf32, #tpu.memory_space<vmem>>) dst(%dma_wait3A_2009 : memref<640x16xf32, #tpu.memory_space<hbm>>)
      tpu.yield
    }) : () -> ()
    %dma_wait3A_1397 = arith.constant 0 : i32
    %dma_wait3A_1398 = tpu.memref_slice %arg11[%mul3A_0, %dma_wait3A_1397] : memref<10240x16xf32, #tpu.memory_space<vmem_shared>> -> memref<640x16xf32, #tpu.memory_space<vmem_shared>>
    %dma_wait3A_1399 = arith.constant 0 : i32
    %dma_wait3A_1400 = tpu.memref_slice %arg11[%mul3A_0, %dma_wait3A_1399] : memref<10240x16xf32, #tpu.memory_space<vmem_shared>> -> memref<640x16xf32, #tpu.memory_space<vmem_shared>>
    tpu.wait_dma2 semaphore(%arg23 : memref<!tpu.dma_semaphore, #tpu.memory_space<semaphore_mem>>) src(%arg19 : memref<640x16xf32, #tpu.memory_space<vmem>>) dst(%dma_wait3A_1400 : memref<640x16xf32, #tpu.memory_space<vmem_shared>>)
    %barrier3A_1401 = arith.constant 0 : index
    tpu.barrier barrier_id(%barrier3A_1401)
    %add3A_1402 = arith.constant 81920 : i32
    %add3A_1403 = arith.addi %add3A_1402, %mul3A_0 : i32
    %dma_start3A_1404 = arith.constant 0 : i32
    %dma_start3A_1405 = tpu.memref_slice %arg2[%add3A_1403, %dma_start3A_1404] : memref<112640x16xf32, #tpu.memory_space<hbm>> -> memref<640x16xf32, #tpu.memory_space<hbm>>
    %dma_start3A_1406 = arith.constant 0 : i32
    %dma_start3A_1407 = tpu.memref_slice %arg2[%add3A_1403, %dma_start3A_1406] : memref<112640x16xf32, #tpu.memory_space<hbm>> -> memref<640x16xf32, #tpu.memory_space<hbm>>
    tpu.enqueue_dma source(%dma_start3A_1407 : memref<640x16xf32, #tpu.memory_space<hbm>>) target(%arg16 : memref<640x16xf32, #tpu.memory_space<vmem>>) target_semaphore(%arg22 : memref<!tpu.dma_semaphore, #tpu.memory_space<semaphore_mem>>)
    %dma_start3A_1408 = arith.constant 0 : i32
    %dma_start3A_1409 = arith.constant 0 : i32
    %dma_start3A_1410 = arith.constant 0 : i32
    %dma_start3A_1411 = arith.constant 0 : i32
    %dma_start3A_1412 = tpu.memref_slice %arg14[%dma_start3A_1409, %dma_start3A_1410, %dma_start3A_1411] : memref<14x128x16xf32, #tpu.memory_space<vmem>> -> memref<1x128x16xf32, #tpu.memory_space<vmem>>
    %dma_start3A_1413 = tpu.memref_squeeze %dma_start3A_1412 : memref<1x128x16xf32, #tpu.memory_space<vmem>> -> memref<128x16xf32, #tpu.memory_space<vmem>>
    %dma_start3A_1414 = arith.constant 0 : i32
    %dma_start3A_1415 = tpu.memref_slice %arg12[%dma_start3A_1408, %dma_start3A_1414] : memref<157x128xi32, #tpu.memory_space<vmem>> -> memref<1x128xi32, #tpu.memory_space<vmem>>
    %dma_start3A_1416 = tpu.memref_squeeze %dma_start3A_1415 : memref<1x128xi32, #tpu.memory_space<vmem>> -> memref<128xi32, #tpu.memory_space<vmem>>
    %dma_start3A_1417 = arith.constant 0 : i32
    %dma_start3A_1418 = arith.constant 0 : i32
    %dma_start3A_1419 = tpu.memref_slice %arg9[%dma_start3A_1417, %dma_start3A_1418] : memref<10240x16xf32, #tpu.memory_space<hbm>> -> memref<10240x16xf32, #tpu.memory_space<hbm>>
    tpu.enqueue_indirect_dma source(%dma_start3A_1419 : memref<10240x16xf32, #tpu.memory_space<hbm>>) target(%dma_start3A_1413 : memref<128x16xf32, #tpu.memory_space<vmem>>) offsets(%dma_start3A_1416 : memref<128xi32, #tpu.memory_space<vmem>>) semaphore(%arg20 : memref<!tpu.dma_semaphore, #tpu.memory_space<semaphore_mem>>)
    %dma_start3A_1420 = arith.constant 1 : i32
    %dma_start3A_1421 = arith.constant 1 : i32
    %dma_start3A_1422 = arith.constant 0 : i32
    %dma_start3A_1423 = arith.constant 0 : i32
    %dma_start3A_1424 = tpu.memref_slice %arg14[%dma_start3A_1421, %dma_start3A_1422, %dma_start3A_1423] : memref<14x128x16xf32, #tpu.memory_space<vmem>> -> memref<1x128x16xf32, #tpu.memory_space<vmem>>
    %dma_start3A_1425 = tpu.memref_squeeze %dma_start3A_1424 : memref<1x128x16xf32, #tpu.memory_space<vmem>> -> memref<128x16xf32, #tpu.memory_space<vmem>>
    %dma_start3A_1426 = arith.constant 0 : i32
    %dma_start3A_1427 = tpu.memref_slice %arg12[%dma_start3A_1420, %dma_start3A_1426] : memref<157x128xi32, #tpu.memory_space<vmem>> -> memref<1x128xi32, #tpu.memory_space<vmem>>
    %dma_start3A_1428 = tpu.memref_squeeze %dma_start3A_1427 : memref<1x128xi32, #tpu.memory_space<vmem>> -> memref<128xi32, #tpu.memory_space<vmem>>
    %dma_start3A_1429 = arith.constant 0 : i32
    %dma_start3A_1430 = arith.constant 0 : i32
    %dma_start3A_1431 = tpu.memref_slice %arg9[%dma_start3A_1429, %dma_start3A_1430] : memref<10240x16xf32, #tpu.memory_space<hbm>> -> memref<10240x16xf32, #tpu.memory_space<hbm>>
    tpu.enqueue_indirect_dma source(%dma_start3A_1431 : memref<10240x16xf32, #tpu.memory_space<hbm>>) target(%dma_start3A_1425 : memref<128x16xf32, #tpu.memory_space<vmem>>) offsets(%dma_start3A_1428 : memref<128xi32, #tpu.memory_space<vmem>>) semaphore(%arg20 : memref<!tpu.dma_semaphore, #tpu.memory_space<semaphore_mem>>)
    %dma_start3A_1432 = arith.constant 2 : i32
    %dma_start3A_1433 = arith.constant 2 : i32
    %dma_start3A_1434 = arith.constant 0 : i32
    %dma_start3A_1435 = arith.constant 0 : i32
    %dma_start3A_1436 = tpu.memref_slice %arg14[%dma_start3A_1433, %dma_start3A_1434, %dma_start3A_1435] : memref<14x128x16xf32, #tpu.memory_space<vmem>> -> memref<1x128x16xf32, #tpu.memory_space<vmem>>
    %dma_start3A_1437 = tpu.memref_squeeze %dma_start3A_1436 : memref<1x128x16xf32, #tpu.memory_space<vmem>> -> memref<128x16xf32, #tpu.memory_space<vmem>>
    %dma_start3A_1438 = arith.constant 0 : i32
    %dma_start3A_1439 = tpu.memref_slice %arg12[%dma_start3A_1432, %dma_start3A_1438] : memref<157x128xi32, #tpu.memory_space<vmem>> -> memref<1x128xi32, #tpu.memory_space<vmem>>
    %dma_start3A_1440 = tpu.memref_squeeze %dma_start3A_1439 : memref<1x128xi32, #tpu.memory_space<vmem>> -> memref<128xi32, #tpu.memory_space<vmem>>
    %dma_start3A_1441 = arith.constant 0 : i32
    %dma_start3A_1442 = arith.constant 0 : i32
    %dma_start3A_1443 = tpu.memref_slice %arg9[%dma_start3A_1441, %dma_start3A_1442] : memref<10240x16xf32, #tpu.memory_space<hbm>> -> memref<10240x16xf32, #tpu.memory_space<hbm>>
    tpu.enqueue_indirect_dma source(%dma_start3A_1443 : memref<10240x16xf32, #tpu.memory_space<hbm>>) target(%dma_start3A_1437 : memref<128x16xf32, #tpu.memory_space<vmem>>) offsets(%dma_start3A_1440 : memref<128xi32, #tpu.memory_space<vmem>>) semaphore(%arg20 : memref<!tpu.dma_semaphore, #tpu.memory_space<semaphore_mem>>)
    %dma_start3A_1444 = arith.constant 3 : i32
    %dma_start3A_1445 = arith.constant 3 : i32
    %dma_start3A_1446 = arith.constant 0 : i32
    %dma_start3A_1447 = arith.constant 0 : i32
    %dma_start3A_1448 = tpu.memref_slice %arg14[%dma_start3A_1445, %dma_start3A_1446, %dma_start3A_1447] : memref<14x128x16xf32, #tpu.memory_space<vmem>> -> memref<1x128x16xf32, #tpu.memory_space<vmem>>
    %dma_start3A_1449 = tpu.memref_squeeze %dma_start3A_1448 : memref<1x128x16xf32, #tpu.memory_space<vmem>> -> memref<128x16xf32, #tpu.memory_space<vmem>>
    %dma_start3A_1450 = arith.constant 0 : i32
    %dma_start3A_1451 = tpu.memref_slice %arg12[%dma_start3A_1444, %dma_start3A_1450] : memref<157x128xi32, #tpu.memory_space<vmem>> -> memref<1x128xi32, #tpu.memory_space<vmem>>
    %dma_start3A_1452 = tpu.memref_squeeze %dma_start3A_1451 : memref<1x128xi32, #tpu.memory_space<vmem>> -> memref<128xi32, #tpu.memory_space<vmem>>
    %dma_start3A_1453 = arith.constant 0 : i32
    %dma_start3A_1454 = arith.constant 0 : i32
    %dma_start3A_1455 = tpu.memref_slice %arg9[%dma_start3A_1453, %dma_start3A_1454] : memref<10240x16xf32, #tpu.memory_space<hbm>> -> memref<10240x16xf32, #tpu.memory_space<hbm>>
    tpu.enqueue_indirect_dma source(%dma_start3A_1455 : memref<10240x16xf32, #tpu.memory_space<hbm>>) target(%dma_start3A_1449 : memref<128x16xf32, #tpu.memory_space<vmem>>) offsets(%dma_start3A_1452 : memref<128xi32, #tpu.memory_space<vmem>>) semaphore(%arg20 : memref<!tpu.dma_semaphore, #tpu.memory_space<semaphore_mem>>)
    %dma_start3A_1456 = arith.constant 4 : i32
    %dma_start3A_1457 = arith.constant 4 : i32
    %dma_start3A_1458 = arith.constant 0 : i32
    %dma_start3A_1459 = arith.constant 0 : i32
    %dma_start3A_1460 = tpu.memref_slice %arg14[%dma_start3A_1457, %dma_start3A_1458, %dma_start3A_1459] : memref<14x128x16xf32, #tpu.memory_space<vmem>> -> memref<1x128x16xf32, #tpu.memory_space<vmem>>
    %dma_start3A_1461 = tpu.memref_squeeze %dma_start3A_1460 : memref<1x128x16xf32, #tpu.memory_space<vmem>> -> memref<128x16xf32, #tpu.memory_space<vmem>>
    %dma_start3A_1462 = arith.constant 0 : i32
    %dma_start3A_1463 = tpu.memref_slice %arg12[%dma_start3A_1456, %dma_start3A_1462] : memref<157x128xi32, #tpu.memory_space<vmem>> -> memref<1x128xi32, #tpu.memory_space<vmem>>
    %dma_start3A_1464 = tpu.memref_squeeze %dma_start3A_1463 : memref<1x128xi32, #tpu.memory_space<vmem>> -> memref<128xi32, #tpu.memory_space<vmem>>
    %dma_start3A_1465 = arith.constant 0 : i32
    %dma_start3A_1466 = arith.constant 0 : i32
    %dma_start3A_1467 = tpu.memref_slice %arg9[%dma_start3A_1465, %dma_start3A_1466] : memref<10240x16xf32, #tpu.memory_space<hbm>> -> memref<10240x16xf32, #tpu.memory_space<hbm>>
    tpu.enqueue_indirect_dma source(%dma_start3A_1467 : memref<10240x16xf32, #tpu.memory_space<hbm>>) target(%dma_start3A_1461 : memref<128x16xf32, #tpu.memory_space<vmem>>) offsets(%dma_start3A_1464 : memref<128xi32, #tpu.memory_space<vmem>>) semaphore(%arg20 : memref<!tpu.dma_semaphore, #tpu.memory_space<semaphore_mem>>)
    %dma_start3A_1468 = arith.constant 5 : i32
    %dma_start3A_1469 = arith.constant 5 : i32
    %dma_start3A_1470 = arith.constant 0 : i32
    %dma_start3A_1471 = arith.constant 0 : i32
    %dma_start3A_1472 = tpu.memref_slice %arg14[%dma_start3A_1469, %dma_start3A_1470, %dma_start3A_1471] : memref<14x128x16xf32, #tpu.memory_space<vmem>> -> memref<1x128x16xf32, #tpu.memory_space<vmem>>
    %dma_start3A_1473 = tpu.memref_squeeze %dma_start3A_1472 : memref<1x128x16xf32, #tpu.memory_space<vmem>> -> memref<128x16xf32, #tpu.memory_space<vmem>>
    %dma_start3A_1474 = arith.constant 0 : i32
    %dma_start3A_1475 = tpu.memref_slice %arg12[%dma_start3A_1468, %dma_start3A_1474] : memref<157x128xi32, #tpu.memory_space<vmem>> -> memref<1x128xi32, #tpu.memory_space<vmem>>
    %dma_start3A_1476 = tpu.memref_squeeze %dma_start3A_1475 : memref<1x128xi32, #tpu.memory_space<vmem>> -> memref<128xi32, #tpu.memory_space<vmem>>
    %dma_start3A_1477 = arith.constant 0 : i32
    %dma_start3A_1478 = arith.constant 0 : i32
    %dma_start3A_1479 = tpu.memref_slice %arg9[%dma_start3A_1477, %dma_start3A_1478] : memref<10240x16xf32, #tpu.memory_space<hbm>> -> memref<10240x16xf32, #tpu.memory_space<hbm>>
    tpu.enqueue_indirect_dma source(%dma_start3A_1479 : memref<10240x16xf32, #tpu.memory_space<hbm>>) target(%dma_start3A_1473 : memref<128x16xf32, #tpu.memory_space<vmem>>) offsets(%dma_start3A_1476 : memref<128xi32, #tpu.memory_space<vmem>>) semaphore(%arg20 : memref<!tpu.dma_semaphore, #tpu.memory_space<semaphore_mem>>)
    %dma_start3A_1480 = arith.constant 6 : i32
    %dma_start3A_1481 = arith.constant 6 : i32
    %dma_start3A_1482 = arith.constant 0 : i32
    %dma_start3A_1483 = arith.constant 0 : i32
    %dma_start3A_1484 = tpu.memref_slice %arg14[%dma_start3A_1481, %dma_start3A_1482, %dma_start3A_1483] : memref<14x128x16xf32, #tpu.memory_space<vmem>> -> memref<1x128x16xf32, #tpu.memory_space<vmem>>
    %dma_start3A_1485 = tpu.memref_squeeze %dma_start3A_1484 : memref<1x128x16xf32, #tpu.memory_space<vmem>> -> memref<128x16xf32, #tpu.memory_space<vmem>>
    %dma_start3A_1486 = arith.constant 0 : i32
    %dma_start3A_1487 = tpu.memref_slice %arg12[%dma_start3A_1480, %dma_start3A_1486] : memref<157x128xi32, #tpu.memory_space<vmem>> -> memref<1x128xi32, #tpu.memory_space<vmem>>
    %dma_start3A_1488 = tpu.memref_squeeze %dma_start3A_1487 : memref<1x128xi32, #tpu.memory_space<vmem>> -> memref<128xi32, #tpu.memory_space<vmem>>
    %dma_start3A_1489 = arith.constant 0 : i32
    %dma_start3A_1490 = arith.constant 0 : i32
    %dma_start3A_1491 = tpu.memref_slice %arg9[%dma_start3A_1489, %dma_start3A_1490] : memref<10240x16xf32, #tpu.memory_space<hbm>> -> memref<10240x16xf32, #tpu.memory_space<hbm>>
    tpu.enqueue_indirect_dma source(%dma_start3A_1491 : memref<10240x16xf32, #tpu.memory_space<hbm>>) target(%dma_start3A_1485 : memref<128x16xf32, #tpu.memory_space<vmem>>) offsets(%dma_start3A_1488 : memref<128xi32, #tpu.memory_space<vmem>>) semaphore(%arg20 : memref<!tpu.dma_semaphore, #tpu.memory_space<semaphore_mem>>)
    %scan3A_1492 = arith.constant 0 : i32
    %scan3A_1493 = arith.constant 157 : i32
    %scan3A_1494 = arith.addi %scan3A_1492, %scan3A_1493 : i32
    %scan3A_1495 = arith.constant 1 : i32
    scf.for %scan3A_2002 = %scan3A_1492 to %scan3A_1494 step %scan3A_1495  : i32 {
      %rem3A = arith.constant 14 : i32
      %rem3A_2003 = arith.remsi %scan3A_2002, %rem3A : i32
      %dma_wait3A_2004 = arith.constant 0 : i32
      %dma_wait3A_2005 = arith.constant 0 : i32
      %dma_wait3A_2006 = tpu.memref_slice %arg14[%rem3A_2003, %dma_wait3A_2004, %dma_wait3A_2005] : memref<14x128x16xf32, #tpu.memory_space<vmem>> -> memref<1x128x16xf32, #tpu.memory_space<vmem>>
      %dma_wait3A_2007 = tpu.memref_squeeze %dma_wait3A_2006 : memref<1x128x16xf32, #tpu.memory_space<vmem>> -> memref<128x16xf32, #tpu.memory_space<vmem>>
      %dma_wait3A_2008 = arith.constant 0 : i32
      %dma_wait3A_2009 = tpu.memref_slice %arg12[%scan3A_2002, %dma_wait3A_2008] : memref<157x128xi32, #tpu.memory_space<vmem>> -> memref<1x128xi32, #tpu.memory_space<vmem>>
      %dma_wait3A_2010 = tpu.memref_squeeze %dma_wait3A_2009 : memref<1x128xi32, #tpu.memory_space<vmem>> -> memref<128xi32, #tpu.memory_space<vmem>>
      %dma_wait3A_2011 = arith.constant 0 : i32
      %dma_wait3A_2012 = arith.constant 0 : i32
      %dma_wait3A_2013 = tpu.memref_slice %arg9[%dma_wait3A_2011, %dma_wait3A_2012] : memref<10240x16xf32, #tpu.memory_space<hbm>> -> memref<10240x16xf32, #tpu.memory_space<hbm>>
      tpu.wait_indirect_dma semaphore(%arg20 : memref<!tpu.dma_semaphore, #tpu.memory_space<semaphore_mem>>) src(%dma_wait3A_2013 : memref<10240x16xf32, #tpu.memory_space<hbm>>) dst(%dma_wait3A_2007 : memref<128x16xf32, #tpu.memory_space<vmem>>)
      %dma_start3A_2014 = arith.constant 0 : i32
      %dma_start3A_2015 = arith.constant 0 : i32
      %dma_start3A_2016 = tpu.memref_slice %arg14[%rem3A_2003, %dma_start3A_2014, %dma_start3A_2015] : memref<14x128x16xf32, #tpu.memory_space<vmem>> -> memref<1x128x16xf32, #tpu.memory_space<vmem>>
      %dma_start3A_2017 = tpu.memref_squeeze %dma_start3A_2016 : memref<1x128x16xf32, #tpu.memory_space<vmem>> -> memref<128x16xf32, #tpu.memory_space<vmem>>
      %dma_start3A_2018 = arith.constant 0 : i32
      %dma_start3A_2019 = tpu.memref_slice %arg13[%scan3A_2002, %dma_start3A_2018] : memref<157x128xi32, #tpu.memory_space<vmem>> -> memref<1x128xi32, #tpu.memory_space<vmem>>
      %dma_start3A_2020 = tpu.memref_squeeze %dma_start3A_2019 : memref<1x128xi32, #tpu.memory_space<vmem>> -> memref<128xi32, #tpu.memory_space<vmem>>
      %dma_start3A_2021 = arith.constant 0 : i32
      %dma_start3A_2022 = arith.constant 0 : i32
      %dma_start3A_2023 = tpu.memref_slice %arg11[%dma_start3A_2021, %dma_start3A_2022] : memref<10240x16xf32, #tpu.memory_space<vmem_shared>> -> memref<10240x16xf32, #tpu.memory_space<vmem_shared>>
      tpu.enqueue_indirect_dma source(%dma_start3A_2017 : memref<128x16xf32, #tpu.memory_space<vmem>>) target(%dma_start3A_2023 : memref<10240x16xf32, #tpu.memory_space<vmem_shared>>) offsets(%dma_start3A_2020 : memref<128xi32, #tpu.memory_space<vmem>>) semaphore(%arg21 : memref<!tpu.dma_semaphore, #tpu.memory_space<semaphore_mem>>) {add = true}
      %ge3A = arith.constant 7 : i32
      %ge3A_2024 = arith.cmpi sge, %scan3A_2002, %ge3A : i32
      %convert_element_type3A = arith.extui %ge3A_2024 : i1 to i32
      %cond3A = arith.constant 0 : i32
      %cond3A_2025 = arith.cmpi ne, %convert_element_type3A, %cond3A : i32
      scf.if %cond3A_2025 {
        %sub3A = arith.constant 7 : i32
        %sub3A_2032 = arith.subi %scan3A_2002, %sub3A : i32
        %rem3A_2033 = arith.constant 14 : i32
        %rem3A_2034 = arith.remsi %sub3A_2032, %rem3A_2033 : i32
        %dma_wait3A_2035 = arith.constant 0 : i32
        %dma_wait3A_2036 = arith.constant 0 : i32
        %dma_wait3A_2037 = tpu.memref_slice %arg14[%rem3A_2034, %dma_wait3A_2035, %dma_wait3A_2036] : memref<14x128x16xf32, #tpu.memory_space<vmem>> -> memref<1x128x16xf32, #tpu.memory_space<vmem>>
        %dma_wait3A_2038 = tpu.memref_squeeze %dma_wait3A_2037 : memref<1x128x16xf32, #tpu.memory_space<vmem>> -> memref<128x16xf32, #tpu.memory_space<vmem>>
        %dma_wait3A_2039 = arith.constant 0 : i32
        %dma_wait3A_2040 = tpu.memref_slice %arg13[%sub3A_2032, %dma_wait3A_2039] : memref<157x128xi32, #tpu.memory_space<vmem>> -> memref<1x128xi32, #tpu.memory_space<vmem>>
        %dma_wait3A_2041 = tpu.memref_squeeze %dma_wait3A_2040 : memref<1x128xi32, #tpu.memory_space<vmem>> -> memref<128xi32, #tpu.memory_space<vmem>>
        %dma_wait3A_2042 = arith.constant 0 : i32
        %dma_wait3A_2043 = arith.constant 0 : i32
        %dma_wait3A_2044 = tpu.memref_slice %arg11[%dma_wait3A_2042, %dma_wait3A_2043] : memref<10240x16xf32, #tpu.memory_space<vmem_shared>> -> memref<10240x16xf32, #tpu.memory_space<vmem_shared>>
        tpu.wait_indirect_dma semaphore(%arg21 : memref<!tpu.dma_semaphore, #tpu.memory_space<semaphore_mem>>) src(%dma_wait3A_2038 : memref<128x16xf32, #tpu.memory_space<vmem>>) dst(%dma_wait3A_2044 : memref<10240x16xf32, #tpu.memory_space<vmem_shared>>)
      } else {
      }
      %add3A_2026 = arith.constant 7 : i32
      %add3A_2027 = arith.addi %scan3A_2002, %add3A_2026 : i32
      %lt3A = arith.constant 157 : i32
      %lt3A_2028 = arith.cmpi slt, %add3A_2027, %lt3A : i32
      %convert_element_type3A_2029 = arith.extui %lt3A_2028 : i1 to i32
      %cond3A_2030 = arith.constant 0 : i32
      %cond3A_2031 = arith.cmpi ne, %convert_element_type3A_2029, %cond3A_2030 : i32
      scf.if %cond3A_2031 {
        %add3A_2032 = arith.constant 7 : i32
        %add3A_2033 = arith.addi %scan3A_2002, %add3A_2032 : i32
        %rem3A_2034 = arith.constant 14 : i32
        %rem3A_2035 = arith.remsi %add3A_2033, %rem3A_2034 : i32
        %dma_start3A_2036 = arith.constant 0 : i32
        %dma_start3A_2037 = arith.constant 0 : i32
        %dma_start3A_2038 = tpu.memref_slice %arg14[%rem3A_2035, %dma_start3A_2036, %dma_start3A_2037] : memref<14x128x16xf32, #tpu.memory_space<vmem>> -> memref<1x128x16xf32, #tpu.memory_space<vmem>>
        %dma_start3A_2039 = tpu.memref_squeeze %dma_start3A_2038 : memref<1x128x16xf32, #tpu.memory_space<vmem>> -> memref<128x16xf32, #tpu.memory_space<vmem>>
        %dma_start3A_2040 = arith.constant 0 : i32
        %dma_start3A_2041 = tpu.memref_slice %arg12[%add3A_2033, %dma_start3A_2040] : memref<157x128xi32, #tpu.memory_space<vmem>> -> memref<1x128xi32, #tpu.memory_space<vmem>>
        %dma_start3A_2042 = tpu.memref_squeeze %dma_start3A_2041 : memref<1x128xi32, #tpu.memory_space<vmem>> -> memref<128xi32, #tpu.memory_space<vmem>>
        %dma_start3A_2043 = arith.constant 0 : i32
        %dma_start3A_2044 = arith.constant 0 : i32
        %dma_start3A_2045 = tpu.memref_slice %arg9[%dma_start3A_2043, %dma_start3A_2044] : memref<10240x16xf32, #tpu.memory_space<hbm>> -> memref<10240x16xf32, #tpu.memory_space<hbm>>
        tpu.enqueue_indirect_dma source(%dma_start3A_2045 : memref<10240x16xf32, #tpu.memory_space<hbm>>) target(%dma_start3A_2039 : memref<128x16xf32, #tpu.memory_space<vmem>>) offsets(%dma_start3A_2042 : memref<128xi32, #tpu.memory_space<vmem>>) semaphore(%arg20 : memref<!tpu.dma_semaphore, #tpu.memory_space<semaphore_mem>>)
      } else {
      }
    }
    %scan3A_1496 = arith.constant 157 : i32
    %dma_wait3A_1497 = arith.constant 10 : i32
    %dma_wait3A_1498 = arith.constant 150 : i32
    %dma_wait3A_1499 = arith.constant 0 : i32
    %dma_wait3A_1500 = arith.constant 0 : i32
    %dma_wait3A_1501 = tpu.memref_slice %arg14[%dma_wait3A_1497, %dma_wait3A_1499, %dma_wait3A_1500] : memref<14x128x16xf32, #tpu.memory_space<vmem>> -> memref<1x128x16xf32, #tpu.memory_space<vmem>>
    %dma_wait3A_1502 = tpu.memref_squeeze %dma_wait3A_1501 : memref<1x128x16xf32, #tpu.memory_space<vmem>> -> memref<128x16xf32, #tpu.memory_space<vmem>>
    %dma_wait3A_1503 = arith.constant 0 : i32
    %dma_wait3A_1504 = tpu.memref_slice %arg13[%dma_wait3A_1498, %dma_wait3A_1503] : memref<157x128xi32, #tpu.memory_space<vmem>> -> memref<1x128xi32, #tpu.memory_space<vmem>>
    %dma_wait3A_1505 = tpu.memref_squeeze %dma_wait3A_1504 : memref<1x128xi32, #tpu.memory_space<vmem>> -> memref<128xi32, #tpu.memory_space<vmem>>
    %dma_wait3A_1506 = arith.constant 0 : i32
    %dma_wait3A_1507 = arith.constant 0 : i32
    %dma_wait3A_1508 = tpu.memref_slice %arg11[%dma_wait3A_1506, %dma_wait3A_1507] : memref<10240x16xf32, #tpu.memory_space<vmem_shared>> -> memref<10240x16xf32, #tpu.memory_space<vmem_shared>>
    tpu.wait_indirect_dma semaphore(%arg21 : memref<!tpu.dma_semaphore, #tpu.memory_space<semaphore_mem>>) src(%dma_wait3A_1502 : memref<128x16xf32, #tpu.memory_space<vmem>>) dst(%dma_wait3A_1508 : memref<10240x16xf32, #tpu.memory_space<vmem_shared>>)
    %dma_wait3A_1509 = arith.constant 11 : i32
    %dma_wait3A_1510 = arith.constant 151 : i32
    %dma_wait3A_1511 = arith.constant 0 : i32
    %dma_wait3A_1512 = arith.constant 0 : i32
    %dma_wait3A_1513 = tpu.memref_slice %arg14[%dma_wait3A_1509, %dma_wait3A_1511, %dma_wait3A_1512] : memref<14x128x16xf32, #tpu.memory_space<vmem>> -> memref<1x128x16xf32, #tpu.memory_space<vmem>>
    %dma_wait3A_1514 = tpu.memref_squeeze %dma_wait3A_1513 : memref<1x128x16xf32, #tpu.memory_space<vmem>> -> memref<128x16xf32, #tpu.memory_space<vmem>>
    %dma_wait3A_1515 = arith.constant 0 : i32
    %dma_wait3A_1516 = tpu.memref_slice %arg13[%dma_wait3A_1510, %dma_wait3A_1515] : memref<157x128xi32, #tpu.memory_space<vmem>> -> memref<1x128xi32, #tpu.memory_space<vmem>>
    %dma_wait3A_1517 = tpu.memref_squeeze %dma_wait3A_1516 : memref<1x128xi32, #tpu.memory_space<vmem>> -> memref<128xi32, #tpu.memory_space<vmem>>
    %dma_wait3A_1518 = arith.constant 0 : i32
    %dma_wait3A_1519 = arith.constant 0 : i32
    %dma_wait3A_1520 = tpu.memref_slice %arg11[%dma_wait3A_1518, %dma_wait3A_1519] : memref<10240x16xf32, #tpu.memory_space<vmem_shared>> -> memref<10240x16xf32, #tpu.memory_space<vmem_shared>>
    tpu.wait_indirect_dma semaphore(%arg21 : memref<!tpu.dma_semaphore, #tpu.memory_space<semaphore_mem>>) src(%dma_wait3A_1514 : memref<128x16xf32, #tpu.memory_space<vmem>>) dst(%dma_wait3A_1520 : memref<10240x16xf32, #tpu.memory_space<vmem_shared>>)
    %dma_wait3A_1521 = arith.constant 12 : i32
    %dma_wait3A_1522 = arith.constant 152 : i32
    %dma_wait3A_1523 = arith.constant 0 : i32
    %dma_wait3A_1524 = arith.constant 0 : i32
    %dma_wait3A_1525 = tpu.memref_slice %arg14[%dma_wait3A_1521, %dma_wait3A_1523, %dma_wait3A_1524] : memref<14x128x16xf32, #tpu.memory_space<vmem>> -> memref<1x128x16xf32, #tpu.memory_space<vmem>>
    %dma_wait3A_1526 = tpu.memref_squeeze %dma_wait3A_1525 : memref<1x128x16xf32, #tpu.memory_space<vmem>> -> memref<128x16xf32, #tpu.memory_space<vmem>>
    %dma_wait3A_1527 = arith.constant 0 : i32
    %dma_wait3A_1528 = tpu.memref_slice %arg13[%dma_wait3A_1522, %dma_wait3A_1527] : memref<157x128xi32, #tpu.memory_space<vmem>> -> memref<1x128xi32, #tpu.memory_space<vmem>>
    %dma_wait3A_1529 = tpu.memref_squeeze %dma_wait3A_1528 : memref<1x128xi32, #tpu.memory_space<vmem>> -> memref<128xi32, #tpu.memory_space<vmem>>
    %dma_wait3A_1530 = arith.constant 0 : i32
    %dma_wait3A_1531 = arith.constant 0 : i32
    %dma_wait3A_1532 = tpu.memref_slice %arg11[%dma_wait3A_1530, %dma_wait3A_1531] : memref<10240x16xf32, #tpu.memory_space<vmem_shared>> -> memref<10240x16xf32, #tpu.memory_space<vmem_shared>>
    tpu.wait_indirect_dma semaphore(%arg21 : memref<!tpu.dma_semaphore, #tpu.memory_space<semaphore_mem>>) src(%dma_wait3A_1526 : memref<128x16xf32, #tpu.memory_space<vmem>>) dst(%dma_wait3A_1532 : memref<10240x16xf32, #tpu.memory_space<vmem_shared>>)
    %dma_wait3A_1533 = arith.constant 13 : i32
    %dma_wait3A_1534 = arith.constant 153 : i32
    %dma_wait3A_1535 = arith.constant 0 : i32
    %dma_wait3A_1536 = arith.constant 0 : i32
    %dma_wait3A_1537 = tpu.memref_slice %arg14[%dma_wait3A_1533, %dma_wait3A_1535, %dma_wait3A_1536] : memref<14x128x16xf32, #tpu.memory_space<vmem>> -> memref<1x128x16xf32, #tpu.memory_space<vmem>>
    %dma_wait3A_1538 = tpu.memref_squeeze %dma_wait3A_1537 : memref<1x128x16xf32, #tpu.memory_space<vmem>> -> memref<128x16xf32, #tpu.memory_space<vmem>>
    %dma_wait3A_1539 = arith.constant 0 : i32
    %dma_wait3A_1540 = tpu.memref_slice %arg13[%dma_wait3A_1534, %dma_wait3A_1539] : memref<157x128xi32, #tpu.memory_space<vmem>> -> memref<1x128xi32, #tpu.memory_space<vmem>>
    %dma_wait3A_1541 = tpu.memref_squeeze %dma_wait3A_1540 : memref<1x128xi32, #tpu.memory_space<vmem>> -> memref<128xi32, #tpu.memory_space<vmem>>
    %dma_wait3A_1542 = arith.constant 0 : i32
    %dma_wait3A_1543 = arith.constant 0 : i32
    %dma_wait3A_1544 = tpu.memref_slice %arg11[%dma_wait3A_1542, %dma_wait3A_1543] : memref<10240x16xf32, #tpu.memory_space<vmem_shared>> -> memref<10240x16xf32, #tpu.memory_space<vmem_shared>>
    tpu.wait_indirect_dma semaphore(%arg21 : memref<!tpu.dma_semaphore, #tpu.memory_space<semaphore_mem>>) src(%dma_wait3A_1538 : memref<128x16xf32, #tpu.memory_space<vmem>>) dst(%dma_wait3A_1544 : memref<10240x16xf32, #tpu.memory_space<vmem_shared>>)
    %dma_wait3A_1545 = arith.constant 0 : i32
    %dma_wait3A_1546 = arith.constant 154 : i32
    %dma_wait3A_1547 = arith.constant 0 : i32
    %dma_wait3A_1548 = arith.constant 0 : i32
    %dma_wait3A_1549 = tpu.memref_slice %arg14[%dma_wait3A_1545, %dma_wait3A_1547, %dma_wait3A_1548] : memref<14x128x16xf32, #tpu.memory_space<vmem>> -> memref<1x128x16xf32, #tpu.memory_space<vmem>>
    %dma_wait3A_1550 = tpu.memref_squeeze %dma_wait3A_1549 : memref<1x128x16xf32, #tpu.memory_space<vmem>> -> memref<128x16xf32, #tpu.memory_space<vmem>>
    %dma_wait3A_1551 = arith.constant 0 : i32
    %dma_wait3A_1552 = tpu.memref_slice %arg13[%dma_wait3A_1546, %dma_wait3A_1551] : memref<157x128xi32, #tpu.memory_space<vmem>> -> memref<1x128xi32, #tpu.memory_space<vmem>>
    %dma_wait3A_1553 = tpu.memref_squeeze %dma_wait3A_1552 : memref<1x128xi32, #tpu.memory_space<vmem>> -> memref<128xi32, #tpu.memory_space<vmem>>
    %dma_wait3A_1554 = arith.constant 0 : i32
    %dma_wait3A_1555 = arith.constant 0 : i32
    %dma_wait3A_1556 = tpu.memref_slice %arg11[%dma_wait3A_1554, %dma_wait3A_1555] : memref<10240x16xf32, #tpu.memory_space<vmem_shared>> -> memref<10240x16xf32, #tpu.memory_space<vmem_shared>>
    tpu.wait_indirect_dma semaphore(%arg21 : memref<!tpu.dma_semaphore, #tpu.memory_space<semaphore_mem>>) src(%dma_wait3A_1550 : memref<128x16xf32, #tpu.memory_space<vmem>>) dst(%dma_wait3A_1556 : memref<10240x16xf32, #tpu.memory_space<vmem_shared>>)
    %dma_wait3A_1557 = arith.constant 1 : i32
    %dma_wait3A_1558 = arith.constant 155 : i32
    %dma_wait3A_1559 = arith.constant 0 : i32
    %dma_wait3A_1560 = arith.constant 0 : i32
    %dma_wait3A_1561 = tpu.memref_slice %arg14[%dma_wait3A_1557, %dma_wait3A_1559, %dma_wait3A_1560] : memref<14x128x16xf32, #tpu.memory_space<vmem>> -> memref<1x128x16xf32, #tpu.memory_space<vmem>>
    %dma_wait3A_1562 = tpu.memref_squeeze %dma_wait3A_1561 : memref<1x128x16xf32, #tpu.memory_space<vmem>> -> memref<128x16xf32, #tpu.memory_space<vmem>>
    %dma_wait3A_1563 = arith.constant 0 : i32
    %dma_wait3A_1564 = tpu.memref_slice %arg13[%dma_wait3A_1558, %dma_wait3A_1563] : memref<157x128xi32, #tpu.memory_space<vmem>> -> memref<1x128xi32, #tpu.memory_space<vmem>>
    %dma_wait3A_1565 = tpu.memref_squeeze %dma_wait3A_1564 : memref<1x128xi32, #tpu.memory_space<vmem>> -> memref<128xi32, #tpu.memory_space<vmem>>
    %dma_wait3A_1566 = arith.constant 0 : i32
    %dma_wait3A_1567 = arith.constant 0 : i32
    %dma_wait3A_1568 = tpu.memref_slice %arg11[%dma_wait3A_1566, %dma_wait3A_1567] : memref<10240x16xf32, #tpu.memory_space<vmem_shared>> -> memref<10240x16xf32, #tpu.memory_space<vmem_shared>>
    tpu.wait_indirect_dma semaphore(%arg21 : memref<!tpu.dma_semaphore, #tpu.memory_space<semaphore_mem>>) src(%dma_wait3A_1562 : memref<128x16xf32, #tpu.memory_space<vmem>>) dst(%dma_wait3A_1568 : memref<10240x16xf32, #tpu.memory_space<vmem_shared>>)
    %dma_wait3A_1569 = arith.constant 2 : i32
    %dma_wait3A_1570 = arith.constant 156 : i32
    %dma_wait3A_1571 = arith.constant 0 : i32
    %dma_wait3A_1572 = arith.constant 0 : i32
    %dma_wait3A_1573 = tpu.memref_slice %arg14[%dma_wait3A_1569, %dma_wait3A_1571, %dma_wait3A_1572] : memref<14x128x16xf32, #tpu.memory_space<vmem>> -> memref<1x128x16xf32, #tpu.memory_space<vmem>>
    %dma_wait3A_1574 = tpu.memref_squeeze %dma_wait3A_1573 : memref<1x128x16xf32, #tpu.memory_space<vmem>> -> memref<128x16xf32, #tpu.memory_space<vmem>>
    %dma_wait3A_1575 = arith.constant 0 : i32
    %dma_wait3A_1576 = tpu.memref_slice %arg13[%dma_wait3A_1570, %dma_wait3A_1575] : memref<157x128xi32, #tpu.memory_space<vmem>> -> memref<1x128xi32, #tpu.memory_space<vmem>>
    %dma_wait3A_1577 = tpu.memref_squeeze %dma_wait3A_1576 : memref<1x128xi32, #tpu.memory_space<vmem>> -> memref<128xi32, #tpu.memory_space<vmem>>
    %dma_wait3A_1578 = arith.constant 0 : i32
    %dma_wait3A_1579 = arith.constant 0 : i32
    %dma_wait3A_1580 = tpu.memref_slice %arg11[%dma_wait3A_1578, %dma_wait3A_1579] : memref<10240x16xf32, #tpu.memory_space<vmem_shared>> -> memref<10240x16xf32, #tpu.memory_space<vmem_shared>>
    tpu.wait_indirect_dma semaphore(%arg21 : memref<!tpu.dma_semaphore, #tpu.memory_space<semaphore_mem>>) src(%dma_wait3A_1574 : memref<128x16xf32, #tpu.memory_space<vmem>>) dst(%dma_wait3A_1580 : memref<10240x16xf32, #tpu.memory_space<vmem_shared>>)
    %barrier3A_1581 = arith.constant 0 : index
    tpu.barrier barrier_id(%barrier3A_1581)
    "tpu.region"() ({
      %run_scoped3A = tpu.sem_alloc : memref<!tpu.dma_semaphore, #tpu.memory_space<semaphore_mem>>
      %dma_start3A_2002 = arith.constant 0 : i32
      %dma_start3A_2003 = tpu.memref_slice %arg11[%mul3A_0, %dma_start3A_2002] : memref<10240x16xf32, #tpu.memory_space<vmem_shared>> -> memref<640x16xf32, #tpu.memory_space<vmem_shared>>
      %dma_start3A_2004 = arith.constant 0 : i32
      %dma_start3A_2005 = tpu.memref_slice %arg11[%mul3A_0, %dma_start3A_2004] : memref<10240x16xf32, #tpu.memory_space<vmem_shared>> -> memref<640x16xf32, #tpu.memory_space<vmem_shared>>
      tpu.enqueue_dma source(%dma_start3A_2005 : memref<640x16xf32, #tpu.memory_space<vmem_shared>>) target(%arg15 : memref<640x16xf32, #tpu.memory_space<vmem>>) target_semaphore(%run_scoped3A : memref<!tpu.dma_semaphore, #tpu.memory_space<semaphore_mem>>)
      %dma_wait3A_2006 = arith.constant 0 : i32
      %dma_wait3A_2007 = tpu.memref_slice %arg11[%mul3A_0, %dma_wait3A_2006] : memref<10240x16xf32, #tpu.memory_space<vmem_shared>> -> memref<640x16xf32, #tpu.memory_space<vmem_shared>>
      %dma_wait3A_2008 = arith.constant 0 : i32
      %dma_wait3A_2009 = tpu.memref_slice %arg11[%mul3A_0, %dma_wait3A_2008] : memref<10240x16xf32, #tpu.memory_space<vmem_shared>> -> memref<640x16xf32, #tpu.memory_space<vmem_shared>>
      tpu.wait_dma2 semaphore(%run_scoped3A : memref<!tpu.dma_semaphore, #tpu.memory_space<semaphore_mem>>) src(%dma_wait3A_2009 : memref<640x16xf32, #tpu.memory_space<vmem_shared>>) dst(%arg15 : memref<640x16xf32, #tpu.memory_space<vmem>>)
      tpu.yield
    }) : () -> ()
    %dma_start3A_1582 = arith.constant 0 : i32
    %dma_start3A_1583 = tpu.memref_slice %arg11[%mul3A_0, %dma_start3A_1582] : memref<10240x16xf32, #tpu.memory_space<vmem_shared>> -> memref<640x16xf32, #tpu.memory_space<vmem_shared>>
    %dma_start3A_1584 = arith.constant 0 : i32
    %dma_start3A_1585 = tpu.memref_slice %arg11[%mul3A_0, %dma_start3A_1584] : memref<10240x16xf32, #tpu.memory_space<vmem_shared>> -> memref<640x16xf32, #tpu.memory_space<vmem_shared>>
    tpu.enqueue_dma source(%arg19 : memref<640x16xf32, #tpu.memory_space<vmem>>) target(%dma_start3A_1585 : memref<640x16xf32, #tpu.memory_space<vmem_shared>>) target_semaphore(%arg23 : memref<!tpu.dma_semaphore, #tpu.memory_space<semaphore_mem>>)
    %add3A_1586 = arith.constant 81920 : i32
    %add3A_1587 = arith.addi %add3A_1586, %mul3A_0 : i32
    %dma_wait3A_1588 = arith.constant 0 : i32
    %dma_wait3A_1589 = tpu.memref_slice %arg2[%add3A_1587, %dma_wait3A_1588] : memref<112640x16xf32, #tpu.memory_space<hbm>> -> memref<640x16xf32, #tpu.memory_space<hbm>>
    %dma_wait3A_1590 = arith.constant 0 : i32
    %dma_wait3A_1591 = tpu.memref_slice %arg2[%add3A_1587, %dma_wait3A_1590] : memref<112640x16xf32, #tpu.memory_space<hbm>> -> memref<640x16xf32, #tpu.memory_space<hbm>>
    tpu.wait_dma2 semaphore(%arg22 : memref<!tpu.dma_semaphore, #tpu.memory_space<semaphore_mem>>) src(%dma_wait3A_1591 : memref<640x16xf32, #tpu.memory_space<hbm>>) dst(%arg16 : memref<640x16xf32, #tpu.memory_space<vmem>>)
    %scan3A_1592 = arith.constant 0 : i32
    %scan3A_1593 = arith.constant 640 : i32
    %scan3A_1594 = arith.addi %scan3A_1592, %scan3A_1593 : i32
    %scan3A_1595 = arith.constant 1 : i32
    scf.for %scan3A_2002 = %scan3A_1592 to %scan3A_1594 step %scan3A_1595  : i32 {
      %get3A = arith.index_cast %scan3A_2002 : i32 to index
      %get3A_2003 = arith.constant 0 : index
      %get3A_2004 = tpu.vector_load %arg17[%get3A, %get3A_2003] {strides = array<i32>} : memref<640x16xf32, #tpu.memory_space<vmem>>, vector<1x16xf32>,
      %get3A_2005 = vector.shape_cast %get3A_2004 : vector<1x16xf32> to vector<16xf32>
      %get3A_2006 = arith.index_cast %scan3A_2002 : i32 to index
      %get3A_2007 = arith.constant 0 : index
      %get3A_2008 = tpu.vector_load %arg16[%get3A_2006, %get3A_2007] {strides = array<i32>} : memref<640x16xf32, #tpu.memory_space<vmem>>, vector<1x16xf32>,
      %get3A_2009 = vector.shape_cast %get3A_2008 : vector<1x16xf32> to vector<16xf32>
      %mul3A_2010 = arith.mulf %get3A_2005, %get3A_2009 : vector<16xf32>
      %get3A_2011 = arith.index_cast %scan3A_2002 : i32 to index
      %get3A_2012 = arith.constant 0 : index
      %get3A_2013 = tpu.vector_load %arg18[%get3A_2011, %get3A_2012] {strides = array<i32>} : memref<640x16xf32, #tpu.memory_space<vmem>>, vector<1x16xf32>,
      %get3A_2014 = vector.shape_cast %get3A_2013 : vector<1x16xf32> to vector<16xf32>
      %get3A_2015 = arith.index_cast %scan3A_2002 : i32 to index
      %get3A_2016 = arith.constant 0 : index
      %get3A_2017 = tpu.vector_load %arg15[%get3A_2015, %get3A_2016] {strides = array<i32>} : memref<640x16xf32, #tpu.memory_space<vmem>>, vector<1x16xf32>,
      %get3A_2018 = vector.shape_cast %get3A_2017 : vector<1x16xf32> to vector<16xf32>
      %mul3A_2019 = arith.mulf %get3A_2014, %get3A_2018 : vector<16xf32>
      %add3A_2020 = arith.addf %mul3A_2010, %mul3A_2019 : vector<16xf32>
      %swap3A = arith.index_cast %scan3A_2002 : i32 to index
      %swap3A_2021 = arith.constant 0 : index
      %swap3A_2022 = tpu.vector_load %arg16[%swap3A, %swap3A_2021] {strides = array<i32>} : memref<640x16xf32, #tpu.memory_space<vmem>>, vector<1x16xf32>,
      %swap3A_2023 = vector.shape_cast %swap3A_2022 : vector<1x16xf32> to vector<16xf32>
      %swap3A_2024 = vector.shape_cast %add3A_2020 : vector<16xf32> to vector<1x16xf32>
      tpu.vector_store %arg16[%swap3A, %swap3A_2021], %swap3A_2024 {strides = array<i32>} : memref<640x16xf32, #tpu.memory_space<vmem>>, vector<1x16xf32>,
    }
    %scan3A_1596 = arith.constant 640 : i32
    "tpu.region"() ({
      %run_scoped3A = tpu.sem_alloc : memref<!tpu.dma_semaphore, #tpu.memory_space<semaphore_mem>>
      %dma_start3A_2002 = arith.constant 0 : i32
      %dma_start3A_2003 = tpu.memref_slice %arg10[%mul3A_0, %dma_start3A_2002] : memref<10240x16xf32, #tpu.memory_space<hbm>> -> memref<640x16xf32, #tpu.memory_space<hbm>>
      %dma_start3A_2004 = arith.constant 0 : i32
      %dma_start3A_2005 = tpu.memref_slice %arg10[%mul3A_0, %dma_start3A_2004] : memref<10240x16xf32, #tpu.memory_space<hbm>> -> memref<640x16xf32, #tpu.memory_space<hbm>>
      tpu.enqueue_dma source(%arg16 : memref<640x16xf32, #tpu.memory_space<vmem>>) target(%dma_start3A_2005 : memref<640x16xf32, #tpu.memory_space<hbm>>) target_semaphore(%run_scoped3A : memref<!tpu.dma_semaphore, #tpu.memory_space<semaphore_mem>>)
      %dma_wait3A_2006 = arith.constant 0 : i32
      %dma_wait3A_2007 = tpu.memref_slice %arg10[%mul3A_0, %dma_wait3A_2006] : memref<10240x16xf32, #tpu.memory_space<hbm>> -> memref<640x16xf32, #tpu.memory_space<hbm>>
      %dma_wait3A_2008 = arith.constant 0 : i32
      %dma_wait3A_2009 = tpu.memref_slice %arg10[%mul3A_0, %dma_wait3A_2008] : memref<10240x16xf32, #tpu.memory_space<hbm>> -> memref<640x16xf32, #tpu.memory_space<hbm>>
      tpu.wait_dma2 semaphore(%run_scoped3A : memref<!tpu.dma_semaphore, #tpu.memory_space<semaphore_mem>>) src(%arg16 : memref<640x16xf32, #tpu.memory_space<vmem>>) dst(%dma_wait3A_2009 : memref<640x16xf32, #tpu.memory_space<hbm>>)
      tpu.yield
    }) : () -> ()
    %dma_wait3A_1597 = arith.constant 0 : i32
    %dma_wait3A_1598 = tpu.memref_slice %arg11[%mul3A_0, %dma_wait3A_1597] : memref<10240x16xf32, #tpu.memory_space<vmem_shared>> -> memref<640x16xf32, #tpu.memory_space<vmem_shared>>
    %dma_wait3A_1599 = arith.constant 0 : i32
    %dma_wait3A_1600 = tpu.memref_slice %arg11[%mul3A_0, %dma_wait3A_1599] : memref<10240x16xf32, #tpu.memory_space<vmem_shared>> -> memref<640x16xf32, #tpu.memory_space<vmem_shared>>
    tpu.wait_dma2 semaphore(%arg23 : memref<!tpu.dma_semaphore, #tpu.memory_space<semaphore_mem>>) src(%arg19 : memref<640x16xf32, #tpu.memory_space<vmem>>) dst(%dma_wait3A_1600 : memref<640x16xf32, #tpu.memory_space<vmem_shared>>)
    %barrier3A_1601 = arith.constant 0 : index
    tpu.barrier barrier_id(%barrier3A_1601)
    %add3A_1602 = arith.constant 92160 : i32
    %add3A_1603 = arith.addi %add3A_1602, %mul3A_0 : i32
    %dma_start3A_1604 = arith.constant 0 : i32
    %dma_start3A_1605 = tpu.memref_slice %arg2[%add3A_1603, %dma_start3A_1604] : memref<112640x16xf32, #tpu.memory_space<hbm>> -> memref<640x16xf32, #tpu.memory_space<hbm>>
    %dma_start3A_1606 = arith.constant 0 : i32
    %dma_start3A_1607 = tpu.memref_slice %arg2[%add3A_1603, %dma_start3A_1606] : memref<112640x16xf32, #tpu.memory_space<hbm>> -> memref<640x16xf32, #tpu.memory_space<hbm>>
    tpu.enqueue_dma source(%dma_start3A_1607 : memref<640x16xf32, #tpu.memory_space<hbm>>) target(%arg16 : memref<640x16xf32, #tpu.memory_space<vmem>>) target_semaphore(%arg22 : memref<!tpu.dma_semaphore, #tpu.memory_space<semaphore_mem>>)
    %dma_start3A_1608 = arith.constant 0 : i32
    %dma_start3A_1609 = arith.constant 0 : i32
    %dma_start3A_1610 = arith.constant 0 : i32
    %dma_start3A_1611 = arith.constant 0 : i32
    %dma_start3A_1612 = tpu.memref_slice %arg14[%dma_start3A_1609, %dma_start3A_1610, %dma_start3A_1611] : memref<14x128x16xf32, #tpu.memory_space<vmem>> -> memref<1x128x16xf32, #tpu.memory_space<vmem>>
    %dma_start3A_1613 = tpu.memref_squeeze %dma_start3A_1612 : memref<1x128x16xf32, #tpu.memory_space<vmem>> -> memref<128x16xf32, #tpu.memory_space<vmem>>
    %dma_start3A_1614 = arith.constant 0 : i32
    %dma_start3A_1615 = tpu.memref_slice %arg12[%dma_start3A_1608, %dma_start3A_1614] : memref<157x128xi32, #tpu.memory_space<vmem>> -> memref<1x128xi32, #tpu.memory_space<vmem>>
    %dma_start3A_1616 = tpu.memref_squeeze %dma_start3A_1615 : memref<1x128xi32, #tpu.memory_space<vmem>> -> memref<128xi32, #tpu.memory_space<vmem>>
    %dma_start3A_1617 = arith.constant 0 : i32
    %dma_start3A_1618 = arith.constant 0 : i32
    %dma_start3A_1619 = tpu.memref_slice %arg10[%dma_start3A_1617, %dma_start3A_1618] : memref<10240x16xf32, #tpu.memory_space<hbm>> -> memref<10240x16xf32, #tpu.memory_space<hbm>>
    tpu.enqueue_indirect_dma source(%dma_start3A_1619 : memref<10240x16xf32, #tpu.memory_space<hbm>>) target(%dma_start3A_1613 : memref<128x16xf32, #tpu.memory_space<vmem>>) offsets(%dma_start3A_1616 : memref<128xi32, #tpu.memory_space<vmem>>) semaphore(%arg20 : memref<!tpu.dma_semaphore, #tpu.memory_space<semaphore_mem>>)
    %dma_start3A_1620 = arith.constant 1 : i32
    %dma_start3A_1621 = arith.constant 1 : i32
    %dma_start3A_1622 = arith.constant 0 : i32
    %dma_start3A_1623 = arith.constant 0 : i32
    %dma_start3A_1624 = tpu.memref_slice %arg14[%dma_start3A_1621, %dma_start3A_1622, %dma_start3A_1623] : memref<14x128x16xf32, #tpu.memory_space<vmem>> -> memref<1x128x16xf32, #tpu.memory_space<vmem>>
    %dma_start3A_1625 = tpu.memref_squeeze %dma_start3A_1624 : memref<1x128x16xf32, #tpu.memory_space<vmem>> -> memref<128x16xf32, #tpu.memory_space<vmem>>
    %dma_start3A_1626 = arith.constant 0 : i32
    %dma_start3A_1627 = tpu.memref_slice %arg12[%dma_start3A_1620, %dma_start3A_1626] : memref<157x128xi32, #tpu.memory_space<vmem>> -> memref<1x128xi32, #tpu.memory_space<vmem>>
    %dma_start3A_1628 = tpu.memref_squeeze %dma_start3A_1627 : memref<1x128xi32, #tpu.memory_space<vmem>> -> memref<128xi32, #tpu.memory_space<vmem>>
    %dma_start3A_1629 = arith.constant 0 : i32
    %dma_start3A_1630 = arith.constant 0 : i32
    %dma_start3A_1631 = tpu.memref_slice %arg10[%dma_start3A_1629, %dma_start3A_1630] : memref<10240x16xf32, #tpu.memory_space<hbm>> -> memref<10240x16xf32, #tpu.memory_space<hbm>>
    tpu.enqueue_indirect_dma source(%dma_start3A_1631 : memref<10240x16xf32, #tpu.memory_space<hbm>>) target(%dma_start3A_1625 : memref<128x16xf32, #tpu.memory_space<vmem>>) offsets(%dma_start3A_1628 : memref<128xi32, #tpu.memory_space<vmem>>) semaphore(%arg20 : memref<!tpu.dma_semaphore, #tpu.memory_space<semaphore_mem>>)
    %dma_start3A_1632 = arith.constant 2 : i32
    %dma_start3A_1633 = arith.constant 2 : i32
    %dma_start3A_1634 = arith.constant 0 : i32
    %dma_start3A_1635 = arith.constant 0 : i32
    %dma_start3A_1636 = tpu.memref_slice %arg14[%dma_start3A_1633, %dma_start3A_1634, %dma_start3A_1635] : memref<14x128x16xf32, #tpu.memory_space<vmem>> -> memref<1x128x16xf32, #tpu.memory_space<vmem>>
    %dma_start3A_1637 = tpu.memref_squeeze %dma_start3A_1636 : memref<1x128x16xf32, #tpu.memory_space<vmem>> -> memref<128x16xf32, #tpu.memory_space<vmem>>
    %dma_start3A_1638 = arith.constant 0 : i32
    %dma_start3A_1639 = tpu.memref_slice %arg12[%dma_start3A_1632, %dma_start3A_1638] : memref<157x128xi32, #tpu.memory_space<vmem>> -> memref<1x128xi32, #tpu.memory_space<vmem>>
    %dma_start3A_1640 = tpu.memref_squeeze %dma_start3A_1639 : memref<1x128xi32, #tpu.memory_space<vmem>> -> memref<128xi32, #tpu.memory_space<vmem>>
    %dma_start3A_1641 = arith.constant 0 : i32
    %dma_start3A_1642 = arith.constant 0 : i32
    %dma_start3A_1643 = tpu.memref_slice %arg10[%dma_start3A_1641, %dma_start3A_1642] : memref<10240x16xf32, #tpu.memory_space<hbm>> -> memref<10240x16xf32, #tpu.memory_space<hbm>>
    tpu.enqueue_indirect_dma source(%dma_start3A_1643 : memref<10240x16xf32, #tpu.memory_space<hbm>>) target(%dma_start3A_1637 : memref<128x16xf32, #tpu.memory_space<vmem>>) offsets(%dma_start3A_1640 : memref<128xi32, #tpu.memory_space<vmem>>) semaphore(%arg20 : memref<!tpu.dma_semaphore, #tpu.memory_space<semaphore_mem>>)
    %dma_start3A_1644 = arith.constant 3 : i32
    %dma_start3A_1645 = arith.constant 3 : i32
    %dma_start3A_1646 = arith.constant 0 : i32
    %dma_start3A_1647 = arith.constant 0 : i32
    %dma_start3A_1648 = tpu.memref_slice %arg14[%dma_start3A_1645, %dma_start3A_1646, %dma_start3A_1647] : memref<14x128x16xf32, #tpu.memory_space<vmem>> -> memref<1x128x16xf32, #tpu.memory_space<vmem>>
    %dma_start3A_1649 = tpu.memref_squeeze %dma_start3A_1648 : memref<1x128x16xf32, #tpu.memory_space<vmem>> -> memref<128x16xf32, #tpu.memory_space<vmem>>
    %dma_start3A_1650 = arith.constant 0 : i32
    %dma_start3A_1651 = tpu.memref_slice %arg12[%dma_start3A_1644, %dma_start3A_1650] : memref<157x128xi32, #tpu.memory_space<vmem>> -> memref<1x128xi32, #tpu.memory_space<vmem>>
    %dma_start3A_1652 = tpu.memref_squeeze %dma_start3A_1651 : memref<1x128xi32, #tpu.memory_space<vmem>> -> memref<128xi32, #tpu.memory_space<vmem>>
    %dma_start3A_1653 = arith.constant 0 : i32
    %dma_start3A_1654 = arith.constant 0 : i32
    %dma_start3A_1655 = tpu.memref_slice %arg10[%dma_start3A_1653, %dma_start3A_1654] : memref<10240x16xf32, #tpu.memory_space<hbm>> -> memref<10240x16xf32, #tpu.memory_space<hbm>>
    tpu.enqueue_indirect_dma source(%dma_start3A_1655 : memref<10240x16xf32, #tpu.memory_space<hbm>>) target(%dma_start3A_1649 : memref<128x16xf32, #tpu.memory_space<vmem>>) offsets(%dma_start3A_1652 : memref<128xi32, #tpu.memory_space<vmem>>) semaphore(%arg20 : memref<!tpu.dma_semaphore, #tpu.memory_space<semaphore_mem>>)
    %dma_start3A_1656 = arith.constant 4 : i32
    %dma_start3A_1657 = arith.constant 4 : i32
    %dma_start3A_1658 = arith.constant 0 : i32
    %dma_start3A_1659 = arith.constant 0 : i32
    %dma_start3A_1660 = tpu.memref_slice %arg14[%dma_start3A_1657, %dma_start3A_1658, %dma_start3A_1659] : memref<14x128x16xf32, #tpu.memory_space<vmem>> -> memref<1x128x16xf32, #tpu.memory_space<vmem>>
    %dma_start3A_1661 = tpu.memref_squeeze %dma_start3A_1660 : memref<1x128x16xf32, #tpu.memory_space<vmem>> -> memref<128x16xf32, #tpu.memory_space<vmem>>
    %dma_start3A_1662 = arith.constant 0 : i32
    %dma_start3A_1663 = tpu.memref_slice %arg12[%dma_start3A_1656, %dma_start3A_1662] : memref<157x128xi32, #tpu.memory_space<vmem>> -> memref<1x128xi32, #tpu.memory_space<vmem>>
    %dma_start3A_1664 = tpu.memref_squeeze %dma_start3A_1663 : memref<1x128xi32, #tpu.memory_space<vmem>> -> memref<128xi32, #tpu.memory_space<vmem>>
    %dma_start3A_1665 = arith.constant 0 : i32
    %dma_start3A_1666 = arith.constant 0 : i32
    %dma_start3A_1667 = tpu.memref_slice %arg10[%dma_start3A_1665, %dma_start3A_1666] : memref<10240x16xf32, #tpu.memory_space<hbm>> -> memref<10240x16xf32, #tpu.memory_space<hbm>>
    tpu.enqueue_indirect_dma source(%dma_start3A_1667 : memref<10240x16xf32, #tpu.memory_space<hbm>>) target(%dma_start3A_1661 : memref<128x16xf32, #tpu.memory_space<vmem>>) offsets(%dma_start3A_1664 : memref<128xi32, #tpu.memory_space<vmem>>) semaphore(%arg20 : memref<!tpu.dma_semaphore, #tpu.memory_space<semaphore_mem>>)
    %dma_start3A_1668 = arith.constant 5 : i32
    %dma_start3A_1669 = arith.constant 5 : i32
    %dma_start3A_1670 = arith.constant 0 : i32
    %dma_start3A_1671 = arith.constant 0 : i32
    %dma_start3A_1672 = tpu.memref_slice %arg14[%dma_start3A_1669, %dma_start3A_1670, %dma_start3A_1671] : memref<14x128x16xf32, #tpu.memory_space<vmem>> -> memref<1x128x16xf32, #tpu.memory_space<vmem>>
    %dma_start3A_1673 = tpu.memref_squeeze %dma_start3A_1672 : memref<1x128x16xf32, #tpu.memory_space<vmem>> -> memref<128x16xf32, #tpu.memory_space<vmem>>
    %dma_start3A_1674 = arith.constant 0 : i32
    %dma_start3A_1675 = tpu.memref_slice %arg12[%dma_start3A_1668, %dma_start3A_1674] : memref<157x128xi32, #tpu.memory_space<vmem>> -> memref<1x128xi32, #tpu.memory_space<vmem>>
    %dma_start3A_1676 = tpu.memref_squeeze %dma_start3A_1675 : memref<1x128xi32, #tpu.memory_space<vmem>> -> memref<128xi32, #tpu.memory_space<vmem>>
    %dma_start3A_1677 = arith.constant 0 : i32
    %dma_start3A_1678 = arith.constant 0 : i32
    %dma_start3A_1679 = tpu.memref_slice %arg10[%dma_start3A_1677, %dma_start3A_1678] : memref<10240x16xf32, #tpu.memory_space<hbm>> -> memref<10240x16xf32, #tpu.memory_space<hbm>>
    tpu.enqueue_indirect_dma source(%dma_start3A_1679 : memref<10240x16xf32, #tpu.memory_space<hbm>>) target(%dma_start3A_1673 : memref<128x16xf32, #tpu.memory_space<vmem>>) offsets(%dma_start3A_1676 : memref<128xi32, #tpu.memory_space<vmem>>) semaphore(%arg20 : memref<!tpu.dma_semaphore, #tpu.memory_space<semaphore_mem>>)
    %dma_start3A_1680 = arith.constant 6 : i32
    %dma_start3A_1681 = arith.constant 6 : i32
    %dma_start3A_1682 = arith.constant 0 : i32
    %dma_start3A_1683 = arith.constant 0 : i32
    %dma_start3A_1684 = tpu.memref_slice %arg14[%dma_start3A_1681, %dma_start3A_1682, %dma_start3A_1683] : memref<14x128x16xf32, #tpu.memory_space<vmem>> -> memref<1x128x16xf32, #tpu.memory_space<vmem>>
    %dma_start3A_1685 = tpu.memref_squeeze %dma_start3A_1684 : memref<1x128x16xf32, #tpu.memory_space<vmem>> -> memref<128x16xf32, #tpu.memory_space<vmem>>
    %dma_start3A_1686 = arith.constant 0 : i32
    %dma_start3A_1687 = tpu.memref_slice %arg12[%dma_start3A_1680, %dma_start3A_1686] : memref<157x128xi32, #tpu.memory_space<vmem>> -> memref<1x128xi32, #tpu.memory_space<vmem>>
    %dma_start3A_1688 = tpu.memref_squeeze %dma_start3A_1687 : memref<1x128xi32, #tpu.memory_space<vmem>> -> memref<128xi32, #tpu.memory_space<vmem>>
    %dma_start3A_1689 = arith.constant 0 : i32
    %dma_start3A_1690 = arith.constant 0 : i32
    %dma_start3A_1691 = tpu.memref_slice %arg10[%dma_start3A_1689, %dma_start3A_1690] : memref<10240x16xf32, #tpu.memory_space<hbm>> -> memref<10240x16xf32, #tpu.memory_space<hbm>>
    tpu.enqueue_indirect_dma source(%dma_start3A_1691 : memref<10240x16xf32, #tpu.memory_space<hbm>>) target(%dma_start3A_1685 : memref<128x16xf32, #tpu.memory_space<vmem>>) offsets(%dma_start3A_1688 : memref<128xi32, #tpu.memory_space<vmem>>) semaphore(%arg20 : memref<!tpu.dma_semaphore, #tpu.memory_space<semaphore_mem>>)
    %scan3A_1692 = arith.constant 0 : i32
    %scan3A_1693 = arith.constant 157 : i32
    %scan3A_1694 = arith.addi %scan3A_1692, %scan3A_1693 : i32
    %scan3A_1695 = arith.constant 1 : i32
    scf.for %scan3A_2002 = %scan3A_1692 to %scan3A_1694 step %scan3A_1695  : i32 {
      %rem3A = arith.constant 14 : i32
      %rem3A_2003 = arith.remsi %scan3A_2002, %rem3A : i32
      %dma_wait3A_2004 = arith.constant 0 : i32
      %dma_wait3A_2005 = arith.constant 0 : i32
      %dma_wait3A_2006 = tpu.memref_slice %arg14[%rem3A_2003, %dma_wait3A_2004, %dma_wait3A_2005] : memref<14x128x16xf32, #tpu.memory_space<vmem>> -> memref<1x128x16xf32, #tpu.memory_space<vmem>>
      %dma_wait3A_2007 = tpu.memref_squeeze %dma_wait3A_2006 : memref<1x128x16xf32, #tpu.memory_space<vmem>> -> memref<128x16xf32, #tpu.memory_space<vmem>>
      %dma_wait3A_2008 = arith.constant 0 : i32
      %dma_wait3A_2009 = tpu.memref_slice %arg12[%scan3A_2002, %dma_wait3A_2008] : memref<157x128xi32, #tpu.memory_space<vmem>> -> memref<1x128xi32, #tpu.memory_space<vmem>>
      %dma_wait3A_2010 = tpu.memref_squeeze %dma_wait3A_2009 : memref<1x128xi32, #tpu.memory_space<vmem>> -> memref<128xi32, #tpu.memory_space<vmem>>
      %dma_wait3A_2011 = arith.constant 0 : i32
      %dma_wait3A_2012 = arith.constant 0 : i32
      %dma_wait3A_2013 = tpu.memref_slice %arg10[%dma_wait3A_2011, %dma_wait3A_2012] : memref<10240x16xf32, #tpu.memory_space<hbm>> -> memref<10240x16xf32, #tpu.memory_space<hbm>>
      tpu.wait_indirect_dma semaphore(%arg20 : memref<!tpu.dma_semaphore, #tpu.memory_space<semaphore_mem>>) src(%dma_wait3A_2013 : memref<10240x16xf32, #tpu.memory_space<hbm>>) dst(%dma_wait3A_2007 : memref<128x16xf32, #tpu.memory_space<vmem>>)
      %dma_start3A_2014 = arith.constant 0 : i32
      %dma_start3A_2015 = arith.constant 0 : i32
      %dma_start3A_2016 = tpu.memref_slice %arg14[%rem3A_2003, %dma_start3A_2014, %dma_start3A_2015] : memref<14x128x16xf32, #tpu.memory_space<vmem>> -> memref<1x128x16xf32, #tpu.memory_space<vmem>>
      %dma_start3A_2017 = tpu.memref_squeeze %dma_start3A_2016 : memref<1x128x16xf32, #tpu.memory_space<vmem>> -> memref<128x16xf32, #tpu.memory_space<vmem>>
      %dma_start3A_2018 = arith.constant 0 : i32
      %dma_start3A_2019 = tpu.memref_slice %arg13[%scan3A_2002, %dma_start3A_2018] : memref<157x128xi32, #tpu.memory_space<vmem>> -> memref<1x128xi32, #tpu.memory_space<vmem>>
      %dma_start3A_2020 = tpu.memref_squeeze %dma_start3A_2019 : memref<1x128xi32, #tpu.memory_space<vmem>> -> memref<128xi32, #tpu.memory_space<vmem>>
      %dma_start3A_2021 = arith.constant 0 : i32
      %dma_start3A_2022 = arith.constant 0 : i32
      %dma_start3A_2023 = tpu.memref_slice %arg11[%dma_start3A_2021, %dma_start3A_2022] : memref<10240x16xf32, #tpu.memory_space<vmem_shared>> -> memref<10240x16xf32, #tpu.memory_space<vmem_shared>>
      tpu.enqueue_indirect_dma source(%dma_start3A_2017 : memref<128x16xf32, #tpu.memory_space<vmem>>) target(%dma_start3A_2023 : memref<10240x16xf32, #tpu.memory_space<vmem_shared>>) offsets(%dma_start3A_2020 : memref<128xi32, #tpu.memory_space<vmem>>) semaphore(%arg21 : memref<!tpu.dma_semaphore, #tpu.memory_space<semaphore_mem>>) {add = true}
      %ge3A = arith.constant 7 : i32
      %ge3A_2024 = arith.cmpi sge, %scan3A_2002, %ge3A : i32
      %convert_element_type3A = arith.extui %ge3A_2024 : i1 to i32
      %cond3A = arith.constant 0 : i32
      %cond3A_2025 = arith.cmpi ne, %convert_element_type3A, %cond3A : i32
      scf.if %cond3A_2025 {
        %sub3A = arith.constant 7 : i32
        %sub3A_2032 = arith.subi %scan3A_2002, %sub3A : i32
        %rem3A_2033 = arith.constant 14 : i32
        %rem3A_2034 = arith.remsi %sub3A_2032, %rem3A_2033 : i32
        %dma_wait3A_2035 = arith.constant 0 : i32
        %dma_wait3A_2036 = arith.constant 0 : i32
        %dma_wait3A_2037 = tpu.memref_slice %arg14[%rem3A_2034, %dma_wait3A_2035, %dma_wait3A_2036] : memref<14x128x16xf32, #tpu.memory_space<vmem>> -> memref<1x128x16xf32, #tpu.memory_space<vmem>>
        %dma_wait3A_2038 = tpu.memref_squeeze %dma_wait3A_2037 : memref<1x128x16xf32, #tpu.memory_space<vmem>> -> memref<128x16xf32, #tpu.memory_space<vmem>>
        %dma_wait3A_2039 = arith.constant 0 : i32
        %dma_wait3A_2040 = tpu.memref_slice %arg13[%sub3A_2032, %dma_wait3A_2039] : memref<157x128xi32, #tpu.memory_space<vmem>> -> memref<1x128xi32, #tpu.memory_space<vmem>>
        %dma_wait3A_2041 = tpu.memref_squeeze %dma_wait3A_2040 : memref<1x128xi32, #tpu.memory_space<vmem>> -> memref<128xi32, #tpu.memory_space<vmem>>
        %dma_wait3A_2042 = arith.constant 0 : i32
        %dma_wait3A_2043 = arith.constant 0 : i32
        %dma_wait3A_2044 = tpu.memref_slice %arg11[%dma_wait3A_2042, %dma_wait3A_2043] : memref<10240x16xf32, #tpu.memory_space<vmem_shared>> -> memref<10240x16xf32, #tpu.memory_space<vmem_shared>>
        tpu.wait_indirect_dma semaphore(%arg21 : memref<!tpu.dma_semaphore, #tpu.memory_space<semaphore_mem>>) src(%dma_wait3A_2038 : memref<128x16xf32, #tpu.memory_space<vmem>>) dst(%dma_wait3A_2044 : memref<10240x16xf32, #tpu.memory_space<vmem_shared>>)
      } else {
      }
      %add3A_2026 = arith.constant 7 : i32
      %add3A_2027 = arith.addi %scan3A_2002, %add3A_2026 : i32
      %lt3A = arith.constant 157 : i32
      %lt3A_2028 = arith.cmpi slt, %add3A_2027, %lt3A : i32
      %convert_element_type3A_2029 = arith.extui %lt3A_2028 : i1 to i32
      %cond3A_2030 = arith.constant 0 : i32
      %cond3A_2031 = arith.cmpi ne, %convert_element_type3A_2029, %cond3A_2030 : i32
      scf.if %cond3A_2031 {
        %add3A_2032 = arith.constant 7 : i32
        %add3A_2033 = arith.addi %scan3A_2002, %add3A_2032 : i32
        %rem3A_2034 = arith.constant 14 : i32
        %rem3A_2035 = arith.remsi %add3A_2033, %rem3A_2034 : i32
        %dma_start3A_2036 = arith.constant 0 : i32
        %dma_start3A_2037 = arith.constant 0 : i32
        %dma_start3A_2038 = tpu.memref_slice %arg14[%rem3A_2035, %dma_start3A_2036, %dma_start3A_2037] : memref<14x128x16xf32, #tpu.memory_space<vmem>> -> memref<1x128x16xf32, #tpu.memory_space<vmem>>
        %dma_start3A_2039 = tpu.memref_squeeze %dma_start3A_2038 : memref<1x128x16xf32, #tpu.memory_space<vmem>> -> memref<128x16xf32, #tpu.memory_space<vmem>>
        %dma_start3A_2040 = arith.constant 0 : i32
        %dma_start3A_2041 = tpu.memref_slice %arg12[%add3A_2033, %dma_start3A_2040] : memref<157x128xi32, #tpu.memory_space<vmem>> -> memref<1x128xi32, #tpu.memory_space<vmem>>
        %dma_start3A_2042 = tpu.memref_squeeze %dma_start3A_2041 : memref<1x128xi32, #tpu.memory_space<vmem>> -> memref<128xi32, #tpu.memory_space<vmem>>
        %dma_start3A_2043 = arith.constant 0 : i32
        %dma_start3A_2044 = arith.constant 0 : i32
        %dma_start3A_2045 = tpu.memref_slice %arg10[%dma_start3A_2043, %dma_start3A_2044] : memref<10240x16xf32, #tpu.memory_space<hbm>> -> memref<10240x16xf32, #tpu.memory_space<hbm>>
        tpu.enqueue_indirect_dma source(%dma_start3A_2045 : memref<10240x16xf32, #tpu.memory_space<hbm>>) target(%dma_start3A_2039 : memref<128x16xf32, #tpu.memory_space<vmem>>) offsets(%dma_start3A_2042 : memref<128xi32, #tpu.memory_space<vmem>>) semaphore(%arg20 : memref<!tpu.dma_semaphore, #tpu.memory_space<semaphore_mem>>)
      } else {
      }
    }
    %scan3A_1696 = arith.constant 157 : i32
    %dma_wait3A_1697 = arith.constant 10 : i32
    %dma_wait3A_1698 = arith.constant 150 : i32
    %dma_wait3A_1699 = arith.constant 0 : i32
    %dma_wait3A_1700 = arith.constant 0 : i32
    %dma_wait3A_1701 = tpu.memref_slice %arg14[%dma_wait3A_1697, %dma_wait3A_1699, %dma_wait3A_1700] : memref<14x128x16xf32, #tpu.memory_space<vmem>> -> memref<1x128x16xf32, #tpu.memory_space<vmem>>
    %dma_wait3A_1702 = tpu.memref_squeeze %dma_wait3A_1701 : memref<1x128x16xf32, #tpu.memory_space<vmem>> -> memref<128x16xf32, #tpu.memory_space<vmem>>
    %dma_wait3A_1703 = arith.constant 0 : i32
    %dma_wait3A_1704 = tpu.memref_slice %arg13[%dma_wait3A_1698, %dma_wait3A_1703] : memref<157x128xi32, #tpu.memory_space<vmem>> -> memref<1x128xi32, #tpu.memory_space<vmem>>
    %dma_wait3A_1705 = tpu.memref_squeeze %dma_wait3A_1704 : memref<1x128xi32, #tpu.memory_space<vmem>> -> memref<128xi32, #tpu.memory_space<vmem>>
    %dma_wait3A_1706 = arith.constant 0 : i32
    %dma_wait3A_1707 = arith.constant 0 : i32
    %dma_wait3A_1708 = tpu.memref_slice %arg11[%dma_wait3A_1706, %dma_wait3A_1707] : memref<10240x16xf32, #tpu.memory_space<vmem_shared>> -> memref<10240x16xf32, #tpu.memory_space<vmem_shared>>
    tpu.wait_indirect_dma semaphore(%arg21 : memref<!tpu.dma_semaphore, #tpu.memory_space<semaphore_mem>>) src(%dma_wait3A_1702 : memref<128x16xf32, #tpu.memory_space<vmem>>) dst(%dma_wait3A_1708 : memref<10240x16xf32, #tpu.memory_space<vmem_shared>>)
    %dma_wait3A_1709 = arith.constant 11 : i32
    %dma_wait3A_1710 = arith.constant 151 : i32
    %dma_wait3A_1711 = arith.constant 0 : i32
    %dma_wait3A_1712 = arith.constant 0 : i32
    %dma_wait3A_1713 = tpu.memref_slice %arg14[%dma_wait3A_1709, %dma_wait3A_1711, %dma_wait3A_1712] : memref<14x128x16xf32, #tpu.memory_space<vmem>> -> memref<1x128x16xf32, #tpu.memory_space<vmem>>
    %dma_wait3A_1714 = tpu.memref_squeeze %dma_wait3A_1713 : memref<1x128x16xf32, #tpu.memory_space<vmem>> -> memref<128x16xf32, #tpu.memory_space<vmem>>
    %dma_wait3A_1715 = arith.constant 0 : i32
    %dma_wait3A_1716 = tpu.memref_slice %arg13[%dma_wait3A_1710, %dma_wait3A_1715] : memref<157x128xi32, #tpu.memory_space<vmem>> -> memref<1x128xi32, #tpu.memory_space<vmem>>
    %dma_wait3A_1717 = tpu.memref_squeeze %dma_wait3A_1716 : memref<1x128xi32, #tpu.memory_space<vmem>> -> memref<128xi32, #tpu.memory_space<vmem>>
    %dma_wait3A_1718 = arith.constant 0 : i32
    %dma_wait3A_1719 = arith.constant 0 : i32
    %dma_wait3A_1720 = tpu.memref_slice %arg11[%dma_wait3A_1718, %dma_wait3A_1719] : memref<10240x16xf32, #tpu.memory_space<vmem_shared>> -> memref<10240x16xf32, #tpu.memory_space<vmem_shared>>
    tpu.wait_indirect_dma semaphore(%arg21 : memref<!tpu.dma_semaphore, #tpu.memory_space<semaphore_mem>>) src(%dma_wait3A_1714 : memref<128x16xf32, #tpu.memory_space<vmem>>) dst(%dma_wait3A_1720 : memref<10240x16xf32, #tpu.memory_space<vmem_shared>>)
    %dma_wait3A_1721 = arith.constant 12 : i32
    %dma_wait3A_1722 = arith.constant 152 : i32
    %dma_wait3A_1723 = arith.constant 0 : i32
    %dma_wait3A_1724 = arith.constant 0 : i32
    %dma_wait3A_1725 = tpu.memref_slice %arg14[%dma_wait3A_1721, %dma_wait3A_1723, %dma_wait3A_1724] : memref<14x128x16xf32, #tpu.memory_space<vmem>> -> memref<1x128x16xf32, #tpu.memory_space<vmem>>
    %dma_wait3A_1726 = tpu.memref_squeeze %dma_wait3A_1725 : memref<1x128x16xf32, #tpu.memory_space<vmem>> -> memref<128x16xf32, #tpu.memory_space<vmem>>
    %dma_wait3A_1727 = arith.constant 0 : i32
    %dma_wait3A_1728 = tpu.memref_slice %arg13[%dma_wait3A_1722, %dma_wait3A_1727] : memref<157x128xi32, #tpu.memory_space<vmem>> -> memref<1x128xi32, #tpu.memory_space<vmem>>
    %dma_wait3A_1729 = tpu.memref_squeeze %dma_wait3A_1728 : memref<1x128xi32, #tpu.memory_space<vmem>> -> memref<128xi32, #tpu.memory_space<vmem>>
    %dma_wait3A_1730 = arith.constant 0 : i32
    %dma_wait3A_1731 = arith.constant 0 : i32
    %dma_wait3A_1732 = tpu.memref_slice %arg11[%dma_wait3A_1730, %dma_wait3A_1731] : memref<10240x16xf32, #tpu.memory_space<vmem_shared>> -> memref<10240x16xf32, #tpu.memory_space<vmem_shared>>
    tpu.wait_indirect_dma semaphore(%arg21 : memref<!tpu.dma_semaphore, #tpu.memory_space<semaphore_mem>>) src(%dma_wait3A_1726 : memref<128x16xf32, #tpu.memory_space<vmem>>) dst(%dma_wait3A_1732 : memref<10240x16xf32, #tpu.memory_space<vmem_shared>>)
    %dma_wait3A_1733 = arith.constant 13 : i32
    %dma_wait3A_1734 = arith.constant 153 : i32
    %dma_wait3A_1735 = arith.constant 0 : i32
    %dma_wait3A_1736 = arith.constant 0 : i32
    %dma_wait3A_1737 = tpu.memref_slice %arg14[%dma_wait3A_1733, %dma_wait3A_1735, %dma_wait3A_1736] : memref<14x128x16xf32, #tpu.memory_space<vmem>> -> memref<1x128x16xf32, #tpu.memory_space<vmem>>
    %dma_wait3A_1738 = tpu.memref_squeeze %dma_wait3A_1737 : memref<1x128x16xf32, #tpu.memory_space<vmem>> -> memref<128x16xf32, #tpu.memory_space<vmem>>
    %dma_wait3A_1739 = arith.constant 0 : i32
    %dma_wait3A_1740 = tpu.memref_slice %arg13[%dma_wait3A_1734, %dma_wait3A_1739] : memref<157x128xi32, #tpu.memory_space<vmem>> -> memref<1x128xi32, #tpu.memory_space<vmem>>
    %dma_wait3A_1741 = tpu.memref_squeeze %dma_wait3A_1740 : memref<1x128xi32, #tpu.memory_space<vmem>> -> memref<128xi32, #tpu.memory_space<vmem>>
    %dma_wait3A_1742 = arith.constant 0 : i32
    %dma_wait3A_1743 = arith.constant 0 : i32
    %dma_wait3A_1744 = tpu.memref_slice %arg11[%dma_wait3A_1742, %dma_wait3A_1743] : memref<10240x16xf32, #tpu.memory_space<vmem_shared>> -> memref<10240x16xf32, #tpu.memory_space<vmem_shared>>
    tpu.wait_indirect_dma semaphore(%arg21 : memref<!tpu.dma_semaphore, #tpu.memory_space<semaphore_mem>>) src(%dma_wait3A_1738 : memref<128x16xf32, #tpu.memory_space<vmem>>) dst(%dma_wait3A_1744 : memref<10240x16xf32, #tpu.memory_space<vmem_shared>>)
    %dma_wait3A_1745 = arith.constant 0 : i32
    %dma_wait3A_1746 = arith.constant 154 : i32
    %dma_wait3A_1747 = arith.constant 0 : i32
    %dma_wait3A_1748 = arith.constant 0 : i32
    %dma_wait3A_1749 = tpu.memref_slice %arg14[%dma_wait3A_1745, %dma_wait3A_1747, %dma_wait3A_1748] : memref<14x128x16xf32, #tpu.memory_space<vmem>> -> memref<1x128x16xf32, #tpu.memory_space<vmem>>
    %dma_wait3A_1750 = tpu.memref_squeeze %dma_wait3A_1749 : memref<1x128x16xf32, #tpu.memory_space<vmem>> -> memref<128x16xf32, #tpu.memory_space<vmem>>
    %dma_wait3A_1751 = arith.constant 0 : i32
    %dma_wait3A_1752 = tpu.memref_slice %arg13[%dma_wait3A_1746, %dma_wait3A_1751] : memref<157x128xi32, #tpu.memory_space<vmem>> -> memref<1x128xi32, #tpu.memory_space<vmem>>
    %dma_wait3A_1753 = tpu.memref_squeeze %dma_wait3A_1752 : memref<1x128xi32, #tpu.memory_space<vmem>> -> memref<128xi32, #tpu.memory_space<vmem>>
    %dma_wait3A_1754 = arith.constant 0 : i32
    %dma_wait3A_1755 = arith.constant 0 : i32
    %dma_wait3A_1756 = tpu.memref_slice %arg11[%dma_wait3A_1754, %dma_wait3A_1755] : memref<10240x16xf32, #tpu.memory_space<vmem_shared>> -> memref<10240x16xf32, #tpu.memory_space<vmem_shared>>
    tpu.wait_indirect_dma semaphore(%arg21 : memref<!tpu.dma_semaphore, #tpu.memory_space<semaphore_mem>>) src(%dma_wait3A_1750 : memref<128x16xf32, #tpu.memory_space<vmem>>) dst(%dma_wait3A_1756 : memref<10240x16xf32, #tpu.memory_space<vmem_shared>>)
    %dma_wait3A_1757 = arith.constant 1 : i32
    %dma_wait3A_1758 = arith.constant 155 : i32
    %dma_wait3A_1759 = arith.constant 0 : i32
    %dma_wait3A_1760 = arith.constant 0 : i32
    %dma_wait3A_1761 = tpu.memref_slice %arg14[%dma_wait3A_1757, %dma_wait3A_1759, %dma_wait3A_1760] : memref<14x128x16xf32, #tpu.memory_space<vmem>> -> memref<1x128x16xf32, #tpu.memory_space<vmem>>
    %dma_wait3A_1762 = tpu.memref_squeeze %dma_wait3A_1761 : memref<1x128x16xf32, #tpu.memory_space<vmem>> -> memref<128x16xf32, #tpu.memory_space<vmem>>
    %dma_wait3A_1763 = arith.constant 0 : i32
    %dma_wait3A_1764 = tpu.memref_slice %arg13[%dma_wait3A_1758, %dma_wait3A_1763] : memref<157x128xi32, #tpu.memory_space<vmem>> -> memref<1x128xi32, #tpu.memory_space<vmem>>
    %dma_wait3A_1765 = tpu.memref_squeeze %dma_wait3A_1764 : memref<1x128xi32, #tpu.memory_space<vmem>> -> memref<128xi32, #tpu.memory_space<vmem>>
    %dma_wait3A_1766 = arith.constant 0 : i32
    %dma_wait3A_1767 = arith.constant 0 : i32
    %dma_wait3A_1768 = tpu.memref_slice %arg11[%dma_wait3A_1766, %dma_wait3A_1767] : memref<10240x16xf32, #tpu.memory_space<vmem_shared>> -> memref<10240x16xf32, #tpu.memory_space<vmem_shared>>
    tpu.wait_indirect_dma semaphore(%arg21 : memref<!tpu.dma_semaphore, #tpu.memory_space<semaphore_mem>>) src(%dma_wait3A_1762 : memref<128x16xf32, #tpu.memory_space<vmem>>) dst(%dma_wait3A_1768 : memref<10240x16xf32, #tpu.memory_space<vmem_shared>>)
    %dma_wait3A_1769 = arith.constant 2 : i32
    %dma_wait3A_1770 = arith.constant 156 : i32
    %dma_wait3A_1771 = arith.constant 0 : i32
    %dma_wait3A_1772 = arith.constant 0 : i32
    %dma_wait3A_1773 = tpu.memref_slice %arg14[%dma_wait3A_1769, %dma_wait3A_1771, %dma_wait3A_1772] : memref<14x128x16xf32, #tpu.memory_space<vmem>> -> memref<1x128x16xf32, #tpu.memory_space<vmem>>
    %dma_wait3A_1774 = tpu.memref_squeeze %dma_wait3A_1773 : memref<1x128x16xf32, #tpu.memory_space<vmem>> -> memref<128x16xf32, #tpu.memory_space<vmem>>
    %dma_wait3A_1775 = arith.constant 0 : i32
    %dma_wait3A_1776 = tpu.memref_slice %arg13[%dma_wait3A_1770, %dma_wait3A_1775] : memref<157x128xi32, #tpu.memory_space<vmem>> -> memref<1x128xi32, #tpu.memory_space<vmem>>
    %dma_wait3A_1777 = tpu.memref_squeeze %dma_wait3A_1776 : memref<1x128xi32, #tpu.memory_space<vmem>> -> memref<128xi32, #tpu.memory_space<vmem>>
    %dma_wait3A_1778 = arith.constant 0 : i32
    %dma_wait3A_1779 = arith.constant 0 : i32
    %dma_wait3A_1780 = tpu.memref_slice %arg11[%dma_wait3A_1778, %dma_wait3A_1779] : memref<10240x16xf32, #tpu.memory_space<vmem_shared>> -> memref<10240x16xf32, #tpu.memory_space<vmem_shared>>
    tpu.wait_indirect_dma semaphore(%arg21 : memref<!tpu.dma_semaphore, #tpu.memory_space<semaphore_mem>>) src(%dma_wait3A_1774 : memref<128x16xf32, #tpu.memory_space<vmem>>) dst(%dma_wait3A_1780 : memref<10240x16xf32, #tpu.memory_space<vmem_shared>>)
    %barrier3A_1781 = arith.constant 0 : index
    tpu.barrier barrier_id(%barrier3A_1781)
    "tpu.region"() ({
      %run_scoped3A = tpu.sem_alloc : memref<!tpu.dma_semaphore, #tpu.memory_space<semaphore_mem>>
      %dma_start3A_2002 = arith.constant 0 : i32
      %dma_start3A_2003 = tpu.memref_slice %arg11[%mul3A_0, %dma_start3A_2002] : memref<10240x16xf32, #tpu.memory_space<vmem_shared>> -> memref<640x16xf32, #tpu.memory_space<vmem_shared>>
      %dma_start3A_2004 = arith.constant 0 : i32
      %dma_start3A_2005 = tpu.memref_slice %arg11[%mul3A_0, %dma_start3A_2004] : memref<10240x16xf32, #tpu.memory_space<vmem_shared>> -> memref<640x16xf32, #tpu.memory_space<vmem_shared>>
      tpu.enqueue_dma source(%dma_start3A_2005 : memref<640x16xf32, #tpu.memory_space<vmem_shared>>) target(%arg15 : memref<640x16xf32, #tpu.memory_space<vmem>>) target_semaphore(%run_scoped3A : memref<!tpu.dma_semaphore, #tpu.memory_space<semaphore_mem>>)
      %dma_wait3A_2006 = arith.constant 0 : i32
      %dma_wait3A_2007 = tpu.memref_slice %arg11[%mul3A_0, %dma_wait3A_2006] : memref<10240x16xf32, #tpu.memory_space<vmem_shared>> -> memref<640x16xf32, #tpu.memory_space<vmem_shared>>
      %dma_wait3A_2008 = arith.constant 0 : i32
      %dma_wait3A_2009 = tpu.memref_slice %arg11[%mul3A_0, %dma_wait3A_2008] : memref<10240x16xf32, #tpu.memory_space<vmem_shared>> -> memref<640x16xf32, #tpu.memory_space<vmem_shared>>
      tpu.wait_dma2 semaphore(%run_scoped3A : memref<!tpu.dma_semaphore, #tpu.memory_space<semaphore_mem>>) src(%dma_wait3A_2009 : memref<640x16xf32, #tpu.memory_space<vmem_shared>>) dst(%arg15 : memref<640x16xf32, #tpu.memory_space<vmem>>)
      tpu.yield
    }) : () -> ()
    %dma_start3A_1782 = arith.constant 0 : i32
    %dma_start3A_1783 = tpu.memref_slice %arg11[%mul3A_0, %dma_start3A_1782] : memref<10240x16xf32, #tpu.memory_space<vmem_shared>> -> memref<640x16xf32, #tpu.memory_space<vmem_shared>>
    %dma_start3A_1784 = arith.constant 0 : i32
    %dma_start3A_1785 = tpu.memref_slice %arg11[%mul3A_0, %dma_start3A_1784] : memref<10240x16xf32, #tpu.memory_space<vmem_shared>> -> memref<640x16xf32, #tpu.memory_space<vmem_shared>>
    tpu.enqueue_dma source(%arg19 : memref<640x16xf32, #tpu.memory_space<vmem>>) target(%dma_start3A_1785 : memref<640x16xf32, #tpu.memory_space<vmem_shared>>) target_semaphore(%arg23 : memref<!tpu.dma_semaphore, #tpu.memory_space<semaphore_mem>>)
    %add3A_1786 = arith.constant 92160 : i32
    %add3A_1787 = arith.addi %add3A_1786, %mul3A_0 : i32
    %dma_wait3A_1788 = arith.constant 0 : i32
    %dma_wait3A_1789 = tpu.memref_slice %arg2[%add3A_1787, %dma_wait3A_1788] : memref<112640x16xf32, #tpu.memory_space<hbm>> -> memref<640x16xf32, #tpu.memory_space<hbm>>
    %dma_wait3A_1790 = arith.constant 0 : i32
    %dma_wait3A_1791 = tpu.memref_slice %arg2[%add3A_1787, %dma_wait3A_1790] : memref<112640x16xf32, #tpu.memory_space<hbm>> -> memref<640x16xf32, #tpu.memory_space<hbm>>
    tpu.wait_dma2 semaphore(%arg22 : memref<!tpu.dma_semaphore, #tpu.memory_space<semaphore_mem>>) src(%dma_wait3A_1791 : memref<640x16xf32, #tpu.memory_space<hbm>>) dst(%arg16 : memref<640x16xf32, #tpu.memory_space<vmem>>)
    %scan3A_1792 = arith.constant 0 : i32
    %scan3A_1793 = arith.constant 640 : i32
    %scan3A_1794 = arith.addi %scan3A_1792, %scan3A_1793 : i32
    %scan3A_1795 = arith.constant 1 : i32
    scf.for %scan3A_2002 = %scan3A_1792 to %scan3A_1794 step %scan3A_1795  : i32 {
      %get3A = arith.index_cast %scan3A_2002 : i32 to index
      %get3A_2003 = arith.constant 0 : index
      %get3A_2004 = tpu.vector_load %arg17[%get3A, %get3A_2003] {strides = array<i32>} : memref<640x16xf32, #tpu.memory_space<vmem>>, vector<1x16xf32>,
      %get3A_2005 = vector.shape_cast %get3A_2004 : vector<1x16xf32> to vector<16xf32>
      %get3A_2006 = arith.index_cast %scan3A_2002 : i32 to index
      %get3A_2007 = arith.constant 0 : index
      %get3A_2008 = tpu.vector_load %arg16[%get3A_2006, %get3A_2007] {strides = array<i32>} : memref<640x16xf32, #tpu.memory_space<vmem>>, vector<1x16xf32>,
      %get3A_2009 = vector.shape_cast %get3A_2008 : vector<1x16xf32> to vector<16xf32>
      %mul3A_2010 = arith.mulf %get3A_2005, %get3A_2009 : vector<16xf32>
      %get3A_2011 = arith.index_cast %scan3A_2002 : i32 to index
      %get3A_2012 = arith.constant 0 : index
      %get3A_2013 = tpu.vector_load %arg18[%get3A_2011, %get3A_2012] {strides = array<i32>} : memref<640x16xf32, #tpu.memory_space<vmem>>, vector<1x16xf32>,
      %get3A_2014 = vector.shape_cast %get3A_2013 : vector<1x16xf32> to vector<16xf32>
      %get3A_2015 = arith.index_cast %scan3A_2002 : i32 to index
      %get3A_2016 = arith.constant 0 : index
      %get3A_2017 = tpu.vector_load %arg15[%get3A_2015, %get3A_2016] {strides = array<i32>} : memref<640x16xf32, #tpu.memory_space<vmem>>, vector<1x16xf32>,
      %get3A_2018 = vector.shape_cast %get3A_2017 : vector<1x16xf32> to vector<16xf32>
      %mul3A_2019 = arith.mulf %get3A_2014, %get3A_2018 : vector<16xf32>
      %add3A_2020 = arith.addf %mul3A_2010, %mul3A_2019 : vector<16xf32>
      %swap3A = arith.index_cast %scan3A_2002 : i32 to index
      %swap3A_2021 = arith.constant 0 : index
      %swap3A_2022 = tpu.vector_load %arg16[%swap3A, %swap3A_2021] {strides = array<i32>} : memref<640x16xf32, #tpu.memory_space<vmem>>, vector<1x16xf32>,
      %swap3A_2023 = vector.shape_cast %swap3A_2022 : vector<1x16xf32> to vector<16xf32>
      %swap3A_2024 = vector.shape_cast %add3A_2020 : vector<16xf32> to vector<1x16xf32>
      tpu.vector_store %arg16[%swap3A, %swap3A_2021], %swap3A_2024 {strides = array<i32>} : memref<640x16xf32, #tpu.memory_space<vmem>>, vector<1x16xf32>,
    }
    %scan3A_1796 = arith.constant 640 : i32
    "tpu.region"() ({
      %run_scoped3A = tpu.sem_alloc : memref<!tpu.dma_semaphore, #tpu.memory_space<semaphore_mem>>
      %dma_start3A_2002 = arith.constant 0 : i32
      %dma_start3A_2003 = tpu.memref_slice %arg9[%mul3A_0, %dma_start3A_2002] : memref<10240x16xf32, #tpu.memory_space<hbm>> -> memref<640x16xf32, #tpu.memory_space<hbm>>
      %dma_start3A_2004 = arith.constant 0 : i32
      %dma_start3A_2005 = tpu.memref_slice %arg9[%mul3A_0, %dma_start3A_2004] : memref<10240x16xf32, #tpu.memory_space<hbm>> -> memref<640x16xf32, #tpu.memory_space<hbm>>
      tpu.enqueue_dma source(%arg16 : memref<640x16xf32, #tpu.memory_space<vmem>>) target(%dma_start3A_2005 : memref<640x16xf32, #tpu.memory_space<hbm>>) target_semaphore(%run_scoped3A : memref<!tpu.dma_semaphore, #tpu.memory_space<semaphore_mem>>)
      %dma_wait3A_2006 = arith.constant 0 : i32
      %dma_wait3A_2007 = tpu.memref_slice %arg9[%mul3A_0, %dma_wait3A_2006] : memref<10240x16xf32, #tpu.memory_space<hbm>> -> memref<640x16xf32, #tpu.memory_space<hbm>>
      %dma_wait3A_2008 = arith.constant 0 : i32
      %dma_wait3A_2009 = tpu.memref_slice %arg9[%mul3A_0, %dma_wait3A_2008] : memref<10240x16xf32, #tpu.memory_space<hbm>> -> memref<640x16xf32, #tpu.memory_space<hbm>>
      tpu.wait_dma2 semaphore(%run_scoped3A : memref<!tpu.dma_semaphore, #tpu.memory_space<semaphore_mem>>) src(%arg16 : memref<640x16xf32, #tpu.memory_space<vmem>>) dst(%dma_wait3A_2009 : memref<640x16xf32, #tpu.memory_space<hbm>>)
      tpu.yield
    }) : () -> ()
    %dma_wait3A_1797 = arith.constant 0 : i32
    %dma_wait3A_1798 = tpu.memref_slice %arg11[%mul3A_0, %dma_wait3A_1797] : memref<10240x16xf32, #tpu.memory_space<vmem_shared>> -> memref<640x16xf32, #tpu.memory_space<vmem_shared>>
    %dma_wait3A_1799 = arith.constant 0 : i32
    %dma_wait3A_1800 = tpu.memref_slice %arg11[%mul3A_0, %dma_wait3A_1799] : memref<10240x16xf32, #tpu.memory_space<vmem_shared>> -> memref<640x16xf32, #tpu.memory_space<vmem_shared>>
    tpu.wait_dma2 semaphore(%arg23 : memref<!tpu.dma_semaphore, #tpu.memory_space<semaphore_mem>>) src(%arg19 : memref<640x16xf32, #tpu.memory_space<vmem>>) dst(%dma_wait3A_1800 : memref<640x16xf32, #tpu.memory_space<vmem_shared>>)
    %barrier3A_1801 = arith.constant 0 : index
    tpu.barrier barrier_id(%barrier3A_1801)
    %add3A_1802 = arith.constant 102400 : i32
    %add3A_1803 = arith.addi %add3A_1802, %mul3A_0 : i32
    %dma_start3A_1804 = arith.constant 0 : i32
    %dma_start3A_1805 = tpu.memref_slice %arg2[%add3A_1803, %dma_start3A_1804] : memref<112640x16xf32, #tpu.memory_space<hbm>> -> memref<640x16xf32, #tpu.memory_space<hbm>>
    %dma_start3A_1806 = arith.constant 0 : i32
    %dma_start3A_1807 = tpu.memref_slice %arg2[%add3A_1803, %dma_start3A_1806] : memref<112640x16xf32, #tpu.memory_space<hbm>> -> memref<640x16xf32, #tpu.memory_space<hbm>>
    tpu.enqueue_dma source(%dma_start3A_1807 : memref<640x16xf32, #tpu.memory_space<hbm>>) target(%arg16 : memref<640x16xf32, #tpu.memory_space<vmem>>) target_semaphore(%arg22 : memref<!tpu.dma_semaphore, #tpu.memory_space<semaphore_mem>>)
    %dma_start3A_1808 = arith.constant 0 : i32
    %dma_start3A_1809 = arith.constant 0 : i32
    %dma_start3A_1810 = arith.constant 0 : i32
    %dma_start3A_1811 = arith.constant 0 : i32
    %dma_start3A_1812 = tpu.memref_slice %arg14[%dma_start3A_1809, %dma_start3A_1810, %dma_start3A_1811] : memref<14x128x16xf32, #tpu.memory_space<vmem>> -> memref<1x128x16xf32, #tpu.memory_space<vmem>>
    %dma_start3A_1813 = tpu.memref_squeeze %dma_start3A_1812 : memref<1x128x16xf32, #tpu.memory_space<vmem>> -> memref<128x16xf32, #tpu.memory_space<vmem>>
    %dma_start3A_1814 = arith.constant 0 : i32
    %dma_start3A_1815 = tpu.memref_slice %arg12[%dma_start3A_1808, %dma_start3A_1814] : memref<157x128xi32, #tpu.memory_space<vmem>> -> memref<1x128xi32, #tpu.memory_space<vmem>>
    %dma_start3A_1816 = tpu.memref_squeeze %dma_start3A_1815 : memref<1x128xi32, #tpu.memory_space<vmem>> -> memref<128xi32, #tpu.memory_space<vmem>>
    %dma_start3A_1817 = arith.constant 0 : i32
    %dma_start3A_1818 = arith.constant 0 : i32
    %dma_start3A_1819 = tpu.memref_slice %arg9[%dma_start3A_1817, %dma_start3A_1818] : memref<10240x16xf32, #tpu.memory_space<hbm>> -> memref<10240x16xf32, #tpu.memory_space<hbm>>
    tpu.enqueue_indirect_dma source(%dma_start3A_1819 : memref<10240x16xf32, #tpu.memory_space<hbm>>) target(%dma_start3A_1813 : memref<128x16xf32, #tpu.memory_space<vmem>>) offsets(%dma_start3A_1816 : memref<128xi32, #tpu.memory_space<vmem>>) semaphore(%arg20 : memref<!tpu.dma_semaphore, #tpu.memory_space<semaphore_mem>>)
    %dma_start3A_1820 = arith.constant 1 : i32
    %dma_start3A_1821 = arith.constant 1 : i32
    %dma_start3A_1822 = arith.constant 0 : i32
    %dma_start3A_1823 = arith.constant 0 : i32
    %dma_start3A_1824 = tpu.memref_slice %arg14[%dma_start3A_1821, %dma_start3A_1822, %dma_start3A_1823] : memref<14x128x16xf32, #tpu.memory_space<vmem>> -> memref<1x128x16xf32, #tpu.memory_space<vmem>>
    %dma_start3A_1825 = tpu.memref_squeeze %dma_start3A_1824 : memref<1x128x16xf32, #tpu.memory_space<vmem>> -> memref<128x16xf32, #tpu.memory_space<vmem>>
    %dma_start3A_1826 = arith.constant 0 : i32
    %dma_start3A_1827 = tpu.memref_slice %arg12[%dma_start3A_1820, %dma_start3A_1826] : memref<157x128xi32, #tpu.memory_space<vmem>> -> memref<1x128xi32, #tpu.memory_space<vmem>>
    %dma_start3A_1828 = tpu.memref_squeeze %dma_start3A_1827 : memref<1x128xi32, #tpu.memory_space<vmem>> -> memref<128xi32, #tpu.memory_space<vmem>>
    %dma_start3A_1829 = arith.constant 0 : i32
    %dma_start3A_1830 = arith.constant 0 : i32
    %dma_start3A_1831 = tpu.memref_slice %arg9[%dma_start3A_1829, %dma_start3A_1830] : memref<10240x16xf32, #tpu.memory_space<hbm>> -> memref<10240x16xf32, #tpu.memory_space<hbm>>
    tpu.enqueue_indirect_dma source(%dma_start3A_1831 : memref<10240x16xf32, #tpu.memory_space<hbm>>) target(%dma_start3A_1825 : memref<128x16xf32, #tpu.memory_space<vmem>>) offsets(%dma_start3A_1828 : memref<128xi32, #tpu.memory_space<vmem>>) semaphore(%arg20 : memref<!tpu.dma_semaphore, #tpu.memory_space<semaphore_mem>>)
    %dma_start3A_1832 = arith.constant 2 : i32
    %dma_start3A_1833 = arith.constant 2 : i32
    %dma_start3A_1834 = arith.constant 0 : i32
    %dma_start3A_1835 = arith.constant 0 : i32
    %dma_start3A_1836 = tpu.memref_slice %arg14[%dma_start3A_1833, %dma_start3A_1834, %dma_start3A_1835] : memref<14x128x16xf32, #tpu.memory_space<vmem>> -> memref<1x128x16xf32, #tpu.memory_space<vmem>>
    %dma_start3A_1837 = tpu.memref_squeeze %dma_start3A_1836 : memref<1x128x16xf32, #tpu.memory_space<vmem>> -> memref<128x16xf32, #tpu.memory_space<vmem>>
    %dma_start3A_1838 = arith.constant 0 : i32
    %dma_start3A_1839 = tpu.memref_slice %arg12[%dma_start3A_1832, %dma_start3A_1838] : memref<157x128xi32, #tpu.memory_space<vmem>> -> memref<1x128xi32, #tpu.memory_space<vmem>>
    %dma_start3A_1840 = tpu.memref_squeeze %dma_start3A_1839 : memref<1x128xi32, #tpu.memory_space<vmem>> -> memref<128xi32, #tpu.memory_space<vmem>>
    %dma_start3A_1841 = arith.constant 0 : i32
    %dma_start3A_1842 = arith.constant 0 : i32
    %dma_start3A_1843 = tpu.memref_slice %arg9[%dma_start3A_1841, %dma_start3A_1842] : memref<10240x16xf32, #tpu.memory_space<hbm>> -> memref<10240x16xf32, #tpu.memory_space<hbm>>
    tpu.enqueue_indirect_dma source(%dma_start3A_1843 : memref<10240x16xf32, #tpu.memory_space<hbm>>) target(%dma_start3A_1837 : memref<128x16xf32, #tpu.memory_space<vmem>>) offsets(%dma_start3A_1840 : memref<128xi32, #tpu.memory_space<vmem>>) semaphore(%arg20 : memref<!tpu.dma_semaphore, #tpu.memory_space<semaphore_mem>>)
    %dma_start3A_1844 = arith.constant 3 : i32
    %dma_start3A_1845 = arith.constant 3 : i32
    %dma_start3A_1846 = arith.constant 0 : i32
    %dma_start3A_1847 = arith.constant 0 : i32
    %dma_start3A_1848 = tpu.memref_slice %arg14[%dma_start3A_1845, %dma_start3A_1846, %dma_start3A_1847] : memref<14x128x16xf32, #tpu.memory_space<vmem>> -> memref<1x128x16xf32, #tpu.memory_space<vmem>>
    %dma_start3A_1849 = tpu.memref_squeeze %dma_start3A_1848 : memref<1x128x16xf32, #tpu.memory_space<vmem>> -> memref<128x16xf32, #tpu.memory_space<vmem>>
    %dma_start3A_1850 = arith.constant 0 : i32
    %dma_start3A_1851 = tpu.memref_slice %arg12[%dma_start3A_1844, %dma_start3A_1850] : memref<157x128xi32, #tpu.memory_space<vmem>> -> memref<1x128xi32, #tpu.memory_space<vmem>>
    %dma_start3A_1852 = tpu.memref_squeeze %dma_start3A_1851 : memref<1x128xi32, #tpu.memory_space<vmem>> -> memref<128xi32, #tpu.memory_space<vmem>>
    %dma_start3A_1853 = arith.constant 0 : i32
    %dma_start3A_1854 = arith.constant 0 : i32
    %dma_start3A_1855 = tpu.memref_slice %arg9[%dma_start3A_1853, %dma_start3A_1854] : memref<10240x16xf32, #tpu.memory_space<hbm>> -> memref<10240x16xf32, #tpu.memory_space<hbm>>
    tpu.enqueue_indirect_dma source(%dma_start3A_1855 : memref<10240x16xf32, #tpu.memory_space<hbm>>) target(%dma_start3A_1849 : memref<128x16xf32, #tpu.memory_space<vmem>>) offsets(%dma_start3A_1852 : memref<128xi32, #tpu.memory_space<vmem>>) semaphore(%arg20 : memref<!tpu.dma_semaphore, #tpu.memory_space<semaphore_mem>>)
    %dma_start3A_1856 = arith.constant 4 : i32
    %dma_start3A_1857 = arith.constant 4 : i32
    %dma_start3A_1858 = arith.constant 0 : i32
    %dma_start3A_1859 = arith.constant 0 : i32
    %dma_start3A_1860 = tpu.memref_slice %arg14[%dma_start3A_1857, %dma_start3A_1858, %dma_start3A_1859] : memref<14x128x16xf32, #tpu.memory_space<vmem>> -> memref<1x128x16xf32, #tpu.memory_space<vmem>>
    %dma_start3A_1861 = tpu.memref_squeeze %dma_start3A_1860 : memref<1x128x16xf32, #tpu.memory_space<vmem>> -> memref<128x16xf32, #tpu.memory_space<vmem>>
    %dma_start3A_1862 = arith.constant 0 : i32
    %dma_start3A_1863 = tpu.memref_slice %arg12[%dma_start3A_1856, %dma_start3A_1862] : memref<157x128xi32, #tpu.memory_space<vmem>> -> memref<1x128xi32, #tpu.memory_space<vmem>>
    %dma_start3A_1864 = tpu.memref_squeeze %dma_start3A_1863 : memref<1x128xi32, #tpu.memory_space<vmem>> -> memref<128xi32, #tpu.memory_space<vmem>>
    %dma_start3A_1865 = arith.constant 0 : i32
    %dma_start3A_1866 = arith.constant 0 : i32
    %dma_start3A_1867 = tpu.memref_slice %arg9[%dma_start3A_1865, %dma_start3A_1866] : memref<10240x16xf32, #tpu.memory_space<hbm>> -> memref<10240x16xf32, #tpu.memory_space<hbm>>
    tpu.enqueue_indirect_dma source(%dma_start3A_1867 : memref<10240x16xf32, #tpu.memory_space<hbm>>) target(%dma_start3A_1861 : memref<128x16xf32, #tpu.memory_space<vmem>>) offsets(%dma_start3A_1864 : memref<128xi32, #tpu.memory_space<vmem>>) semaphore(%arg20 : memref<!tpu.dma_semaphore, #tpu.memory_space<semaphore_mem>>)
    %dma_start3A_1868 = arith.constant 5 : i32
    %dma_start3A_1869 = arith.constant 5 : i32
    %dma_start3A_1870 = arith.constant 0 : i32
    %dma_start3A_1871 = arith.constant 0 : i32
    %dma_start3A_1872 = tpu.memref_slice %arg14[%dma_start3A_1869, %dma_start3A_1870, %dma_start3A_1871] : memref<14x128x16xf32, #tpu.memory_space<vmem>> -> memref<1x128x16xf32, #tpu.memory_space<vmem>>
    %dma_start3A_1873 = tpu.memref_squeeze %dma_start3A_1872 : memref<1x128x16xf32, #tpu.memory_space<vmem>> -> memref<128x16xf32, #tpu.memory_space<vmem>>
    %dma_start3A_1874 = arith.constant 0 : i32
    %dma_start3A_1875 = tpu.memref_slice %arg12[%dma_start3A_1868, %dma_start3A_1874] : memref<157x128xi32, #tpu.memory_space<vmem>> -> memref<1x128xi32, #tpu.memory_space<vmem>>
    %dma_start3A_1876 = tpu.memref_squeeze %dma_start3A_1875 : memref<1x128xi32, #tpu.memory_space<vmem>> -> memref<128xi32, #tpu.memory_space<vmem>>
    %dma_start3A_1877 = arith.constant 0 : i32
    %dma_start3A_1878 = arith.constant 0 : i32
    %dma_start3A_1879 = tpu.memref_slice %arg9[%dma_start3A_1877, %dma_start3A_1878] : memref<10240x16xf32, #tpu.memory_space<hbm>> -> memref<10240x16xf32, #tpu.memory_space<hbm>>
    tpu.enqueue_indirect_dma source(%dma_start3A_1879 : memref<10240x16xf32, #tpu.memory_space<hbm>>) target(%dma_start3A_1873 : memref<128x16xf32, #tpu.memory_space<vmem>>) offsets(%dma_start3A_1876 : memref<128xi32, #tpu.memory_space<vmem>>) semaphore(%arg20 : memref<!tpu.dma_semaphore, #tpu.memory_space<semaphore_mem>>)
    %dma_start3A_1880 = arith.constant 6 : i32
    %dma_start3A_1881 = arith.constant 6 : i32
    %dma_start3A_1882 = arith.constant 0 : i32
    %dma_start3A_1883 = arith.constant 0 : i32
    %dma_start3A_1884 = tpu.memref_slice %arg14[%dma_start3A_1881, %dma_start3A_1882, %dma_start3A_1883] : memref<14x128x16xf32, #tpu.memory_space<vmem>> -> memref<1x128x16xf32, #tpu.memory_space<vmem>>
    %dma_start3A_1885 = tpu.memref_squeeze %dma_start3A_1884 : memref<1x128x16xf32, #tpu.memory_space<vmem>> -> memref<128x16xf32, #tpu.memory_space<vmem>>
    %dma_start3A_1886 = arith.constant 0 : i32
    %dma_start3A_1887 = tpu.memref_slice %arg12[%dma_start3A_1880, %dma_start3A_1886] : memref<157x128xi32, #tpu.memory_space<vmem>> -> memref<1x128xi32, #tpu.memory_space<vmem>>
    %dma_start3A_1888 = tpu.memref_squeeze %dma_start3A_1887 : memref<1x128xi32, #tpu.memory_space<vmem>> -> memref<128xi32, #tpu.memory_space<vmem>>
    %dma_start3A_1889 = arith.constant 0 : i32
    %dma_start3A_1890 = arith.constant 0 : i32
    %dma_start3A_1891 = tpu.memref_slice %arg9[%dma_start3A_1889, %dma_start3A_1890] : memref<10240x16xf32, #tpu.memory_space<hbm>> -> memref<10240x16xf32, #tpu.memory_space<hbm>>
    tpu.enqueue_indirect_dma source(%dma_start3A_1891 : memref<10240x16xf32, #tpu.memory_space<hbm>>) target(%dma_start3A_1885 : memref<128x16xf32, #tpu.memory_space<vmem>>) offsets(%dma_start3A_1888 : memref<128xi32, #tpu.memory_space<vmem>>) semaphore(%arg20 : memref<!tpu.dma_semaphore, #tpu.memory_space<semaphore_mem>>)
    %scan3A_1892 = arith.constant 0 : i32
    %scan3A_1893 = arith.constant 157 : i32
    %scan3A_1894 = arith.addi %scan3A_1892, %scan3A_1893 : i32
    %scan3A_1895 = arith.constant 1 : i32
    scf.for %scan3A_2002 = %scan3A_1892 to %scan3A_1894 step %scan3A_1895  : i32 {
      %rem3A = arith.constant 14 : i32
      %rem3A_2003 = arith.remsi %scan3A_2002, %rem3A : i32
      %dma_wait3A_2004 = arith.constant 0 : i32
      %dma_wait3A_2005 = arith.constant 0 : i32
      %dma_wait3A_2006 = tpu.memref_slice %arg14[%rem3A_2003, %dma_wait3A_2004, %dma_wait3A_2005] : memref<14x128x16xf32, #tpu.memory_space<vmem>> -> memref<1x128x16xf32, #tpu.memory_space<vmem>>
      %dma_wait3A_2007 = tpu.memref_squeeze %dma_wait3A_2006 : memref<1x128x16xf32, #tpu.memory_space<vmem>> -> memref<128x16xf32, #tpu.memory_space<vmem>>
      %dma_wait3A_2008 = arith.constant 0 : i32
      %dma_wait3A_2009 = tpu.memref_slice %arg12[%scan3A_2002, %dma_wait3A_2008] : memref<157x128xi32, #tpu.memory_space<vmem>> -> memref<1x128xi32, #tpu.memory_space<vmem>>
      %dma_wait3A_2010 = tpu.memref_squeeze %dma_wait3A_2009 : memref<1x128xi32, #tpu.memory_space<vmem>> -> memref<128xi32, #tpu.memory_space<vmem>>
      %dma_wait3A_2011 = arith.constant 0 : i32
      %dma_wait3A_2012 = arith.constant 0 : i32
      %dma_wait3A_2013 = tpu.memref_slice %arg9[%dma_wait3A_2011, %dma_wait3A_2012] : memref<10240x16xf32, #tpu.memory_space<hbm>> -> memref<10240x16xf32, #tpu.memory_space<hbm>>
      tpu.wait_indirect_dma semaphore(%arg20 : memref<!tpu.dma_semaphore, #tpu.memory_space<semaphore_mem>>) src(%dma_wait3A_2013 : memref<10240x16xf32, #tpu.memory_space<hbm>>) dst(%dma_wait3A_2007 : memref<128x16xf32, #tpu.memory_space<vmem>>)
      %dma_start3A_2014 = arith.constant 0 : i32
      %dma_start3A_2015 = arith.constant 0 : i32
      %dma_start3A_2016 = tpu.memref_slice %arg14[%rem3A_2003, %dma_start3A_2014, %dma_start3A_2015] : memref<14x128x16xf32, #tpu.memory_space<vmem>> -> memref<1x128x16xf32, #tpu.memory_space<vmem>>
      %dma_start3A_2017 = tpu.memref_squeeze %dma_start3A_2016 : memref<1x128x16xf32, #tpu.memory_space<vmem>> -> memref<128x16xf32, #tpu.memory_space<vmem>>
      %dma_start3A_2018 = arith.constant 0 : i32
      %dma_start3A_2019 = tpu.memref_slice %arg13[%scan3A_2002, %dma_start3A_2018] : memref<157x128xi32, #tpu.memory_space<vmem>> -> memref<1x128xi32, #tpu.memory_space<vmem>>
      %dma_start3A_2020 = tpu.memref_squeeze %dma_start3A_2019 : memref<1x128xi32, #tpu.memory_space<vmem>> -> memref<128xi32, #tpu.memory_space<vmem>>
      %dma_start3A_2021 = arith.constant 0 : i32
      %dma_start3A_2022 = arith.constant 0 : i32
      %dma_start3A_2023 = tpu.memref_slice %arg11[%dma_start3A_2021, %dma_start3A_2022] : memref<10240x16xf32, #tpu.memory_space<vmem_shared>> -> memref<10240x16xf32, #tpu.memory_space<vmem_shared>>
      tpu.enqueue_indirect_dma source(%dma_start3A_2017 : memref<128x16xf32, #tpu.memory_space<vmem>>) target(%dma_start3A_2023 : memref<10240x16xf32, #tpu.memory_space<vmem_shared>>) offsets(%dma_start3A_2020 : memref<128xi32, #tpu.memory_space<vmem>>) semaphore(%arg21 : memref<!tpu.dma_semaphore, #tpu.memory_space<semaphore_mem>>) {add = true}
      %ge3A = arith.constant 7 : i32
      %ge3A_2024 = arith.cmpi sge, %scan3A_2002, %ge3A : i32
      %convert_element_type3A = arith.extui %ge3A_2024 : i1 to i32
      %cond3A = arith.constant 0 : i32
      %cond3A_2025 = arith.cmpi ne, %convert_element_type3A, %cond3A : i32
      scf.if %cond3A_2025 {
        %sub3A = arith.constant 7 : i32
        %sub3A_2032 = arith.subi %scan3A_2002, %sub3A : i32
        %rem3A_2033 = arith.constant 14 : i32
        %rem3A_2034 = arith.remsi %sub3A_2032, %rem3A_2033 : i32
        %dma_wait3A_2035 = arith.constant 0 : i32
        %dma_wait3A_2036 = arith.constant 0 : i32
        %dma_wait3A_2037 = tpu.memref_slice %arg14[%rem3A_2034, %dma_wait3A_2035, %dma_wait3A_2036] : memref<14x128x16xf32, #tpu.memory_space<vmem>> -> memref<1x128x16xf32, #tpu.memory_space<vmem>>
        %dma_wait3A_2038 = tpu.memref_squeeze %dma_wait3A_2037 : memref<1x128x16xf32, #tpu.memory_space<vmem>> -> memref<128x16xf32, #tpu.memory_space<vmem>>
        %dma_wait3A_2039 = arith.constant 0 : i32
        %dma_wait3A_2040 = tpu.memref_slice %arg13[%sub3A_2032, %dma_wait3A_2039] : memref<157x128xi32, #tpu.memory_space<vmem>> -> memref<1x128xi32, #tpu.memory_space<vmem>>
        %dma_wait3A_2041 = tpu.memref_squeeze %dma_wait3A_2040 : memref<1x128xi32, #tpu.memory_space<vmem>> -> memref<128xi32, #tpu.memory_space<vmem>>
        %dma_wait3A_2042 = arith.constant 0 : i32
        %dma_wait3A_2043 = arith.constant 0 : i32
        %dma_wait3A_2044 = tpu.memref_slice %arg11[%dma_wait3A_2042, %dma_wait3A_2043] : memref<10240x16xf32, #tpu.memory_space<vmem_shared>> -> memref<10240x16xf32, #tpu.memory_space<vmem_shared>>
        tpu.wait_indirect_dma semaphore(%arg21 : memref<!tpu.dma_semaphore, #tpu.memory_space<semaphore_mem>>) src(%dma_wait3A_2038 : memref<128x16xf32, #tpu.memory_space<vmem>>) dst(%dma_wait3A_2044 : memref<10240x16xf32, #tpu.memory_space<vmem_shared>>)
      } else {
      }
      %add3A_2026 = arith.constant 7 : i32
      %add3A_2027 = arith.addi %scan3A_2002, %add3A_2026 : i32
      %lt3A = arith.constant 157 : i32
      %lt3A_2028 = arith.cmpi slt, %add3A_2027, %lt3A : i32
      %convert_element_type3A_2029 = arith.extui %lt3A_2028 : i1 to i32
      %cond3A_2030 = arith.constant 0 : i32
      %cond3A_2031 = arith.cmpi ne, %convert_element_type3A_2029, %cond3A_2030 : i32
      scf.if %cond3A_2031 {
        %add3A_2032 = arith.constant 7 : i32
        %add3A_2033 = arith.addi %scan3A_2002, %add3A_2032 : i32
        %rem3A_2034 = arith.constant 14 : i32
        %rem3A_2035 = arith.remsi %add3A_2033, %rem3A_2034 : i32
        %dma_start3A_2036 = arith.constant 0 : i32
        %dma_start3A_2037 = arith.constant 0 : i32
        %dma_start3A_2038 = tpu.memref_slice %arg14[%rem3A_2035, %dma_start3A_2036, %dma_start3A_2037] : memref<14x128x16xf32, #tpu.memory_space<vmem>> -> memref<1x128x16xf32, #tpu.memory_space<vmem>>
        %dma_start3A_2039 = tpu.memref_squeeze %dma_start3A_2038 : memref<1x128x16xf32, #tpu.memory_space<vmem>> -> memref<128x16xf32, #tpu.memory_space<vmem>>
        %dma_start3A_2040 = arith.constant 0 : i32
        %dma_start3A_2041 = tpu.memref_slice %arg12[%add3A_2033, %dma_start3A_2040] : memref<157x128xi32, #tpu.memory_space<vmem>> -> memref<1x128xi32, #tpu.memory_space<vmem>>
        %dma_start3A_2042 = tpu.memref_squeeze %dma_start3A_2041 : memref<1x128xi32, #tpu.memory_space<vmem>> -> memref<128xi32, #tpu.memory_space<vmem>>
        %dma_start3A_2043 = arith.constant 0 : i32
        %dma_start3A_2044 = arith.constant 0 : i32
        %dma_start3A_2045 = tpu.memref_slice %arg9[%dma_start3A_2043, %dma_start3A_2044] : memref<10240x16xf32, #tpu.memory_space<hbm>> -> memref<10240x16xf32, #tpu.memory_space<hbm>>
        tpu.enqueue_indirect_dma source(%dma_start3A_2045 : memref<10240x16xf32, #tpu.memory_space<hbm>>) target(%dma_start3A_2039 : memref<128x16xf32, #tpu.memory_space<vmem>>) offsets(%dma_start3A_2042 : memref<128xi32, #tpu.memory_space<vmem>>) semaphore(%arg20 : memref<!tpu.dma_semaphore, #tpu.memory_space<semaphore_mem>>)
      } else {
      }
    }
    %scan3A_1896 = arith.constant 157 : i32
    %dma_wait3A_1897 = arith.constant 10 : i32
    %dma_wait3A_1898 = arith.constant 150 : i32
    %dma_wait3A_1899 = arith.constant 0 : i32
    %dma_wait3A_1900 = arith.constant 0 : i32
    %dma_wait3A_1901 = tpu.memref_slice %arg14[%dma_wait3A_1897, %dma_wait3A_1899, %dma_wait3A_1900] : memref<14x128x16xf32, #tpu.memory_space<vmem>> -> memref<1x128x16xf32, #tpu.memory_space<vmem>>
    %dma_wait3A_1902 = tpu.memref_squeeze %dma_wait3A_1901 : memref<1x128x16xf32, #tpu.memory_space<vmem>> -> memref<128x16xf32, #tpu.memory_space<vmem>>
    %dma_wait3A_1903 = arith.constant 0 : i32
    %dma_wait3A_1904 = tpu.memref_slice %arg13[%dma_wait3A_1898, %dma_wait3A_1903] : memref<157x128xi32, #tpu.memory_space<vmem>> -> memref<1x128xi32, #tpu.memory_space<vmem>>
    %dma_wait3A_1905 = tpu.memref_squeeze %dma_wait3A_1904 : memref<1x128xi32, #tpu.memory_space<vmem>> -> memref<128xi32, #tpu.memory_space<vmem>>
    %dma_wait3A_1906 = arith.constant 0 : i32
    %dma_wait3A_1907 = arith.constant 0 : i32
    %dma_wait3A_1908 = tpu.memref_slice %arg11[%dma_wait3A_1906, %dma_wait3A_1907] : memref<10240x16xf32, #tpu.memory_space<vmem_shared>> -> memref<10240x16xf32, #tpu.memory_space<vmem_shared>>
    tpu.wait_indirect_dma semaphore(%arg21 : memref<!tpu.dma_semaphore, #tpu.memory_space<semaphore_mem>>) src(%dma_wait3A_1902 : memref<128x16xf32, #tpu.memory_space<vmem>>) dst(%dma_wait3A_1908 : memref<10240x16xf32, #tpu.memory_space<vmem_shared>>)
    %dma_wait3A_1909 = arith.constant 11 : i32
    %dma_wait3A_1910 = arith.constant 151 : i32
    %dma_wait3A_1911 = arith.constant 0 : i32
    %dma_wait3A_1912 = arith.constant 0 : i32
    %dma_wait3A_1913 = tpu.memref_slice %arg14[%dma_wait3A_1909, %dma_wait3A_1911, %dma_wait3A_1912] : memref<14x128x16xf32, #tpu.memory_space<vmem>> -> memref<1x128x16xf32, #tpu.memory_space<vmem>>
    %dma_wait3A_1914 = tpu.memref_squeeze %dma_wait3A_1913 : memref<1x128x16xf32, #tpu.memory_space<vmem>> -> memref<128x16xf32, #tpu.memory_space<vmem>>
    %dma_wait3A_1915 = arith.constant 0 : i32
    %dma_wait3A_1916 = tpu.memref_slice %arg13[%dma_wait3A_1910, %dma_wait3A_1915] : memref<157x128xi32, #tpu.memory_space<vmem>> -> memref<1x128xi32, #tpu.memory_space<vmem>>
    %dma_wait3A_1917 = tpu.memref_squeeze %dma_wait3A_1916 : memref<1x128xi32, #tpu.memory_space<vmem>> -> memref<128xi32, #tpu.memory_space<vmem>>
    %dma_wait3A_1918 = arith.constant 0 : i32
    %dma_wait3A_1919 = arith.constant 0 : i32
    %dma_wait3A_1920 = tpu.memref_slice %arg11[%dma_wait3A_1918, %dma_wait3A_1919] : memref<10240x16xf32, #tpu.memory_space<vmem_shared>> -> memref<10240x16xf32, #tpu.memory_space<vmem_shared>>
    tpu.wait_indirect_dma semaphore(%arg21 : memref<!tpu.dma_semaphore, #tpu.memory_space<semaphore_mem>>) src(%dma_wait3A_1914 : memref<128x16xf32, #tpu.memory_space<vmem>>) dst(%dma_wait3A_1920 : memref<10240x16xf32, #tpu.memory_space<vmem_shared>>)
    %dma_wait3A_1921 = arith.constant 12 : i32
    %dma_wait3A_1922 = arith.constant 152 : i32
    %dma_wait3A_1923 = arith.constant 0 : i32
    %dma_wait3A_1924 = arith.constant 0 : i32
    %dma_wait3A_1925 = tpu.memref_slice %arg14[%dma_wait3A_1921, %dma_wait3A_1923, %dma_wait3A_1924] : memref<14x128x16xf32, #tpu.memory_space<vmem>> -> memref<1x128x16xf32, #tpu.memory_space<vmem>>
    %dma_wait3A_1926 = tpu.memref_squeeze %dma_wait3A_1925 : memref<1x128x16xf32, #tpu.memory_space<vmem>> -> memref<128x16xf32, #tpu.memory_space<vmem>>
    %dma_wait3A_1927 = arith.constant 0 : i32
    %dma_wait3A_1928 = tpu.memref_slice %arg13[%dma_wait3A_1922, %dma_wait3A_1927] : memref<157x128xi32, #tpu.memory_space<vmem>> -> memref<1x128xi32, #tpu.memory_space<vmem>>
    %dma_wait3A_1929 = tpu.memref_squeeze %dma_wait3A_1928 : memref<1x128xi32, #tpu.memory_space<vmem>> -> memref<128xi32, #tpu.memory_space<vmem>>
    %dma_wait3A_1930 = arith.constant 0 : i32
    %dma_wait3A_1931 = arith.constant 0 : i32
    %dma_wait3A_1932 = tpu.memref_slice %arg11[%dma_wait3A_1930, %dma_wait3A_1931] : memref<10240x16xf32, #tpu.memory_space<vmem_shared>> -> memref<10240x16xf32, #tpu.memory_space<vmem_shared>>
    tpu.wait_indirect_dma semaphore(%arg21 : memref<!tpu.dma_semaphore, #tpu.memory_space<semaphore_mem>>) src(%dma_wait3A_1926 : memref<128x16xf32, #tpu.memory_space<vmem>>) dst(%dma_wait3A_1932 : memref<10240x16xf32, #tpu.memory_space<vmem_shared>>)
    %dma_wait3A_1933 = arith.constant 13 : i32
    %dma_wait3A_1934 = arith.constant 153 : i32
    %dma_wait3A_1935 = arith.constant 0 : i32
    %dma_wait3A_1936 = arith.constant 0 : i32
    %dma_wait3A_1937 = tpu.memref_slice %arg14[%dma_wait3A_1933, %dma_wait3A_1935, %dma_wait3A_1936] : memref<14x128x16xf32, #tpu.memory_space<vmem>> -> memref<1x128x16xf32, #tpu.memory_space<vmem>>
    %dma_wait3A_1938 = tpu.memref_squeeze %dma_wait3A_1937 : memref<1x128x16xf32, #tpu.memory_space<vmem>> -> memref<128x16xf32, #tpu.memory_space<vmem>>
    %dma_wait3A_1939 = arith.constant 0 : i32
    %dma_wait3A_1940 = tpu.memref_slice %arg13[%dma_wait3A_1934, %dma_wait3A_1939] : memref<157x128xi32, #tpu.memory_space<vmem>> -> memref<1x128xi32, #tpu.memory_space<vmem>>
    %dma_wait3A_1941 = tpu.memref_squeeze %dma_wait3A_1940 : memref<1x128xi32, #tpu.memory_space<vmem>> -> memref<128xi32, #tpu.memory_space<vmem>>
    %dma_wait3A_1942 = arith.constant 0 : i32
    %dma_wait3A_1943 = arith.constant 0 : i32
    %dma_wait3A_1944 = tpu.memref_slice %arg11[%dma_wait3A_1942, %dma_wait3A_1943] : memref<10240x16xf32, #tpu.memory_space<vmem_shared>> -> memref<10240x16xf32, #tpu.memory_space<vmem_shared>>
    tpu.wait_indirect_dma semaphore(%arg21 : memref<!tpu.dma_semaphore, #tpu.memory_space<semaphore_mem>>) src(%dma_wait3A_1938 : memref<128x16xf32, #tpu.memory_space<vmem>>) dst(%dma_wait3A_1944 : memref<10240x16xf32, #tpu.memory_space<vmem_shared>>)
    %dma_wait3A_1945 = arith.constant 0 : i32
    %dma_wait3A_1946 = arith.constant 154 : i32
    %dma_wait3A_1947 = arith.constant 0 : i32
    %dma_wait3A_1948 = arith.constant 0 : i32
    %dma_wait3A_1949 = tpu.memref_slice %arg14[%dma_wait3A_1945, %dma_wait3A_1947, %dma_wait3A_1948] : memref<14x128x16xf32, #tpu.memory_space<vmem>> -> memref<1x128x16xf32, #tpu.memory_space<vmem>>
    %dma_wait3A_1950 = tpu.memref_squeeze %dma_wait3A_1949 : memref<1x128x16xf32, #tpu.memory_space<vmem>> -> memref<128x16xf32, #tpu.memory_space<vmem>>
    %dma_wait3A_1951 = arith.constant 0 : i32
    %dma_wait3A_1952 = tpu.memref_slice %arg13[%dma_wait3A_1946, %dma_wait3A_1951] : memref<157x128xi32, #tpu.memory_space<vmem>> -> memref<1x128xi32, #tpu.memory_space<vmem>>
    %dma_wait3A_1953 = tpu.memref_squeeze %dma_wait3A_1952 : memref<1x128xi32, #tpu.memory_space<vmem>> -> memref<128xi32, #tpu.memory_space<vmem>>
    %dma_wait3A_1954 = arith.constant 0 : i32
    %dma_wait3A_1955 = arith.constant 0 : i32
    %dma_wait3A_1956 = tpu.memref_slice %arg11[%dma_wait3A_1954, %dma_wait3A_1955] : memref<10240x16xf32, #tpu.memory_space<vmem_shared>> -> memref<10240x16xf32, #tpu.memory_space<vmem_shared>>
    tpu.wait_indirect_dma semaphore(%arg21 : memref<!tpu.dma_semaphore, #tpu.memory_space<semaphore_mem>>) src(%dma_wait3A_1950 : memref<128x16xf32, #tpu.memory_space<vmem>>) dst(%dma_wait3A_1956 : memref<10240x16xf32, #tpu.memory_space<vmem_shared>>)
    %dma_wait3A_1957 = arith.constant 1 : i32
    %dma_wait3A_1958 = arith.constant 155 : i32
    %dma_wait3A_1959 = arith.constant 0 : i32
    %dma_wait3A_1960 = arith.constant 0 : i32
    %dma_wait3A_1961 = tpu.memref_slice %arg14[%dma_wait3A_1957, %dma_wait3A_1959, %dma_wait3A_1960] : memref<14x128x16xf32, #tpu.memory_space<vmem>> -> memref<1x128x16xf32, #tpu.memory_space<vmem>>
    %dma_wait3A_1962 = tpu.memref_squeeze %dma_wait3A_1961 : memref<1x128x16xf32, #tpu.memory_space<vmem>> -> memref<128x16xf32, #tpu.memory_space<vmem>>
    %dma_wait3A_1963 = arith.constant 0 : i32
    %dma_wait3A_1964 = tpu.memref_slice %arg13[%dma_wait3A_1958, %dma_wait3A_1963] : memref<157x128xi32, #tpu.memory_space<vmem>> -> memref<1x128xi32, #tpu.memory_space<vmem>>
    %dma_wait3A_1965 = tpu.memref_squeeze %dma_wait3A_1964 : memref<1x128xi32, #tpu.memory_space<vmem>> -> memref<128xi32, #tpu.memory_space<vmem>>
    %dma_wait3A_1966 = arith.constant 0 : i32
    %dma_wait3A_1967 = arith.constant 0 : i32
    %dma_wait3A_1968 = tpu.memref_slice %arg11[%dma_wait3A_1966, %dma_wait3A_1967] : memref<10240x16xf32, #tpu.memory_space<vmem_shared>> -> memref<10240x16xf32, #tpu.memory_space<vmem_shared>>
    tpu.wait_indirect_dma semaphore(%arg21 : memref<!tpu.dma_semaphore, #tpu.memory_space<semaphore_mem>>) src(%dma_wait3A_1962 : memref<128x16xf32, #tpu.memory_space<vmem>>) dst(%dma_wait3A_1968 : memref<10240x16xf32, #tpu.memory_space<vmem_shared>>)
    %dma_wait3A_1969 = arith.constant 2 : i32
    %dma_wait3A_1970 = arith.constant 156 : i32
    %dma_wait3A_1971 = arith.constant 0 : i32
    %dma_wait3A_1972 = arith.constant 0 : i32
    %dma_wait3A_1973 = tpu.memref_slice %arg14[%dma_wait3A_1969, %dma_wait3A_1971, %dma_wait3A_1972] : memref<14x128x16xf32, #tpu.memory_space<vmem>> -> memref<1x128x16xf32, #tpu.memory_space<vmem>>
    %dma_wait3A_1974 = tpu.memref_squeeze %dma_wait3A_1973 : memref<1x128x16xf32, #tpu.memory_space<vmem>> -> memref<128x16xf32, #tpu.memory_space<vmem>>
    %dma_wait3A_1975 = arith.constant 0 : i32
    %dma_wait3A_1976 = tpu.memref_slice %arg13[%dma_wait3A_1970, %dma_wait3A_1975] : memref<157x128xi32, #tpu.memory_space<vmem>> -> memref<1x128xi32, #tpu.memory_space<vmem>>
    %dma_wait3A_1977 = tpu.memref_squeeze %dma_wait3A_1976 : memref<1x128xi32, #tpu.memory_space<vmem>> -> memref<128xi32, #tpu.memory_space<vmem>>
    %dma_wait3A_1978 = arith.constant 0 : i32
    %dma_wait3A_1979 = arith.constant 0 : i32
    %dma_wait3A_1980 = tpu.memref_slice %arg11[%dma_wait3A_1978, %dma_wait3A_1979] : memref<10240x16xf32, #tpu.memory_space<vmem_shared>> -> memref<10240x16xf32, #tpu.memory_space<vmem_shared>>
    tpu.wait_indirect_dma semaphore(%arg21 : memref<!tpu.dma_semaphore, #tpu.memory_space<semaphore_mem>>) src(%dma_wait3A_1974 : memref<128x16xf32, #tpu.memory_space<vmem>>) dst(%dma_wait3A_1980 : memref<10240x16xf32, #tpu.memory_space<vmem_shared>>)
    %barrier3A_1981 = arith.constant 0 : index
    tpu.barrier barrier_id(%barrier3A_1981)
    "tpu.region"() ({
      %run_scoped3A = tpu.sem_alloc : memref<!tpu.dma_semaphore, #tpu.memory_space<semaphore_mem>>
      %dma_start3A_2002 = arith.constant 0 : i32
      %dma_start3A_2003 = tpu.memref_slice %arg11[%mul3A_0, %dma_start3A_2002] : memref<10240x16xf32, #tpu.memory_space<vmem_shared>> -> memref<640x16xf32, #tpu.memory_space<vmem_shared>>
      %dma_start3A_2004 = arith.constant 0 : i32
      %dma_start3A_2005 = tpu.memref_slice %arg11[%mul3A_0, %dma_start3A_2004] : memref<10240x16xf32, #tpu.memory_space<vmem_shared>> -> memref<640x16xf32, #tpu.memory_space<vmem_shared>>
      tpu.enqueue_dma source(%dma_start3A_2005 : memref<640x16xf32, #tpu.memory_space<vmem_shared>>) target(%arg15 : memref<640x16xf32, #tpu.memory_space<vmem>>) target_semaphore(%run_scoped3A : memref<!tpu.dma_semaphore, #tpu.memory_space<semaphore_mem>>)
      %dma_wait3A_2006 = arith.constant 0 : i32
      %dma_wait3A_2007 = tpu.memref_slice %arg11[%mul3A_0, %dma_wait3A_2006] : memref<10240x16xf32, #tpu.memory_space<vmem_shared>> -> memref<640x16xf32, #tpu.memory_space<vmem_shared>>
      %dma_wait3A_2008 = arith.constant 0 : i32
      %dma_wait3A_2009 = tpu.memref_slice %arg11[%mul3A_0, %dma_wait3A_2008] : memref<10240x16xf32, #tpu.memory_space<vmem_shared>> -> memref<640x16xf32, #tpu.memory_space<vmem_shared>>
      tpu.wait_dma2 semaphore(%run_scoped3A : memref<!tpu.dma_semaphore, #tpu.memory_space<semaphore_mem>>) src(%dma_wait3A_2009 : memref<640x16xf32, #tpu.memory_space<vmem_shared>>) dst(%arg15 : memref<640x16xf32, #tpu.memory_space<vmem>>)
      tpu.yield
    }) : () -> ()
    %dma_start3A_1982 = arith.constant 0 : i32
    %dma_start3A_1983 = tpu.memref_slice %arg11[%mul3A_0, %dma_start3A_1982] : memref<10240x16xf32, #tpu.memory_space<vmem_shared>> -> memref<640x16xf32, #tpu.memory_space<vmem_shared>>
    %dma_start3A_1984 = arith.constant 0 : i32
    %dma_start3A_1985 = tpu.memref_slice %arg11[%mul3A_0, %dma_start3A_1984] : memref<10240x16xf32, #tpu.memory_space<vmem_shared>> -> memref<640x16xf32, #tpu.memory_space<vmem_shared>>
    tpu.enqueue_dma source(%arg19 : memref<640x16xf32, #tpu.memory_space<vmem>>) target(%dma_start3A_1985 : memref<640x16xf32, #tpu.memory_space<vmem_shared>>) target_semaphore(%arg23 : memref<!tpu.dma_semaphore, #tpu.memory_space<semaphore_mem>>)
    %add3A_1986 = arith.constant 102400 : i32
    %add3A_1987 = arith.addi %add3A_1986, %mul3A_0 : i32
    %dma_wait3A_1988 = arith.constant 0 : i32
    %dma_wait3A_1989 = tpu.memref_slice %arg2[%add3A_1987, %dma_wait3A_1988] : memref<112640x16xf32, #tpu.memory_space<hbm>> -> memref<640x16xf32, #tpu.memory_space<hbm>>
    %dma_wait3A_1990 = arith.constant 0 : i32
    %dma_wait3A_1991 = tpu.memref_slice %arg2[%add3A_1987, %dma_wait3A_1990] : memref<112640x16xf32, #tpu.memory_space<hbm>> -> memref<640x16xf32, #tpu.memory_space<hbm>>
    tpu.wait_dma2 semaphore(%arg22 : memref<!tpu.dma_semaphore, #tpu.memory_space<semaphore_mem>>) src(%dma_wait3A_1991 : memref<640x16xf32, #tpu.memory_space<hbm>>) dst(%arg16 : memref<640x16xf32, #tpu.memory_space<vmem>>)
    %scan3A_1992 = arith.constant 0 : i32
    %scan3A_1993 = arith.constant 640 : i32
    %scan3A_1994 = arith.addi %scan3A_1992, %scan3A_1993 : i32
    %scan3A_1995 = arith.constant 1 : i32
    scf.for %scan3A_2002 = %scan3A_1992 to %scan3A_1994 step %scan3A_1995  : i32 {
      %get3A = arith.index_cast %scan3A_2002 : i32 to index
      %get3A_2003 = arith.constant 0 : index
      %get3A_2004 = tpu.vector_load %arg16[%get3A, %get3A_2003] {strides = array<i32>} : memref<640x16xf32, #tpu.memory_space<vmem>>, vector<1x16xf32>,
      %get3A_2005 = vector.shape_cast %get3A_2004 : vector<1x16xf32> to vector<16xf32>
      %get3A_2006 = arith.index_cast %scan3A_2002 : i32 to index
      %get3A_2007 = arith.constant 0 : index
      %get3A_2008 = tpu.vector_load %arg17[%get3A_2006, %get3A_2007] {strides = array<i32>} : memref<640x16xf32, #tpu.memory_space<vmem>>, vector<1x16xf32>,
      %get3A_2009 = vector.shape_cast %get3A_2008 : vector<1x16xf32> to vector<16xf32>
      %get3A_2010 = arith.index_cast %scan3A_2002 : i32 to index
      %get3A_2011 = arith.constant 0 : index
      %get3A_2012 = tpu.vector_load %arg15[%get3A_2010, %get3A_2011] {strides = array<i32>} : memref<640x16xf32, #tpu.memory_space<vmem>>, vector<1x16xf32>,
      %get3A_2013 = vector.shape_cast %get3A_2012 : vector<1x16xf32> to vector<16xf32>
      %mul3A_2014 = arith.mulf %get3A_2009, %get3A_2013 : vector<16xf32>
      %add3A_2015 = arith.addf %get3A_2005, %mul3A_2014 : vector<16xf32>
      %swap3A = arith.index_cast %scan3A_2002 : i32 to index
      %swap3A_2016 = arith.constant 0 : index
      %swap3A_2017 = tpu.vector_load %arg16[%swap3A, %swap3A_2016] {strides = array<i32>} : memref<640x16xf32, #tpu.memory_space<vmem>>, vector<1x16xf32>,
      %swap3A_2018 = vector.shape_cast %swap3A_2017 : vector<1x16xf32> to vector<16xf32>
      %swap3A_2019 = vector.shape_cast %add3A_2015 : vector<16xf32> to vector<1x16xf32>
      tpu.vector_store %arg16[%swap3A, %swap3A_2016], %swap3A_2019 {strides = array<i32>} : memref<640x16xf32, #tpu.memory_space<vmem>>, vector<1x16xf32>,
    }
    %scan3A_1996 = arith.constant 640 : i32
    "tpu.region"() ({
      %run_scoped3A = tpu.sem_alloc : memref<!tpu.dma_semaphore, #tpu.memory_space<semaphore_mem>>
      %dma_start3A_2002 = arith.constant 0 : i32
      %dma_start3A_2003 = tpu.memref_slice %arg8[%mul3A_0, %dma_start3A_2002] : memref<10240x16xf32, #tpu.memory_space<hbm>> -> memref<640x16xf32, #tpu.memory_space<hbm>>
      %dma_start3A_2004 = arith.constant 0 : i32
      %dma_start3A_2005 = tpu.memref_slice %arg8[%mul3A_0, %dma_start3A_2004] : memref<10240x16xf32, #tpu.memory_space<hbm>> -> memref<640x16xf32, #tpu.memory_space<hbm>>
      tpu.enqueue_dma source(%arg16 : memref<640x16xf32, #tpu.memory_space<vmem>>) target(%dma_start3A_2005 : memref<640x16xf32, #tpu.memory_space<hbm>>) target_semaphore(%run_scoped3A : memref<!tpu.dma_semaphore, #tpu.memory_space<semaphore_mem>>)
      %dma_wait3A_2006 = arith.constant 0 : i32
      %dma_wait3A_2007 = tpu.memref_slice %arg8[%mul3A_0, %dma_wait3A_2006] : memref<10240x16xf32, #tpu.memory_space<hbm>> -> memref<640x16xf32, #tpu.memory_space<hbm>>
      %dma_wait3A_2008 = arith.constant 0 : i32
      %dma_wait3A_2009 = tpu.memref_slice %arg8[%mul3A_0, %dma_wait3A_2008] : memref<10240x16xf32, #tpu.memory_space<hbm>> -> memref<640x16xf32, #tpu.memory_space<hbm>>
      tpu.wait_dma2 semaphore(%run_scoped3A : memref<!tpu.dma_semaphore, #tpu.memory_space<semaphore_mem>>) src(%arg16 : memref<640x16xf32, #tpu.memory_space<vmem>>) dst(%dma_wait3A_2009 : memref<640x16xf32, #tpu.memory_space<hbm>>)
      tpu.yield
    }) : () -> ()
    %dma_wait3A_1997 = arith.constant 0 : i32
    %dma_wait3A_1998 = tpu.memref_slice %arg11[%mul3A_0, %dma_wait3A_1997] : memref<10240x16xf32, #tpu.memory_space<vmem_shared>> -> memref<640x16xf32, #tpu.memory_space<vmem_shared>>
    %dma_wait3A_1999 = arith.constant 0 : i32
    %dma_wait3A_2000 = tpu.memref_slice %arg11[%mul3A_0, %dma_wait3A_1999] : memref<10240x16xf32, #tpu.memory_space<vmem_shared>> -> memref<640x16xf32, #tpu.memory_space<vmem_shared>>
    tpu.wait_dma2 semaphore(%arg23 : memref<!tpu.dma_semaphore, #tpu.memory_space<semaphore_mem>>) src(%arg19 : memref<640x16xf32, #tpu.memory_space<vmem>>) dst(%dma_wait3A_2000 : memref<640x16xf32, #tpu.memory_space<vmem_shared>>)
    %barrier3A_2001 = arith.constant 0 : index
    tpu.barrier barrier_id(%barrier3A_2001)
    return
  }
}

module attributes {stable_mosaic.version = 14 : i64} {
  func.func @_tc_pre_body(%arg0: i32, %arg1: memref<1024x128xf32, #tpu.memory_space<vmem>>, %arg2: memref<128x176xf32, #tpu.memory_space<vmem>>, %arg3: memref<11x1024x16xf32, #tpu.memory_space<vmem>>) attributes {dimension_semantics = [#tpu.dimension_semantics<arbitrary>], iteration_bounds = array<i64: 10>, scalar_prefetch = 0 : i64, scratch_operands = 0 : i64, tpu.core_type = #tpu.core_type<tc>, window_params = [{transform_indices = @transform_0, window_bounds = array<i64: 1024, 128>}, {pipeline_mode = #tpu.pipeline_mode<synchronous>, transform_indices = @transform_1, window_bounds = array<i64: 128, 176>}, {transform_indices = @transform_2, window_bounds = array<i64: 11, 1024, 16>}]} {
    %get3A = arith.constant 0 : index
    %get3A_0 = arith.constant 0 : index
    %get3A_1 = vector.load %arg1[%get3A, %get3A_0] : memref<1024x128xf32, #tpu.memory_space<vmem>>, vector<1024x128xf32>
    %get3A_2 = arith.constant 0 : index
    %get3A_3 = arith.constant 0 : index
    %get3A_4 = vector.load %arg2[%get3A_2, %get3A_3] : memref<128x176xf32, #tpu.memory_space<vmem>>, vector<128x176xf32>
    %dot_general3A = arith.constant dense<0.000000e+00> : vector<1024x176xf32>
    %dot_general3A_5 = tpu.matmul %get3A_1, %get3A_4, %dot_general3A {dimension_numbers = #tpu.dot_dimension_numbers<[1], [0], [0], [1], [0, 0, 1, 1], [], []>, transpose_lhs_hint = false} : vector<1024x128xf32>, vector<128x176xf32>, vector<1024x176xf32> -> vector<1024x176xf32>
    %slice3A = vector.extract_strided_slice %dot_general3A_5 {offsets = [0, 0], sizes = [1024, 16], strides = [1, 1]} : vector<1024x176xf32> to vector<1024x16xf32>
    %swap3A = arith.constant 0 : index
    %swap3A_6 = arith.constant 0 : index
    %swap3A_7 = arith.constant 0 : index
    %swap3A_8 = vector.load %arg3[%swap3A, %swap3A_6, %swap3A_7] : memref<11x1024x16xf32, #tpu.memory_space<vmem>>, vector<1x1024x16xf32>
    %swap3A_9 = vector.shape_cast %swap3A_8 : vector<1x1024x16xf32> to vector<1024x16xf32>
    %swap3A_10 = vector.shape_cast %slice3A : vector<1024x16xf32> to vector<1x1024x16xf32>
    tpu.vector_store %arg3[%swap3A, %swap3A_6, %swap3A_7], %swap3A_10 {strides = array<i32>} : memref<11x1024x16xf32, #tpu.memory_space<vmem>>, vector<1x1024x16xf32>,
    %slice3A_11 = vector.extract_strided_slice %dot_general3A_5 {offsets = [0, 16], sizes = [1024, 16], strides = [1, 1]} : vector<1024x176xf32> to vector<1024x16xf32>
    %swap3A_12 = arith.constant 1 : index
    %swap3A_13 = arith.constant 0 : index
    %swap3A_14 = arith.constant 0 : index
    %swap3A_15 = vector.load %arg3[%swap3A_12, %swap3A_13, %swap3A_14] : memref<11x1024x16xf32, #tpu.memory_space<vmem>>, vector<1x1024x16xf32>
    %swap3A_16 = vector.shape_cast %swap3A_15 : vector<1x1024x16xf32> to vector<1024x16xf32>
    %swap3A_17 = vector.shape_cast %slice3A_11 : vector<1024x16xf32> to vector<1x1024x16xf32>
    tpu.vector_store %arg3[%swap3A_12, %swap3A_13, %swap3A_14], %swap3A_17 {strides = array<i32>} : memref<11x1024x16xf32, #tpu.memory_space<vmem>>, vector<1x1024x16xf32>,
    %slice3A_18 = vector.extract_strided_slice %dot_general3A_5 {offsets = [0, 32], sizes = [1024, 16], strides = [1, 1]} : vector<1024x176xf32> to vector<1024x16xf32>
    %swap3A_19 = arith.constant 2 : index
    %swap3A_20 = arith.constant 0 : index
    %swap3A_21 = arith.constant 0 : index
    %swap3A_22 = vector.load %arg3[%swap3A_19, %swap3A_20, %swap3A_21] : memref<11x1024x16xf32, #tpu.memory_space<vmem>>, vector<1x1024x16xf32>
    %swap3A_23 = vector.shape_cast %swap3A_22 : vector<1x1024x16xf32> to vector<1024x16xf32>
    %swap3A_24 = vector.shape_cast %slice3A_18 : vector<1024x16xf32> to vector<1x1024x16xf32>
    tpu.vector_store %arg3[%swap3A_19, %swap3A_20, %swap3A_21], %swap3A_24 {strides = array<i32>} : memref<11x1024x16xf32, #tpu.memory_space<vmem>>, vector<1x1024x16xf32>,
    %slice3A_25 = vector.extract_strided_slice %dot_general3A_5 {offsets = [0, 48], sizes = [1024, 16], strides = [1, 1]} : vector<1024x176xf32> to vector<1024x16xf32>
    %swap3A_26 = arith.constant 3 : index
    %swap3A_27 = arith.constant 0 : index
    %swap3A_28 = arith.constant 0 : index
    %swap3A_29 = vector.load %arg3[%swap3A_26, %swap3A_27, %swap3A_28] : memref<11x1024x16xf32, #tpu.memory_space<vmem>>, vector<1x1024x16xf32>
    %swap3A_30 = vector.shape_cast %swap3A_29 : vector<1x1024x16xf32> to vector<1024x16xf32>
    %swap3A_31 = vector.shape_cast %slice3A_25 : vector<1024x16xf32> to vector<1x1024x16xf32>
    tpu.vector_store %arg3[%swap3A_26, %swap3A_27, %swap3A_28], %swap3A_31 {strides = array<i32>} : memref<11x1024x16xf32, #tpu.memory_space<vmem>>, vector<1x1024x16xf32>,
    %slice3A_32 = vector.extract_strided_slice %dot_general3A_5 {offsets = [0, 64], sizes = [1024, 16], strides = [1, 1]} : vector<1024x176xf32> to vector<1024x16xf32>
    %swap3A_33 = arith.constant 4 : index
    %swap3A_34 = arith.constant 0 : index
    %swap3A_35 = arith.constant 0 : index
    %swap3A_36 = vector.load %arg3[%swap3A_33, %swap3A_34, %swap3A_35] : memref<11x1024x16xf32, #tpu.memory_space<vmem>>, vector<1x1024x16xf32>
    %swap3A_37 = vector.shape_cast %swap3A_36 : vector<1x1024x16xf32> to vector<1024x16xf32>
    %swap3A_38 = vector.shape_cast %slice3A_32 : vector<1024x16xf32> to vector<1x1024x16xf32>
    tpu.vector_store %arg3[%swap3A_33, %swap3A_34, %swap3A_35], %swap3A_38 {strides = array<i32>} : memref<11x1024x16xf32, #tpu.memory_space<vmem>>, vector<1x1024x16xf32>,
    %slice3A_39 = vector.extract_strided_slice %dot_general3A_5 {offsets = [0, 80], sizes = [1024, 16], strides = [1, 1]} : vector<1024x176xf32> to vector<1024x16xf32>
    %swap3A_40 = arith.constant 5 : index
    %swap3A_41 = arith.constant 0 : index
    %swap3A_42 = arith.constant 0 : index
    %swap3A_43 = vector.load %arg3[%swap3A_40, %swap3A_41, %swap3A_42] : memref<11x1024x16xf32, #tpu.memory_space<vmem>>, vector<1x1024x16xf32>
    %swap3A_44 = vector.shape_cast %swap3A_43 : vector<1x1024x16xf32> to vector<1024x16xf32>
    %swap3A_45 = vector.shape_cast %slice3A_39 : vector<1024x16xf32> to vector<1x1024x16xf32>
    tpu.vector_store %arg3[%swap3A_40, %swap3A_41, %swap3A_42], %swap3A_45 {strides = array<i32>} : memref<11x1024x16xf32, #tpu.memory_space<vmem>>, vector<1x1024x16xf32>,
    %slice3A_46 = vector.extract_strided_slice %dot_general3A_5 {offsets = [0, 96], sizes = [1024, 16], strides = [1, 1]} : vector<1024x176xf32> to vector<1024x16xf32>
    %swap3A_47 = arith.constant 6 : index
    %swap3A_48 = arith.constant 0 : index
    %swap3A_49 = arith.constant 0 : index
    %swap3A_50 = vector.load %arg3[%swap3A_47, %swap3A_48, %swap3A_49] : memref<11x1024x16xf32, #tpu.memory_space<vmem>>, vector<1x1024x16xf32>
    %swap3A_51 = vector.shape_cast %swap3A_50 : vector<1x1024x16xf32> to vector<1024x16xf32>
    %swap3A_52 = vector.shape_cast %slice3A_46 : vector<1024x16xf32> to vector<1x1024x16xf32>
    tpu.vector_store %arg3[%swap3A_47, %swap3A_48, %swap3A_49], %swap3A_52 {strides = array<i32>} : memref<11x1024x16xf32, #tpu.memory_space<vmem>>, vector<1x1024x16xf32>,
    %slice3A_53 = vector.extract_strided_slice %dot_general3A_5 {offsets = [0, 112], sizes = [1024, 16], strides = [1, 1]} : vector<1024x176xf32> to vector<1024x16xf32>
    %swap3A_54 = arith.constant 7 : index
    %swap3A_55 = arith.constant 0 : index
    %swap3A_56 = arith.constant 0 : index
    %swap3A_57 = vector.load %arg3[%swap3A_54, %swap3A_55, %swap3A_56] : memref<11x1024x16xf32, #tpu.memory_space<vmem>>, vector<1x1024x16xf32>
    %swap3A_58 = vector.shape_cast %swap3A_57 : vector<1x1024x16xf32> to vector<1024x16xf32>
    %swap3A_59 = vector.shape_cast %slice3A_53 : vector<1024x16xf32> to vector<1x1024x16xf32>
    tpu.vector_store %arg3[%swap3A_54, %swap3A_55, %swap3A_56], %swap3A_59 {strides = array<i32>} : memref<11x1024x16xf32, #tpu.memory_space<vmem>>, vector<1x1024x16xf32>,
    %slice3A_60 = vector.extract_strided_slice %dot_general3A_5 {offsets = [0, 128], sizes = [1024, 16], strides = [1, 1]} : vector<1024x176xf32> to vector<1024x16xf32>
    %swap3A_61 = arith.constant 8 : index
    %swap3A_62 = arith.constant 0 : index
    %swap3A_63 = arith.constant 0 : index
    %swap3A_64 = vector.load %arg3[%swap3A_61, %swap3A_62, %swap3A_63] : memref<11x1024x16xf32, #tpu.memory_space<vmem>>, vector<1x1024x16xf32>
    %swap3A_65 = vector.shape_cast %swap3A_64 : vector<1x1024x16xf32> to vector<1024x16xf32>
    %swap3A_66 = vector.shape_cast %slice3A_60 : vector<1024x16xf32> to vector<1x1024x16xf32>
    tpu.vector_store %arg3[%swap3A_61, %swap3A_62, %swap3A_63], %swap3A_66 {strides = array<i32>} : memref<11x1024x16xf32, #tpu.memory_space<vmem>>, vector<1x1024x16xf32>,
    %slice3A_67 = vector.extract_strided_slice %dot_general3A_5 {offsets = [0, 144], sizes = [1024, 16], strides = [1, 1]} : vector<1024x176xf32> to vector<1024x16xf32>
    %swap3A_68 = arith.constant 9 : index
    %swap3A_69 = arith.constant 0 : index
    %swap3A_70 = arith.constant 0 : index
    %swap3A_71 = vector.load %arg3[%swap3A_68, %swap3A_69, %swap3A_70] : memref<11x1024x16xf32, #tpu.memory_space<vmem>>, vector<1x1024x16xf32>
    %swap3A_72 = vector.shape_cast %swap3A_71 : vector<1x1024x16xf32> to vector<1024x16xf32>
    %swap3A_73 = vector.shape_cast %slice3A_67 : vector<1024x16xf32> to vector<1x1024x16xf32>
    tpu.vector_store %arg3[%swap3A_68, %swap3A_69, %swap3A_70], %swap3A_73 {strides = array<i32>} : memref<11x1024x16xf32, #tpu.memory_space<vmem>>, vector<1x1024x16xf32>,
    %slice3A_74 = vector.extract_strided_slice %dot_general3A_5 {offsets = [0, 160], sizes = [1024, 16], strides = [1, 1]} : vector<1024x176xf32> to vector<1024x16xf32>
    %swap3A_75 = arith.constant 10 : index
    %swap3A_76 = arith.constant 0 : index
    %swap3A_77 = arith.constant 0 : index
    %swap3A_78 = vector.load %arg3[%swap3A_75, %swap3A_76, %swap3A_77] : memref<11x1024x16xf32, #tpu.memory_space<vmem>>, vector<1x1024x16xf32>
    %swap3A_79 = vector.shape_cast %swap3A_78 : vector<1x1024x16xf32> to vector<1024x16xf32>
    %swap3A_80 = vector.shape_cast %slice3A_74 : vector<1024x16xf32> to vector<1x1024x16xf32>
    tpu.vector_store %arg3[%swap3A_75, %swap3A_76, %swap3A_77], %swap3A_80 {strides = array<i32>} : memref<11x1024x16xf32, #tpu.memory_space<vmem>>, vector<1x1024x16xf32>,
    return
  }
  func.func @transform_0(%arg0: i32) -> (i32, i32) {
    %c0_i32 = arith.constant 0 : i32
    %c0_i32_0 = arith.constant 0 : i32
    return %arg0, %c0_i32 : i32, i32
  }
  func.func @transform_1(%arg0: i32) -> (i32, i32) {
    %c0_i32 = arith.constant 0 : i32
    %c0_i32_0 = arith.constant 0 : i32
    %c0_i32_1 = arith.constant 0 : i32
    return %c0_i32, %c0_i32_0 : i32, i32
  }
  func.func @transform_2(%arg0: i32) -> (i32, i32, i32) {
    %c0_i32 = arith.constant 0 : i32
    %c0_i32_0 = arith.constant 0 : i32
    %c0_i32_1 = arith.constant 0 : i32
    return %c0_i32, %arg0, %c0_i32_0 : i32, i32, i32
  }
}

module attributes {stable_mosaic.version = 14 : i64} {
  func.func @_tc_dinv_body(%arg0: memref<10240x16xf32, #tpu.memory_space<vmem>>, %arg1: memref<10240x16xf32, #tpu.memory_space<vmem>>, %arg2: memref<10240x16xf32, #tpu.memory_space<vmem>>) attributes {dimension_semantics = [], scalar_prefetch = 0 : i64, scratch_operands = 0 : i64, tpu.core_type = #tpu.core_type<tc>} {
    %get3A = arith.constant 0 : index
    %get3A_0 = arith.constant 0 : index
    %get3A_1 = vector.load %arg0[%get3A, %get3A_0] : memref<10240x16xf32, #tpu.memory_space<vmem>>, vector<10240x16xf32>
    %gt3A = arith.constant 0.000000e+00 : f32
    %gt3A_2 = vector.broadcast %gt3A : f32 to vector<10240x16xf32>
    %gt3A_3 = arith.cmpf ogt, %get3A_1, %gt3A_2 : vector<10240x16xf32>
    %max3A = arith.constant 1.000000e+00 : f32
    %max3A_4 = vector.broadcast %max3A : f32 to vector<10240x16xf32>
    %max3A_5 = arith.maximumf %get3A_1, %max3A_4 : vector<10240x16xf32>
    %rsqrt3A = math.rsqrt %max3A_5 : vector<10240x16xf32>
    %jit3A = arith.constant 0.000000e+00 : f32
    %broadcast_in_dim3A = vector.broadcast %jit3A : f32 to vector<10240x16xf32>
    %select_n3A = arith.select %gt3A_3, %rsqrt3A, %broadcast_in_dim3A : vector<10240x16xi1>, vector<10240x16xf32>
    %swap3A = arith.constant 0 : index
    %swap3A_6 = arith.constant 0 : index
    %swap3A_7 = vector.load %arg1[%swap3A, %swap3A_6] : memref<10240x16xf32, #tpu.memory_space<vmem>>, vector<10240x16xf32>
    tpu.vector_store %arg1[%swap3A, %swap3A_6], %select_n3A {strides = array<i32>} : memref<10240x16xf32, #tpu.memory_space<vmem>>, vector<10240x16xf32>,
    %mul3A = arith.mulf %select_n3A, %select_n3A : vector<10240x16xf32>
    %swap3A_8 = arith.constant 0 : index
    %swap3A_9 = arith.constant 0 : index
    %swap3A_10 = vector.load %arg2[%swap3A_8, %swap3A_9] : memref<10240x16xf32, #tpu.memory_space<vmem>>, vector<10240x16xf32>
    tpu.vector_store %arg2[%swap3A_8, %swap3A_9], %mul3A {strides = array<i32>} : memref<10240x16xf32, #tpu.memory_space<vmem>>, vector<10240x16xf32>,
    return
  }
}

module attributes {stable_mosaic.version = 14 : i64} {
  func.func @_tc_post_body(%arg0: i32, %arg1: memref<1000x16xf32, #tpu.memory_space<vmem>>, %arg2: memref<16x128xf32, #tpu.memory_space<vmem>>, %arg3: memref<1000x128xf32, #tpu.memory_space<vmem>>) attributes {dimension_semantics = [#tpu.dimension_semantics<arbitrary>], iteration_bounds = array<i64: 10>, scalar_prefetch = 0 : i64, scratch_operands = 0 : i64, tpu.core_type = #tpu.core_type<tc>, window_params = [{transform_indices = @transform_0, window_bounds = array<i64: 1000, 16>}, {pipeline_mode = #tpu.pipeline_mode<synchronous>, transform_indices = @transform_1, window_bounds = array<i64: 16, 128>}, {transform_indices = @transform_2, window_bounds = array<i64: 1000, 128>}]} {
    %get3A = arith.constant 0 : index
    %get3A_0 = arith.constant 0 : index
    %get3A_1 = vector.load %arg1[%get3A, %get3A_0] : memref<1000x16xf32, #tpu.memory_space<vmem>>, vector<1000x16xf32>
    %get3A_2 = arith.constant 0 : index
    %get3A_3 = arith.constant 0 : index
    %get3A_4 = vector.load %arg2[%get3A_2, %get3A_3] : memref<16x128xf32, #tpu.memory_space<vmem>>, vector<16x128xf32>
    %dot_general3A = arith.constant dense<0.000000e+00> : vector<1000x128xf32>
    %dot_general3A_5 = tpu.matmul %get3A_1, %get3A_4, %dot_general3A {dimension_numbers = #tpu.dot_dimension_numbers<[1], [0], [0], [1], [0, 0, 1, 1], [], []>, transpose_lhs_hint = false} : vector<1000x16xf32>, vector<16x128xf32>, vector<1000x128xf32> -> vector<1000x128xf32>
    %swap3A = arith.constant 0 : index
    %swap3A_6 = arith.constant 0 : index
    %swap3A_7 = vector.load %arg3[%swap3A, %swap3A_6] : memref<1000x128xf32, #tpu.memory_space<vmem>>, vector<1000x128xf32>
    tpu.vector_store %arg3[%swap3A, %swap3A_6], %dot_general3A_5 {strides = array<i32>} : memref<1000x128xf32, #tpu.memory_space<vmem>>, vector<1000x128xf32>,
    return
  }
  func.func @transform_0(%arg0: i32) -> (i32, i32) {
    %c0_i32 = arith.constant 0 : i32
    %c0_i32_0 = arith.constant 0 : i32
    return %arg0, %c0_i32 : i32, i32
  }
  func.func @transform_1(%arg0: i32) -> (i32, i32) {
    %c0_i32 = arith.constant 0 : i32
    %c0_i32_0 = arith.constant 0 : i32
    %c0_i32_1 = arith.constant 0 : i32
    return %c0_i32, %c0_i32_0 : i32, i32
  }
  func.func @transform_2(%arg0: i32) -> (i32, i32) {
    %c0_i32 = arith.constant 0 : i32
    %c0_i32_0 = arith.constant 0 : i32
    return %arg0, %c0_i32 : i32, i32
  }
}

</mosaic_0001>

<sc_bundles>
// kernel: kernel.10.cloned.1.call-start
scs
__scs_entry_jumppad:
0x0: {  	(pc) =	sbr.rel $0x88, $3  }
0x1: {  	(tag) =	ssettag $0x0;
	lr =	simm.s32 $0x1  }
0x2: {  	[smem:$0x3F9A] =	sst lr;
	_ =	strace $0xD0000000  }
0x3: {  	_ = 	snop  }
0x4: {  	_ = 	snop  }
0x5: {  	_ = 	snop  }
0x6: {  	_ = 	snop  }
0x7: {  	_ = 	snop  }
__scs_overlays_trampoline_lowered:
0x8: {  	[smem:$0x3FA9] =	sst s0  }
0x9: {  	[smem:$0x3FAA] =	sst s1  }
0xa: {  	[smem:$0x3FAB] =	sst s2  }
0xb: {  	[smem:$0x3FAC] =	sst s3  }
0xc: {  	[smem:$0x3FAD] =	sst s4  }
0xd: {  	[smem:$0x3FAE] =	sst s5  }
0xe: {  	[smem:$0x3FAF] =	sst s6  }
0xf: {  	[smem:$0x3FB0] =	sst s7  }
0x10: {  	[smem:$0x3FB1] =	sst s8  }
0x11: {  	[smem:$0x3FB2] =	sst s9;
	s0 =	simm.s32 @!p0 $0x0  }
0x12: {  	s1 =	sld [smem:$0x3F98];
	s0 =	simm.s32 @p0 $0x1  }
0x13: {  	[smem:$0x3FB3] =	sst s0;
	s0 =	simm.s32 @!p1 $0x0  }
0x14: {  	s2 =	sld [smem:$0x3F97];
	s0 =	simm.s32 @p1 $0x1  }
0x15: {  	[smem:$0x3FB4] =	sst s0;
	s0 =	simm.s32 @!p2 $0x0  }
0x16: {  	s3 =	sld [smem:$0x3FDB];
	s0 =	simm.s32 @p2 $0x1  }
0x17: {  	s4 =	simm.s32 $0x1BF5;
	[smem:$0x3FB6] =	sst s0  }
0x18: {  	s0 =	sld [smem:$0x3F99];
	_ =	swait.ge [sflag:s4], $0x0  }
0x19: {  	s7 =	sld [smem:$0x3F9A]  }
0x1a: {  	s8 =	sadd.s32 $0xFFFFE003, lr  }
0x1b: {  	s9 =	sadd.s32 $0xFFFFFEF7, lr;
	s5 =	simm.s32 $0xFFFFFFFF;
	p2 =	slt.u32 s8, $0xFFFFF086  }
0x1c: {  	p1 =	slt.u32 s9, $0xF7A;
	s5 =	simm.s32 @!p2 $0x0  }
0x1d: {  	s5 =	simm.s32 @p1 $0x1;
	p0 =	seq.s32 s7, s2  }
0x1e: {  	s7 =	smul.u32 @!p0 $0xF7A, s2;
	p2 =	seq.s32 @!p0 s5, $0x0  }
0x1f: {  	s9 =	smul.u32 $0xF7A, s1;
	s8 =	simm.s32 @!p0 $0x1BF5;
	p2 =	por !p2, p0  }
0x20: {  	[sflag:s8] =	ssyncset.s32 @!p0 $0xFFFFF086;
	s6 =	sadd.s32 @!p0 s3, s7;
	s7 =	simm.s32 @!p0 $0x108  }
0x21: {  	s3 =	sadd.s32 s3, s9;
	s6 =	sadd.s32 @!p0 $0x88, s6;
	s7 =	simm.s32 @p2 $0x1082  }
0x22: {  	[simem:s7], [sflag:s8] =	dma.local @!p0 [hbm:s6], $0xF7A  }
0x23: {  	s9 =	sor.u32 $0xD0000000, s2;
	s6 =	simm.s32 $0x108;
	_ =	swait.ge @!p0 [sflag:s8], $0x0  }
0x24: {  	s3 =	sadd.s32 $0x88, s3;
	s6 =	simm.s32 @!p1 $0x1082;
	[sflag:s4] =	ssyncset.s32 $0xFFFFF086  }
0x25: {  	[simem:s6], [sflag:s4] =	dma.local [hbm:s3], $0xF7A  }
0x26: {  	[smem:$0x3F9A] =	sst s1;
	(tag) =	ssettag s2;
	_ =	strace s9  }
0x27: {  	s1 =	sld [smem:$0x3FAA]  }
0x28: {  	s2 =	sld [smem:$0x3FAB]  }
0x29: {  	s4 =	sld [smem:$0x3FAD]  }
0x2a: {  	p0 =	seq.s32 s5, $0x0;
	s5 =	sld [smem:$0x3FAE]  }
0x2b: {  	s6 =	sld [smem:$0x3FAF]  }
0x2c: {  	s7 =	sld [smem:$0x3FB0]  }
0x2d: {  	s3 =	simm.s32 $0x108;
	s8 =	sld [smem:$0x3FB1]  }
0x2e: {  	s3 =	simm.s32 @!p0 $0x1082;
	s9 =	sld [smem:$0x3FB2]  }
0x2f: {  	lr =	sadd.s32 s0, s3;
	s0 =	sld [smem:$0x3FA9]  }
0x30: {  	s3 =	sld [smem:$0x3FAC]  }
0x31: {  	[smem:$0x3FB5] =	sst s10  }
0x32: {  	s10 =	sld [smem:$0x3FB3];
	_ =	sdelay $0x3  }
0x33: {  	p0 =	seq.s32 s10, $0x1;
	s10 =	sld [smem:$0x3FB5];
	_ =	sdelay $0x3  }
0x34: {  	[smem:$0x3FB5] =	sst s10  }
0x35: {  	s10 =	sld [smem:$0x3FB4];
	_ =	sdelay $0x3  }
0x36: {  	p1 =	seq.s32 s10, $0x1;
	s10 =	sld [smem:$0x3FB5];
	_ =	sdelay $0x3  }
0x37: {  	[smem:$0x3FB5] =	sst s10  }
0x38: {  	s10 =	sld [smem:$0x3FB6]  }
0x39: {  	_ = 	snop;
	(pc) =	sbr.ind lr, $3  }
0x3a: {  	_ = 	snop  }
0x3b: {  	_ = 	snop  }
0x3c: {  	p2 =	seq.s32 s10, $0x1;
	s10 =	sld [smem:$0x3FB5]  }
0x3d: {  	_ =	shalt  }
0x3e: {  	_ =	shalt  }
0x3f: {  	_ =	shalt  }
0x40: {  	_ =	shalt  }
0x41: {  	_ =	shalt  }
0x42: {  	_ =	shalt  }
0x43: {  	_ =	shalt  }
0x44: {  	_ =	shalt  }
0x45: {  	_ =	shalt  }
0x46: {  	_ =	shalt  }
0x47: {  	_ =	shalt  }
0x48: {  	_ =	shalt  }
0x49: {  	_ =	shalt  }
0x4a: {  	_ =	shalt  }
0x4b: {  	_ =	shalt  }
0x4c: {  	_ =	shalt  }
0x4d: {  	_ =	shalt  }
0x4e: {  	_ =	shalt  }
0x4f: {  	_ =	shalt  }
0x50: {  	_ =	shalt  }
0x51: {  	_ =	shalt  }
0x52: {  	_ =	shalt  }
0x53: {  	_ =	shalt  }
0x54: {  	_ =	shalt  }
0x55: {  	_ =	shalt  }
0x56: {  	_ =	shalt  }
0x57: {  	_ =	shalt  }
0x58: {  	_ =	shalt  }
0x59: {  	_ =	shalt  }
0x5a: {  	_ =	shalt  }
0x5b: {  	_ =	shalt  }
0x5c: {  	_ =	shalt  }
0x5d: {  	_ =	shalt  }
0x5e: {  	_ =	shalt  }
0x5f: {  	_ =	shalt  }
0x60: {  	_ =	shalt  }
0x61: {  	_ =	shalt  }
0x62: {  	_ =	shalt  }
0x63: {  	_ =	shalt  }
0x64: {  	_ =	shalt  }
0x65: {  	_ =	shalt  }
0x66: {  	_ =	shalt  }
0x67: {  	_ =	shalt  }
0x68: {  	_ =	shalt  }
0x69: {  	_ =	shalt  }
0x6a: {  	_ =	shalt  }
0x6b: {  	_ =	shalt  }
0x6c: {  	_ =	shalt  }
0x6d: {  	_ =	shalt  }
0x6e: {  	_ =	shalt  }
0x6f: {  	_ =	shalt  }
0x70: {  	_ =	shalt  }
0x71: {  	_ =	shalt  }
0x72: {  	_ =	shalt  }
0x73: {  	_ =	shalt  }
0x74: {  	_ =	shalt  }
0x75: {  	_ =	shalt  }
0x76: {  	_ =	shalt  }
0x77: {  	_ =	shalt  }
0x78: {  	_ =	shalt  }
0x79: {  	_ =	shalt  }
0x7a: {  	_ =	shalt  }
0x7b: {  	_ =	shalt  }
0x7c: {  	_ =	shalt  }
0x7d: {  	_ =	shalt  }
0x7e: {  	_ =	shalt  }
0x7f: {  	_ =	shalt  }
0x80: {  	_ =	shalt  }
0x81: {  	_ =	shalt  }
0x82: {  	_ =	shalt  }
0x83: {  	_ =	shalt  }
0x84: {  	_ =	shalt  }
0x85: {  	_ =	shalt  }
0x86: {  	_ =	shalt  }
0x87: {  	_ =	shalt  }
.Lfunc_end0:
.L_simem_size_0:
called_computation.1_lowered:
.L_overlay_start_0:
0x88: {  	s0 =	sld [smem:$0x3FD9]  }
0x89: {  	s1 =	sld [smem:$0x3FFE];
	_ =	sdelay $0x3  }
0x8a: {  	s0 =	sadd.s32 s1, s0  }
0x8b: {  	[smem:$0x3FC1] =	sst s0  }
0x8c: {  	_ = 	snop  }
0x8d: {  	s0 =	sld [smem:$0x3FD0];
	(tm) =	ssettm $0x1  }
0x8e: {  	s16 =	sld [smem:$0x3FFB];
	_ =	sdelay $0x3  }
0x8f: {  	_ =	strace s16  }
0x90: {  	s1 =	sld [smem:$0x3FFC];
	_ =	sdelay $0x3  }
0x91: {  	_ =	strace s1  }
0x92: {  	s1 =	sld [smem:$0x3FFD];
	_ =	sdelay $0x3  }
0x93: {  	_ =	strace s1  }
0x94: {  	_ =	strace $0x8FFFFFFF  }
0x95: {  	s17 =	sld [smem:$0x3FDB];
	_ =	sdelay $0x1  }
0x96: {  	s2 =	simm.s32 $_scs_section_size  }
0x97: {  	s3 =	simm.s32 $_size__tile_overlayer_lowered;
	s4 =	simm.s32 $_tile_overlayer_lowered  }
0x98: {  	s20 =	simm.s32 $0x1BFF;
	s19 =	sshll.u32 s4, $0x1;
	s1 =	sadd.s32 s2, s17  }
0x99: {  	s5 =	simm.s32 $0x0;
	s18 =	sshll.u32 s3, $0x1;
	s3 =	sadd.s32 s19, s1  }
0x9a: {  	[timem:s5], [sflag:s20] =	dma.local [hbm:s3], s18  }
0x9b: {  	_ =	swait.ge [sflag:s20], s18  }
0x9c: {  	s2 =	ssub.s32 $0x0, s18;
	[sflag:s20] =	ssyncset.done $0x0  }
0x9d: {  	[sflag:s20] =	ssyncadd.s32 s2;
	_ =	sdelay $0x1  }
0x9e: {  	s21 =	simm.s32 $0x1B8B  }
0x9f: {  	_ =	swait.ge [sflag:s21], $0x1  }
0xa0: {  	[sflag:s21] =	ssyncset.done $0x0  }
0xa1: {  	s23 =	simm.s32 $0x1B8E;
	s22 =	sld [smem:$0x3FFE];
	[sflag:s21] =	ssyncadd.s32 $0xFFFFFFFF  }
0xa2: {  	s24 =	simm.s32 $execute0_lowered;
	[smem:$0x3FD2] =	sst s23  }
0xa3: {  	s3 =	sshll.u32 s24, $0x1;
	_ =	strace $0x80000049;
	[dreg:$0x1] =	wrdreg $0xFFFFFFFF  }
0xa4: {  	s25 =	simm.s32 $_size_execute0_lowered;
	s1 =	sadd.s32 s1, s3;
	[dreg:$0x0] =	wrdreg $0x0  }
0xa5: {  	s3 =	sshll.u32 s25, $0x1;
	[dreg:$0x2] =	wrdreg s1  }
0xa6: {  	[dreg:$0x3] =	wrdreg s3  }
0xa7: {  	[dreg:$0x4] =	wrdreg $0xC0  }
0xa8: {  	_ =	task [dreg:s5], $0x5FFFF  }
0xa9: {  	[dreg:$0x1] =	wrdreg $0xFFFFFFFF  }
0xaa: {  	[dreg:$0x0] =	wrdreg $0x60  }
0xab: {  	[dreg:$0x2] =	wrdreg s22  }
0xac: {  	[dreg:$0x3] =	wrdreg s0  }
0xad: {  	[dreg:$0x4] =	wrdreg $0x0  }
0xae: {  	[dreg:$0x5] =	wrdreg $0x9  }
0xaf: {  	_ =	task.clear_ibuf [dreg:s5], $0x6FFFF;
	_ =	strace $0x90000049  }
0xb0: {  	s26 =	simm.s32 $0x9;
	_ =	strace $0x8000004B  }
0xb1: {  	_ =	swait.ge [sflag:s26], $0x1  }
0xb2: {  	[sflag:s26] =	ssyncadd.s32 $0xFFFFFFFF  }
0xb3: {  	_ =	strace $0x9000004B  }
0xb4: {  	_ =	sfence  }
0xb5: {  	s28 =	sld [smem:$0x0];
	_ =	sdelay $0x1  }
0xb6: {  	s29 =	srdreg.scid  }
0xb7: {  	s30 =	sshll.u32 s29, $0xD;
	s31 =	sshrl.u32 s29, $0x2  }
0xb8: {  	s2 =	sand.u32 $0x4000, s30;
	s1 =	sand.u32 $0x1, s29;
	s0 =	sadd.s32 s31, s28  }
0xb9: {  	s1 =	sor.u32 s2, s1;
	s0 =	sshll.u32 s0, $0x11  }
0xba: {  	s0 =	sor.u32 s0, s1  }
0xbb: {  	s0 =	sadd.s32 $0x8F2B, s0  }
0xbc: {  	[sflag:s0] =	ssyncadd.remote.s32 $0x1  }
0xbd: {  	_ =	sfence.sel $0xFFFF  }
0xbe: {  	[dreg:$0x0] =	wrdreg $0xFFFFFFFF;
	(pc) =	sbr.abs _section_cstart, $3  }
0xbf: {  	[dreg:$0x1] =	wrdreg $0xFFFFFFFF  }
0xc0: {  	_ =	task.clear_ibuf [dreg:s5], $0x2FFFF;
	_ =	strace $0x9FFFFFFF  }
0xc1: {  	(tm) =	ssettm $0x7FFFFFFF  }
tec
execute0_lowered:
.L_overlay_start_1:
0x0: {  	(tag) =	ssettag $0x1  }
0x1: {  	s9 =	rddreg [dreg:$0x0]  }
0x2: {  	s2 =	rddreg [dreg:$0x1]  }
0x3: {  	s4 =	rddreg [dreg:$0x2];
	s1 =	stileid.u32  }
0x4: {  	s0 =	rddreg [dreg:$0x3];
	s3 =	simm.s32 $0x0;
	s5 =	smul.u32 $0x9D0, s1  }
0x5: {  	s6 =	simm.s32 $0x2800;
	[smem:$0x7FF] =	sst s3  }
0x6: {  	s8 =	simm.s32 $0x5;
	_ =	strace $0x8000004A;
	s2 =	sadd.s32 s2, s5  }
0x7: {  	[tilespmem:s6], [sflag:$0x5] =	stream.linear.gather [hbm4b:s2+s3], $0x4E80, $0x38;
	[tilespmem:$0x1FD00] =	vst v63  }
0x8: {  	_ =	swait.ge [sflag:s8], $0x4E80  }
0x9: {  	s25 =	simm.s32 $0x7680;
	s24 =	sadd.s32 s5, s9;
	[sflag:s8] =	ssyncset.done $0x0  }
0xa: {  	s6 =	smul.u32 $0x2800, s1;
	s2 =	sadd.s32 $0x1800, s24;
	[sflag:s8] =	ssyncadd.s32 $0xFFFFB180  }
0xb: {  	[tilespmem:s25], [sflag:$0x5] =	stream.linear.gather [hbm4b:s2+s3], $0x4E80, $0x38;
	[tilespmem:$0x1FD00] =	vst v63  }
0xc: {  	s2 =	sshrl.u32 s6, $0x3;
	_ =	swait.ge [sflag:s8], $0x4E80  }
0xd: {  	s26 =	sadd.s32 s2, s9;
	[sflag:s8] =	ssyncset.done $0x0  }
0xe: {  	s10 =	simm.s32 $0x1AD00;
	s7 =	sadd.s32 $0x10C00, s26;
	[sflag:s8] =	ssyncadd.s32 $0xFFFFB180  }
0xf: {  	[tilespmem:s10], [sflag:$0x5] =	stream.linear.gather [hbm4b:s7+s3], $0x2800, $0x38;
	[tilespmem:$0x1FD00] =	vst v63  }
0x10: {  	_ =	swait.ge [sflag:s8], $0x2800  }
0x11: {  	[sflag:s8] =	ssyncset.done $0x0  }
0x12: {  	s28 =	simm.s32 $0x18500;
	s5 =	sadd.s32 $0xBC00, s26;
	[sflag:s8] =	ssyncadd.s32 $0xFFFFD800  }
0x13: {  	[tilespmem:s28], [sflag:$0x5] =	stream.linear.gather [hbm4b:s5+s3], $0x2800, $0x38;
	[tilespmem:$0x1FD00] =	vst v63  }
0x14: {  	_ =	swait.ge [sflag:s8], $0x2800  }
0x15: {  	[sflag:s8] =	ssyncset.done $0x0  }
0x16: {  	s30 =	simm.s32 $0x1D500;
	s29 =	sadd.s32 $0xB600, s9;
	[sflag:s8] =	ssyncadd.s32 $0xFFFFD800  }
0x17: {  	[tilespmem:s30], [sflag:$0x5] =	stream.linear.gather [hbm4b:s29+s3], $0x2800, $0x38;
	[tilespmem:$0x1FD00] =	vst v63  }
0x18: {  	_ =	swait.ge [sflag:s8], $0x2800  }
0x19: {  	s10 =	sadd.s32 $0x1C8E00, s9;
	[sflag:s8] =	ssyncset.done $0x0  }
0x1a: {  	s31 =	simm.s32 $0x15D00;
	s7 =	sadd.s32 s10, s2;
	[sflag:s8] =	ssyncadd.s32 $0xFFFFD800  }
0x1b: {  	[tilespmem:s31], [sflag:$0x5] =	stream.linear.gather [hbm4b:s7+s3], $0x2800, $0x38;
	[tilespmem:$0x1FD00] =	vst v63  }
0x1c: {  	_ =	swait.ge [sflag:s8], $0x2800  }
0x1d: {  	[sflag:s8] =	ssyncset.done $0x0  }
0x1e: {  	s11 =	simm.s32 $0x40;
	[sflag:s8] =	ssyncadd.s32 $0xFFFFD800;
	s8 =	simm.s32 $0x0  }
0x1f: {  	s5 =	sadd.s32 $0x15C00, s9;
	s3 =	sadd.s32 $0x1FC00, s9;
	s9 =	sadd.s32 $0x1AC00, s9;
	v0 =	vld [tilespmem:s8+$0x18500]  }
.LBB2_1:
0x20: {  	p0 =	sne.s32 s11, $0x9FC0;
	v1 =	vld [tilespmem:s8+$0x15D00];
	_ =	sdelay $0x2  }
.Ltmp0:
0x21: {  	(pc) =	sbr.rel @p0 .LBB2_1-.Ltmp0, $4  }
0x22: {  	_ = 	snop  }
0x23: {  	v1 =	vmul.f32 v1, v0  }
0x24: {  	s12 =	sshra.s32 s11, $0x2  }
0x25: {  	s11 =	sadd.s32 $0x40, s11;
	v0 =	vld [tilespmem:s12+$0x18500];
	[tilespmem:s8+$0x15D00] =	vst v1;
	s8 =	smov.u32 s12  }
0x26: {  	v1 =	vld [tilespmem:s8+$0x15D00];
	_ =	sdelay $0x4  }
0x27: {  	v0 =	vmul.f32 v1, v0  }
0x28: {  	s11 =	simm.s32 $0x0  }
0x29: {  	s12 =	simm.s32 $0x15D00;
	s13 =	simm.s32 $0x5;
	[tilespmem:s8+$0x15D00] =	vst v0;
	s8 =	sadd.s32 s5, s2  }
0x2a: {  	[hbm4b:s8+s11] =	stream.linear.scatter [tilespmem:s12], [sflag:$0x5], $0x2800, $0x38;
	[tilespmem:$0x1FD00] =	vst v63  }
0x2b: {  	_ =	swait.ge [sflag:s13], $0x2800  }
0x2c: {  	[sflag:s13] =	ssyncset.done $0x0  }
0x2d: {  	s6 =	sadd.s32 s6, s4;
	s14 =	simm.s32 $0x1D500;
	[sflag:s13] =	ssyncadd.s32 $0xFFFFD800  }
0x2e: {  	[spmem:s6] =	stream.linear.scatter [tilespmem:s14], [sflag:$0x5], $0x2800, $0x38;
	[tilespmem:$0x1FD00] =	vst v63  }
0x2f: {  	_ =	swait.ge [sflag:s13], $0x2800  }
0x30: {  	[sflag:s13] =	ssyncset.done $0x0  }
0x31: {  	[sflag:s13] =	ssyncadd.s32 $0xFFFFD800  }
0x32: {  	s16 =	sadd.s32 $0x5000, s7;
	[bflag:$0x0] =	sbarrier.arrive $0xFFFF  }
0x33: {  	[tilespmem:s12], [sflag:$0x3] =	stream.linear.gather [hbm4b:s16+s11], $0x2800, $0x38;
	[tilespmem:$0x1FD00] =	vst v63  }
0x34: {  	s17 =	simm.s32 $0x2800;
	s18 =	simm.s32 $0xC500;
	s12 =	simm.s32 $0x80  }
0x35: {  	[tilespmem:s18], [sflag:$0x1] =	stream.indirect.gather [hbm4b:s5+s12], $0x10, s17, s12, $0xb8;
	[tilespmem:$0x1FD00] =	vst v63  }
0x36: {  	s19 =	simm.s32 $0x2880;
	s20 =	simm.s32 $0xCD00  }
0x37: {  	[tilespmem:s20], [sflag:$0x1] =	stream.indirect.gather [hbm4b:s5+s12], $0x10, s19, s12, $0xb8;
	[tilespmem:$0x1FD00] =	vst v63  }
0x38: {  	s21 =	simm.s32 $0x2900;
	s22 =	simm.s32 $0xD500  }
0x39: {  	[tilespmem:s22], [sflag:$0x1] =	stream.indirect.gather [hbm4b:s5+s12], $0x10, s21, s12, $0xb8;
	[tilespmem:$0x1FD00] =	vst v63  }
0x3a: {  	s23 =	simm.s32 $0x2980;
	s24 =	simm.s32 $0xDD00  }
0x3b: {  	[tilespmem:s24], [sflag:$0x1] =	stream.indirect.gather [hbm4b:s5+s12], $0x10, s23, s12, $0xb8;
	[tilespmem:$0x1FD00] =	vst v63  }
0x3c: {  	s25 =	simm.s32 $0x2A00;
	s26 =	simm.s32 $0xE500;
	s28 =	simm.s32 $0x2A80  }
0x3d: {  	[tilespmem:s26], [sflag:$0x1] =	stream.indirect.gather [hbm4b:s5+s12], $0x10, s25, s12, $0xb8;
	[tilespmem:$0x1FD00] =	vst v63  }
0x3e: {  	s29 =	simm.s32 $0xED00;
	s30 =	simm.s32 $0x2B00;
	s31 =	simm.s32 $0xF500  }
0x3f: {  	[tilespmem:s29], [sflag:$0x1] =	stream.indirect.gather [hbm4b:s5+s12], $0x10, s28, s12, $0xb8;
	[tilespmem:$0x1FD00] =	vst v63  }
0x40: {  	s15 =	simm.s32 $0x1;
	s14 =	simm.s32 $0x7680;
	s13 =	simm.s32 $0x2B80  }
0x41: {  	[tilespmem:s31], [sflag:$0x1] =	stream.indirect.gather [hbm4b:s5+s12], $0x10, s30, s12, $0xb8;
	[tilespmem:$0x1FD00] =	vst v63  }
.LBB2_3:
0x42: {  	s16 =	sand.u32 $0xFE, s11  }
0x43: {  	s16 =	sshrl.u32 s16, $0x1  }
0x44: {  	s16 =	smul.u32 $0x93, s16;
	_ =	sdelay $0x1  }
0x45: {  	s16 =	sshrl.u32 s16, $0xA  }
0x46: {  	s16 =	smul.u32 $0xE, s16;
	_ =	sdelay $0x1  }
0x47: {  	s16 =	ssub.s32 s11, s16  }
0x48: {  	_ =	swait.ge [sflag:s15], $0x800;
	s16 =	sand.u32 $0xFF, s16  }
0x49: {  	[sflag:s15] =	ssyncset.done $0x0;
	s16 =	sshll.u32 s16, $0xB  }
0x4a: {  	p0 =	slt.u32 s11, $0x7;
	[sflag:s15] =	ssyncadd.s32 $0xFFFFF800;
	s16 =	sadd.s32 $0xC500, s16  }
0x4b: {  	[spmem:s4] =	stream.indirect.scatter.add.f32 [tilespmem:s16], [sflag:$0x2], $0x10, s14, s12, $0xb8;
	[tilespmem:$0x1FD00] =	vst v63  }
0x4c: {  	s16 =	simm.s32 @!p0 $0x2  }
0x4d: {  	p1 =	sgt.u32 @!p0 s11, $0x95;
	_ =	swait.ge @!p0 [sflag:s16], $0x800  }
0x4e: {  	p1 =	por p0, !p1;
	[sflag:s16] =	ssyncset.done @!p0 $0x0  }
0x4f: {  	[sflag:s16] =	ssyncadd.s32 @!p0 $0xFFFFF800;
	s16 =	sadd.s32 @p1 $0x7, s11  }
0x50: {  	s17 =	sand.u32 @p1 $0xFE, s16  }
0x51: {  	s17 =	sshrl.u32 @p1 s17, $0x1  }
0x52: {  	s17 =	smul.u32 @p1 $0x93, s17;
	_ =	sdelay $0x1  }
0x53: {  	s17 =	sshrl.u32 @p1 s17, $0xA  }
0x54: {  	s17 =	smul.u32 @p1 $0xE, s17  }
0x55: {  	s11 =	sadd.s32 $0x1, s11  }
0x56: {  	p0 =	sne.s32 s11, $0x9D;
	s16 =	ssub.s32 @p1 s16, s17  }
.Ltmp1:
0x57: {  	s16 =	sand.u32 @p1 $0xFF, s16;
	(pc) =	sbr.rel @p0 .LBB2_3-.Ltmp1, $4  }
0x58: {  	s16 =	sshll.u32 @p1 s16, $0xB  }
0x59: {  	s16 =	sadd.s32 @p1 $0xC500, s16  }
0x5a: {  	[tilespmem:s16], [sflag:$0x1] =	stream.indirect.gather @p1 [hbm4b:s5+s12], $0x10, s13, s12, $0xb8;
	[tilespmem:$0x1FD00] =	vst v63  }
0x5b: {  	s14 =	sadd.s32 $0x80, s14;
	s13 =	sadd.s32 $0x80, s13  }
0x5c: {  	s11 =	simm.s32 $0x2  }
0x5d: {  	_ =	swait.ge [sflag:s11], $0x800  }
0x5e: {  	[sflag:s11] =	ssyncset.done $0x0  }
0x5f: {  	[sflag:s11] =	ssyncadd.s32 $0xFFFFF800  }
0x60: {  	_ =	swait.ge [sflag:s11], $0x800  }
0x61: {  	[sflag:s11] =	ssyncset.done $0x0  }
0x62: {  	[sflag:s11] =	ssyncadd.s32 $0xFFFFF800  }
0x63: {  	_ =	swait.ge [sflag:s11], $0x800  }
0x64: {  	[sflag:s11] =	ssyncset.done $0x0  }
0x65: {  	[sflag:s11] =	ssyncadd.s32 $0xFFFFF800  }
0x66: {  	_ =	swait.ge [sflag:s11], $0x800  }
0x67: {  	[sflag:s11] =	ssyncset.done $0x0  }
0x68: {  	[sflag:s11] =	ssyncadd.s32 $0xFFFFF800  }
0x69: {  	_ =	swait.ge [sflag:s11], $0x800  }
0x6a: {  	[sflag:s11] =	ssyncset.done $0x0  }
0x6b: {  	[sflag:s11] =	ssyncadd.s32 $0xFFFFF800  }
0x6c: {  	_ =	swait.ge [sflag:s11], $0x800  }
0x6d: {  	[sflag:s11] =	ssyncset.done $0x0  }
0x6e: {  	[sflag:s11] =	ssyncadd.s32 $0xFFFFF800  }
0x6f: {  	_ =	swait.ge [sflag:s11], $0x800  }
0x70: {  	[sflag:s11] =	ssyncset.done $0x0  }
0x71: {  	[sflag:s11] =	ssyncadd.s32 $0xFFFFF800  }
0x72: {  	s28 =	simm.s32 $0x13500;
	s29 =	simm.s32 $0x5;
	[bflag:$0x0] =	sbarrier.arrive $0xFFFF  }
0x73: {  	[tilespmem:s28], [sflag:$0x5] =	stream.linear.gather [spmem:s6], $0x2800, $0x38;
	[tilespmem:$0x1FD00] =	vst v63  }
0x74: {  	_ =	swait.ge [sflag:s29], $0x2800  }
0x75: {  	[sflag:s29] =	ssyncset.done $0x0  }
0x76: {  	s30 =	simm.s32 $0x1D500;
	s31 =	simm.s32 $0x3;
	[sflag:s29] =	ssyncadd.s32 $0xFFFFD800  }
0x77: {  	[spmem:s6] =	stream.linear.scatter [tilespmem:s30], [sflag:$0x4], $0x2800, $0x38;
	[tilespmem:$0x1FD00] =	vst v63  }
0x78: {  	_ =	swait.ge [sflag:s31], $0x2800  }
0x79: {  	[sflag:s31] =	ssyncset.done $0x0  }
0x7a: {  	s11 =	simm.s32 $0x0;
	[sflag:s31] =	ssyncadd.s32 $0xFFFFD800  }
0x7b: {  	v0 =	vld [tilespmem:s11+$0x18500]  }
0x7c: {  	v1 =	vld [tilespmem:s11+$0x1AD00]  }
0x7d: {  	s12 =	simm.s32 $0x40;
	v2 =	vld [tilespmem:s11+$0x13500]  }
.LBB2_5:
0x7e: {  	p0 =	sne.s32 s12, $0x9FC0;
	v3 =	vld [tilespmem:s11+$0x15D00];
	_ =	sdelay $0x4  }
.Ltmp2:
0x7f: {  	v1 =	vmul.f32 v2, v1;
	v3 =	vmul.f32 v3, v0;
	(pc) =	sbr.rel @p0 .LBB2_5-.Ltmp2, $4  }
0x80: {  	s13 =	sshra.s32 s12, $0x2  }
0x81: {  	v0 =	vld [tilespmem:s13+$0x18500];
	v3 =	vadd.f32 v1, v3  }
0x82: {  	v1 =	vld [tilespmem:s13+$0x1AD00]  }
0x83: {  	s12 =	sadd.s32 $0x40, s12;
	v2 =	vld [tilespmem:s13+$0x13500];
	[tilespmem:s11+$0x15D00] =	vst v3;
	s11 =	smov.u32 s13  }
0x84: {  	v3 =	vld [tilespmem:s11+$0x15D00];
	_ =	sdelay $0x4  }
0x85: {  	v1 =	vmul.f32 v2, v1;
	v0 =	vmul.f32 v3, v0;
	_ =	sdelay $0x1  }
0x86: {  	v0 =	vadd.f32 v1, v0;
	_ =	sdelay $0x1  }
0x87: {  	s12 =	simm.s32 $0x15D00;
	s13 =	simm.s32 $0x5;
	[tilespmem:s11+$0x15D00] =	vst v0;
	s11 =	simm.s32 $0x0  }
0x88: {  	[hbm4b:s8+s11] =	stream.linear.scatter [tilespmem:s12], [sflag:$0x5], $0x2800, $0x38;
	[tilespmem:$0x1FD00] =	vst v63  }
0x89: {  	_ =	swait.ge [sflag:s13], $0x2800  }
0x8a: {  	[sflag:s13] =	ssyncset.done $0x0  }
0x8b: {  	s16 =	simm.s32 $0x4;
	[sflag:s13] =	ssyncadd.s32 $0xFFFFD800  }
0x8c: {  	_ =	swait.ge [sflag:s16], $0x2800  }
0x8d: {  	[sflag:s16] =	ssyncset.done $0x0  }
0x8e: {  	[sflag:s16] =	ssyncadd.s32 $0xFFFFD800  }
0x8f: {  	s17 =	sadd.s32 $0xA000, s7;
	[bflag:$0x0] =	sbarrier.arrive $0xFFFF  }
0x90: {  	[tilespmem:s12], [sflag:$0x3] =	stream.linear.gather [hbm4b:s17+s11], $0x2800, $0x38;
	[tilespmem:$0x1FD00] =	vst v63  }
0x91: {  	s18 =	simm.s32 $0x2800;
	s14 =	simm.s32 $0xC500;
	s12 =	simm.s32 $0x80  }
0x92: {  	[tilespmem:s14], [sflag:$0x1] =	stream.indirect.gather [hbm4b:s5+s12], $0x10, s18, s12, $0xb8;
	[tilespmem:$0x1FD00] =	vst v63  }
0x93: {  	s19 =	simm.s32 $0x2880;
	s20 =	simm.s32 $0xCD00  }
0x94: {  	[tilespmem:s20], [sflag:$0x1] =	stream.indirect.gather [hbm4b:s5+s12], $0x10, s19, s12, $0xb8;
	[tilespmem:$0x1FD00] =	vst v63  }
0x95: {  	s21 =	simm.s32 $0x2900;
	s22 =	simm.s32 $0xD500  }
0x96: {  	[tilespmem:s22], [sflag:$0x1] =	stream.indirect.gather [hbm4b:s5+s12], $0x10, s21, s12, $0xb8;
	[tilespmem:$0x1FD00] =	vst v63  }
0x97: {  	s23 =	simm.s32 $0x2980;
	s24 =	simm.s32 $0xDD00  }
0x98: {  	[tilespmem:s24], [sflag:$0x1] =	stream.indirect.gather [hbm4b:s5+s12], $0x10, s23, s12, $0xb8;
	[tilespmem:$0x1FD00] =	vst v63  }
0x99: {  	s25 =	simm.s32 $0x2A00;
	s26 =	simm.s32 $0xE500;
	s28 =	simm.s32 $0x2A80  }
0x9a: {  	[tilespmem:s26], [sflag:$0x1] =	stream.indirect.gather [hbm4b:s5+s12], $0x10, s25, s12, $0xb8;
	[tilespmem:$0x1FD00] =	vst v63  }
0x9b: {  	s29 =	simm.s32 $0xED00;
	s30 =	simm.s32 $0x2B00;
	s31 =	simm.s32 $0xF500  }
0x9c: {  	[tilespmem:s29], [sflag:$0x1] =	stream.indirect.gather [hbm4b:s5+s12], $0x10, s28, s12, $0xb8;
	[tilespmem:$0x1FD00] =	vst v63  }
0x9d: {  	s15 =	simm.s32 $0x1;
	s13 =	simm.s32 $0x2B80;
	s14 =	simm.s32 $0x7680  }
0x9e: {  	[tilespmem:s31], [sflag:$0x1] =	stream.indirect.gather [hbm4b:s5+s12], $0x10, s30, s12, $0xb8;
	[tilespmem:$0x1FD00] =	vst v63  }
.LBB2_7:
0x9f: {  	s16 =	sand.u32 $0xFE, s11  }
0xa0: {  	s16 =	sshrl.u32 s16, $0x1  }
0xa1: {  	s16 =	smul.u32 $0x93, s16;
	_ =	sdelay $0x1  }
0xa2: {  	s16 =	sshrl.u32 s16, $0xA  }
0xa3: {  	s16 =	smul.u32 $0xE, s16;
	_ =	sdelay $0x1  }
0xa4: {  	s16 =	ssub.s32 s11, s16  }
0xa5: {  	_ =	swait.ge [sflag:s15], $0x800;
	s16 =	sand.u32 $0xFF, s16  }
0xa6: {  	[sflag:s15] =	ssyncset.done $0x0;
	s16 =	sshll.u32 s16, $0xB  }
0xa7: {  	p0 =	slt.u32 s11, $0x7;
	[sflag:s15] =	ssyncadd.s32 $0xFFFFF800;
	s16 =	sadd.s32 $0xC500, s16  }
0xa8: {  	[spmem:s4] =	stream.indirect.scatter.add.f32 [tilespmem:s16], [sflag:$0x2], $0x10, s14, s12, $0xb8;
	[tilespmem:$0x1FD00] =	vst v63  }
0xa9: {  	s16 =	simm.s32 @!p0 $0x2  }
0xaa: {  	p1 =	sgt.u32 @!p0 s11, $0x95;
	_ =	swait.ge @!p0 [sflag:s16], $0x800  }
0xab: {  	p1 =	por p0, !p1;
	[sflag:s16] =	ssyncset.done @!p0 $0x0  }
0xac: {  	[sflag:s16] =	ssyncadd.s32 @!p0 $0xFFFFF800;
	s16 =	sadd.s32 @p1 $0x7, s11  }
0xad: {  	s17 =	sand.u32 @p1 $0xFE, s16  }
0xae: {  	s17 =	sshrl.u32 @p1 s17, $0x1  }
0xaf: {  	s17 =	smul.u32 @p1 $0x93, s17;
	_ =	sdelay $0x1  }
0xb0: {  	s17 =	sshrl.u32 @p1 s17, $0xA  }
0xb1: {  	s17 =	smul.u32 @p1 $0xE, s17  }
0xb2: {  	s11 =	sadd.s32 $0x1, s11  }
0xb3: {  	p0 =	sne.s32 s11, $0x9D;
	s16 =	ssub.s32 @p1 s16, s17  }
.Ltmp3:
0xb4: {  	s16 =	sand.u32 @p1 $0xFF, s16;
	(pc) =	sbr.rel @p0 .LBB2_7-.Ltmp3, $4  }
0xb5: {  	s16 =	sshll.u32 @p1 s16, $0xB  }
0xb6: {  	s16 =	sadd.s32 @p1 $0xC500, s16  }
0xb7: {  	[tilespmem:s16], [sflag:$0x1] =	stream.indirect.gather @p1 [hbm4b:s5+s12], $0x10, s13, s12, $0xb8;
	[tilespmem:$0x1FD00] =	vst v63  }
0xb8: {  	s14 =	sadd.s32 $0x80, s14;
	s13 =	sadd.s32 $0x80, s13  }
0xb9: {  	s11 =	simm.s32 $0x2  }
0xba: {  	_ =	swait.ge [sflag:s11], $0x800  }
0xbb: {  	[sflag:s11] =	ssyncset.done $0x0  }
0xbc: {  	[sflag:s11] =	ssyncadd.s32 $0xFFFFF800  }
0xbd: {  	_ =	swait.ge [sflag:s11], $0x800  }
0xbe: {  	[sflag:s11] =	ssyncset.done $0x0  }
0xbf: {  	[sflag:s11] =	ssyncadd.s32 $0xFFFFF800  }
0xc0: {  	_ =	swait.ge [sflag:s11], $0x800  }
0xc1: {  	[sflag:s11] =	ssyncset.done $0x0  }
0xc2: {  	[sflag:s11] =	ssyncadd.s32 $0xFFFFF800  }
0xc3: {  	_ =	swait.ge [sflag:s11], $0x800  }
0xc4: {  	[sflag:s11] =	ssyncset.done $0x0  }
0xc5: {  	[sflag:s11] =	ssyncadd.s32 $0xFFFFF800  }
0xc6: {  	_ =	swait.ge [sflag:s11], $0x800  }
0xc7: {  	[sflag:s11] =	ssyncset.done $0x0  }
0xc8: {  	[sflag:s11] =	ssyncadd.s32 $0xFFFFF800  }
0xc9: {  	_ =	swait.ge [sflag:s11], $0x800  }
0xca: {  	[sflag:s11] =	ssyncset.done $0x0  }
0xcb: {  	[sflag:s11] =	ssyncadd.s32 $0xFFFFF800  }
0xcc: {  	_ =	swait.ge [sflag:s11], $0x800  }
0xcd: {  	[sflag:s11] =	ssyncset.done $0x0  }
0xce: {  	[sflag:s11] =	ssyncadd.s32 $0xFFFFF800  }
0xcf: {  	s28 =	simm.s32 $0x13500;
	s29 =	simm.s32 $0x5;
	[bflag:$0x0] =	sbarrier.arrive $0xFFFF  }
0xd0: {  	[tilespmem:s28], [sflag:$0x5] =	stream.linear.gather [spmem:s6], $0x2800, $0x38;
	[tilespmem:$0x1FD00] =	vst v63  }
0xd1: {  	_ =	swait.ge [sflag:s29], $0x2800  }
0xd2: {  	[sflag:s29] =	ssyncset.done $0x0  }
0xd3: {  	s30 =	simm.s32 $0x1D500;
	s31 =	simm.s32 $0x3;
	[sflag:s29] =	ssyncadd.s32 $0xFFFFD800  }
0xd4: {  	[spmem:s6] =	stream.linear.scatter [tilespmem:s30], [sflag:$0x4], $0x2800, $0x38;
	[tilespmem:$0x1FD00] =	vst v63  }
0xd5: {  	_ =	swait.ge [sflag:s31], $0x2800  }
0xd6: {  	[sflag:s31] =	ssyncset.done $0x0  }
0xd7: {  	s11 =	simm.s32 $0x0;
	[sflag:s31] =	ssyncadd.s32 $0xFFFFD800  }
0xd8: {  	v0 =	vld [tilespmem:s11+$0x18500]  }
0xd9: {  	v1 =	vld [tilespmem:s11+$0x1AD00]  }
0xda: {  	s12 =	simm.s32 $0x40;
	v2 =	vld [tilespmem:s11+$0x13500]  }
.LBB2_9:
0xdb: {  	p0 =	sne.s32 s12, $0x9FC0;
	v3 =	vld [tilespmem:s11+$0x15D00];
	_ =	sdelay $0x4  }
.Ltmp4:
0xdc: {  	v1 =	vmul.f32 v2, v1;
	v3 =	vmul.f32 v3, v0;
	(pc) =	sbr.rel @p0 .LBB2_9-.Ltmp4, $4  }
0xdd: {  	s13 =	sshra.s32 s12, $0x2  }
0xde: {  	v0 =	vld [tilespmem:s13+$0x18500];
	v3 =	vadd.f32 v1, v3  }
0xdf: {  	v1 =	vld [tilespmem:s13+$0x1AD00]  }
0xe0: {  	s12 =	sadd.s32 $0x40, s12;
	v2 =	vld [tilespmem:s13+$0x13500];
	[tilespmem:s11+$0x15D00] =	vst v3;
	s11 =	smov.u32 s13  }
0xe1: {  	v3 =	vld [tilespmem:s11+$0x15D00];
	_ =	sdelay $0x4  }
0xe2: {  	v1 =	vmul.f32 v2, v1;
	v0 =	vmul.f32 v3, v0;
	_ =	sdelay $0x1  }
0xe3: {  	v0 =	vadd.f32 v1, v0  }
0xe4: {  	s12 =	simm.s32 $0x0  }
0xe5: {  	s13 =	simm.s32 $0x15D00;
	s14 =	simm.s32 $0x5;
	[tilespmem:s11+$0x15D00] =	vst v0;
	s11 =	sadd.s32 s9, s2  }
0xe6: {  	[hbm4b:s11+s12] =	stream.linear.scatter [tilespmem:s13], [sflag:$0x5], $0x2800, $0x38;
	[tilespmem:$0x1FD00] =	vst v63  }
0xe7: {  	_ =	swait.ge [sflag:s14], $0x2800  }
0xe8: {  	[sflag:s14] =	ssyncset.done $0x0  }
0xe9: {  	s16 =	simm.s32 $0x4;
	[sflag:s14] =	ssyncadd.s32 $0xFFFFD800  }
0xea: {  	_ =	swait.ge [sflag:s16], $0x2800  }
0xeb: {  	[sflag:s16] =	ssyncset.done $0x0  }
0xec: {  	[sflag:s16] =	ssyncadd.s32 $0xFFFFD800  }
0xed: {  	s17 =	sadd.s32 $0xF000, s7;
	[bflag:$0x0] =	sbarrier.arrive $0xFFFF  }
0xee: {  	[tilespmem:s13], [sflag:$0x3] =	stream.linear.gather [hbm4b:s17+s12], $0x2800, $0x38;
	[tilespmem:$0x1FD00] =	vst v63  }
0xef: {  	s18 =	simm.s32 $0x2800;
	s15 =	simm.s32 $0xC500;
	s13 =	simm.s32 $0x80  }
0xf0: {  	[tilespmem:s15], [sflag:$0x1] =	stream.indirect.gather [hbm4b:s9+s13], $0x10, s18, s13, $0xb8;
	[tilespmem:$0x1FD00] =	vst v63  }
0xf1: {  	s19 =	simm.s32 $0x2880;
	s20 =	simm.s32 $0xCD00  }
0xf2: {  	[tilespmem:s20], [sflag:$0x1] =	stream.indirect.gather [hbm4b:s9+s13], $0x10, s19, s13, $0xb8;
	[tilespmem:$0x1FD00] =	vst v63  }
0xf3: {  	s21 =	simm.s32 $0x2900;
	s22 =	simm.s32 $0xD500  }
0xf4: {  	[tilespmem:s22], [sflag:$0x1] =	stream.indirect.gather [hbm4b:s9+s13], $0x10, s21, s13, $0xb8;
	[tilespmem:$0x1FD00] =	vst v63  }
0xf5: {  	s23 =	simm.s32 $0x2980;
	s24 =	simm.s32 $0xDD00  }
0xf6: {  	[tilespmem:s24], [sflag:$0x1] =	stream.indirect.gather [hbm4b:s9+s13], $0x10, s23, s13, $0xb8;
	[tilespmem:$0x1FD00] =	vst v63  }
0xf7: {  	s25 =	simm.s32 $0x2A00;
	s26 =	simm.s32 $0xE500;
	s28 =	simm.s32 $0x2A80  }
0xf8: {  	[tilespmem:s26], [sflag:$0x1] =	stream.indirect.gather [hbm4b:s9+s13], $0x10, s25, s13, $0xb8;
	[tilespmem:$0x1FD00] =	vst v63  }
0xf9: {  	s29 =	simm.s32 $0xED00;
	s30 =	simm.s32 $0x2B00;
	s31 =	simm.s32 $0xF500  }
0xfa: {  	[tilespmem:s29], [sflag:$0x1] =	stream.indirect.gather [hbm4b:s9+s13], $0x10, s28, s13, $0xb8;
	[tilespmem:$0x1FD00] =	vst v63  }
0xfb: {  	s14 =	simm.s32 $0x2B80;
	s16 =	simm.s32 $0x1;
	s15 =	simm.s32 $0x7680  }
0xfc: {  	[tilespmem:s31], [sflag:$0x1] =	stream.indirect.gather [hbm4b:s9+s13], $0x10, s30, s13, $0xb8;
	[tilespmem:$0x1FD00] =	vst v63  }
.LBB2_11:
0xfd: {  	s17 =	sand.u32 $0xFE, s12  }
0xfe: {  	s17 =	sshrl.u32 s17, $0x1  }
0xff: {  	s17 =	smul.u32 $0x93, s17;
	_ =	sdelay $0x1  }
0x100: {  	s17 =	sshrl.u32 s17, $0xA  }
0x101: {  	s17 =	smul.u32 $0xE, s17;
	_ =	sdelay $0x1  }
0x102: {  	s17 =	ssub.s32 s12, s17  }
0x103: {  	_ =	swait.ge [sflag:s16], $0x800;
	s17 =	sand.u32 $0xFF, s17  }
0x104: {  	[sflag:s16] =	ssyncset.done $0x0;
	s17 =	sshll.u32 s17, $0xB  }
0x105: {  	p0 =	slt.u32 s12, $0x7;
	[sflag:s16] =	ssyncadd.s32 $0xFFFFF800;
	s17 =	sadd.s32 $0xC500, s17  }
0x106: {  	[spmem:s4] =	stream.indirect.scatter.add.f32 [tilespmem:s17], [sflag:$0x2], $0x10, s15, s13, $0xb8;
	[tilespmem:$0x1FD00] =	vst v63  }
0x107: {  	s17 =	simm.s32 @!p0 $0x2  }
0x108: {  	p1 =	sgt.u32 @!p0 s12, $0x95;
	_ =	swait.ge @!p0 [sflag:s17], $0x800  }
0x109: {  	p1 =	por p0, !p1;
	[sflag:s17] =	ssyncset.done @!p0 $0x0  }
0x10a: {  	[sflag:s17] =	ssyncadd.s32 @!p0 $0xFFFFF800;
	s17 =	sadd.s32 @p1 $0x7, s12  }
0x10b: {  	s18 =	sand.u32 @p1 $0xFE, s17  }
0x10c: {  	s18 =	sshrl.u32 @p1 s18, $0x1  }
0x10d: {  	s18 =	smul.u32 @p1 $0x93, s18;
	_ =	sdelay $0x1  }
0x10e: {  	s18 =	sshrl.u32 @p1 s18, $0xA  }
0x10f: {  	s18 =	smul.u32 @p1 $0xE, s18  }
0x110: {  	s12 =	sadd.s32 $0x1, s12  }
0x111: {  	p0 =	sne.s32 s12, $0x9D;
	s17 =	ssub.s32 @p1 s17, s18  }
.Ltmp5:
0x112: {  	s17 =	sand.u32 @p1 $0xFF, s17;
	(pc) =	sbr.rel @p0 .LBB2_11-.Ltmp5, $4  }
0x113: {  	s17 =	sshll.u32 @p1 s17, $0xB  }
0x114: {  	s17 =	sadd.s32 @p1 $0xC500, s17  }
0x115: {  	[tilespmem:s17], [sflag:$0x1] =	stream.indirect.gather @p1 [hbm4b:s9+s13], $0x10, s14, s13, $0xb8;
	[tilespmem:$0x1FD00] =	vst v63  }
0x116: {  	s15 =	sadd.s32 $0x80, s15;
	s14 =	sadd.s32 $0x80, s14  }
0x117: {  	s12 =	simm.s32 $0x2  }
0x118: {  	_ =	swait.ge [sflag:s12], $0x800  }
0x119: {  	[sflag:s12] =	ssyncset.done $0x0  }
0x11a: {  	[sflag:s12] =	ssyncadd.s32 $0xFFFFF800  }
0x11b: {  	_ =	swait.ge [sflag:s12], $0x800  }
0x11c: {  	[sflag:s12] =	ssyncset.done $0x0  }
0x11d: {  	[sflag:s12] =	ssyncadd.s32 $0xFFFFF800  }
0x11e: {  	_ =	swait.ge [sflag:s12], $0x800  }
0x11f: {  	[sflag:s12] =	ssyncset.done $0x0  }
0x120: {  	[sflag:s12] =	ssyncadd.s32 $0xFFFFF800  }
0x121: {  	_ =	swait.ge [sflag:s12], $0x800  }
0x122: {  	[sflag:s12] =	ssyncset.done $0x0  }
0x123: {  	[sflag:s12] =	ssyncadd.s32 $0xFFFFF800  }
0x124: {  	_ =	swait.ge [sflag:s12], $0x800  }
0x125: {  	[sflag:s12] =	ssyncset.done $0x0  }
0x126: {  	[sflag:s12] =	ssyncadd.s32 $0xFFFFF800  }
0x127: {  	_ =	swait.ge [sflag:s12], $0x800  }
0x128: {  	[sflag:s12] =	ssyncset.done $0x0  }
0x129: {  	[sflag:s12] =	ssyncadd.s32 $0xFFFFF800  }
0x12a: {  	_ =	swait.ge [sflag:s12], $0x800  }
0x12b: {  	[sflag:s12] =	ssyncset.done $0x0  }
0x12c: {  	[sflag:s12] =	ssyncadd.s32 $0xFFFFF800  }
0x12d: {  	s28 =	simm.s32 $0x13500;
	s29 =	simm.s32 $0x5;
	[bflag:$0x0] =	sbarrier.arrive $0xFFFF  }
0x12e: {  	[tilespmem:s28], [sflag:$0x5] =	stream.linear.gather [spmem:s6], $0x2800, $0x38;
	[tilespmem:$0x1FD00] =	vst v63  }
0x12f: {  	_ =	swait.ge [sflag:s29], $0x2800  }
0x130: {  	[sflag:s29] =	ssyncset.done $0x0  }
0x131: {  	s30 =	simm.s32 $0x1D500;
	s31 =	simm.s32 $0x3;
	[sflag:s29] =	ssyncadd.s32 $0xFFFFD800  }
0x132: {  	[spmem:s6] =	stream.linear.scatter [tilespmem:s30], [sflag:$0x4], $0x2800, $0x38;
	[tilespmem:$0x1FD00] =	vst v63  }
0x133: {  	_ =	swait.ge [sflag:s31], $0x2800  }
0x134: {  	[sflag:s31] =	ssyncset.done $0x0  }
0x135: {  	s12 =	simm.s32 $0x0;
	[sflag:s31] =	ssyncadd.s32 $0xFFFFD800  }
0x136: {  	v0 =	vld [tilespmem:s12+$0x18500]  }
0x137: {  	v1 =	vld [tilespmem:s12+$0x1AD00]  }
0x138: {  	s13 =	simm.s32 $0x40;
	v2 =	vld [tilespmem:s12+$0x13500]  }
.LBB2_13:
0x139: {  	p0 =	sne.s32 s13, $0x9FC0;
	v3 =	vld [tilespmem:s12+$0x15D00];
	_ =	sdelay $0x4  }
.Ltmp6:
0x13a: {  	v1 =	vmul.f32 v2, v1;
	v3 =	vmul.f32 v3, v0;
	(pc) =	sbr.rel @p0 .LBB2_13-.Ltmp6, $4  }
0x13b: {  	s14 =	sshra.s32 s13, $0x2  }
0x13c: {  	v0 =	vld [tilespmem:s14+$0x18500];
	v3 =	vadd.f32 v1, v3  }
0x13d: {  	v1 =	vld [tilespmem:s14+$0x1AD00]  }
0x13e: {  	s13 =	sadd.s32 $0x40, s13;
	v2 =	vld [tilespmem:s14+$0x13500];
	[tilespmem:s12+$0x15D00] =	vst v3;
	s12 =	smov.u32 s14  }
0x13f: {  	v3 =	vld [tilespmem:s12+$0x15D00];
	_ =	sdelay $0x4  }
0x140: {  	v1 =	vmul.f32 v2, v1;
	v0 =	vmul.f32 v3, v0;
	_ =	sdelay $0x1  }
0x141: {  	v0 =	vadd.f32 v1, v0;
	_ =	sdelay $0x1  }
0x142: {  	s13 =	simm.s32 $0x15D00;
	s14 =	simm.s32 $0x5;
	[tilespmem:s12+$0x15D00] =	vst v0;
	s12 =	simm.s32 $0x0  }
0x143: {  	[hbm4b:s8+s12] =	stream.linear.scatter [tilespmem:s13], [sflag:$0x5], $0x2800, $0x38;
	[tilespmem:$0x1FD00] =	vst v63  }
0x144: {  	_ =	swait.ge [sflag:s14], $0x2800  }
0x145: {  	[sflag:s14] =	ssyncset.done $0x0  }
0x146: {  	s16 =	simm.s32 $0x4;
	[sflag:s14] =	ssyncadd.s32 $0xFFFFD800  }
0x147: {  	_ =	swait.ge [sflag:s16], $0x2800  }
0x148: {  	[sflag:s16] =	ssyncset.done $0x0  }
0x149: {  	[sflag:s16] =	ssyncadd.s32 $0xFFFFD800  }
0x14a: {  	s17 =	sadd.s32 $0x14000, s7;
	[bflag:$0x0] =	sbarrier.arrive $0xFFFF  }
0x14b: {  	[tilespmem:s13], [sflag:$0x3] =	stream.linear.gather [hbm4b:s17+s12], $0x2800, $0x38;
	[tilespmem:$0x1FD00] =	vst v63  }
0x14c: {  	s18 =	simm.s32 $0x2800;
	s15 =	simm.s32 $0xC500;
	s13 =	simm.s32 $0x80  }
0x14d: {  	[tilespmem:s15], [sflag:$0x1] =	stream.indirect.gather [hbm4b:s5+s13], $0x10, s18, s13, $0xb8;
	[tilespmem:$0x1FD00] =	vst v63  }
0x14e: {  	s19 =	simm.s32 $0x2880;
	s20 =	simm.s32 $0xCD00  }
0x14f: {  	[tilespmem:s20], [sflag:$0x1] =	stream.indirect.gather [hbm4b:s5+s13], $0x10, s19, s13, $0xb8;
	[tilespmem:$0x1FD00] =	vst v63  }
0x150: {  	s21 =	simm.s32 $0x2900;
	s22 =	simm.s32 $0xD500  }
0x151: {  	[tilespmem:s22], [sflag:$0x1] =	stream.indirect.gather [hbm4b:s5+s13], $0x10, s21, s13, $0xb8;
	[tilespmem:$0x1FD00] =	vst v63  }
0x152: {  	s23 =	simm.s32 $0x2980;
	s24 =	simm.s32 $0xDD00  }
0x153: {  	[tilespmem:s24], [sflag:$0x1] =	stream.indirect.gather [hbm4b:s5+s13], $0x10, s23, s13, $0xb8;
	[tilespmem:$0x1FD00] =	vst v63  }
0x154: {  	s25 =	simm.s32 $0x2A00;
	s26 =	simm.s32 $0xE500;
	s28 =	simm.s32 $0x2A80  }
0x155: {  	[tilespmem:s26], [sflag:$0x1] =	stream.indirect.gather [hbm4b:s5+s13], $0x10, s25, s13, $0xb8;
	[tilespmem:$0x1FD00] =	vst v63  }
0x156: {  	s29 =	simm.s32 $0xED00;
	s30 =	simm.s32 $0x2B00;
	s31 =	simm.s32 $0xF500  }
0x157: {  	[tilespmem:s29], [sflag:$0x1] =	stream.indirect.gather [hbm4b:s5+s13], $0x10, s28, s13, $0xb8;
	[tilespmem:$0x1FD00] =	vst v63  }
0x158: {  	s14 =	simm.s32 $0x2B80;
	s16 =	simm.s32 $0x1;
	s15 =	simm.s32 $0x7680  }
0x159: {  	[tilespmem:s31], [sflag:$0x1] =	stream.indirect.gather [hbm4b:s5+s13], $0x10, s30, s13, $0xb8;
	[tilespmem:$0x1FD00] =	vst v63  }
.LBB2_15:
0x15a: {  	s17 =	sand.u32 $0xFE, s12  }
0x15b: {  	s17 =	sshrl.u32 s17, $0x1  }
0x15c: {  	s17 =	smul.u32 $0x93, s17;
	_ =	sdelay $0x1  }
0x15d: {  	s17 =	sshrl.u32 s17, $0xA  }
0x15e: {  	s17 =	smul.u32 $0xE, s17;
	_ =	sdelay $0x1  }
0x15f: {  	s17 =	ssub.s32 s12, s17  }
0x160: {  	_ =	swait.ge [sflag:s16], $0x800;
	s17 =	sand.u32 $0xFF, s17  }
0x161: {  	[sflag:s16] =	ssyncset.done $0x0;
	s17 =	sshll.u32 s17, $0xB  }
0x162: {  	p0 =	slt.u32 s12, $0x7;
	[sflag:s16] =	ssyncadd.s32 $0xFFFFF800;
	s17 =	sadd.s32 $0xC500, s17  }
0x163: {  	[spmem:s4] =	stream.indirect.scatter.add.f32 [tilespmem:s17], [sflag:$0x2], $0x10, s15, s13, $0xb8;
	[tilespmem:$0x1FD00] =	vst v63  }
0x164: {  	s17 =	simm.s32 @!p0 $0x2  }
0x165: {  	p1 =	sgt.u32 @!p0 s12, $0x95;
	_ =	swait.ge @!p0 [sflag:s17], $0x800  }
0x166: {  	p1 =	por p0, !p1;
	[sflag:s17] =	ssyncset.done @!p0 $0x0  }
0x167: {  	[sflag:s17] =	ssyncadd.s32 @!p0 $0xFFFFF800;
	s17 =	sadd.s32 @p1 $0x7, s12  }
0x168: {  	s18 =	sand.u32 @p1 $0xFE, s17  }
0x169: {  	s18 =	sshrl.u32 @p1 s18, $0x1  }
0x16a: {  	s18 =	smul.u32 @p1 $0x93, s18;
	_ =	sdelay $0x1  }
0x16b: {  	s18 =	sshrl.u32 @p1 s18, $0xA  }
0x16c: {  	s18 =	smul.u32 @p1 $0xE, s18  }
0x16d: {  	s12 =	sadd.s32 $0x1, s12  }
0x16e: {  	p0 =	sne.s32 s12, $0x9D;
	s17 =	ssub.s32 @p1 s17, s18  }
.Ltmp7:
0x16f: {  	s17 =	sand.u32 @p1 $0xFF, s17;
	(pc) =	sbr.rel @p0 .LBB2_15-.Ltmp7, $4  }
0x170: {  	s17 =	sshll.u32 @p1 s17, $0xB  }
0x171: {  	s17 =	sadd.s32 @p1 $0xC500, s17  }
0x172: {  	[tilespmem:s17], [sflag:$0x1] =	stream.indirect.gather @p1 [hbm4b:s5+s13], $0x10, s14, s13, $0xb8;
	[tilespmem:$0x1FD00] =	vst v63  }
0x173: {  	s15 =	sadd.s32 $0x80, s15;
	s14 =	sadd.s32 $0x80, s14  }
0x174: {  	s12 =	simm.s32 $0x2  }
0x175: {  	_ =	swait.ge [sflag:s12], $0x800  }
0x176: {  	[sflag:s12] =	ssyncset.done $0x0  }
0x177: {  	[sflag:s12] =	ssyncadd.s32 $0xFFFFF800  }
0x178: {  	_ =	swait.ge [sflag:s12], $0x800  }
0x179: {  	[sflag:s12] =	ssyncset.done $0x0  }
0x17a: {  	[sflag:s12] =	ssyncadd.s32 $0xFFFFF800  }
0x17b: {  	_ =	swait.ge [sflag:s12], $0x800  }
0x17c: {  	[sflag:s12] =	ssyncset.done $0x0  }
0x17d: {  	[sflag:s12] =	ssyncadd.s32 $0xFFFFF800  }
0x17e: {  	_ =	swait.ge [sflag:s12], $0x800  }
0x17f: {  	[sflag:s12] =	ssyncset.done $0x0  }
0x180: {  	[sflag:s12] =	ssyncadd.s32 $0xFFFFF800  }
0x181: {  	_ =	swait.ge [sflag:s12], $0x800  }
0x182: {  	[sflag:s12] =	ssyncset.done $0x0  }
0x183: {  	[sflag:s12] =	ssyncadd.s32 $0xFFFFF800  }
0x184: {  	_ =	swait.ge [sflag:s12], $0x800  }
0x185: {  	[sflag:s12] =	ssyncset.done $0x0  }
0x186: {  	[sflag:s12] =	ssyncadd.s32 $0xFFFFF800  }
0x187: {  	_ =	swait.ge [sflag:s12], $0x800  }
0x188: {  	[sflag:s12] =	ssyncset.done $0x0  }
0x189: {  	[sflag:s12] =	ssyncadd.s32 $0xFFFFF800  }
0x18a: {  	s28 =	simm.s32 $0x13500;
	s29 =	simm.s32 $0x5;
	[bflag:$0x0] =	sbarrier.arrive $0xFFFF  }
0x18b: {  	[tilespmem:s28], [sflag:$0x5] =	stream.linear.gather [spmem:s6], $0x2800, $0x38;
	[tilespmem:$0x1FD00] =	vst v63  }
0x18c: {  	_ =	swait.ge [sflag:s29], $0x2800  }
0x18d: {  	[sflag:s29] =	ssyncset.done $0x0  }
0x18e: {  	s30 =	simm.s32 $0x1D500;
	s31 =	simm.s32 $0x3;
	[sflag:s29] =	ssyncadd.s32 $0xFFFFD800  }
0x18f: {  	[spmem:s6] =	stream.linear.scatter [tilespmem:s30], [sflag:$0x4], $0x2800, $0x38;
	[tilespmem:$0x1FD00] =	vst v63  }
0x190: {  	_ =	swait.ge [sflag:s31], $0x2800  }
0x191: {  	[sflag:s31] =	ssyncset.done $0x0  }
0x192: {  	s12 =	simm.s32 $0x0;
	[sflag:s31] =	ssyncadd.s32 $0xFFFFD800  }
0x193: {  	v0 =	vld [tilespmem:s12+$0x18500]  }
0x194: {  	v1 =	vld [tilespmem:s12+$0x1AD00]  }
0x195: {  	s13 =	simm.s32 $0x40;
	v2 =	vld [tilespmem:s12+$0x13500]  }
.LBB2_17:
0x196: {  	p0 =	sne.s32 s13, $0x9FC0;
	v3 =	vld [tilespmem:s12+$0x15D00];
	_ =	sdelay $0x4  }
.Ltmp8:
0x197: {  	v1 =	vmul.f32 v2, v1;
	v3 =	vmul.f32 v3, v0;
	(pc) =	sbr.rel @p0 .LBB2_17-.Ltmp8, $4  }
0x198: {  	s14 =	sshra.s32 s13, $0x2  }
0x199: {  	v0 =	vld [tilespmem:s14+$0x18500];
	v3 =	vadd.f32 v1, v3  }
0x19a: {  	v1 =	vld [tilespmem:s14+$0x1AD00]  }
0x19b: {  	s13 =	sadd.s32 $0x40, s13;
	v2 =	vld [tilespmem:s14+$0x13500];
	[tilespmem:s12+$0x15D00] =	vst v3;
	s12 =	smov.u32 s14  }
0x19c: {  	v3 =	vld [tilespmem:s12+$0x15D00];
	_ =	sdelay $0x4  }
0x19d: {  	v1 =	vmul.f32 v2, v1;
	v0 =	vmul.f32 v3, v0;
	_ =	sdelay $0x1  }
0x19e: {  	v0 =	vadd.f32 v1, v0;
	_ =	sdelay $0x1  }
0x19f: {  	s13 =	simm.s32 $0x15D00;
	s14 =	simm.s32 $0x5;
	[tilespmem:s12+$0x15D00] =	vst v0;
	s12 =	simm.s32 $0x0  }
0x1a0: {  	[hbm4b:s11+s12] =	stream.linear.scatter [tilespmem:s13], [sflag:$0x5], $0x2800, $0x38;
	[tilespmem:$0x1FD00] =	vst v63  }
0x1a1: {  	_ =	swait.ge [sflag:s14], $0x2800  }
0x1a2: {  	[sflag:s14] =	ssyncset.done $0x0  }
0x1a3: {  	s16 =	simm.s32 $0x4;
	[sflag:s14] =	ssyncadd.s32 $0xFFFFD800  }
0x1a4: {  	_ =	swait.ge [sflag:s16], $0x2800  }
0x1a5: {  	[sflag:s16] =	ssyncset.done $0x0  }
0x1a6: {  	[sflag:s16] =	ssyncadd.s32 $0xFFFFD800  }
0x1a7: {  	s17 =	sadd.s32 $0x19000, s7;
	[bflag:$0x0] =	sbarrier.arrive $0xFFFF  }
0x1a8: {  	[tilespmem:s13], [sflag:$0x3] =	stream.linear.gather [hbm4b:s17+s12], $0x2800, $0x38;
	[tilespmem:$0x1FD00] =	vst v63  }
0x1a9: {  	s18 =	simm.s32 $0x2800;
	s15 =	simm.s32 $0xC500;
	s13 =	simm.s32 $0x80  }
0x1aa: {  	[tilespmem:s15], [sflag:$0x1] =	stream.indirect.gather [hbm4b:s9+s13], $0x10, s18, s13, $0xb8;
	[tilespmem:$0x1FD00] =	vst v63  }
0x1ab: {  	s19 =	simm.s32 $0x2880;
	s20 =	simm.s32 $0xCD00  }
0x1ac: {  	[tilespmem:s20], [sflag:$0x1] =	stream.indirect.gather [hbm4b:s9+s13], $0x10, s19, s13, $0xb8;
	[tilespmem:$0x1FD00] =	vst v63  }
0x1ad: {  	s21 =	simm.s32 $0x2900;
	s22 =	simm.s32 $0xD500  }
0x1ae: {  	[tilespmem:s22], [sflag:$0x1] =	stream.indirect.gather [hbm4b:s9+s13], $0x10, s21, s13, $0xb8;
	[tilespmem:$0x1FD00] =	vst v63  }
0x1af: {  	s23 =	simm.s32 $0x2980;
	s24 =	simm.s32 $0xDD00  }
0x1b0: {  	[tilespmem:s24], [sflag:$0x1] =	stream.indirect.gather [hbm4b:s9+s13], $0x10, s23, s13, $0xb8;
	[tilespmem:$0x1FD00] =	vst v63  }
0x1b1: {  	s25 =	simm.s32 $0x2A00;
	s26 =	simm.s32 $0xE500;
	s28 =	simm.s32 $0x2A80  }
0x1b2: {  	[tilespmem:s26], [sflag:$0x1] =	stream.indirect.gather [hbm4b:s9+s13], $0x10, s25, s13, $0xb8;
	[tilespmem:$0x1FD00] =	vst v63  }
0x1b3: {  	s29 =	simm.s32 $0xED00;
	s30 =	simm.s32 $0x2B00;
	s31 =	simm.s32 $0xF500  }
0x1b4: {  	[tilespmem:s29], [sflag:$0x1] =	stream.indirect.gather [hbm4b:s9+s13], $0x10, s28, s13, $0xb8;
	[tilespmem:$0x1FD00] =	vst v63  }
0x1b5: {  	s14 =	simm.s32 $0x2B80;
	s16 =	simm.s32 $0x1;
	s15 =	simm.s32 $0x7680  }
0x1b6: {  	[tilespmem:s31], [sflag:$0x1] =	stream.indirect.gather [hbm4b:s9+s13], $0x10, s30, s13, $0xb8;
	[tilespmem:$0x1FD00] =	vst v63  }
.LBB2_19:
0x1b7: {  	s17 =	sand.u32 $0xFE, s12  }
0x1b8: {  	s17 =	sshrl.u32 s17, $0x1  }
0x1b9: {  	s17 =	smul.u32 $0x93, s17;
	_ =	sdelay $0x1  }
0x1ba: {  	s17 =	sshrl.u32 s17, $0xA  }
0x1bb: {  	s17 =	smul.u32 $0xE, s17;
	_ =	sdelay $0x1  }
0x1bc: {  	s17 =	ssub.s32 s12, s17  }
0x1bd: {  	_ =	swait.ge [sflag:s16], $0x800;
	s17 =	sand.u32 $0xFF, s17  }
0x1be: {  	[sflag:s16] =	ssyncset.done $0x0;
	s17 =	sshll.u32 s17, $0xB  }
0x1bf: {  	p0 =	slt.u32 s12, $0x7;
	[sflag:s16] =	ssyncadd.s32 $0xFFFFF800;
	s17 =	sadd.s32 $0xC500, s17  }
0x1c0: {  	[spmem:s4] =	stream.indirect.scatter.add.f32 [tilespmem:s17], [sflag:$0x2], $0x10, s15, s13, $0xb8;
	[tilespmem:$0x1FD00] =	vst v63  }
0x1c1: {  	s17 =	simm.s32 @!p0 $0x2  }
0x1c2: {  	p1 =	sgt.u32 @!p0 s12, $0x95;
	_ =	swait.ge @!p0 [sflag:s17], $0x800  }
0x1c3: {  	p1 =	por p0, !p1;
	[sflag:s17] =	ssyncset.done @!p0 $0x0  }
0x1c4: {  	[sflag:s17] =	ssyncadd.s32 @!p0 $0xFFFFF800;
	s17 =	sadd.s32 @p1 $0x7, s12  }
0x1c5: {  	s18 =	sand.u32 @p1 $0xFE, s17  }
0x1c6: {  	s18 =	sshrl.u32 @p1 s18, $0x1  }
0x1c7: {  	s18 =	smul.u32 @p1 $0x93, s18;
	_ =	sdelay $0x1  }
0x1c8: {  	s18 =	sshrl.u32 @p1 s18, $0xA  }
0x1c9: {  	s18 =	smul.u32 @p1 $0xE, s18  }
0x1ca: {  	s12 =	sadd.s32 $0x1, s12  }
0x1cb: {  	p0 =	sne.s32 s12, $0x9D;
	s17 =	ssub.s32 @p1 s17, s18  }
.Ltmp9:
0x1cc: {  	s17 =	sand.u32 @p1 $0xFF, s17;
	(pc) =	sbr.rel @p0 .LBB2_19-.Ltmp9, $4  }
0x1cd: {  	s17 =	sshll.u32 @p1 s17, $0xB  }
0x1ce: {  	s17 =	sadd.s32 @p1 $0xC500, s17  }
0x1cf: {  	[tilespmem:s17], [sflag:$0x1] =	stream.indirect.gather @p1 [hbm4b:s9+s13], $0x10, s14, s13, $0xb8;
	[tilespmem:$0x1FD00] =	vst v63  }
0x1d0: {  	s15 =	sadd.s32 $0x80, s15;
	s14 =	sadd.s32 $0x80, s14  }
0x1d1: {  	s12 =	simm.s32 $0x2  }
0x1d2: {  	_ =	swait.ge [sflag:s12], $0x800  }
0x1d3: {  	[sflag:s12] =	ssyncset.done $0x0  }
0x1d4: {  	[sflag:s12] =	ssyncadd.s32 $0xFFFFF800  }
0x1d5: {  	_ =	swait.ge [sflag:s12], $0x800  }
0x1d6: {  	[sflag:s12] =	ssyncset.done $0x0  }
0x1d7: {  	[sflag:s12] =	ssyncadd.s32 $0xFFFFF800  }
0x1d8: {  	_ =	swait.ge [sflag:s12], $0x800  }
0x1d9: {  	[sflag:s12] =	ssyncset.done $0x0  }
0x1da: {  	[sflag:s12] =	ssyncadd.s32 $0xFFFFF800  }
0x1db: {  	_ =	swait.ge [sflag:s12], $0x800  }
0x1dc: {  	[sflag:s12] =	ssyncset.done $0x0  }
0x1dd: {  	[sflag:s12] =	ssyncadd.s32 $0xFFFFF800  }
0x1de: {  	_ =	swait.ge [sflag:s12], $0x800  }
0x1df: {  	[sflag:s12] =	ssyncset.done $0x0  }
0x1e0: {  	[sflag:s12] =	ssyncadd.s32 $0xFFFFF800  }
0x1e1: {  	_ =	swait.ge [sflag:s12], $0x800  }
0x1e2: {  	[sflag:s12] =	ssyncset.done $0x0  }
0x1e3: {  	[sflag:s12] =	ssyncadd.s32 $0xFFFFF800  }
0x1e4: {  	_ =	swait.ge [sflag:s12], $0x800  }
0x1e5: {  	[sflag:s12] =	ssyncset.done $0x0  }
0x1e6: {  	[sflag:s12] =	ssyncadd.s32 $0xFFFFF800  }
0x1e7: {  	s28 =	simm.s32 $0x13500;
	s29 =	simm.s32 $0x5;
	[bflag:$0x0] =	sbarrier.arrive $0xFFFF  }
0x1e8: {  	[tilespmem:s28], [sflag:$0x5] =	stream.linear.gather [spmem:s6], $0x2800, $0x38;
	[tilespmem:$0x1FD00] =	vst v63  }
0x1e9: {  	_ =	swait.ge [sflag:s29], $0x2800  }
0x1ea: {  	[sflag:s29] =	ssyncset.done $0x0  }
0x1eb: {  	s30 =	simm.s32 $0x1D500;
	s31 =	simm.s32 $0x3;
	[sflag:s29] =	ssyncadd.s32 $0xFFFFD800  }
0x1ec: {  	[spmem:s6] =	stream.linear.scatter [tilespmem:s30], [sflag:$0x4], $0x2800, $0x38;
	[tilespmem:$0x1FD00] =	vst v63  }
0x1ed: {  	_ =	swait.ge [sflag:s31], $0x2800  }
0x1ee: {  	[sflag:s31] =	ssyncset.done $0x0  }
0x1ef: {  	s12 =	simm.s32 $0x0;
	[sflag:s31] =	ssyncadd.s32 $0xFFFFD800  }
0x1f0: {  	v0 =	vld [tilespmem:s12+$0x18500]  }
0x1f1: {  	v1 =	vld [tilespmem:s12+$0x1AD00]  }
0x1f2: {  	s13 =	simm.s32 $0x40;
	v2 =	vld [tilespmem:s12+$0x13500]  }
.LBB2_21:
0x1f3: {  	p0 =	sne.s32 s13, $0x9FC0;
	v3 =	vld [tilespmem:s12+$0x15D00];
	_ =	sdelay $0x4  }
.Ltmp10:
0x1f4: {  	v1 =	vmul.f32 v2, v1;
	v3 =	vmul.f32 v3, v0;
	(pc) =	sbr.rel @p0 .LBB2_21-.Ltmp10, $4  }
0x1f5: {  	s14 =	sshra.s32 s13, $0x2  }
0x1f6: {  	v0 =	vld [tilespmem:s14+$0x18500];
	v3 =	vadd.f32 v1, v3  }
0x1f7: {  	v1 =	vld [tilespmem:s14+$0x1AD00]  }
0x1f8: {  	s13 =	sadd.s32 $0x40, s13;
	v2 =	vld [tilespmem:s14+$0x13500];
	[tilespmem:s12+$0x15D00] =	vst v3;
	s12 =	smov.u32 s14  }
0x1f9: {  	v3 =	vld [tilespmem:s12+$0x15D00];
	_ =	sdelay $0x4  }
0x1fa: {  	v1 =	vmul.f32 v2, v1;
	v0 =	vmul.f32 v3, v0;
	_ =	sdelay $0x1  }
0x1fb: {  	v0 =	vadd.f32 v1, v0;
	_ =	sdelay $0x1  }
0x1fc: {  	s13 =	simm.s32 $0x15D00;
	s14 =	simm.s32 $0x5;
	[tilespmem:s12+$0x15D00] =	vst v0;
	s12 =	simm.s32 $0x0  }
0x1fd: {  	[hbm4b:s8+s12] =	stream.linear.scatter [tilespmem:s13], [sflag:$0x5], $0x2800, $0x38;
	[tilespmem:$0x1FD00] =	vst v63  }
0x1fe: {  	_ =	swait.ge [sflag:s14], $0x2800  }
0x1ff: {  	[sflag:s14] =	ssyncset.done $0x0  }
0x200: {  	s16 =	simm.s32 $0x4;
	[sflag:s14] =	ssyncadd.s32 $0xFFFFD800  }
0x201: {  	_ =	swait.ge [sflag:s16], $0x2800  }
0x202: {  	[sflag:s16] =	ssyncset.done $0x0  }
0x203: {  	[sflag:s16] =	ssyncadd.s32 $0xFFFFD800  }
0x204: {  	s17 =	sadd.s32 $0x1E000, s7;
	[bflag:$0x0] =	sbarrier.arrive $0xFFFF  }
0x205: {  	[tilespmem:s13], [sflag:$0x3] =	stream.linear.gather [hbm4b:s17+s12], $0x2800, $0x38;
	[tilespmem:$0x1FD00] =	vst v63  }
0x206: {  	s18 =	simm.s32 $0x2800;
	s15 =	simm.s32 $0xC500;
	s13 =	simm.s32 $0x80  }
0x207: {  	[tilespmem:s15], [sflag:$0x1] =	stream.indirect.gather [hbm4b:s5+s13], $0x10, s18, s13, $0xb8;
	[tilespmem:$0x1FD00] =	vst v63  }
0x208: {  	s19 =	simm.s32 $0x2880;
	s20 =	simm.s32 $0xCD00  }
0x209: {  	[tilespmem:s20], [sflag:$0x1] =	stream.indirect.gather [hbm4b:s5+s13], $0x10, s19, s13, $0xb8;
	[tilespmem:$0x1FD00] =	vst v63  }
0x20a: {  	s21 =	simm.s32 $0x2900;
	s22 =	simm.s32 $0xD500  }
0x20b: {  	[tilespmem:s22], [sflag:$0x1] =	stream.indirect.gather [hbm4b:s5+s13], $0x10, s21, s13, $0xb8;
	[tilespmem:$0x1FD00] =	vst v63  }
0x20c: {  	s23 =	simm.s32 $0x2980;
	s24 =	simm.s32 $0xDD00  }
0x20d: {  	[tilespmem:s24], [sflag:$0x1] =	stream.indirect.gather [hbm4b:s5+s13], $0x10, s23, s13, $0xb8;
	[tilespmem:$0x1FD00] =	vst v63  }
0x20e: {  	s25 =	simm.s32 $0x2A00;
	s26 =	simm.s32 $0xE500;
	s28 =	simm.s32 $0x2A80  }
0x20f: {  	[tilespmem:s26], [sflag:$0x1] =	stream.indirect.gather [hbm4b:s5+s13], $0x10, s25, s13, $0xb8;
	[tilespmem:$0x1FD00] =	vst v63  }
0x210: {  	s29 =	simm.s32 $0xED00;
	s30 =	simm.s32 $0x2B00;
	s31 =	simm.s32 $0xF500  }
0x211: {  	[tilespmem:s29], [sflag:$0x1] =	stream.indirect.gather [hbm4b:s5+s13], $0x10, s28, s13, $0xb8;
	[tilespmem:$0x1FD00] =	vst v63  }
0x212: {  	s14 =	simm.s32 $0x2B80;
	s16 =	simm.s32 $0x1;
	s15 =	simm.s32 $0x7680  }
0x213: {  	[tilespmem:s31], [sflag:$0x1] =	stream.indirect.gather [hbm4b:s5+s13], $0x10, s30, s13, $0xb8;
	[tilespmem:$0x1FD00] =	vst v63  }
.LBB2_23:
0x214: {  	s17 =	sand.u32 $0xFE, s12  }
0x215: {  	s17 =	sshrl.u32 s17, $0x1  }
0x216: {  	s17 =	smul.u32 $0x93, s17;
	_ =	sdelay $0x1  }
0x217: {  	s17 =	sshrl.u32 s17, $0xA  }
0x218: {  	s17 =	smul.u32 $0xE, s17;
	_ =	sdelay $0x1  }
0x219: {  	s17 =	ssub.s32 s12, s17  }
0x21a: {  	_ =	swait.ge [sflag:s16], $0x800;
	s17 =	sand.u32 $0xFF, s17  }
0x21b: {  	[sflag:s16] =	ssyncset.done $0x0;
	s17 =	sshll.u32 s17, $0xB  }
0x21c: {  	p0 =	slt.u32 s12, $0x7;
	[sflag:s16] =	ssyncadd.s32 $0xFFFFF800;
	s17 =	sadd.s32 $0xC500, s17  }
0x21d: {  	[spmem:s4] =	stream.indirect.scatter.add.f32 [tilespmem:s17], [sflag:$0x2], $0x10, s15, s13, $0xb8;
	[tilespmem:$0x1FD00] =	vst v63  }
0x21e: {  	s17 =	simm.s32 @!p0 $0x2  }
0x21f: {  	p1 =	sgt.u32 @!p0 s12, $0x95;
	_ =	swait.ge @!p0 [sflag:s17], $0x800  }
0x220: {  	p1 =	por p0, !p1;
	[sflag:s17] =	ssyncset.done @!p0 $0x0  }
0x221: {  	[sflag:s17] =	ssyncadd.s32 @!p0 $0xFFFFF800;
	s17 =	sadd.s32 @p1 $0x7, s12  }
0x222: {  	s18 =	sand.u32 @p1 $0xFE, s17  }
0x223: {  	s18 =	sshrl.u32 @p1 s18, $0x1  }
0x224: {  	s18 =	smul.u32 @p1 $0x93, s18;
	_ =	sdelay $0x1  }
0x225: {  	s18 =	sshrl.u32 @p1 s18, $0xA  }
0x226: {  	s18 =	smul.u32 @p1 $0xE, s18  }
0x227: {  	s12 =	sadd.s32 $0x1, s12  }
0x228: {  	p0 =	sne.s32 s12, $0x9D;
	s17 =	ssub.s32 @p1 s17, s18  }
.Ltmp11:
0x229: {  	s17 =	sand.u32 @p1 $0xFF, s17;
	(pc) =	sbr.rel @p0 .LBB2_23-.Ltmp11, $4  }
0x22a: {  	s17 =	sshll.u32 @p1 s17, $0xB  }
0x22b: {  	s17 =	sadd.s32 @p1 $0xC500, s17  }
0x22c: {  	[tilespmem:s17], [sflag:$0x1] =	stream.indirect.gather @p1 [hbm4b:s5+s13], $0x10, s14, s13, $0xb8;
	[tilespmem:$0x1FD00] =	vst v63  }
0x22d: {  	s15 =	sadd.s32 $0x80, s15;
	s14 =	sadd.s32 $0x80, s14  }
0x22e: {  	s12 =	simm.s32 $0x2  }
0x22f: {  	_ =	swait.ge [sflag:s12], $0x800  }
0x230: {  	[sflag:s12] =	ssyncset.done $0x0  }
0x231: {  	[sflag:s12] =	ssyncadd.s32 $0xFFFFF800  }
0x232: {  	_ =	swait.ge [sflag:s12], $0x800  }
0x233: {  	[sflag:s12] =	ssyncset.done $0x0  }
0x234: {  	[sflag:s12] =	ssyncadd.s32 $0xFFFFF800  }
0x235: {  	_ =	swait.ge [sflag:s12], $0x800  }
0x236: {  	[sflag:s12] =	ssyncset.done $0x0  }
0x237: {  	[sflag:s12] =	ssyncadd.s32 $0xFFFFF800  }
0x238: {  	_ =	swait.ge [sflag:s12], $0x800  }
0x239: {  	[sflag:s12] =	ssyncset.done $0x0  }
0x23a: {  	[sflag:s12] =	ssyncadd.s32 $0xFFFFF800  }
0x23b: {  	_ =	swait.ge [sflag:s12], $0x800  }
0x23c: {  	[sflag:s12] =	ssyncset.done $0x0  }
0x23d: {  	[sflag:s12] =	ssyncadd.s32 $0xFFFFF800  }
0x23e: {  	_ =	swait.ge [sflag:s12], $0x800  }
0x23f: {  	[sflag:s12] =	ssyncset.done $0x0  }
0x240: {  	[sflag:s12] =	ssyncadd.s32 $0xFFFFF800  }
0x241: {  	_ =	swait.ge [sflag:s12], $0x800  }
0x242: {  	[sflag:s12] =	ssyncset.done $0x0  }
0x243: {  	[sflag:s12] =	ssyncadd.s32 $0xFFFFF800  }
0x244: {  	s28 =	simm.s32 $0x13500;
	s29 =	simm.s32 $0x5;
	[bflag:$0x0] =	sbarrier.arrive $0xFFFF  }
0x245: {  	[tilespmem:s28], [sflag:$0x5] =	stream.linear.gather [spmem:s6], $0x2800, $0x38;
	[tilespmem:$0x1FD00] =	vst v63  }
0x246: {  	_ =	swait.ge [sflag:s29], $0x2800  }
0x247: {  	[sflag:s29] =	ssyncset.done $0x0  }
0x248: {  	s30 =	simm.s32 $0x1D500;
	s31 =	simm.s32 $0x3;
	[sflag:s29] =	ssyncadd.s32 $0xFFFFD800  }
0x249: {  	[spmem:s6] =	stream.linear.scatter [tilespmem:s30], [sflag:$0x4], $0x2800, $0x38;
	[tilespmem:$0x1FD00] =	vst v63  }
0x24a: {  	_ =	swait.ge [sflag:s31], $0x2800  }
0x24b: {  	[sflag:s31] =	ssyncset.done $0x0  }
0x24c: {  	s12 =	simm.s32 $0x0;
	[sflag:s31] =	ssyncadd.s32 $0xFFFFD800  }
0x24d: {  	v0 =	vld [tilespmem:s12+$0x18500]  }
0x24e: {  	v1 =	vld [tilespmem:s12+$0x1AD00]  }
0x24f: {  	s13 =	simm.s32 $0x40;
	v2 =	vld [tilespmem:s12+$0x13500]  }
.LBB2_25:
0x250: {  	p0 =	sne.s32 s13, $0x9FC0;
	v3 =	vld [tilespmem:s12+$0x15D00];
	_ =	sdelay $0x4  }
.Ltmp12:
0x251: {  	v1 =	vmul.f32 v2, v1;
	v3 =	vmul.f32 v3, v0;
	(pc) =	sbr.rel @p0 .LBB2_25-.Ltmp12, $4  }
0x252: {  	s14 =	sshra.s32 s13, $0x2  }
0x253: {  	v0 =	vld [tilespmem:s14+$0x18500];
	v3 =	vadd.f32 v1, v3  }
0x254: {  	v1 =	vld [tilespmem:s14+$0x1AD00]  }
0x255: {  	s13 =	sadd.s32 $0x40, s13;
	v2 =	vld [tilespmem:s14+$0x13500];
	[tilespmem:s12+$0x15D00] =	vst v3;
	s12 =	smov.u32 s14  }
0x256: {  	v3 =	vld [tilespmem:s12+$0x15D00];
	_ =	sdelay $0x4  }
0x257: {  	v1 =	vmul.f32 v2, v1;
	v0 =	vmul.f32 v3, v0;
	_ =	sdelay $0x1  }
0x258: {  	v0 =	vadd.f32 v1, v0;
	_ =	sdelay $0x1  }
0x259: {  	s13 =	simm.s32 $0x15D00;
	s14 =	simm.s32 $0x5;
	[tilespmem:s12+$0x15D00] =	vst v0;
	s12 =	simm.s32 $0x0  }
0x25a: {  	[hbm4b:s11+s12] =	stream.linear.scatter [tilespmem:s13], [sflag:$0x5], $0x2800, $0x38;
	[tilespmem:$0x1FD00] =	vst v63  }
0x25b: {  	_ =	swait.ge [sflag:s14], $0x2800  }
0x25c: {  	[sflag:s14] =	ssyncset.done $0x0  }
0x25d: {  	s16 =	simm.s32 $0x4;
	[sflag:s14] =	ssyncadd.s32 $0xFFFFD800  }
0x25e: {  	_ =	swait.ge [sflag:s16], $0x2800  }
0x25f: {  	[sflag:s16] =	ssyncset.done $0x0  }
0x260: {  	[sflag:s16] =	ssyncadd.s32 $0xFFFFD800  }
0x261: {  	s17 =	sadd.s32 $0x23000, s7;
	[bflag:$0x0] =	sbarrier.arrive $0xFFFF  }
0x262: {  	[tilespmem:s13], [sflag:$0x3] =	stream.linear.gather [hbm4b:s17+s12], $0x2800, $0x38;
	[tilespmem:$0x1FD00] =	vst v63  }
0x263: {  	s18 =	simm.s32 $0x2800;
	s15 =	simm.s32 $0xC500;
	s13 =	simm.s32 $0x80  }
0x264: {  	[tilespmem:s15], [sflag:$0x1] =	stream.indirect.gather [hbm4b:s9+s13], $0x10, s18, s13, $0xb8;
	[tilespmem:$0x1FD00] =	vst v63  }
0x265: {  	s19 =	simm.s32 $0x2880;
	s20 =	simm.s32 $0xCD00  }
0x266: {  	[tilespmem:s20], [sflag:$0x1] =	stream.indirect.gather [hbm4b:s9+s13], $0x10, s19, s13, $0xb8;
	[tilespmem:$0x1FD00] =	vst v63  }
0x267: {  	s21 =	simm.s32 $0x2900;
	s22 =	simm.s32 $0xD500  }
0x268: {  	[tilespmem:s22], [sflag:$0x1] =	stream.indirect.gather [hbm4b:s9+s13], $0x10, s21, s13, $0xb8;
	[tilespmem:$0x1FD00] =	vst v63  }
0x269: {  	s23 =	simm.s32 $0x2980;
	s24 =	simm.s32 $0xDD00  }
0x26a: {  	[tilespmem:s24], [sflag:$0x1] =	stream.indirect.gather [hbm4b:s9+s13], $0x10, s23, s13, $0xb8;
	[tilespmem:$0x1FD00] =	vst v63  }
0x26b: {  	s25 =	simm.s32 $0x2A00;
	s26 =	simm.s32 $0xE500;
	s28 =	simm.s32 $0x2A80  }
0x26c: {  	[tilespmem:s26], [sflag:$0x1] =	stream.indirect.gather [hbm4b:s9+s13], $0x10, s25, s13, $0xb8;
	[tilespmem:$0x1FD00] =	vst v63  }
0x26d: {  	s29 =	simm.s32 $0xED00;
	s30 =	simm.s32 $0x2B00;
	s31 =	simm.s32 $0xF500  }
0x26e: {  	[tilespmem:s29], [sflag:$0x1] =	stream.indirect.gather [hbm4b:s9+s13], $0x10, s28, s13, $0xb8;
	[tilespmem:$0x1FD00] =	vst v63  }
0x26f: {  	s14 =	simm.s32 $0x2B80;
	s16 =	simm.s32 $0x1;
	s15 =	simm.s32 $0x7680  }
0x270: {  	[tilespmem:s31], [sflag:$0x1] =	stream.indirect.gather [hbm4b:s9+s13], $0x10, s30, s13, $0xb8;
	[tilespmem:$0x1FD00] =	vst v63  }
.LBB2_27:
0x271: {  	s17 =	sand.u32 $0xFE, s12  }
0x272: {  	s17 =	sshrl.u32 s17, $0x1  }
0x273: {  	s17 =	smul.u32 $0x93, s17;
	_ =	sdelay $0x1  }
0x274: {  	s17 =	sshrl.u32 s17, $0xA  }
0x275: {  	s17 =	smul.u32 $0xE, s17;
	_ =	sdelay $0x1  }
0x276: {  	s17 =	ssub.s32 s12, s17  }
0x277: {  	_ =	swait.ge [sflag:s16], $0x800;
	s17 =	sand.u32 $0xFF, s17  }
0x278: {  	[sflag:s16] =	ssyncset.done $0x0;
	s17 =	sshll.u32 s17, $0xB  }
0x279: {  	p0 =	slt.u32 s12, $0x7;
	[sflag:s16] =	ssyncadd.s32 $0xFFFFF800;
	s17 =	sadd.s32 $0xC500, s17  }
0x27a: {  	[spmem:s4] =	stream.indirect.scatter.add.f32 [tilespmem:s17], [sflag:$0x2], $0x10, s15, s13, $0xb8;
	[tilespmem:$0x1FD00] =	vst v63  }
0x27b: {  	s17 =	simm.s32 @!p0 $0x2  }
0x27c: {  	p1 =	sgt.u32 @!p0 s12, $0x95;
	_ =	swait.ge @!p0 [sflag:s17], $0x800  }
0x27d: {  	p1 =	por p0, !p1;
	[sflag:s17] =	ssyncset.done @!p0 $0x0  }
0x27e: {  	[sflag:s17] =	ssyncadd.s32 @!p0 $0xFFFFF800;
	s17 =	sadd.s32 @p1 $0x7, s12  }
0x27f: {  	s18 =	sand.u32 @p1 $0xFE, s17  }
0x280: {  	s18 =	sshrl.u32 @p1 s18, $0x1  }
0x281: {  	s18 =	smul.u32 @p1 $0x93, s18;
	_ =	sdelay $0x1  }
0x282: {  	s18 =	sshrl.u32 @p1 s18, $0xA  }
0x283: {  	s18 =	smul.u32 @p1 $0xE, s18  }
0x284: {  	s12 =	sadd.s32 $0x1, s12  }
0x285: {  	p0 =	sne.s32 s12, $0x9D;
	s17 =	ssub.s32 @p1 s17, s18  }
.Ltmp13:
0x286: {  	s17 =	sand.u32 @p1 $0xFF, s17;
	(pc) =	sbr.rel @p0 .LBB2_27-.Ltmp13, $4  }
0x287: {  	s17 =	sshll.u32 @p1 s17, $0xB  }
0x288: {  	s17 =	sadd.s32 @p1 $0xC500, s17  }
0x289: {  	[tilespmem:s17], [sflag:$0x1] =	stream.indirect.gather @p1 [hbm4b:s9+s13], $0x10, s14, s13, $0xb8;
	[tilespmem:$0x1FD00] =	vst v63  }
0x28a: {  	s15 =	sadd.s32 $0x80, s15;
	s14 =	sadd.s32 $0x80, s14  }
0x28b: {  	s12 =	simm.s32 $0x2  }
0x28c: {  	_ =	swait.ge [sflag:s12], $0x800  }
0x28d: {  	[sflag:s12] =	ssyncset.done $0x0  }
0x28e: {  	[sflag:s12] =	ssyncadd.s32 $0xFFFFF800  }
0x28f: {  	_ =	swait.ge [sflag:s12], $0x800  }
0x290: {  	[sflag:s12] =	ssyncset.done $0x0  }
0x291: {  	[sflag:s12] =	ssyncadd.s32 $0xFFFFF800  }
0x292: {  	_ =	swait.ge [sflag:s12], $0x800  }
0x293: {  	[sflag:s12] =	ssyncset.done $0x0  }
0x294: {  	[sflag:s12] =	ssyncadd.s32 $0xFFFFF800  }
0x295: {  	_ =	swait.ge [sflag:s12], $0x800  }
0x296: {  	[sflag:s12] =	ssyncset.done $0x0  }
0x297: {  	[sflag:s12] =	ssyncadd.s32 $0xFFFFF800  }
0x298: {  	_ =	swait.ge [sflag:s12], $0x800  }
0x299: {  	[sflag:s12] =	ssyncset.done $0x0  }
0x29a: {  	[sflag:s12] =	ssyncadd.s32 $0xFFFFF800  }
0x29b: {  	_ =	swait.ge [sflag:s12], $0x800  }
0x29c: {  	[sflag:s12] =	ssyncset.done $0x0  }
0x29d: {  	[sflag:s12] =	ssyncadd.s32 $0xFFFFF800  }
0x29e: {  	_ =	swait.ge [sflag:s12], $0x800  }
0x29f: {  	[sflag:s12] =	ssyncset.done $0x0  }
0x2a0: {  	[sflag:s12] =	ssyncadd.s32 $0xFFFFF800  }
0x2a1: {  	s28 =	simm.s32 $0x13500;
	s29 =	simm.s32 $0x5;
	[bflag:$0x0] =	sbarrier.arrive $0xFFFF  }
0x2a2: {  	[tilespmem:s28], [sflag:$0x5] =	stream.linear.gather [spmem:s6], $0x2800, $0x38;
	[tilespmem:$0x1FD00] =	vst v63  }
0x2a3: {  	_ =	swait.ge [sflag:s29], $0x2800  }
0x2a4: {  	[sflag:s29] =	ssyncset.done $0x0  }
0x2a5: {  	s30 =	simm.s32 $0x1D500;
	s31 =	simm.s32 $0x3;
	[sflag:s29] =	ssyncadd.s32 $0xFFFFD800  }
0x2a6: {  	[spmem:s6] =	stream.linear.scatter [tilespmem:s30], [sflag:$0x4], $0x2800, $0x38;
	[tilespmem:$0x1FD00] =	vst v63  }
0x2a7: {  	_ =	swait.ge [sflag:s31], $0x2800  }
0x2a8: {  	[sflag:s31] =	ssyncset.done $0x0  }
0x2a9: {  	s12 =	simm.s32 $0x0;
	[sflag:s31] =	ssyncadd.s32 $0xFFFFD800  }
0x2aa: {  	v0 =	vld [tilespmem:s12+$0x18500]  }
0x2ab: {  	v1 =	vld [tilespmem:s12+$0x1AD00]  }
0x2ac: {  	s13 =	simm.s32 $0x40;
	v2 =	vld [tilespmem:s12+$0x13500]  }
.LBB2_29:
0x2ad: {  	p0 =	sne.s32 s13, $0x9FC0;
	v3 =	vld [tilespmem:s12+$0x15D00];
	_ =	sdelay $0x4  }
.Ltmp14:
0x2ae: {  	v1 =	vmul.f32 v2, v1;
	v3 =	vmul.f32 v3, v0;
	(pc) =	sbr.rel @p0 .LBB2_29-.Ltmp14, $4  }
0x2af: {  	s14 =	sshra.s32 s13, $0x2  }
0x2b0: {  	v0 =	vld [tilespmem:s14+$0x18500];
	v3 =	vadd.f32 v1, v3  }
0x2b1: {  	v1 =	vld [tilespmem:s14+$0x1AD00]  }
0x2b2: {  	s13 =	sadd.s32 $0x40, s13;
	v2 =	vld [tilespmem:s14+$0x13500];
	[tilespmem:s12+$0x15D00] =	vst v3;
	s12 =	smov.u32 s14  }
0x2b3: {  	v3 =	vld [tilespmem:s12+$0x15D00];
	_ =	sdelay $0x4  }
0x2b4: {  	v1 =	vmul.f32 v2, v1;
	v0 =	vmul.f32 v3, v0;
	_ =	sdelay $0x1  }
0x2b5: {  	v0 =	vadd.f32 v1, v0;
	_ =	sdelay $0x1  }
0x2b6: {  	s13 =	simm.s32 $0x15D00;
	s14 =	simm.s32 $0x5;
	[tilespmem:s12+$0x15D00] =	vst v0;
	s12 =	simm.s32 $0x0  }
0x2b7: {  	[hbm4b:s8+s12] =	stream.linear.scatter [tilespmem:s13], [sflag:$0x5], $0x2800, $0x38;
	[tilespmem:$0x1FD00] =	vst v63  }
0x2b8: {  	_ =	swait.ge [sflag:s14], $0x2800  }
0x2b9: {  	[sflag:s14] =	ssyncset.done $0x0  }
0x2ba: {  	s16 =	simm.s32 $0x4;
	[sflag:s14] =	ssyncadd.s32 $0xFFFFD800  }
0x2bb: {  	_ =	swait.ge [sflag:s16], $0x2800  }
0x2bc: {  	[sflag:s16] =	ssyncset.done $0x0  }
0x2bd: {  	s10 =	sadd.s32 s2, s10;
	[sflag:s16] =	ssyncadd.s32 $0xFFFFD800  }
0x2be: {  	s10 =	sadd.s32 $0x28000, s10;
	[bflag:$0x0] =	sbarrier.arrive $0xFFFF  }
0x2bf: {  	[tilespmem:s13], [sflag:$0x3] =	stream.linear.gather [hbm4b:s10+s12], $0x2800, $0x38;
	[tilespmem:$0x1FD00] =	vst v63  }
0x2c0: {  	s17 =	simm.s32 $0x2800;
	s18 =	simm.s32 $0xC500;
	s10 =	simm.s32 $0x80  }
0x2c1: {  	[tilespmem:s18], [sflag:$0x1] =	stream.indirect.gather [hbm4b:s5+s10], $0x10, s17, s10, $0xb8;
	[tilespmem:$0x1FD00] =	vst v63  }
0x2c2: {  	s19 =	simm.s32 $0x2880;
	s20 =	simm.s32 $0xCD00  }
0x2c3: {  	[tilespmem:s20], [sflag:$0x1] =	stream.indirect.gather [hbm4b:s5+s10], $0x10, s19, s10, $0xb8;
	[tilespmem:$0x1FD00] =	vst v63  }
0x2c4: {  	s21 =	simm.s32 $0x2900;
	s22 =	simm.s32 $0xD500  }
0x2c5: {  	[tilespmem:s22], [sflag:$0x1] =	stream.indirect.gather [hbm4b:s5+s10], $0x10, s21, s10, $0xb8;
	[tilespmem:$0x1FD00] =	vst v63  }
0x2c6: {  	s23 =	simm.s32 $0x2980;
	s24 =	simm.s32 $0xDD00  }
0x2c7: {  	[tilespmem:s24], [sflag:$0x1] =	stream.indirect.gather [hbm4b:s5+s10], $0x10, s23, s10, $0xb8;
	[tilespmem:$0x1FD00] =	vst v63  }
0x2c8: {  	s25 =	simm.s32 $0x2A00;
	s26 =	simm.s32 $0xE500;
	s28 =	simm.s32 $0x2A80  }
0x2c9: {  	[tilespmem:s26], [sflag:$0x1] =	stream.indirect.gather [hbm4b:s5+s10], $0x10, s25, s10, $0xb8;
	[tilespmem:$0x1FD00] =	vst v63  }
0x2ca: {  	s29 =	simm.s32 $0xED00;
	s30 =	simm.s32 $0x2B00;
	s31 =	simm.s32 $0xF500  }
0x2cb: {  	[tilespmem:s29], [sflag:$0x1] =	stream.indirect.gather [hbm4b:s5+s10], $0x10, s28, s10, $0xb8;
	[tilespmem:$0x1FD00] =	vst v63  }
0x2cc: {  	s15 =	simm.s32 $0x1;
	s14 =	simm.s32 $0x7680;
	s13 =	simm.s32 $0x2B80  }
0x2cd: {  	[tilespmem:s31], [sflag:$0x1] =	stream.indirect.gather [hbm4b:s5+s10], $0x10, s30, s10, $0xb8;
	[tilespmem:$0x1FD00] =	vst v63  }
.LBB2_31:
0x2ce: {  	s16 =	sand.u32 $0xFE, s12  }
0x2cf: {  	s16 =	sshrl.u32 s16, $0x1  }
0x2d0: {  	s16 =	smul.u32 $0x93, s16;
	_ =	sdelay $0x1  }
0x2d1: {  	s16 =	sshrl.u32 s16, $0xA  }
0x2d2: {  	s16 =	smul.u32 $0xE, s16;
	_ =	sdelay $0x1  }
0x2d3: {  	s16 =	ssub.s32 s12, s16  }
0x2d4: {  	_ =	swait.ge [sflag:s15], $0x800;
	s16 =	sand.u32 $0xFF, s16  }
0x2d5: {  	[sflag:s15] =	ssyncset.done $0x0;
	s16 =	sshll.u32 s16, $0xB  }
0x2d6: {  	p0 =	slt.u32 s12, $0x7;
	[sflag:s15] =	ssyncadd.s32 $0xFFFFF800;
	s16 =	sadd.s32 $0xC500, s16  }
0x2d7: {  	[spmem:s4] =	stream.indirect.scatter.add.f32 [tilespmem:s16], [sflag:$0x2], $0x10, s14, s10, $0xb8;
	[tilespmem:$0x1FD00] =	vst v63  }
0x2d8: {  	s16 =	simm.s32 @!p0 $0x2  }
0x2d9: {  	p1 =	sgt.u32 @!p0 s12, $0x95;
	_ =	swait.ge @!p0 [sflag:s16], $0x800  }
0x2da: {  	p1 =	por p0, !p1;
	[sflag:s16] =	ssyncset.done @!p0 $0x0  }
0x2db: {  	[sflag:s16] =	ssyncadd.s32 @!p0 $0xFFFFF800;
	s16 =	sadd.s32 @p1 $0x7, s12  }
0x2dc: {  	s17 =	sand.u32 @p1 $0xFE, s16  }
0x2dd: {  	s17 =	sshrl.u32 @p1 s17, $0x1  }
0x2de: {  	s17 =	smul.u32 @p1 $0x93, s17;
	_ =	sdelay $0x1  }
0x2df: {  	s17 =	sshrl.u32 @p1 s17, $0xA  }
0x2e0: {  	s17 =	smul.u32 @p1 $0xE, s17  }
0x2e1: {  	s12 =	sadd.s32 $0x1, s12  }
0x2e2: {  	p0 =	sne.s32 s12, $0x9D;
	s16 =	ssub.s32 @p1 s16, s17  }
.Ltmp15:
0x2e3: {  	s16 =	sand.u32 @p1 $0xFF, s16;
	(pc) =	sbr.rel @p0 .LBB2_31-.Ltmp15, $4  }
0x2e4: {  	s16 =	sshll.u32 @p1 s16, $0xB  }
0x2e5: {  	s16 =	sadd.s32 @p1 $0xC500, s16  }
0x2e6: {  	[tilespmem:s16], [sflag:$0x1] =	stream.indirect.gather @p1 [hbm4b:s5+s10], $0x10, s13, s10, $0xb8;
	[tilespmem:$0x1FD00] =	vst v63  }
0x2e7: {  	s14 =	sadd.s32 $0x80, s14;
	s13 =	sadd.s32 $0x80, s13  }
0x2e8: {  	s10 =	simm.s32 $0x2  }
0x2e9: {  	_ =	swait.ge [sflag:s10], $0x800  }
0x2ea: {  	[sflag:s10] =	ssyncset.done $0x0  }
0x2eb: {  	[sflag:s10] =	ssyncadd.s32 $0xFFFFF800  }
0x2ec: {  	_ =	swait.ge [sflag:s10], $0x800  }
0x2ed: {  	[sflag:s10] =	ssyncset.done $0x0  }
0x2ee: {  	[sflag:s10] =	ssyncadd.s32 $0xFFFFF800  }
0x2ef: {  	_ =	swait.ge [sflag:s10], $0x800  }
0x2f0: {  	[sflag:s10] =	ssyncset.done $0x0  }
0x2f1: {  	[sflag:s10] =	ssyncadd.s32 $0xFFFFF800  }
0x2f2: {  	_ =	swait.ge [sflag:s10], $0x800  }
0x2f3: {  	[sflag:s10] =	ssyncset.done $0x0  }
0x2f4: {  	[sflag:s10] =	ssyncadd.s32 $0xFFFFF800  }
0x2f5: {  	_ =	swait.ge [sflag:s10], $0x800  }
0x2f6: {  	[sflag:s10] =	ssyncset.done $0x0  }
0x2f7: {  	[sflag:s10] =	ssyncadd.s32 $0xFFFFF800  }
0x2f8: {  	_ =	swait.ge [sflag:s10], $0x800  }
0x2f9: {  	[sflag:s10] =	ssyncset.done $0x0  }
0x2fa: {  	[sflag:s10] =	ssyncadd.s32 $0xFFFFF800  }
0x2fb: {  	_ =	swait.ge [sflag:s10], $0x800  }
0x2fc: {  	[sflag:s10] =	ssyncset.done $0x0  }
0x2fd: {  	[sflag:s10] =	ssyncadd.s32 $0xFFFFF800  }
0x2fe: {  	s28 =	simm.s32 $0x13500;
	s29 =	simm.s32 $0x5;
	[bflag:$0x0] =	sbarrier.arrive $0xFFFF  }
0x2ff: {  	[tilespmem:s28], [sflag:$0x5] =	stream.linear.gather [spmem:s6], $0x2800, $0x38;
	[tilespmem:$0x1FD00] =	vst v63  }
0x300: {  	_ =	swait.ge [sflag:s29], $0x2800  }
0x301: {  	[sflag:s29] =	ssyncset.done $0x0  }
0x302: {  	s30 =	simm.s32 $0x1D500;
	s31 =	simm.s32 $0x3;
	[sflag:s29] =	ssyncadd.s32 $0xFFFFD800  }
0x303: {  	[spmem:s6] =	stream.linear.scatter [tilespmem:s30], [sflag:$0x4], $0x2800, $0x38;
	[tilespmem:$0x1FD00] =	vst v63  }
0x304: {  	_ =	swait.ge [sflag:s31], $0x2800  }
0x305: {  	[sflag:s31] =	ssyncset.done $0x0  }
0x306: {  	s10 =	simm.s32 $0x0;
	[sflag:s31] =	ssyncadd.s32 $0xFFFFD800  }
0x307: {  	v0 =	vld [tilespmem:s10+$0x18500]  }
0x308: {  	v1 =	vld [tilespmem:s10+$0x1AD00]  }
0x309: {  	s12 =	simm.s32 $0x40;
	v2 =	vld [tilespmem:s10+$0x13500]  }
.LBB2_33:
0x30a: {  	p0 =	sne.s32 s12, $0x9FC0;
	v3 =	vld [tilespmem:s10+$0x15D00];
	_ =	sdelay $0x4  }
.Ltmp16:
0x30b: {  	v1 =	vmul.f32 v2, v1;
	v3 =	vmul.f32 v3, v0;
	(pc) =	sbr.rel @p0 .LBB2_33-.Ltmp16, $4  }
0x30c: {  	s13 =	sshra.s32 s12, $0x2  }
0x30d: {  	v0 =	vld [tilespmem:s13+$0x18500];
	v3 =	vadd.f32 v1, v3  }
0x30e: {  	v1 =	vld [tilespmem:s13+$0x1AD00]  }
0x30f: {  	s12 =	sadd.s32 $0x40, s12;
	v2 =	vld [tilespmem:s13+$0x13500];
	[tilespmem:s10+$0x15D00] =	vst v3;
	s10 =	smov.u32 s13  }
0x310: {  	v3 =	vld [tilespmem:s10+$0x15D00];
	_ =	sdelay $0x4  }
0x311: {  	v1 =	vmul.f32 v2, v1;
	v0 =	vmul.f32 v3, v0;
	_ =	sdelay $0x1  }
0x312: {  	v0 =	vadd.f32 v1, v0;
	_ =	sdelay $0x1  }
0x313: {  	s12 =	simm.s32 $0x15D00;
	s15 =	simm.s32 $0x5;
	[tilespmem:s10+$0x15D00] =	vst v0;
	s10 =	simm.s32 $0x0  }
0x314: {  	[hbm4b:s11+s10] =	stream.linear.scatter [tilespmem:s12], [sflag:$0x5], $0x2800, $0x38;
	[tilespmem:$0x1FD00] =	vst v63  }
0x315: {  	_ =	swait.ge [sflag:s15], $0x2800  }
0x316: {  	[sflag:s15] =	ssyncset.done $0x0  }
0x317: {  	s16 =	simm.s32 $0x4;
	[sflag:s15] =	ssyncadd.s32 $0xFFFFD800  }
0x318: {  	_ =	swait.ge [sflag:s16], $0x2800  }
0x319: {  	[sflag:s16] =	ssyncset.done $0x0  }
0x31a: {  	[sflag:s16] =	ssyncadd.s32 $0xFFFFD800  }
0x31b: {  	s17 =	sadd.s32 $0x2D000, s7;
	[bflag:$0x0] =	sbarrier.arrive $0xFFFF  }
0x31c: {  	[tilespmem:s12], [sflag:$0x3] =	stream.linear.gather [hbm4b:s17+s10], $0x2800, $0x38;
	[tilespmem:$0x1FD00] =	vst v63  }
0x31d: {  	s18 =	simm.s32 $0x2800;
	s13 =	simm.s32 $0xC500;
	s11 =	simm.s32 $0x80  }
0x31e: {  	[tilespmem:s13], [sflag:$0x1] =	stream.indirect.gather [hbm4b:s9+s11], $0x10, s18, s11, $0xb8;
	[tilespmem:$0x1FD00] =	vst v63  }
0x31f: {  	s19 =	simm.s32 $0x2880;
	s20 =	simm.s32 $0xCD00  }
0x320: {  	[tilespmem:s20], [sflag:$0x1] =	stream.indirect.gather [hbm4b:s9+s11], $0x10, s19, s11, $0xb8;
	[tilespmem:$0x1FD00] =	vst v63  }
0x321: {  	s21 =	simm.s32 $0x2900;
	s22 =	simm.s32 $0xD500  }
0x322: {  	[tilespmem:s22], [sflag:$0x1] =	stream.indirect.gather [hbm4b:s9+s11], $0x10, s21, s11, $0xb8;
	[tilespmem:$0x1FD00] =	vst v63  }
0x323: {  	s23 =	simm.s32 $0x2980;
	s24 =	simm.s32 $0xDD00  }
0x324: {  	[tilespmem:s24], [sflag:$0x1] =	stream.indirect.gather [hbm4b:s9+s11], $0x10, s23, s11, $0xb8;
	[tilespmem:$0x1FD00] =	vst v63  }
0x325: {  	s25 =	simm.s32 $0x2A00;
	s26 =	simm.s32 $0xE500;
	s28 =	simm.s32 $0x2A80  }
0x326: {  	[tilespmem:s26], [sflag:$0x1] =	stream.indirect.gather [hbm4b:s9+s11], $0x10, s25, s11, $0xb8;
	[tilespmem:$0x1FD00] =	vst v63  }
0x327: {  	s29 =	simm.s32 $0xED00;
	s30 =	simm.s32 $0x2B00;
	s31 =	simm.s32 $0xF500  }
0x328: {  	[tilespmem:s29], [sflag:$0x1] =	stream.indirect.gather [hbm4b:s9+s11], $0x10, s28, s11, $0xb8;
	[tilespmem:$0x1FD00] =	vst v63  }
0x329: {  	s14 =	simm.s32 $0x1;
	s12 =	simm.s32 $0x2B80;
	s13 =	simm.s32 $0x7680  }
0x32a: {  	[tilespmem:s31], [sflag:$0x1] =	stream.indirect.gather [hbm4b:s9+s11], $0x10, s30, s11, $0xb8;
	[tilespmem:$0x1FD00] =	vst v63  }
.LBB2_35:
0x32b: {  	s15 =	sand.u32 $0xFE, s10  }
0x32c: {  	s15 =	sshrl.u32 s15, $0x1  }
0x32d: {  	s15 =	smul.u32 $0x93, s15;
	_ =	sdelay $0x1  }
0x32e: {  	s15 =	sshrl.u32 s15, $0xA  }
0x32f: {  	s15 =	smul.u32 $0xE, s15;
	_ =	sdelay $0x1  }
0x330: {  	s15 =	ssub.s32 s10, s15  }
0x331: {  	_ =	swait.ge [sflag:s14], $0x800;
	s15 =	sand.u32 $0xFF, s15  }
0x332: {  	[sflag:s14] =	ssyncset.done $0x0;
	s15 =	sshll.u32 s15, $0xB  }
0x333: {  	p0 =	slt.u32 s10, $0x7;
	[sflag:s14] =	ssyncadd.s32 $0xFFFFF800;
	s15 =	sadd.s32 $0xC500, s15  }
0x334: {  	[spmem:s4] =	stream.indirect.scatter.add.f32 [tilespmem:s15], [sflag:$0x2], $0x10, s13, s11, $0xb8;
	[tilespmem:$0x1FD00] =	vst v63  }
0x335: {  	s15 =	simm.s32 @!p0 $0x2  }
0x336: {  	p1 =	sgt.u32 @!p0 s10, $0x95;
	_ =	swait.ge @!p0 [sflag:s15], $0x800  }
0x337: {  	p1 =	por p0, !p1;
	[sflag:s15] =	ssyncset.done @!p0 $0x0  }
0x338: {  	[sflag:s15] =	ssyncadd.s32 @!p0 $0xFFFFF800;
	s15 =	sadd.s32 @p1 $0x7, s10  }
0x339: {  	s16 =	sand.u32 @p1 $0xFE, s15  }
0x33a: {  	s16 =	sshrl.u32 @p1 s16, $0x1  }
0x33b: {  	s16 =	smul.u32 @p1 $0x93, s16;
	_ =	sdelay $0x1  }
0x33c: {  	s16 =	sshrl.u32 @p1 s16, $0xA  }
0x33d: {  	s16 =	smul.u32 @p1 $0xE, s16  }
0x33e: {  	s10 =	sadd.s32 $0x1, s10  }
0x33f: {  	p0 =	sne.s32 s10, $0x9D;
	s15 =	ssub.s32 @p1 s15, s16  }
.Ltmp17:
0x340: {  	s15 =	sand.u32 @p1 $0xFF, s15;
	(pc) =	sbr.rel @p0 .LBB2_35-.Ltmp17, $4  }
0x341: {  	s15 =	sshll.u32 @p1 s15, $0xB  }
0x342: {  	s15 =	sadd.s32 @p1 $0xC500, s15  }
0x343: {  	[tilespmem:s15], [sflag:$0x1] =	stream.indirect.gather @p1 [hbm4b:s9+s11], $0x10, s12, s11, $0xb8;
	[tilespmem:$0x1FD00] =	vst v63  }
0x344: {  	s13 =	sadd.s32 $0x80, s13;
	s12 =	sadd.s32 $0x80, s12  }
0x345: {  	s9 =	simm.s32 $0x2  }
0x346: {  	_ =	swait.ge [sflag:s9], $0x800  }
0x347: {  	[sflag:s9] =	ssyncset.done $0x0  }
0x348: {  	[sflag:s9] =	ssyncadd.s32 $0xFFFFF800  }
0x349: {  	_ =	swait.ge [sflag:s9], $0x800  }
0x34a: {  	[sflag:s9] =	ssyncset.done $0x0  }
0x34b: {  	[sflag:s9] =	ssyncadd.s32 $0xFFFFF800  }
0x34c: {  	_ =	swait.ge [sflag:s9], $0x800  }
0x34d: {  	[sflag:s9] =	ssyncset.done $0x0  }
0x34e: {  	[sflag:s9] =	ssyncadd.s32 $0xFFFFF800  }
0x34f: {  	_ =	swait.ge [sflag:s9], $0x800  }
0x350: {  	[sflag:s9] =	ssyncset.done $0x0  }
0x351: {  	[sflag:s9] =	ssyncadd.s32 $0xFFFFF800  }
0x352: {  	_ =	swait.ge [sflag:s9], $0x800  }
0x353: {  	[sflag:s9] =	ssyncset.done $0x0  }
0x354: {  	[sflag:s9] =	ssyncadd.s32 $0xFFFFF800  }
0x355: {  	_ =	swait.ge [sflag:s9], $0x800  }
0x356: {  	[sflag:s9] =	ssyncset.done $0x0  }
0x357: {  	[sflag:s9] =	ssyncadd.s32 $0xFFFFF800  }
0x358: {  	_ =	swait.ge [sflag:s9], $0x800  }
0x359: {  	[sflag:s9] =	ssyncset.done $0x0  }
0x35a: {  	[sflag:s9] =	ssyncadd.s32 $0xFFFFF800  }
0x35b: {  	s28 =	simm.s32 $0x13500;
	s29 =	simm.s32 $0x5;
	[bflag:$0x0] =	sbarrier.arrive $0xFFFF  }
0x35c: {  	[tilespmem:s28], [sflag:$0x5] =	stream.linear.gather [spmem:s6], $0x2800, $0x38;
	[tilespmem:$0x1FD00] =	vst v63  }
0x35d: {  	_ =	swait.ge [sflag:s29], $0x2800  }
0x35e: {  	[sflag:s29] =	ssyncset.done $0x0  }
0x35f: {  	s30 =	simm.s32 $0x1D500;
	s31 =	simm.s32 $0x3;
	[sflag:s29] =	ssyncadd.s32 $0xFFFFD800  }
0x360: {  	[spmem:s6] =	stream.linear.scatter [tilespmem:s30], [sflag:$0x4], $0x2800, $0x38;
	[tilespmem:$0x1FD00] =	vst v63  }
0x361: {  	_ =	swait.ge [sflag:s31], $0x2800  }
0x362: {  	[sflag:s31] =	ssyncset.done $0x0  }
0x363: {  	s9 =	simm.s32 $0x0;
	[sflag:s31] =	ssyncadd.s32 $0xFFFFD800  }
0x364: {  	v0 =	vld [tilespmem:s9+$0x18500]  }
0x365: {  	v1 =	vld [tilespmem:s9+$0x1AD00]  }
0x366: {  	s10 =	simm.s32 $0x40;
	v2 =	vld [tilespmem:s9+$0x13500]  }
.LBB2_37:
0x367: {  	p0 =	sne.s32 s10, $0x9FC0;
	v3 =	vld [tilespmem:s9+$0x15D00];
	_ =	sdelay $0x4  }
.Ltmp18:
0x368: {  	v1 =	vmul.f32 v2, v1;
	v3 =	vmul.f32 v3, v0;
	(pc) =	sbr.rel @p0 .LBB2_37-.Ltmp18, $4  }
0x369: {  	s11 =	sshra.s32 s10, $0x2  }
0x36a: {  	v0 =	vld [tilespmem:s11+$0x18500];
	v3 =	vadd.f32 v1, v3  }
0x36b: {  	v1 =	vld [tilespmem:s11+$0x1AD00]  }
0x36c: {  	s10 =	sadd.s32 $0x40, s10;
	v2 =	vld [tilespmem:s11+$0x13500];
	[tilespmem:s9+$0x15D00] =	vst v3;
	s9 =	smov.u32 s11  }
0x36d: {  	v3 =	vld [tilespmem:s9+$0x15D00];
	_ =	sdelay $0x4  }
0x36e: {  	v1 =	vmul.f32 v2, v1;
	v0 =	vmul.f32 v3, v0;
	_ =	sdelay $0x1  }
0x36f: {  	v0 =	vadd.f32 v1, v0;
	_ =	sdelay $0x1  }
0x370: {  	s10 =	simm.s32 $0x15D00;
	s15 =	simm.s32 $0x5;
	[tilespmem:s9+$0x15D00] =	vst v0;
	s9 =	simm.s32 $0x0  }
0x371: {  	[hbm4b:s8+s9] =	stream.linear.scatter [tilespmem:s10], [sflag:$0x5], $0x2800, $0x38;
	[tilespmem:$0x1FD00] =	vst v63  }
0x372: {  	_ =	swait.ge [sflag:s15], $0x2800  }
0x373: {  	[sflag:s15] =	ssyncset.done $0x0  }
0x374: {  	s16 =	simm.s32 $0x4;
	[sflag:s15] =	ssyncadd.s32 $0xFFFFD800  }
0x375: {  	_ =	swait.ge [sflag:s16], $0x2800  }
0x376: {  	[sflag:s16] =	ssyncset.done $0x0  }
0x377: {  	[sflag:s16] =	ssyncadd.s32 $0xFFFFD800  }
0x378: {  	s7 =	sadd.s32 $0x32000, s7;
	[bflag:$0x0] =	sbarrier.arrive $0xFFFF  }
0x379: {  	[tilespmem:s10], [sflag:$0x3] =	stream.linear.gather [hbm4b:s7+s9], $0x2800, $0x38;
	[tilespmem:$0x1FD00] =	vst v63  }
0x37a: {  	s17 =	simm.s32 $0x2800;
	s18 =	simm.s32 $0xC500;
	s7 =	simm.s32 $0x80  }
0x37b: {  	[tilespmem:s18], [sflag:$0x1] =	stream.indirect.gather [hbm4b:s5+s7], $0x10, s17, s7, $0xb8;
	[tilespmem:$0x1FD00] =	vst v63  }
0x37c: {  	s19 =	simm.s32 $0x2880;
	s20 =	simm.s32 $0xCD00  }
0x37d: {  	[tilespmem:s20], [sflag:$0x1] =	stream.indirect.gather [hbm4b:s5+s7], $0x10, s19, s7, $0xb8;
	[tilespmem:$0x1FD00] =	vst v63  }
0x37e: {  	s21 =	simm.s32 $0x2900;
	s22 =	simm.s32 $0xD500  }
0x37f: {  	[tilespmem:s22], [sflag:$0x1] =	stream.indirect.gather [hbm4b:s5+s7], $0x10, s21, s7, $0xb8;
	[tilespmem:$0x1FD00] =	vst v63  }
0x380: {  	s23 =	simm.s32 $0x2980;
	s24 =	simm.s32 $0xDD00  }
0x381: {  	[tilespmem:s24], [sflag:$0x1] =	stream.indirect.gather [hbm4b:s5+s7], $0x10, s23, s7, $0xb8;
	[tilespmem:$0x1FD00] =	vst v63  }
0x382: {  	s25 =	simm.s32 $0x2A00;
	s26 =	simm.s32 $0xE500;
	s28 =	simm.s32 $0x2A80  }
0x383: {  	[tilespmem:s26], [sflag:$0x1] =	stream.indirect.gather [hbm4b:s5+s7], $0x10, s25, s7, $0xb8;
	[tilespmem:$0x1FD00] =	vst v63  }
0x384: {  	s29 =	simm.s32 $0xED00;
	s30 =	simm.s32 $0x2B00;
	s31 =	simm.s32 $0xF500  }
0x385: {  	[tilespmem:s29], [sflag:$0x1] =	stream.indirect.gather [hbm4b:s5+s7], $0x10, s28, s7, $0xb8;
	[tilespmem:$0x1FD00] =	vst v63  }
0x386: {  	s11 =	simm.s32 $0x1;
	s8 =	simm.s32 $0x2B80;
	s10 =	simm.s32 $0x7680  }
0x387: {  	[tilespmem:s31], [sflag:$0x1] =	stream.indirect.gather [hbm4b:s5+s7], $0x10, s30, s7, $0xb8;
	[tilespmem:$0x1FD00] =	vst v63  }
.LBB2_39:
0x388: {  	s12 =	sand.u32 $0xFE, s9  }
0x389: {  	s12 =	sshrl.u32 s12, $0x1  }
0x38a: {  	s12 =	smul.u32 $0x93, s12;
	_ =	sdelay $0x1  }
0x38b: {  	s12 =	sshrl.u32 s12, $0xA  }
0x38c: {  	s12 =	smul.u32 $0xE, s12;
	_ =	sdelay $0x1  }
0x38d: {  	s12 =	ssub.s32 s9, s12  }
0x38e: {  	_ =	swait.ge [sflag:s11], $0x800;
	s12 =	sand.u32 $0xFF, s12  }
0x38f: {  	[sflag:s11] =	ssyncset.done $0x0;
	s12 =	sshll.u32 s12, $0xB  }
0x390: {  	p0 =	slt.u32 s9, $0x7;
	[sflag:s11] =	ssyncadd.s32 $0xFFFFF800;
	s12 =	sadd.s32 $0xC500, s12  }
0x391: {  	[spmem:s4] =	stream.indirect.scatter.add.f32 [tilespmem:s12], [sflag:$0x2], $0x10, s10, s7, $0xb8;
	[tilespmem:$0x1FD00] =	vst v63  }
0x392: {  	s12 =	simm.s32 @!p0 $0x2  }
0x393: {  	p1 =	sgt.u32 @!p0 s9, $0x95;
	_ =	swait.ge @!p0 [sflag:s12], $0x800  }
0x394: {  	p1 =	por p0, !p1;
	[sflag:s12] =	ssyncset.done @!p0 $0x0  }
0x395: {  	[sflag:s12] =	ssyncadd.s32 @!p0 $0xFFFFF800;
	s12 =	sadd.s32 @p1 $0x7, s9  }
0x396: {  	s13 =	sand.u32 @p1 $0xFE, s12  }
0x397: {  	s13 =	sshrl.u32 @p1 s13, $0x1  }
0x398: {  	s13 =	smul.u32 @p1 $0x93, s13;
	_ =	sdelay $0x1  }
0x399: {  	s13 =	sshrl.u32 @p1 s13, $0xA  }
0x39a: {  	s13 =	smul.u32 @p1 $0xE, s13  }
0x39b: {  	s9 =	sadd.s32 $0x1, s9  }
0x39c: {  	p0 =	sne.s32 s9, $0x9D;
	s12 =	ssub.s32 @p1 s12, s13  }
.Ltmp19:
0x39d: {  	s12 =	sand.u32 @p1 $0xFF, s12;
	(pc) =	sbr.rel @p0 .LBB2_39-.Ltmp19, $4  }
0x39e: {  	s12 =	sshll.u32 @p1 s12, $0xB  }
0x39f: {  	s12 =	sadd.s32 @p1 $0xC500, s12  }
0x3a0: {  	[tilespmem:s12], [sflag:$0x1] =	stream.indirect.gather @p1 [hbm4b:s5+s7], $0x10, s8, s7, $0xb8;
	[tilespmem:$0x1FD00] =	vst v63  }
0x3a1: {  	s10 =	sadd.s32 $0x80, s10;
	s8 =	sadd.s32 $0x80, s8  }
0x3a2: {  	s4 =	simm.s32 $0x2  }
0x3a3: {  	_ =	swait.ge [sflag:s4], $0x800  }
0x3a4: {  	[sflag:s4] =	ssyncset.done $0x0  }
0x3a5: {  	[sflag:s4] =	ssyncadd.s32 $0xFFFFF800  }
0x3a6: {  	_ =	swait.ge [sflag:s4], $0x800  }
0x3a7: {  	[sflag:s4] =	ssyncset.done $0x0  }
0x3a8: {  	[sflag:s4] =	ssyncadd.s32 $0xFFFFF800  }
0x3a9: {  	_ =	swait.ge [sflag:s4], $0x800  }
0x3aa: {  	[sflag:s4] =	ssyncset.done $0x0  }
0x3ab: {  	[sflag:s4] =	ssyncadd.s32 $0xFFFFF800  }
0x3ac: {  	_ =	swait.ge [sflag:s4], $0x800  }
0x3ad: {  	[sflag:s4] =	ssyncset.done $0x0  }
0x3ae: {  	[sflag:s4] =	ssyncadd.s32 $0xFFFFF800  }
0x3af: {  	_ =	swait.ge [sflag:s4], $0x800  }
0x3b0: {  	[sflag:s4] =	ssyncset.done $0x0  }
0x3b1: {  	[sflag:s4] =	ssyncadd.s32 $0xFFFFF800  }
0x3b2: {  	_ =	swait.ge [sflag:s4], $0x800  }
0x3b3: {  	[sflag:s4] =	ssyncset.done $0x0  }
0x3b4: {  	[sflag:s4] =	ssyncadd.s32 $0xFFFFF800  }
0x3b5: {  	_ =	swait.ge [sflag:s4], $0x800  }
0x3b6: {  	[sflag:s4] =	ssyncset.done $0x0  }
0x3b7: {  	[sflag:s4] =	ssyncadd.s32 $0xFFFFF800  }
0x3b8: {  	s28 =	simm.s32 $0x13500;
	s29 =	simm.s32 $0x5;
	[bflag:$0x0] =	sbarrier.arrive $0xFFFF  }
0x3b9: {  	[tilespmem:s28], [sflag:$0x5] =	stream.linear.gather [spmem:s6], $0x2800, $0x38;
	[tilespmem:$0x1FD00] =	vst v63  }
0x3ba: {  	_ =	swait.ge [sflag:s29], $0x2800  }
0x3bb: {  	[sflag:s29] =	ssyncset.done $0x0  }
0x3bc: {  	s30 =	simm.s32 $0x1D500;
	s31 =	simm.s32 $0x3;
	[sflag:s29] =	ssyncadd.s32 $0xFFFFD800  }
0x3bd: {  	[spmem:s6] =	stream.linear.scatter [tilespmem:s30], [sflag:$0x4], $0x2800, $0x38;
	[tilespmem:$0x1FD00] =	vst v63  }
0x3be: {  	_ =	swait.ge [sflag:s31], $0x2800  }
0x3bf: {  	[sflag:s31] =	ssyncset.done $0x0  }
0x3c0: {  	s4 =	simm.s32 $0x0;
	[sflag:s31] =	ssyncadd.s32 $0xFFFFD800  }
0x3c1: {  	v0 =	vld [tilespmem:s4+$0x18500]  }
0x3c2: {  	v1 =	vld [tilespmem:s4+$0x13500];
	_ =	sdelay $0x1  }
0x3c3: {  	v2 =	vld [tilespmem:s4+$0x15D00];
	_ =	sdelay $0x2  }
0x3c4: {  	v1 =	vmul.f32 v1, v0  }
0x3c5: {  	s5 =	simm.s32 $0x10  }
0x3c6: {  	s6 =	simm.s32 $0x80;
	v0 =	vld [tilespmem:s5+$0x18500];
	v1 =	vadd.f32 v1, v2  }
.LBB2_41:
0x3c7: {  	p0 =	sne.s32 s6, $0x9FC0;
	v2 =	vld [tilespmem:s5+$0x13500]  }
0x3c8: {  	[tilespmem:s4+$0x15D00] =	vst v1;
	s4 =	smov.u32 s5  }
0x3c9: {  	v1 =	vld [tilespmem:s4+$0x15D00]  }
.Ltmp20:
0x3ca: {  	(pc) =	sbr.rel @p0 .LBB2_41-.Ltmp20, $4  }
0x3cb: {  	_ = 	snop  }
0x3cc: {  	v2 =	vmul.f32 v2, v0  }
0x3cd: {  	s5 =	sshra.s32 s6, $0x2  }
0x3ce: {  	s6 =	sadd.s32 $0x40, s6;
	v0 =	vld [tilespmem:s5+$0x18500];
	v1 =	vadd.f32 v2, v1  }
0x3cf: {  	v2 =	vld [tilespmem:s5+$0x13500]  }
0x3d0: {  	[tilespmem:s4+$0x15D00] =	vst v1  }
0x3d1: {  	v1 =	vld [tilespmem:s5+$0x15D00];
	_ =	sdelay $0x2  }
0x3d2: {  	v0 =	vmul.f32 v2, v0;
	_ =	sdelay $0x1  }
0x3d3: {  	v0 =	vadd.f32 v0, v1  }
0x3d4: {  	s2 =	sadd.s32 s3, s2  }
0x3d5: {  	s28 =	simm.s32 $0x0;
	s29 =	simm.s32 $0x15D00;
	s30 =	simm.s32 $0x5;
	[tilespmem:s5+$0x15D00] =	vst v0  }
0x3d6: {  	[hbm4b:s2+s28] =	stream.linear.scatter [tilespmem:s29], [sflag:$0x5], $0x2800, $0x38;
	[tilespmem:$0x1FD00] =	vst v63  }
0x3d7: {  	_ =	swait.ge [sflag:s30], $0x2800  }
0x3d8: {  	[sflag:s30] =	ssyncset.done $0x0  }
0x3d9: {  	s31 =	simm.s32 $0x4;
	[sflag:s30] =	ssyncadd.s32 $0xFFFFD800  }
0x3da: {  	_ =	swait.ge [sflag:s31], $0x2800  }
0x3db: {  	[sflag:s31] =	ssyncset.done $0x0  }
0x3dc: {  	[sflag:s31] =	ssyncadd.s32 $0xFFFFD800  }
0x3dd: {  	[bflag:$0x0] =	sbarrier.arrive $0xFFFF  }
0x3de: {  	_ =	sfence.sel $0x180000  }
0x3df: {  	[bflag:$0x0] =	sbarrier.arrive $0xFFFF  }
0x3e0: {  	p0 =	sne.s32 s1, $0x0;
	_ =	strace $0x9000004A  }
0x3e1: {  	s0 =	sadd.s32 @!p0 $0x100000, s0;
	[bflag:$0x2] =	sbarrier.arrive $0xFFFF  }
0x3e2: {  	[sflag:s0] =	ssyncadd.tile.s32 @!p0 $0x1;
	_ =	shalt  }
.Lfunc_end2:
_tile_overlayer_lowered:
.L_overlay_start_2:
0x3e3: {  	(tag) =	ssettag $0x2  }
0x3e4: {  	s0 =	rddreg [dreg:$0x0];
	s2 =	stileid.u32  }
0x3e5: {  	s1 =	rddreg [dreg:$0x1];
	p0 =	sne.s32 s2, $0x0  }
0x3e6: {  	s3 =	rddreg [dreg:$0x2];
	[bflag:$0x3] =	sbarrier.arrive $0xFFFF;
	s2 =	simm.s32 @!p0 $0x1C05  }
0x3e7: {  	[timem:s3], [sflag:s2] =	dma.local @!p0 [hbm:s0], s1  }
0x3e8: {  	s0 =	simm.s32 @!p0 $0x5  }
0x3e9: {  	_ =	swait.ge @!p0 [sflag:s0], s1  }
0x3ea: {  	s1 =	ssub.s32 @!p0 $0x0, s1;
	[sflag:s0] =	ssyncset.done @!p0 $0x0  }
0x3eb: {  	[sflag:s0] =	ssyncadd.s32 @!p0 s1  }
0x3ec: {  	[bflag:$0x3] =	sbarrier.arrive $0xFFFF  }
0x3ed: {  	_ =	shalt  }

// kernel: kernel.7.cloned.1.call-start
scs
__scs_entry_jumppad:
0x0: {  	(pc) =	sbr.rel $0x88, $3  }
0x1: {  	(tag) =	ssettag $0x0;
	lr =	simm.s32 $0x1  }
0x2: {  	[smem:$0x3F9A] =	sst lr;
	_ =	strace $0xD0000000  }
0x3: {  	_ = 	snop  }
0x4: {  	_ = 	snop  }
0x5: {  	_ = 	snop  }
0x6: {  	_ = 	snop  }
0x7: {  	_ = 	snop  }
__scs_overlays_trampoline_lowered:
0x8: {  	[smem:$0x3FA9] =	sst s0  }
0x9: {  	[smem:$0x3FAA] =	sst s1  }
0xa: {  	[smem:$0x3FAB] =	sst s2  }
0xb: {  	[smem:$0x3FAC] =	sst s3  }
0xc: {  	[smem:$0x3FAD] =	sst s4  }
0xd: {  	[smem:$0x3FAE] =	sst s5  }
0xe: {  	[smem:$0x3FAF] =	sst s6  }
0xf: {  	[smem:$0x3FB0] =	sst s7  }
0x10: {  	[smem:$0x3FB1] =	sst s8  }
0x11: {  	[smem:$0x3FB2] =	sst s9;
	s0 =	simm.s32 @!p0 $0x0  }
0x12: {  	s1 =	sld [smem:$0x3F98];
	s0 =	simm.s32 @p0 $0x1  }
0x13: {  	[smem:$0x3FB3] =	sst s0;
	s0 =	simm.s32 @!p1 $0x0  }
0x14: {  	s2 =	sld [smem:$0x3F97];
	s0 =	simm.s32 @p1 $0x1  }
0x15: {  	[smem:$0x3FB4] =	sst s0;
	s0 =	simm.s32 @!p2 $0x0  }
0x16: {  	s3 =	sld [smem:$0x3FDB];
	s0 =	simm.s32 @p2 $0x1  }
0x17: {  	s4 =	simm.s32 $0x1BF5;
	[smem:$0x3FB6] =	sst s0  }
0x18: {  	s0 =	sld [smem:$0x3F99];
	_ =	swait.ge [sflag:s4], $0x0  }
0x19: {  	s7 =	sld [smem:$0x3F9A]  }
0x1a: {  	s8 =	sadd.s32 $0xFFFFE003, lr  }
0x1b: {  	s9 =	sadd.s32 $0xFFFFFEF7, lr;
	s5 =	simm.s32 $0xFFFFFFFF;
	p2 =	slt.u32 s8, $0xFFFFF086  }
0x1c: {  	p1 =	slt.u32 s9, $0xF7A;
	s5 =	simm.s32 @!p2 $0x0  }
0x1d: {  	s5 =	simm.s32 @p1 $0x1;
	p0 =	seq.s32 s7, s2  }
0x1e: {  	s7 =	smul.u32 @!p0 $0xF7A, s2;
	p2 =	seq.s32 @!p0 s5, $0x0  }
0x1f: {  	s9 =	smul.u32 $0xF7A, s1;
	s8 =	simm.s32 @!p0 $0x1BF5;
	p2 =	por !p2, p0  }
0x20: {  	[sflag:s8] =	ssyncset.s32 @!p0 $0xFFFFF086;
	s6 =	sadd.s32 @!p0 s3, s7;
	s7 =	simm.s32 @!p0 $0x108  }
0x21: {  	s3 =	sadd.s32 s3, s9;
	s6 =	sadd.s32 @!p0 $0x88, s6;
	s7 =	simm.s32 @p2 $0x1082  }
0x22: {  	[simem:s7], [sflag:s8] =	dma.local @!p0 [hbm:s6], $0xF7A  }
0x23: {  	s9 =	sor.u32 $0xD0000000, s2;
	s6 =	simm.s32 $0x108;
	_ =	swait.ge @!p0 [sflag:s8], $0x0  }
0x24: {  	s3 =	sadd.s32 $0x88, s3;
	s6 =	simm.s32 @!p1 $0x1082;
	[sflag:s4] =	ssyncset.s32 $0xFFFFF086  }
0x25: {  	[simem:s6], [sflag:s4] =	dma.local [hbm:s3], $0xF7A  }
0x26: {  	[smem:$0x3F9A] =	sst s1;
	(tag) =	ssettag s2;
	_ =	strace s9  }
0x27: {  	s1 =	sld [smem:$0x3FAA]  }
0x28: {  	s2 =	sld [smem:$0x3FAB]  }
0x29: {  	s4 =	sld [smem:$0x3FAD]  }
0x2a: {  	p0 =	seq.s32 s5, $0x0;
	s5 =	sld [smem:$0x3FAE]  }
0x2b: {  	s6 =	sld [smem:$0x3FAF]  }
0x2c: {  	s7 =	sld [smem:$0x3FB0]  }
0x2d: {  	s3 =	simm.s32 $0x108;
	s8 =	sld [smem:$0x3FB1]  }
0x2e: {  	s3 =	simm.s32 @!p0 $0x1082;
	s9 =	sld [smem:$0x3FB2]  }
0x2f: {  	lr =	sadd.s32 s0, s3;
	s0 =	sld [smem:$0x3FA9]  }
0x30: {  	s3 =	sld [smem:$0x3FAC]  }
0x31: {  	[smem:$0x3FB5] =	sst s10  }
0x32: {  	s10 =	sld [smem:$0x3FB3];
	_ =	sdelay $0x3  }
0x33: {  	p0 =	seq.s32 s10, $0x1;
	s10 =	sld [smem:$0x3FB5];
	_ =	sdelay $0x3  }
0x34: {  	[smem:$0x3FB5] =	sst s10  }
0x35: {  	s10 =	sld [smem:$0x3FB4];
	_ =	sdelay $0x3  }
0x36: {  	p1 =	seq.s32 s10, $0x1;
	s10 =	sld [smem:$0x3FB5];
	_ =	sdelay $0x3  }
0x37: {  	[smem:$0x3FB5] =	sst s10  }
0x38: {  	s10 =	sld [smem:$0x3FB6]  }
0x39: {  	_ = 	snop;
	(pc) =	sbr.ind lr, $3  }
0x3a: {  	_ = 	snop  }
0x3b: {  	_ = 	snop  }
0x3c: {  	p2 =	seq.s32 s10, $0x1;
	s10 =	sld [smem:$0x3FB5]  }
0x3d: {  	_ =	shalt  }
0x3e: {  	_ =	shalt  }
0x3f: {  	_ =	shalt  }
0x40: {  	_ =	shalt  }
0x41: {  	_ =	shalt  }
0x42: {  	_ =	shalt  }
0x43: {  	_ =	shalt  }
0x44: {  	_ =	shalt  }
0x45: {  	_ =	shalt  }
0x46: {  	_ =	shalt  }
0x47: {  	_ =	shalt  }
0x48: {  	_ =	shalt  }
0x49: {  	_ =	shalt  }
0x4a: {  	_ =	shalt  }
0x4b: {  	_ =	shalt  }
0x4c: {  	_ =	shalt  }
0x4d: {  	_ =	shalt  }
0x4e: {  	_ =	shalt  }
0x4f: {  	_ =	shalt  }
0x50: {  	_ =	shalt  }
0x51: {  	_ =	shalt  }
0x52: {  	_ =	shalt  }
0x53: {  	_ =	shalt  }
0x54: {  	_ =	shalt  }
0x55: {  	_ =	shalt  }
0x56: {  	_ =	shalt  }
0x57: {  	_ =	shalt  }
0x58: {  	_ =	shalt  }
0x59: {  	_ =	shalt  }
0x5a: {  	_ =	shalt  }
0x5b: {  	_ =	shalt  }
0x5c: {  	_ =	shalt  }
0x5d: {  	_ =	shalt  }
0x5e: {  	_ =	shalt  }
0x5f: {  	_ =	shalt  }
0x60: {  	_ =	shalt  }
0x61: {  	_ =	shalt  }
0x62: {  	_ =	shalt  }
0x63: {  	_ =	shalt  }
0x64: {  	_ =	shalt  }
0x65: {  	_ =	shalt  }
0x66: {  	_ =	shalt  }
0x67: {  	_ =	shalt  }
0x68: {  	_ =	shalt  }
0x69: {  	_ =	shalt  }
0x6a: {  	_ =	shalt  }
0x6b: {  	_ =	shalt  }
0x6c: {  	_ =	shalt  }
0x6d: {  	_ =	shalt  }
0x6e: {  	_ =	shalt  }
0x6f: {  	_ =	shalt  }
0x70: {  	_ =	shalt  }
0x71: {  	_ =	shalt  }
0x72: {  	_ =	shalt  }
0x73: {  	_ =	shalt  }
0x74: {  	_ =	shalt  }
0x75: {  	_ =	shalt  }
0x76: {  	_ =	shalt  }
0x77: {  	_ =	shalt  }
0x78: {  	_ =	shalt  }
0x79: {  	_ =	shalt  }
0x7a: {  	_ =	shalt  }
0x7b: {  	_ =	shalt  }
0x7c: {  	_ =	shalt  }
0x7d: {  	_ =	shalt  }
0x7e: {  	_ =	shalt  }
0x7f: {  	_ =	shalt  }
0x80: {  	_ =	shalt  }
0x81: {  	_ =	shalt  }
0x82: {  	_ =	shalt  }
0x83: {  	_ =	shalt  }
0x84: {  	_ =	shalt  }
0x85: {  	_ =	shalt  }
0x86: {  	_ =	shalt  }
0x87: {  	_ =	shalt  }
.Lfunc_end0:
.L_simem_size_0:
called_computation_lowered:
.L_overlay_start_0:
0x88: {  	s0 =	sld [smem:$0x3FD9]  }
0x89: {  	s1 =	sld [smem:$0x3FFE];
	_ =	sdelay $0x3  }
0x8a: {  	s0 =	sadd.s32 s1, s0  }
0x8b: {  	[smem:$0x3FC1] =	sst s0  }
0x8c: {  	_ = 	snop  }
0x8d: {  	(tm) =	ssettm $0x1  }
0x8e: {  	s15 =	sld [smem:$0x3FFB];
	_ =	sdelay $0x3  }
0x8f: {  	_ =	strace s15  }
0x90: {  	s0 =	sld [smem:$0x3FFC];
	_ =	sdelay $0x3  }
0x91: {  	_ =	strace s0  }
0x92: {  	s0 =	sld [smem:$0x3FFD];
	_ =	sdelay $0x3  }
0x93: {  	_ =	strace s0  }
0x94: {  	_ =	strace $0x8FFFFFFF  }
0x95: {  	s16 =	sld [smem:$0x3FDB];
	_ =	sdelay $0x1  }
0x96: {  	s17 =	simm.s32 $_scs_section_size  }
0x97: {  	s2 =	simm.s32 $_size__tile_overlayer_lowered;
	s3 =	simm.s32 $_tile_overlayer_lowered  }
0x98: {  	s20 =	simm.s32 $0x1BFF;
	s19 =	sshll.u32 s3, $0x1;
	s0 =	sadd.s32 s17, s16  }
0x99: {  	s4 =	simm.s32 $0x0;
	s18 =	sshll.u32 s2, $0x1;
	s2 =	sadd.s32 s19, s0  }
0x9a: {  	[timem:s4], [sflag:s20] =	dma.local [hbm:s2], s18  }
0x9b: {  	_ =	swait.ge [sflag:s20], s18  }
0x9c: {  	s1 =	ssub.s32 $0x0, s18;
	[sflag:s20] =	ssyncset.done $0x0  }
0x9d: {  	[sflag:s20] =	ssyncadd.s32 s1;
	_ =	sdelay $0x1  }
0x9e: {  	s21 =	simm.s32 $0x1B8B  }
0x9f: {  	_ =	swait.ge [sflag:s21], $0x1  }
0xa0: {  	[sflag:s21] =	ssyncset.done $0x0  }
0xa1: {  	s23 =	simm.s32 $0x1B8E;
	s22 =	sld [smem:$0x3FFE];
	[sflag:s21] =	ssyncadd.s32 $0xFFFFFFFF  }
0xa2: {  	s24 =	simm.s32 $execute0_lowered;
	[smem:$0x3FD2] =	sst s23  }
0xa3: {  	s2 =	sshll.u32 s24, $0x1;
	_ =	strace $0x80000046;
	[dreg:$0x1] =	wrdreg $0xFFFFFFFF  }
0xa4: {  	s25 =	simm.s32 $_size_execute0_lowered;
	s0 =	sadd.s32 s0, s2;
	[dreg:$0x0] =	wrdreg $0x0  }
0xa5: {  	s2 =	sshll.u32 s25, $0x1;
	[dreg:$0x2] =	wrdreg s0  }
0xa6: {  	[dreg:$0x3] =	wrdreg s2  }
0xa7: {  	[dreg:$0x4] =	wrdreg $0xC0  }
0xa8: {  	_ =	task [dreg:s4], $0x5FFFF  }
0xa9: {  	[dreg:$0x1] =	wrdreg $0xFFFFFFFF  }
0xaa: {  	[dreg:$0x0] =	wrdreg $0x60  }
0xab: {  	[dreg:$0x2] =	wrdreg s22  }
0xac: {  	[dreg:$0x3] =	wrdreg $0x0  }
0xad: {  	[dreg:$0x4] =	wrdreg $0x9  }
0xae: {  	_ =	task.clear_ibuf [dreg:s4], $0x5FFFF;
	_ =	strace $0x90000046  }
0xaf: {  	s26 =	simm.s32 $0x9;
	_ =	strace $0x80000048  }
0xb0: {  	_ =	swait.ge [sflag:s26], $0x1  }
0xb1: {  	[sflag:s26] =	ssyncadd.s32 $0xFFFFFFFF  }
0xb2: {  	_ =	strace $0x90000048  }
0xb3: {  	_ =	sfence  }
0xb4: {  	s28 =	sld [smem:$0x0];
	_ =	sdelay $0x1  }
0xb5: {  	s29 =	srdreg.scid  }
0xb6: {  	s30 =	sshll.u32 s29, $0xD;
	s31 =	sshrl.u32 s29, $0x2  }
0xb7: {  	s1 =	sand.u32 $0x1, s29;
	s2 =	sand.u32 $0x4000, s30;
	s0 =	sadd.s32 s31, s28  }
0xb8: {  	s1 =	sor.u32 s2, s1;
	s0 =	sshll.u32 s0, $0x11  }
0xb9: {  	s0 =	sor.u32 s0, s1  }
0xba: {  	s0 =	sadd.s32 $0x8F2B, s0  }
0xbb: {  	[sflag:s0] =	ssyncadd.remote.s32 $0x1  }
0xbc: {  	_ =	sfence.sel $0xFFFF  }
0xbd: {  	[dreg:$0x0] =	wrdreg $0xFFFFFFFF;
	(pc) =	sbr.abs _section_cstart, $3  }
0xbe: {  	[dreg:$0x1] =	wrdreg $0xFFFFFFFF  }
0xbf: {  	_ =	task.clear_ibuf [dreg:s4], $0x2FFFF;
	_ =	strace $0x9FFFFFFF  }
0xc0: {  	(tm) =	ssettm $0x7FFFFFFF  }
0xc1: {  	_ =	shalt  }
tec
execute0_lowered:
.L_overlay_start_1:
0x0: {  	(tag) =	ssettag $0x1  }
0x1: {  	s6 =	rddreg [dreg:$0x0];
	s0 =	stileid.u32  }
0x2: {  	s4 =	rddreg [dreg:$0x1];
	s2 =	smul.u32 $0x9D0, s0  }
0x3: {  	s1 =	rddreg [dreg:$0x2];
	s3 =	simm.s32 $0x0  }
0x4: {  	s8 =	simm.s32 $0x2800;
	[smem:$0x7FF] =	sst s3;
	s2 =	sadd.s32 s2, s6  }
0x5: {  	s7 =	simm.s32 $0x2;
	_ =	strace $0x80000047;
	s2 =	sadd.s32 $0x1800, s2  }
0x6: {  	[tilespmem:s8], [sflag:$0x2] =	stream.linear.gather [hbm4b:s2+s3], $0x4E80, $0x38;
	[tilespmem:$0xA680] =	vst v63  }
0x7: {  	_ =	swait.ge [sflag:s7], $0x4E80  }
0x8: {  	[sflag:s7] =	ssyncset.done $0x0  }
0x9: {  	s9 =	simm.s32 $0x7680;
	s22 =	sadd.s32 $0xB600, s6;
	[sflag:s7] =	ssyncadd.s32 $0xFFFFB180  }
0xa: {  	[tilespmem:s9], [sflag:$0x2] =	stream.linear.gather [hbm4b:s22+s3], $0x2800, $0x38;
	[tilespmem:$0xA680] =	vst v63  }
0xb: {  	_ =	swait.ge [sflag:s7], $0x2800  }
0xc: {  	[sflag:s7] =	ssyncset.done $0x0  }
0xd: {  	s5 =	simm.s32 $0x9E80;
	s23 =	sadd.s32 $0xBC00, s6;
	[sflag:s7] =	ssyncadd.s32 $0xFFFFD800  }
0xe: {  	[tilespmem:s5], [sflag:$0x2] =	stream.linear.gather [hbm4b:s23+s3], $0x800, $0x38;
	[tilespmem:$0xA680] =	vst v63  }
0xf: {  	s3 =	smul.u32 $0x2800, s0;
	_ =	swait.ge [sflag:s7], $0x800  }
0x10: {  	[sflag:s7] =	ssyncset.done $0x0  }
0x11: {  	s2 =	sadd.s32 s3, s4;
	[sflag:s7] =	ssyncadd.s32 $0xFFFFF800  }
0x12: {  	[spmem:s2] =	stream.linear.scatter [tilespmem:s9], [sflag:$0x2], $0x2800, $0x38;
	[tilespmem:$0xA680] =	vst v63  }
0x13: {  	_ =	swait.ge [sflag:s7], $0x2800  }
0x14: {  	[sflag:s7] =	ssyncset.done $0x0  }
0x15: {  	[sflag:s7] =	ssyncadd.s32 $0xFFFFD800  }
0x16: {  	s7 =	simm.s32 $0x80;
	[bflag:$0x0] =	sbarrier.arrive $0xFFFF  }
0x17: {  	[spmem:s4] =	stream.indirect.scatter.add.f32 [tilespmem:s5], [sflag:$0x1], $0x10, s8, s7, $0xb8;
	[tilespmem:$0xA680] =	vst v63  }
0x18: {  	s24 =	simm.s32 $0x2880  }
0x19: {  	[spmem:s4] =	stream.indirect.scatter.add.f32 [tilespmem:s5], [sflag:$0x1], $0x10, s24, s7, $0xb8;
	[tilespmem:$0xA680] =	vst v63  }
0x1a: {  	s25 =	simm.s32 $0x2900  }
0x1b: {  	[spmem:s4] =	stream.indirect.scatter.add.f32 [tilespmem:s5], [sflag:$0x1], $0x10, s25, s7, $0xb8;
	[tilespmem:$0xA680] =	vst v63  }
0x1c: {  	s26 =	simm.s32 $0x2980  }
0x1d: {  	[spmem:s4] =	stream.indirect.scatter.add.f32 [tilespmem:s5], [sflag:$0x1], $0x10, s26, s7, $0xb8;
	[tilespmem:$0xA680] =	vst v63  }
0x1e: {  	s28 =	simm.s32 $0x2A00  }
0x1f: {  	[spmem:s4] =	stream.indirect.scatter.add.f32 [tilespmem:s5], [sflag:$0x1], $0x10, s28, s7, $0xb8;
	[tilespmem:$0xA680] =	vst v63  }
0x20: {  	s29 =	simm.s32 $0x2A80  }
0x21: {  	[spmem:s4] =	stream.indirect.scatter.add.f32 [tilespmem:s5], [sflag:$0x1], $0x10, s29, s7, $0xb8;
	[tilespmem:$0xA680] =	vst v63  }
0x22: {  	s30 =	simm.s32 $0x2B00  }
0x23: {  	[spmem:s4] =	stream.indirect.scatter.add.f32 [tilespmem:s5], [sflag:$0x1], $0x10, s30, s7, $0xb8;
	[tilespmem:$0xA680] =	vst v63  }
0x24: {  	s31 =	simm.s32 $0x2B80;
	s8 =	simm.s32 $0x1  }
0x25: {  	[spmem:s4] =	stream.indirect.scatter.add.f32 [tilespmem:s5], [sflag:$0x1], $0x10, s31, s7, $0xb8;
	[tilespmem:$0xA680] =	vst v63  }
0x26: {  	s6 =	sadd.s32 $0xBE00, s6;
	s9 =	simm.s32 $0x1000;
	_ =	swait.ge [sflag:s8], $0x800  }
.LBB2_1:
0x27: {  	s10 =	sshra.s32 s9, $0x2;
	[sflag:s8] =	ssyncset.done $0x0;
	p0 =	sne.s32 s9, $0x13800  }
.Ltmp0:
0x28: {  	s10 =	sadd.s32 $0x2800, s10;
	[sflag:s8] =	ssyncadd.s32 $0xFFFFF800;
	(pc) =	sbr.rel @p0 .LBB2_1-.Ltmp0, $3  }
0x29: {  	[spmem:s4] =	stream.indirect.scatter.add.f32 [tilespmem:s5], [sflag:$0x1], $0x10, s10, s7, $0xb8;
	[tilespmem:$0xA680] =	vst v63  }
0x2a: {  	s9 =	sadd.s32 $0x200, s9;
	_ =	sdelay $0x1  }
0x2b: {  	_ =	swait.ge [sflag:s8], $0x800  }
0x2c: {  	[sflag:s8] =	ssyncset.done $0x0  }
0x2d: {  	s4 =	simm.s32 $0x1;
	[sflag:s8] =	ssyncadd.s32 $0xFFFFF800  }
0x2e: {  	_ =	swait.ge [sflag:s4], $0x800  }
0x2f: {  	[sflag:s4] =	ssyncset.done $0x0  }
0x30: {  	[sflag:s4] =	ssyncadd.s32 $0xFFFFF800  }
0x31: {  	_ =	swait.ge [sflag:s4], $0x800  }
0x32: {  	[sflag:s4] =	ssyncset.done $0x0  }
0x33: {  	[sflag:s4] =	ssyncadd.s32 $0xFFFFF800  }
0x34: {  	_ =	swait.ge [sflag:s4], $0x800  }
0x35: {  	[sflag:s4] =	ssyncset.done $0x0  }
0x36: {  	[sflag:s4] =	ssyncadd.s32 $0xFFFFF800  }
0x37: {  	_ =	swait.ge [sflag:s4], $0x800  }
0x38: {  	[sflag:s4] =	ssyncset.done $0x0  }
0x39: {  	[sflag:s4] =	ssyncadd.s32 $0xFFFFF800  }
0x3a: {  	_ =	swait.ge [sflag:s4], $0x800  }
0x3b: {  	[sflag:s4] =	ssyncset.done $0x0  }
0x3c: {  	[sflag:s4] =	ssyncadd.s32 $0xFFFFF800  }
0x3d: {  	_ =	swait.ge [sflag:s4], $0x800  }
0x3e: {  	[sflag:s4] =	ssyncset.done $0x0  }
0x3f: {  	[sflag:s4] =	ssyncadd.s32 $0xFFFFF800  }
0x40: {  	_ =	swait.ge [sflag:s4], $0x800  }
0x41: {  	s3 =	sshrl.u32 s3, $0x3;
	s30 =	sshll.u32 s0, $0x6;
	[sflag:s4] =	ssyncset.done $0x0  }
0x42: {  	s2 =	sshrl.u32 s2, $0x3;
	s31 =	simm.s32 $0x2;
	[sflag:s4] =	ssyncadd.s32 $0xFFFFF800  }
0x43: {  	s3 =	sadd.s32 s6, s3;
	s4 =	sor.u32 $0x1C02, s30;
	[bflag:$0x0] =	sbarrier.arrive $0xFFFF  }
0x44: {  	[hbm:s3], [sflag:s4] =	dma.local [spmem:s2], $0x500  }
0x45: {  	_ =	swait.ge [sflag:s31], $0x500  }
0x46: {  	[sflag:s31] =	ssyncset.done $0x0  }
0x47: {  	[sflag:s31] =	ssyncadd.s32 $0xFFFFFB00  }
0x48: {  	_ =	sfence.sel $0x180000  }
0x49: {  	[bflag:$0x0] =	sbarrier.arrive $0xFFFF  }
0x4a: {  	p0 =	sne.s32 s0, $0x0;
	_ =	strace $0x90000047  }
0x4b: {  	s0 =	sadd.s32 @!p0 $0x100000, s1;
	[bflag:$0x2] =	sbarrier.arrive $0xFFFF  }
0x4c: {  	[sflag:s0] =	ssyncadd.tile.s32 @!p0 $0x1;
	_ =	shalt  }
.Lfunc_end2:
_tile_overlayer_lowered:
.L_overlay_start_2:
0x4d: {  	(tag) =	ssettag $0x2  }
0x4e: {  	s0 =	rddreg [dreg:$0x0];
	s2 =	stileid.u32  }
0x4f: {  	s1 =	rddreg [dreg:$0x1];
	p0 =	sne.s32 s2, $0x0  }
0x50: {  	s3 =	rddreg [dreg:$0x2];
	[bflag:$0x3] =	sbarrier.arrive $0xFFFF;
	s2 =	simm.s32 @!p0 $0x1C02  }
0x51: {  	[timem:s3], [sflag:s2] =	dma.local @!p0 [hbm:s0], s1  }
0x52: {  	s0 =	simm.s32 @!p0 $0x2  }
0x53: {  	_ =	swait.ge @!p0 [sflag:s0], s1  }
0x54: {  	s1 =	ssub.s32 @!p0 $0x0, s1;
	[sflag:s0] =	ssyncset.done @!p0 $0x0  }
0x55: {  	[sflag:s0] =	ssyncadd.s32 @!p0 s1  }
0x56: {  	[bflag:$0x3] =	sbarrier.arrive $0xFFFF  }
0x57: {  	_ =	shalt  }

</sc_bundles>
